<compile_context>
chip_gen: v7x
topology: tpu7x:2x2x1
jax: 0.10.2.dev20260603
libtpu: 0.0.44.dev20260713+nightly
codegen_flags: <defaults>
</compile_context>

<pallas_src>
import functools

import jax
import jax.numpy as jnp
from jax import lax
from jax.experimental import pallas as pl
from jax.experimental.pallas import tpu as pltpu
from jax.experimental.pallas import tpu_sc as plsc

ALPHA = 0.2
LANES = 16
NC = 2
NS = 16
NW = NC * NS
CHUNK = 128


def _proj_body(x_ref, w_ref, a2_ref, h_ref, st_ref):
    h = jnp.dot(x_ref[...], w_ref[...], preferred_element_type=jnp.float32)
    h_ref[...] = h
    st_ref[...] = lax.dot_general(
        a2_ref[...], h, (((0,), (1,)), ((), ())),
        preferred_element_type=jnp.float32)


def _project(x_p, W, a2, NP, D):
    BLK = 512
    grid = NP // BLK
    return pl.pallas_call(
        _proj_body,
        grid=(grid,),
        in_specs=[
            pl.BlockSpec((BLK, x_p.shape[1]), lambda i: (i, 0)),
            pl.BlockSpec((x_p.shape[1], D), lambda i: (0, 0)),
            pl.BlockSpec((D, 2), lambda i: (0, 0)),
        ],
        out_specs=[
            pl.BlockSpec((BLK, D), lambda i: (i, 0)),
            pl.BlockSpec((2, BLK), lambda i: (0, i)),
        ],
        out_shape=[
            jax.ShapeDtypeStruct((NP, D), jnp.float32),
            jax.ShapeDtypeStruct((2, NP), jnp.float32),
        ],
    )(x_p, W, a2)


def _ee_kernel(st, src_w, dst_w, E, EPT, NP, NR):
    mesh = plsc.VectorSubcoreMesh(
        core_axis_name="c", subcore_axis_name="s",
        num_cores=NC, num_subcores=NS)
    kern = pl.kernel(
        functools.partial(_ee_body2, E, EPT, NP, NR),
        out_type=(
            jax.ShapeDtypeStruct((NW, EPT), jnp.float32),
            jax.ShapeDtypeStruct((NC, NR, 128), jnp.float32),
        ),
        mesh=mesh,
        compiler_params=pltpu.CompilerParams(needs_layout_passes=False),
        scratch_types=[
            pltpu.VMEM((NP,), jnp.float32),
            pltpu.VMEM((NP,), jnp.float32),
            pltpu.VMEM((EPT,), jnp.int32),
            pltpu.VMEM((EPT,), jnp.int32),
            pltpu.VMEM((EPT,), jnp.float32),
            pltpu.VMEM((NR, 128), jnp.float32),
            pltpu.VMEM((NR,), jnp.int32),
            pltpu.VMEM_SHARED((NR, 128), jnp.float32),
        ],
    )
    return kern(st, src_w, dst_w)


def _ee_body2(E, EPT, NP, NR,
              st_hbm, src_hbm, dst_hbm, ee_hbm, rs_hbm,
              s_v, t_v, src_v, dst_v, ee_v, rsum_v, iota_v, rs_sh):
    cid = lax.axis_index("c")
    sid = lax.axis_index("s")
    wid = sid * NC + cid

    zero = jnp.zeros((LANES,), jnp.float32)

    @pl.loop(0, NR)
    def _(r):
        for g in range(128 // LANES):
            rsum_v[r, pl.ds(g * LANES, LANES)] = zero

    @pl.loop(0, NR // LANES)
    def _(g):
        iota_v[pl.ds(g * LANES, LANES)] = (
            g * LANES + lax.iota(jnp.int32, LANES))

    @pl.when(sid == 0)
    def _():
        pltpu.sync_copy(rsum_v, rs_sh)

    pltpu.sync_copy(st_hbm.at[0], s_v)
    pltpu.sync_copy(st_hbm.at[1], t_v)
    pltpu.sync_copy(src_hbm.at[wid], src_v)
    pltpu.sync_copy(dst_hbm.at[wid], dst_v)

    plsc.subcore_barrier()

    base = wid * EPT

    @pl.loop(0, EPT // LANES)
    def _(i):
        off = i * LANES
        srcv = src_v[pl.ds(off, LANES)]
        dstv = dst_v[pl.ds(off, LANES)]
        sv = plsc.load_gather(s_v, [srcv])
        tv = plsc.load_gather(t_v, [dstv])
        logit = sv + tv
        lrelu = jnp.where(logit >= 0.0, logit, ALPHA * logit)
        ee = jnp.exp(-lrelu)
        pos = base + off + lax.iota(jnp.int32, LANES)
        ee = jnp.where(pos < E, ee, 0.0)
        ee_v[pl.ds(off, LANES)] = ee
        rhi = lax.shift_right_logical(srcv, 7)
        rlo = jnp.bitwise_and(srcv, 127)
        plsc.addupdate_scatter(rsum_v, [rhi, rlo], ee)

    pltpu.sync_copy(ee_v, ee_hbm.at[wid])

    pltpu.sync_copy(rsum_v, rs_sh.at[iota_v], add=True)

    plsc.subcore_barrier()

    @pl.when(sid == 0)
    def _():
        pltpu.sync_copy(rs_sh, rs_hbm.at[cid])


NBUF = 2


def _agg_body(EPT, NP, D, NCH,
              h_hbm, srci_hbm, dsti_hbm, ee_hbm, out_hbm,
              src_v, db0, db1, eb0, eb1,
              hb0, hb1,
              m0, m1, e0, e1, g0, g1, s0, s1,
              acc_sh):
    cid = lax.axis_index("c")
    sid = lax.axis_index("s")
    wid = sid * NC + cid
    dbs = [db0, db1]
    ebs = [eb0, eb1]
    hbs = [hb0, hb1]
    msems = [m0, m1]
    esems = [e0, e1]
    gsems = [g0, g1]
    ssems = [s0, s1]

    rows_per_tile = NP // NS

    zero = jnp.zeros((LANES,), jnp.float32)

    @pl.loop(0, CHUNK)
    def _(r):
        for g in range(D // LANES):
            hb0[r, pl.ds(g * LANES, LANES)] = zero

    @pl.loop(0, rows_per_tile // CHUNK)
    def _(b):
        pltpu.sync_copy(
            hb0, acc_sh.at[pl.ds(sid * rows_per_tile + b * CHUNK, CHUNK)])

    pltpu.sync_copy(srci_hbm.at[wid], src_v)

    plsc.subcore_barrier()

    def issue_meta(j, b):
        pltpu.async_copy(dsti_hbm.at[wid, j], dbs[b], msems[b])
        pltpu.async_copy(ee_hbm.at[wid, j], ebs[b], esems[b])

    def wait_meta(b):
        pltpu.make_async_copy(dsti_hbm.at[0, 0], dbs[b], msems[b]).wait()
        pltpu.make_async_copy(ee_hbm.at[0, 0], ebs[b], esems[b]).wait()

    def issue_gather(j, b):
        pltpu.async_copy(h_hbm.at[dbs[b].at[0]], hbs[b], gsems[b])

    def drain(sem, b):
        pltpu.make_async_copy(h_hbm.at[pl.ds(0, CHUNK)], hbs[b], sem).wait()

    issue_meta(0, 0)
    issue_meta(1, 1)
    wait_meta(0)
    issue_gather(0, 0)

    @pl.loop(0, NCH)
    def _(j):
        for q in range(NBUF):
            @pl.when(lax.rem(j, 2) == q)
            def _():
                nq = 1 - q
                hb = hbs[q]
                eb = ebs[q]

                @pl.when(j + 1 < NCH)
                def _():
                    @pl.when(j >= 1)
                    def _():
                        drain(ssems[nq], nq)
                    wait_meta(nq)
                    issue_gather(j + 1, nq)

                drain(gsems[q], q)

                @pl.loop(0, CHUNK, step=LANES)
                def _(k0):
                    eev = eb[0, pl.ds(k0, LANES)]
                    for u in range(LANES):
                        lane = jnp.full((LANES,), u, jnp.int32)
                        eeb = eev[lane]
                        r = k0 + u
                        for g in range(D // LANES):
                            hb[r, pl.ds(g * LANES, LANES)] = (
                                hb[r, pl.ds(g * LANES, LANES)] * eeb)

                pltpu.async_copy(
                    hb, acc_sh.at[src_v.at[j]], ssems[q], add=True)

                @pl.when(j + 2 < NCH)
                def _():
                    issue_meta(j + 2, q)

    for b in range(NBUF):
        drain(ssems[b], b)

    plsc.subcore_barrier()

    pltpu.sync_copy(
        acc_sh.at[pl.ds(sid * rows_per_tile, rows_per_tile)],
        out_hbm.at[cid, pl.ds(sid * rows_per_tile, rows_per_tile)])


def _agg_kernel(h, src_c, dst_c, ee_c, EPT, NP, D, NCH):
    mesh = plsc.VectorSubcoreMesh(
        core_axis_name="c", subcore_axis_name="s",
        num_cores=NC, num_subcores=NS)
    kern = pl.kernel(
        functools.partial(_agg_body, EPT, NP, D, NCH),
        out_type=jax.ShapeDtypeStruct((NC, NP, D), jnp.float32),
        mesh=mesh,
        compiler_params=pltpu.CompilerParams(needs_layout_passes=False),
        scratch_types=(
            [
                pltpu.VMEM((NCH, CHUNK), jnp.int32),
                pltpu.VMEM((1, CHUNK), jnp.int32),
                pltpu.VMEM((1, CHUNK), jnp.int32),
                pltpu.VMEM((1, CHUNK), jnp.float32),
                pltpu.VMEM((1, CHUNK), jnp.float32),
            ]
            + [pltpu.VMEM((CHUNK, D), jnp.float32) for _ in range(NBUF)]
            + [pltpu.SemaphoreType.DMA for _ in range(4 * NBUF)]
            + [pltpu.VMEM_SHARED((NP, D), jnp.float32)]
        ),
    )
    return kern(h, src_c, dst_c, ee_c)


def _combine_body(p_ref, r_ref, o_ref):
    p = p_ref[...]
    r = r_ref[...]
    tot = p[0] + p[1]
    rr = r[0] + r[1]
    v = tot / rr
    o_ref[...] = jnp.where(v > 0.0, v, jnp.exp(jnp.minimum(v, 0.0)) - 1.0)


def _combine(parts, rs3, NP, D):
    BLK = 512
    return pl.pallas_call(
        _combine_body,
        grid=(NP // BLK,),
        in_specs=[
            pl.BlockSpec((NC, BLK, D), lambda i: (0, i, 0)),
            pl.BlockSpec((NC, BLK, 1), lambda i: (0, i, 0)),
        ],
        out_specs=pl.BlockSpec((BLK, D), lambda i: (i, 0)),
        out_shape=jax.ShapeDtypeStruct((NP, D), jnp.float32),
    )(parts, rs3)


def kernel(input, edge, W, a):
    N, DIN = input.shape
    D = W.shape[1]
    E = edge.shape[1]

    NP = ((N + 511) // 512) * 512
    NR = NP // 128
    EPT = ((E + NW * CHUNK - 1) // (NW * CHUNK)) * CHUNK
    NCH = EPT // CHUNK

    x_p = jnp.pad(input, ((0, NP - N), (0, 0)))
    a2 = jnp.stack([a[0, :D], a[0, D:]], axis=1)

    pad = NW * EPT - E
    pad_idx = jnp.arange(pad, dtype=jnp.int32) % NP
    src_f = jnp.concatenate([edge[0], pad_idx]).reshape(NW, EPT)
    dst_f = jnp.concatenate([edge[1], pad_idx]).reshape(NW, EPT)
    src_c = src_f.reshape(NW, NCH, CHUNK)
    dst_c = dst_f.reshape(NW, NCH, 1, CHUNK)

    h, st = _project(x_p, W, a2, NP, D)
    ee, rsp = _ee_kernel(st, src_f, dst_f, E, EPT, NP, NR)
    ee_c = ee.reshape(NW, NCH, 1, CHUNK)
    parts = _agg_kernel(h, src_c, dst_c, ee_c, EPT, NP, D, NCH)
    rs3 = rsp.reshape(NC, NP, 1)
    out = _combine(parts, rs3, NP, D)
    return out[:N]

# --- scband reference (transcript-rebuilt; emitter-appended) ---
"""Pipeline reference for scband-sparse-graph-attention-layer-89111981457424 (READ-ONLY COPY).

The authoritative reference and input builder live on the scoring server;
editing this copy changes nothing except your own understanding.
"""

import jax, jax.numpy as jnp
import numpy as np

N = 10000
E = 320000
D_IN = 128
D_OUT = 128
ALPHA = 0.2

def setup_inputs(seed: int = 0) -> dict:
    key = jax.random.key(seed)
    k1, k2, k3, k4 = jax.random.split(key, 4)
    x = jax.random.normal(k1, (N, D_IN), dtype=jnp.float32)
    edge = jax.random.randint(k2, (2, E), 0, N, dtype=jnp.int32)
    W = jax.random.normal(k3, (D_IN, D_OUT), dtype=jnp.float32) * 0.05
    a = jax.random.normal(k4, (1, 2 * D_OUT), dtype=jnp.float32) * 0.05
    return {"input": x, "edge": edge, "W": W, "a": a}

def reference(input, edge, W, a):
    n = input.shape[0]
    # h = input @ W
    h = jnp.matmul(input, W)
    # edge_h = cat(h[src], h[dst]).T  -> we keep [E, 2*D] layout
    edge_h = jnp.concatenate([jnp.take(h, edge[0], axis=0), jnp.take(h, edge[1], axis=0)], axis=1)
    # tmp = a @ edge_h.T -> [E]
    tmp = jnp.squeeze(jnp.matmul(edge_h, a.T), axis=-1)
    # LeakyReLU(alpha)
    lrelu = jnp.where(tmp >= 0, tmp, ALPHA * tmp)
    edge_e = jnp.exp(-lrelu)
    # e_rowsum = spmm(A(edge, edge_e), ones[n,1])  == segment-sum over source index
    e_rowsum = jax.ops.segment_sum(edge_e, edge[0], num_segments=n)[:, None]
    # hh = spmm(A(edge, edge_e), h) == scatter-add of edge_e * h[dst] into src rows
    hh = jnp.zeros((n, h.shape[1]), dtype=h.dtype).at[edge[0]].add(edge_e[:, None] * jnp.take(h, edge[1], axis=0))
    hh = hh / e_rowsum
    # end=False -> elu
    return jax.nn.elu(hh)

if __name__ == "__main__":
    import jax
    _d = setup_inputs()
    print(jax.jit(kernel)(*tuple(_d.values())))

</pallas_src>

<mosaic_0001>
#map = affine_map<(d0, d1) -> (0, 0)>
#map1 = affine_map<(d0, d1) -> (0, 0, 0)>
module attributes {stable_mosaic.version = 14 : i64} {
  func.func @_ee_body2(%arg0: i32, %arg1: i32, %arg2: memref<2x10240xf32, #tpu.memory_space<hbm>>, %arg3: memref<32x10112xi32, #tpu.memory_space<hbm>>, %arg4: memref<32x10112xi32, #tpu.memory_space<hbm>>, %arg5: memref<32x10112xf32, #tpu.memory_space<hbm>>, %arg6: memref<2x80x128xf32, #tpu.memory_space<hbm>>, %arg7: memref<10240xf32, #tpu.memory_space<vmem>>, %arg8: memref<10240xf32, #tpu.memory_space<vmem>>, %arg9: memref<10112xi32, #tpu.memory_space<vmem>>, %arg10: memref<10112xi32, #tpu.memory_space<vmem>>, %arg11: memref<10112xf32, #tpu.memory_space<vmem>>, %arg12: memref<80x128xf32, #tpu.memory_space<vmem>>, %arg13: memref<80xi32, #tpu.memory_space<vmem>>, %arg14: memref<80x128xf32, #tpu.memory_space<vmem_shared>>) attributes {dimension_semantics = [#tpu.dimension_semantics<core_parallel>, #tpu.dimension_semantics<subcore_parallel>], iteration_bounds = array<i64: 2, 16>, scalar_prefetch = 0 : i64, scratch_operands = 8 : i64, tpu.core_type = #tpu.core_type<sc_vector_subcore>, window_params = [{transform_indices = #map}, {transform_indices = #map}, {transform_indices = #map}, {transform_indices = #map}, {transform_indices = #map1}]} {
    %mul3A = arith.constant 2 : i32
    %mul3A_0 = arith.muli %arg1, %mul3A : i32
    %add3A = arith.addi %mul3A_0, %arg0 : i32
    %broadcast_in_dim3A = arith.constant 0.000000e+00 : f32
    %broadcast_in_dim3A_1 = vector.broadcast %broadcast_in_dim3A : f32 to vector<16xf32>
    %scan3A = arith.constant 0 : i32
    %scan3A_2 = arith.constant 80 : i32
    %scan3A_3 = arith.addi %scan3A, %scan3A_2 : i32
    %scan3A_4 = arith.constant 1 : i32
    scf.for %scan3A_27 = %scan3A to %scan3A_3 step %scan3A_4  : i32 {
      %mul3A_28 = arith.constant 1 : i32
      %mul3A_29 = arith.muli %scan3A_27, %mul3A_28 : i32
      %add3A_30 = arith.constant 0 : i32
      %add3A_31 = arith.addi %add3A_30, %mul3A_29 : i32
      %swap3A = arith.index_cast %add3A_31 : i32 to index
      %swap3A_32 = arith.constant 0 : index
      %swap3A_33 = tpu.vector_load %arg12[%swap3A, %swap3A_32] {strides = array<i32>} : memref<80x128xf32, #tpu.memory_space<vmem>>, vector<16xf32>,
      tpu.vector_store %arg12[%swap3A, %swap3A_32], %broadcast_in_dim3A_1 {strides = array<i32>} : memref<80x128xf32, #tpu.memory_space<vmem>>, vector<16xf32>,
      %swap3A_34 = arith.index_cast %add3A_31 : i32 to index
      %swap3A_35 = arith.constant 16 : index
      %swap3A_36 = tpu.vector_load %arg12[%swap3A_34, %swap3A_35] {strides = array<i32>} : memref<80x128xf32, #tpu.memory_space<vmem>>, vector<16xf32>,
      tpu.vector_store %arg12[%swap3A_34, %swap3A_35], %broadcast_in_dim3A_1 {strides = array<i32>} : memref<80x128xf32, #tpu.memory_space<vmem>>, vector<16xf32>,
      %swap3A_37 = arith.index_cast %add3A_31 : i32 to index
      %swap3A_38 = arith.constant 32 : index
      %swap3A_39 = tpu.vector_load %arg12[%swap3A_37, %swap3A_38] {strides = array<i32>} : memref<80x128xf32, #tpu.memory_space<vmem>>, vector<16xf32>,
      tpu.vector_store %arg12[%swap3A_37, %swap3A_38], %broadcast_in_dim3A_1 {strides = array<i32>} : memref<80x128xf32, #tpu.memory_space<vmem>>, vector<16xf32>,
      %swap3A_40 = arith.index_cast %add3A_31 : i32 to index
      %swap3A_41 = arith.constant 48 : index
      %swap3A_42 = tpu.vector_load %arg12[%swap3A_40, %swap3A_41] {strides = array<i32>} : memref<80x128xf32, #tpu.memory_space<vmem>>, vector<16xf32>,
      tpu.vector_store %arg12[%swap3A_40, %swap3A_41], %broadcast_in_dim3A_1 {strides = array<i32>} : memref<80x128xf32, #tpu.memory_space<vmem>>, vector<16xf32>,
      %swap3A_43 = arith.index_cast %add3A_31 : i32 to index
      %swap3A_44 = arith.constant 64 : index
      %swap3A_45 = tpu.vector_load %arg12[%swap3A_43, %swap3A_44] {strides = array<i32>} : memref<80x128xf32, #tpu.memory_space<vmem>>, vector<16xf32>,
      tpu.vector_store %arg12[%swap3A_43, %swap3A_44], %broadcast_in_dim3A_1 {strides = array<i32>} : memref<80x128xf32, #tpu.memory_space<vmem>>, vector<16xf32>,
      %swap3A_46 = arith.index_cast %add3A_31 : i32 to index
      %swap3A_47 = arith.constant 80 : index
      %swap3A_48 = tpu.vector_load %arg12[%swap3A_46, %swap3A_47] {strides = array<i32>} : memref<80x128xf32, #tpu.memory_space<vmem>>, vector<16xf32>,
      tpu.vector_store %arg12[%swap3A_46, %swap3A_47], %broadcast_in_dim3A_1 {strides = array<i32>} : memref<80x128xf32, #tpu.memory_space<vmem>>, vector<16xf32>,
      %swap3A_49 = arith.index_cast %add3A_31 : i32 to index
      %swap3A_50 = arith.constant 96 : index
      %swap3A_51 = tpu.vector_load %arg12[%swap3A_49, %swap3A_50] {strides = array<i32>} : memref<80x128xf32, #tpu.memory_space<vmem>>, vector<16xf32>,
      tpu.vector_store %arg12[%swap3A_49, %swap3A_50], %broadcast_in_dim3A_1 {strides = array<i32>} : memref<80x128xf32, #tpu.memory_space<vmem>>, vector<16xf32>,
      %swap3A_52 = arith.index_cast %add3A_31 : i32 to index
      %swap3A_53 = arith.constant 112 : index
      %swap3A_54 = tpu.vector_load %arg12[%swap3A_52, %swap3A_53] {strides = array<i32>} : memref<80x128xf32, #tpu.memory_space<vmem>>, vector<16xf32>,
      tpu.vector_store %arg12[%swap3A_52, %swap3A_53], %broadcast_in_dim3A_1 {strides = array<i32>} : memref<80x128xf32, #tpu.memory_space<vmem>>, vector<16xf32>,
    }
    %scan3A_5 = arith.constant 80 : i32
    %scan3A_6 = arith.constant 0 : i32
    %scan3A_7 = arith.constant 5 : i32
    %scan3A_8 = arith.addi %scan3A_6, %scan3A_7 : i32
    %scan3A_9 = arith.constant 1 : i32
    scf.for %scan3A_27 = %scan3A_6 to %scan3A_8 step %scan3A_9  : i32 {
      %mul3A_28 = arith.constant 1 : i32
      %mul3A_29 = arith.muli %scan3A_27, %mul3A_28 : i32
      %add3A_30 = arith.constant 0 : i32
      %add3A_31 = arith.addi %add3A_30, %mul3A_29 : i32
      %mul3A_32 = arith.constant 16 : i32
      %mul3A_33 = arith.muli %add3A_31, %mul3A_32 : i32
      %iota3A = tpu.iota {dimensions = array<i32: 0>} : vector<16xi32>
      %add3A_34 = vector.broadcast %mul3A_33 : i32 to vector<16xi32>
      %add3A_35 = arith.addi %add3A_34, %iota3A : vector<16xi32>
      %mul3A_36 = arith.constant 16 : i32
      %mul3A_37 = arith.muli %add3A_31, %mul3A_36 : i32
      %swap3A = arith.index_cast %mul3A_37 : i32 to index
      %swap3A_38 = tpu.vector_load %arg13[%swap3A] {strides = array<i32>} : memref<80xi32, #tpu.memory_space<vmem>>, vector<16xi32>,
      tpu.vector_store %arg13[%swap3A], %add3A_35 {strides = array<i32>} : memref<80xi32, #tpu.memory_space<vmem>>, vector<16xi32>,
    }
    %scan3A_10 = arith.constant 5 : i32
    %eq3A = arith.constant 0 : i32
    %eq3A_11 = arith.cmpi eq, %arg1, %eq3A : i32
    %convert_element_type3A = arith.extui %eq3A_11 : i1 to i32
    %cond3A = arith.constant 0 : i32
    %cond3A_12 = arith.cmpi ne, %convert_element_type3A, %cond3A : i32
    scf.if %cond3A_12 {
      "tpu.region"() ({
        %run_scoped3A_27 = tpu.sem_alloc : memref<!tpu.dma_semaphore, #tpu.memory_space<semaphore_mem>>
        tpu.enqueue_dma source(%arg12 : memref<80x128xf32, #tpu.memory_space<vmem>>) target(%arg14 : memref<80x128xf32, #tpu.memory_space<vmem_shared>>) target_semaphore(%run_scoped3A_27 : memref<!tpu.dma_semaphore, #tpu.memory_space<semaphore_mem>>)
        tpu.wait_dma2 semaphore(%run_scoped3A_27 : memref<!tpu.dma_semaphore, #tpu.memory_space<semaphore_mem>>) src(%arg12 : memref<80x128xf32, #tpu.memory_space<vmem>>) dst(%arg14 : memref<80x128xf32, #tpu.memory_space<vmem_shared>>)
        tpu.yield
      }) : () -> ()
    } else {
    }
    %run_scoped3A = arith.constant 0 : i32
    "tpu.region"() ({
      %run_scoped3A_27 = tpu.sem_alloc : memref<!tpu.dma_semaphore, #tpu.memory_space<semaphore_mem>>
      %dma_start3A = arith.constant 0 : i32
      %dma_start3A_28 = tpu.memref_slice %arg2[%run_scoped3A, %dma_start3A] : memref<2x10240xf32, #tpu.memory_space<hbm>> -> memref<1x10240xf32, #tpu.memory_space<hbm>>
      %dma_start3A_29 = tpu.memref_squeeze %dma_start3A_28 : memref<1x10240xf32, #tpu.memory_space<hbm>> -> memref<10240xf32, #tpu.memory_space<hbm>>
      %dma_start3A_30 = arith.constant 0 : i32
      %dma_start3A_31 = tpu.memref_slice %arg2[%run_scoped3A, %dma_start3A_30] : memref<2x10240xf32, #tpu.memory_space<hbm>> -> memref<1x10240xf32, #tpu.memory_space<hbm>>
      %dma_start3A_32 = tpu.memref_squeeze %dma_start3A_31 : memref<1x10240xf32, #tpu.memory_space<hbm>> -> memref<10240xf32, #tpu.memory_space<hbm>>
      tpu.enqueue_dma source(%dma_start3A_32 : memref<10240xf32, #tpu.memory_space<hbm>>) target(%arg7 : memref<10240xf32, #tpu.memory_space<vmem>>) target_semaphore(%run_scoped3A_27 : memref<!tpu.dma_semaphore, #tpu.memory_space<semaphore_mem>>)
      %dma_wait3A = arith.constant 0 : i32
      %dma_wait3A_33 = tpu.memref_slice %arg2[%run_scoped3A, %dma_wait3A] : memref<2x10240xf32, #tpu.memory_space<hbm>> -> memref<1x10240xf32, #tpu.memory_space<hbm>>
      %dma_wait3A_34 = tpu.memref_squeeze %dma_wait3A_33 : memref<1x10240xf32, #tpu.memory_space<hbm>> -> memref<10240xf32, #tpu.memory_space<hbm>>
      %dma_wait3A_35 = arith.constant 0 : i32
      %dma_wait3A_36 = tpu.memref_slice %arg2[%run_scoped3A, %dma_wait3A_35] : memref<2x10240xf32, #tpu.memory_space<hbm>> -> memref<1x10240xf32, #tpu.memory_space<hbm>>
      %dma_wait3A_37 = tpu.memref_squeeze %dma_wait3A_36 : memref<1x10240xf32, #tpu.memory_space<hbm>> -> memref<10240xf32, #tpu.memory_space<hbm>>
      tpu.wait_dma2 semaphore(%run_scoped3A_27 : memref<!tpu.dma_semaphore, #tpu.memory_space<semaphore_mem>>) src(%dma_wait3A_37 : memref<10240xf32, #tpu.memory_space<hbm>>) dst(%arg7 : memref<10240xf32, #tpu.memory_space<vmem>>)
      tpu.yield
    }) : () -> ()
    %run_scoped3A_13 = arith.constant 1 : i32
    "tpu.region"() ({
      %run_scoped3A_27 = tpu.sem_alloc : memref<!tpu.dma_semaphore, #tpu.memory_space<semaphore_mem>>
      %dma_start3A = arith.constant 0 : i32
      %dma_start3A_28 = tpu.memref_slice %arg2[%run_scoped3A_13, %dma_start3A] : memref<2x10240xf32, #tpu.memory_space<hbm>> -> memref<1x10240xf32, #tpu.memory_space<hbm>>
      %dma_start3A_29 = tpu.memref_squeeze %dma_start3A_28 : memref<1x10240xf32, #tpu.memory_space<hbm>> -> memref<10240xf32, #tpu.memory_space<hbm>>
      %dma_start3A_30 = arith.constant 0 : i32
      %dma_start3A_31 = tpu.memref_slice %arg2[%run_scoped3A_13, %dma_start3A_30] : memref<2x10240xf32, #tpu.memory_space<hbm>> -> memref<1x10240xf32, #tpu.memory_space<hbm>>
      %dma_start3A_32 = tpu.memref_squeeze %dma_start3A_31 : memref<1x10240xf32, #tpu.memory_space<hbm>> -> memref<10240xf32, #tpu.memory_space<hbm>>
      tpu.enqueue_dma source(%dma_start3A_32 : memref<10240xf32, #tpu.memory_space<hbm>>) target(%arg8 : memref<10240xf32, #tpu.memory_space<vmem>>) target_semaphore(%run_scoped3A_27 : memref<!tpu.dma_semaphore, #tpu.memory_space<semaphore_mem>>)
      %dma_wait3A = arith.constant 0 : i32
      %dma_wait3A_33 = tpu.memref_slice %arg2[%run_scoped3A_13, %dma_wait3A] : memref<2x10240xf32, #tpu.memory_space<hbm>> -> memref<1x10240xf32, #tpu.memory_space<hbm>>
      %dma_wait3A_34 = tpu.memref_squeeze %dma_wait3A_33 : memref<1x10240xf32, #tpu.memory_space<hbm>> -> memref<10240xf32, #tpu.memory_space<hbm>>
      %dma_wait3A_35 = arith.constant 0 : i32
      %dma_wait3A_36 = tpu.memref_slice %arg2[%run_scoped3A_13, %dma_wait3A_35] : memref<2x10240xf32, #tpu.memory_space<hbm>> -> memref<1x10240xf32, #tpu.memory_space<hbm>>
      %dma_wait3A_37 = tpu.memref_squeeze %dma_wait3A_36 : memref<1x10240xf32, #tpu.memory_space<hbm>> -> memref<10240xf32, #tpu.memory_space<hbm>>
      tpu.wait_dma2 semaphore(%run_scoped3A_27 : memref<!tpu.dma_semaphore, #tpu.memory_space<semaphore_mem>>) src(%dma_wait3A_37 : memref<10240xf32, #tpu.memory_space<hbm>>) dst(%arg8 : memref<10240xf32, #tpu.memory_space<vmem>>)
      tpu.yield
    }) : () -> ()
    "tpu.region"() ({
      %run_scoped3A_27 = tpu.sem_alloc : memref<!tpu.dma_semaphore, #tpu.memory_space<semaphore_mem>>
      %dma_start3A = arith.constant 0 : i32
      %dma_start3A_28 = tpu.memref_slice %arg3[%add3A, %dma_start3A] : memref<32x10112xi32, #tpu.memory_space<hbm>> -> memref<1x10112xi32, #tpu.memory_space<hbm>>
      %dma_start3A_29 = tpu.memref_squeeze %dma_start3A_28 : memref<1x10112xi32, #tpu.memory_space<hbm>> -> memref<10112xi32, #tpu.memory_space<hbm>>
      %dma_start3A_30 = arith.constant 0 : i32
      %dma_start3A_31 = tpu.memref_slice %arg3[%add3A, %dma_start3A_30] : memref<32x10112xi32, #tpu.memory_space<hbm>> -> memref<1x10112xi32, #tpu.memory_space<hbm>>
      %dma_start3A_32 = tpu.memref_squeeze %dma_start3A_31 : memref<1x10112xi32, #tpu.memory_space<hbm>> -> memref<10112xi32, #tpu.memory_space<hbm>>
      tpu.enqueue_dma source(%dma_start3A_32 : memref<10112xi32, #tpu.memory_space<hbm>>) target(%arg9 : memref<10112xi32, #tpu.memory_space<vmem>>) target_semaphore(%run_scoped3A_27 : memref<!tpu.dma_semaphore, #tpu.memory_space<semaphore_mem>>)
      %dma_wait3A = arith.constant 0 : i32
      %dma_wait3A_33 = tpu.memref_slice %arg3[%add3A, %dma_wait3A] : memref<32x10112xi32, #tpu.memory_space<hbm>> -> memref<1x10112xi32, #tpu.memory_space<hbm>>
      %dma_wait3A_34 = tpu.memref_squeeze %dma_wait3A_33 : memref<1x10112xi32, #tpu.memory_space<hbm>> -> memref<10112xi32, #tpu.memory_space<hbm>>
      %dma_wait3A_35 = arith.constant 0 : i32
      %dma_wait3A_36 = tpu.memref_slice %arg3[%add3A, %dma_wait3A_35] : memref<32x10112xi32, #tpu.memory_space<hbm>> -> memref<1x10112xi32, #tpu.memory_space<hbm>>
      %dma_wait3A_37 = tpu.memref_squeeze %dma_wait3A_36 : memref<1x10112xi32, #tpu.memory_space<hbm>> -> memref<10112xi32, #tpu.memory_space<hbm>>
      tpu.wait_dma2 semaphore(%run_scoped3A_27 : memref<!tpu.dma_semaphore, #tpu.memory_space<semaphore_mem>>) src(%dma_wait3A_37 : memref<10112xi32, #tpu.memory_space<hbm>>) dst(%arg9 : memref<10112xi32, #tpu.memory_space<vmem>>)
      tpu.yield
    }) : () -> ()
    "tpu.region"() ({
      %run_scoped3A_27 = tpu.sem_alloc : memref<!tpu.dma_semaphore, #tpu.memory_space<semaphore_mem>>
      %dma_start3A = arith.constant 0 : i32
      %dma_start3A_28 = tpu.memref_slice %arg4[%add3A, %dma_start3A] : memref<32x10112xi32, #tpu.memory_space<hbm>> -> memref<1x10112xi32, #tpu.memory_space<hbm>>
      %dma_start3A_29 = tpu.memref_squeeze %dma_start3A_28 : memref<1x10112xi32, #tpu.memory_space<hbm>> -> memref<10112xi32, #tpu.memory_space<hbm>>
      %dma_start3A_30 = arith.constant 0 : i32
      %dma_start3A_31 = tpu.memref_slice %arg4[%add3A, %dma_start3A_30] : memref<32x10112xi32, #tpu.memory_space<hbm>> -> memref<1x10112xi32, #tpu.memory_space<hbm>>
      %dma_start3A_32 = tpu.memref_squeeze %dma_start3A_31 : memref<1x10112xi32, #tpu.memory_space<hbm>> -> memref<10112xi32, #tpu.memory_space<hbm>>
      tpu.enqueue_dma source(%dma_start3A_32 : memref<10112xi32, #tpu.memory_space<hbm>>) target(%arg10 : memref<10112xi32, #tpu.memory_space<vmem>>) target_semaphore(%run_scoped3A_27 : memref<!tpu.dma_semaphore, #tpu.memory_space<semaphore_mem>>)
      %dma_wait3A = arith.constant 0 : i32
      %dma_wait3A_33 = tpu.memref_slice %arg4[%add3A, %dma_wait3A] : memref<32x10112xi32, #tpu.memory_space<hbm>> -> memref<1x10112xi32, #tpu.memory_space<hbm>>
      %dma_wait3A_34 = tpu.memref_squeeze %dma_wait3A_33 : memref<1x10112xi32, #tpu.memory_space<hbm>> -> memref<10112xi32, #tpu.memory_space<hbm>>
      %dma_wait3A_35 = arith.constant 0 : i32
      %dma_wait3A_36 = tpu.memref_slice %arg4[%add3A, %dma_wait3A_35] : memref<32x10112xi32, #tpu.memory_space<hbm>> -> memref<1x10112xi32, #tpu.memory_space<hbm>>
      %dma_wait3A_37 = tpu.memref_squeeze %dma_wait3A_36 : memref<1x10112xi32, #tpu.memory_space<hbm>> -> memref<10112xi32, #tpu.memory_space<hbm>>
      tpu.wait_dma2 semaphore(%run_scoped3A_27 : memref<!tpu.dma_semaphore, #tpu.memory_space<semaphore_mem>>) src(%dma_wait3A_37 : memref<10112xi32, #tpu.memory_space<hbm>>) dst(%arg10 : memref<10112xi32, #tpu.memory_space<vmem>>)
      tpu.yield
    }) : () -> ()
    %barrier3A = arith.constant 0 : index
    tpu.barrier barrier_id(%barrier3A)
    %mul3A_14 = arith.constant 10112 : i32
    %mul3A_15 = arith.muli %add3A, %mul3A_14 : i32
    %scan3A_16 = arith.constant 0 : i32
    %scan3A_17 = arith.constant 632 : i32
    %scan3A_18 = arith.addi %scan3A_16, %scan3A_17 : i32
    %scan3A_19 = arith.constant 1 : i32
    scf.for %scan3A_27 = %scan3A_16 to %scan3A_18 step %scan3A_19  : i32 {
      %mul3A_28 = arith.constant 1 : i32
      %mul3A_29 = arith.muli %scan3A_27, %mul3A_28 : i32
      %add3A_30 = arith.constant 0 : i32
      %add3A_31 = arith.addi %add3A_30, %mul3A_29 : i32
      %mul3A_32 = arith.constant 16 : i32
      %mul3A_33 = arith.muli %add3A_31, %mul3A_32 : i32
      %get3A = arith.index_cast %mul3A_33 : i32 to index
      %get3A_34 = tpu.vector_load %arg9[%get3A] {strides = array<i32>} : memref<10112xi32, #tpu.memory_space<vmem>>, vector<16xi32>,
      %get3A_35 = arith.index_cast %mul3A_33 : i32 to index
      %get3A_36 = tpu.vector_load %arg10[%get3A_35] {strides = array<i32>} : memref<10112xi32, #tpu.memory_space<vmem>>, vector<16xi32>,
      %gather3A = tpu.vector_load_idx %arg7[%get3A_34] : memref<10240xf32, #tpu.memory_space<vmem>>[vector<16xi32>], vector<16xf32>,
      %gather3A_37 = tpu.vector_load_idx %arg8[%get3A_36] : memref<10240xf32, #tpu.memory_space<vmem>>[vector<16xi32>], vector<16xf32>,
      %add3A_38 = arith.addf %gather3A, %gather3A_37 : vector<16xf32>
      %ge3A = arith.constant 0.000000e+00 : f32
      %ge3A_39 = vector.broadcast %ge3A : f32 to vector<16xf32>
      %ge3A_40 = arith.cmpf oge, %add3A_38, %ge3A_39 : vector<16xf32>
      %mul3A_41 = arith.constant 2.000000e-01 : f32
      %mul3A_42 = vector.broadcast %mul3A_41 : f32 to vector<16xf32>
      %mul3A_43 = arith.mulf %mul3A_42, %add3A_38 : vector<16xf32>
      %select_n3A = arith.select %ge3A_40, %add3A_38, %mul3A_43 : vector<16xi1>, vector<16xf32>
      %neg3A = arith.constant 0.000000e+00 : f32
      %neg3A_44 = vector.broadcast %neg3A : f32 to vector<16xf32>
      %neg3A_45 = arith.subf %neg3A_44, %select_n3A : vector<16xf32>
      %exp3A = math.exp %neg3A_45 : vector<16xf32>
      %add3A_46 = arith.addi %mul3A_15, %mul3A_33 : i32
      %iota3A = tpu.iota {dimensions = array<i32: 0>} : vector<16xi32>
      %add3A_47 = vector.broadcast %add3A_46 : i32 to vector<16xi32>
      %add3A_48 = arith.addi %add3A_47, %iota3A : vector<16xi32>
      %lt3A = arith.constant 320000 : i32
      %lt3A_49 = vector.broadcast %lt3A : i32 to vector<16xi32>
      %lt3A_50 = arith.cmpi slt, %add3A_48, %lt3A_49 : vector<16xi32>
      %jit3A = arith.constant 0.000000e+00 : f32
      %broadcast_in_dim3A_51 = vector.broadcast %jit3A : f32 to vector<16xf32>
      %select_n3A_52 = arith.select %lt3A_50, %exp3A, %broadcast_in_dim3A_51 : vector<16xi1>, vector<16xf32>
      %swap3A = arith.index_cast %mul3A_33 : i32 to index
      %swap3A_53 = tpu.vector_load %arg11[%swap3A] {strides = array<i32>} : memref<10112xf32, #tpu.memory_space<vmem>>, vector<16xf32>,
      tpu.vector_store %arg11[%swap3A], %select_n3A_52 {strides = array<i32>} : memref<10112xf32, #tpu.memory_space<vmem>>, vector<16xf32>,
      %shift_right_logical3A = arith.constant 7 : i32
      %shift_right_logical3A_54 = vector.broadcast %shift_right_logical3A : i32 to vector<16xi32>
      %shift_right_logical3A_55 = arith.shrui %get3A_34, %shift_right_logical3A_54 : vector<16xi32>
      %and3A = arith.constant 127 : i32
      %and3A_56 = vector.broadcast %and3A : i32 to vector<16xi32>
      %and3A_57 = arith.andi %get3A_34, %and3A_56 : vector<16xi32>
      tpu.vector_store_idx %arg12[%shift_right_logical3A_55, %and3A_57], %select_n3A_52 {add = true} : memref<80x128xf32, #tpu.memory_space<vmem>>[vector<16xi32>, vector<16xi32>], vector<16xf32>,
    }
    %scan3A_20 = arith.constant 632 : i32
    "tpu.region"() ({
      %run_scoped3A_27 = tpu.sem_alloc : memref<!tpu.dma_semaphore, #tpu.memory_space<semaphore_mem>>
      %dma_start3A = arith.constant 0 : i32
      %dma_start3A_28 = tpu.memref_slice %arg5[%add3A, %dma_start3A] : memref<32x10112xf32, #tpu.memory_space<hbm>> -> memref<1x10112xf32, #tpu.memory_space<hbm>>
      %dma_start3A_29 = tpu.memref_squeeze %dma_start3A_28 : memref<1x10112xf32, #tpu.memory_space<hbm>> -> memref<10112xf32, #tpu.memory_space<hbm>>
      %dma_start3A_30 = arith.constant 0 : i32
      %dma_start3A_31 = tpu.memref_slice %arg5[%add3A, %dma_start3A_30] : memref<32x10112xf32, #tpu.memory_space<hbm>> -> memref<1x10112xf32, #tpu.memory_space<hbm>>
      %dma_start3A_32 = tpu.memref_squeeze %dma_start3A_31 : memref<1x10112xf32, #tpu.memory_space<hbm>> -> memref<10112xf32, #tpu.memory_space<hbm>>
      tpu.enqueue_dma source(%arg11 : memref<10112xf32, #tpu.memory_space<vmem>>) target(%dma_start3A_32 : memref<10112xf32, #tpu.memory_space<hbm>>) target_semaphore(%run_scoped3A_27 : memref<!tpu.dma_semaphore, #tpu.memory_space<semaphore_mem>>)
      %dma_wait3A = arith.constant 0 : i32
      %dma_wait3A_33 = tpu.memref_slice %arg5[%add3A, %dma_wait3A] : memref<32x10112xf32, #tpu.memory_space<hbm>> -> memref<1x10112xf32, #tpu.memory_space<hbm>>
      %dma_wait3A_34 = tpu.memref_squeeze %dma_wait3A_33 : memref<1x10112xf32, #tpu.memory_space<hbm>> -> memref<10112xf32, #tpu.memory_space<hbm>>
      %dma_wait3A_35 = arith.constant 0 : i32
      %dma_wait3A_36 = tpu.memref_slice %arg5[%add3A, %dma_wait3A_35] : memref<32x10112xf32, #tpu.memory_space<hbm>> -> memref<1x10112xf32, #tpu.memory_space<hbm>>
      %dma_wait3A_37 = tpu.memref_squeeze %dma_wait3A_36 : memref<1x10112xf32, #tpu.memory_space<hbm>> -> memref<10112xf32, #tpu.memory_space<hbm>>
      tpu.wait_dma2 semaphore(%run_scoped3A_27 : memref<!tpu.dma_semaphore, #tpu.memory_space<semaphore_mem>>) src(%arg11 : memref<10112xf32, #tpu.memory_space<vmem>>) dst(%dma_wait3A_37 : memref<10112xf32, #tpu.memory_space<hbm>>)
      tpu.yield
    }) : () -> ()
    "tpu.region"() ({
      %run_scoped3A_27 = tpu.sem_alloc : memref<!tpu.dma_semaphore, #tpu.memory_space<semaphore_mem>>
      %dma_start3A = arith.constant 0 : i32
      %dma_start3A_28 = arith.constant 0 : i32
      %dma_start3A_29 = tpu.memref_slice %arg14[%dma_start3A, %dma_start3A_28] : memref<80x128xf32, #tpu.memory_space<vmem_shared>> -> memref<80x128xf32, #tpu.memory_space<vmem_shared>>
      tpu.enqueue_indirect_dma source(%arg12 : memref<80x128xf32, #tpu.memory_space<vmem>>) target(%dma_start3A_29 : memref<80x128xf32, #tpu.memory_space<vmem_shared>>) offsets(%arg13 : memref<80xi32, #tpu.memory_space<vmem>>) semaphore(%run_scoped3A_27 : memref<!tpu.dma_semaphore, #tpu.memory_space<semaphore_mem>>) {add = true}
      %dma_wait3A = arith.constant 0 : i32
      %dma_wait3A_30 = arith.constant 0 : i32
      %dma_wait3A_31 = tpu.memref_slice %arg14[%dma_wait3A, %dma_wait3A_30] : memref<80x128xf32, #tpu.memory_space<vmem_shared>> -> memref<80x128xf32, #tpu.memory_space<vmem_shared>>
      tpu.wait_indirect_dma semaphore(%run_scoped3A_27 : memref<!tpu.dma_semaphore, #tpu.memory_space<semaphore_mem>>) src(%arg12 : memref<80x128xf32, #tpu.memory_space<vmem>>) dst(%dma_wait3A_31 : memref<80x128xf32, #tpu.memory_space<vmem_shared>>)
      tpu.yield
    }) : () -> ()
    %barrier3A_21 = arith.constant 0 : index
    tpu.barrier barrier_id(%barrier3A_21)
    %eq3A_22 = arith.constant 0 : i32
    %eq3A_23 = arith.cmpi eq, %arg1, %eq3A_22 : i32
    %convert_element_type3A_24 = arith.extui %eq3A_23 : i1 to i32
    %cond3A_25 = arith.constant 0 : i32
    %cond3A_26 = arith.cmpi ne, %convert_element_type3A_24, %cond3A_25 : i32
    scf.if %cond3A_26 {
      "tpu.region"() ({
        %run_scoped3A_27 = tpu.sem_alloc : memref<!tpu.dma_semaphore, #tpu.memory_space<semaphore_mem>>
        %dma_start3A = arith.constant 0 : i32
        %dma_start3A_28 = arith.constant 0 : i32
        %dma_start3A_29 = tpu.memref_slice %arg6[%arg0, %dma_start3A, %dma_start3A_28] : memref<2x80x128xf32, #tpu.memory_space<hbm>> -> memref<1x80x128xf32, #tpu.memory_space<hbm>>
        %dma_start3A_30 = tpu.memref_squeeze %dma_start3A_29 : memref<1x80x128xf32, #tpu.memory_space<hbm>> -> memref<80x128xf32, #tpu.memory_space<hbm>>
        tpu.enqueue_dma source(%arg14 : memref<80x128xf32, #tpu.memory_space<vmem_shared>>) target(%dma_start3A_30 : memref<80x128xf32, #tpu.memory_space<hbm>>) target_semaphore(%run_scoped3A_27 : memref<!tpu.dma_semaphore, #tpu.memory_space<semaphore_mem>>)
        %dma_wait3A = arith.constant 0 : i32
        %dma_wait3A_31 = arith.constant 0 : i32
        %dma_wait3A_32 = tpu.memref_slice %arg6[%arg0, %dma_wait3A, %dma_wait3A_31] : memref<2x80x128xf32, #tpu.memory_space<hbm>> -> memref<1x80x128xf32, #tpu.memory_space<hbm>>
        %dma_wait3A_33 = tpu.memref_squeeze %dma_wait3A_32 : memref<1x80x128xf32, #tpu.memory_space<hbm>> -> memref<80x128xf32, #tpu.memory_space<hbm>>
        tpu.wait_dma2 semaphore(%run_scoped3A_27 : memref<!tpu.dma_semaphore, #tpu.memory_space<semaphore_mem>>) src(%arg14 : memref<80x128xf32, #tpu.memory_space<vmem_shared>>) dst(%dma_wait3A_33 : memref<80x128xf32, #tpu.memory_space<hbm>>)
        tpu.yield
      }) : () -> ()
    } else {
    }
    return
  }
}

#map = affine_map<(d0, d1) -> (0, 0)>
#map1 = affine_map<(d0, d1) -> (0, 0, 0)>
#map2 = affine_map<(d0, d1) -> (0, 0, 0, 0)>
module attributes {stable_mosaic.version = 14 : i64} {
  func.func @_agg_body(%arg0: i32, %arg1: i32, %arg2: memref<10240x128xf32, #tpu.memory_space<hbm>>, %arg3: memref<32x79x128xi32, #tpu.memory_space<hbm>>, %arg4: memref<32x79x1x128xi32, #tpu.memory_space<hbm>>, %arg5: memref<32x79x1x128xf32, #tpu.memory_space<hbm>>, %arg6: memref<2x10240x128xf32, #tpu.memory_space<hbm>>, %arg7: memref<79x128xi32, #tpu.memory_space<vmem>>, %arg8: memref<1x128xi32, #tpu.memory_space<vmem>>, %arg9: memref<1x128xi32, #tpu.memory_space<vmem>>, %arg10: memref<1x128xf32, #tpu.memory_space<vmem>>, %arg11: memref<1x128xf32, #tpu.memory_space<vmem>>, %arg12: memref<128x128xf32, #tpu.memory_space<vmem>>, %arg13: memref<128x128xf32, #tpu.memory_space<vmem>>, %arg14: memref<!tpu.dma_semaphore, #tpu.memory_space<semaphore_mem>>, %arg15: memref<!tpu.dma_semaphore, #tpu.memory_space<semaphore_mem>>, %arg16: memref<!tpu.dma_semaphore, #tpu.memory_space<semaphore_mem>>, %arg17: memref<!tpu.dma_semaphore, #tpu.memory_space<semaphore_mem>>, %arg18: memref<!tpu.dma_semaphore, #tpu.memory_space<semaphore_mem>>, %arg19: memref<!tpu.dma_semaphore, #tpu.memory_space<semaphore_mem>>, %arg20: memref<!tpu.dma_semaphore, #tpu.memory_space<semaphore_mem>>, %arg21: memref<!tpu.dma_semaphore, #tpu.memory_space<semaphore_mem>>, %arg22: memref<10240x128xf32, #tpu.memory_space<vmem_shared>>) attributes {dimension_semantics = [#tpu.dimension_semantics<core_parallel>, #tpu.dimension_semantics<subcore_parallel>], iteration_bounds = array<i64: 2, 16>, scalar_prefetch = 0 : i64, scratch_operands = 16 : i64, tpu.core_type = #tpu.core_type<sc_vector_subcore>, window_params = [{transform_indices = #map}, {transform_indices = #map1}, {transform_indices = #map2}, {transform_indices = #map2}, {transform_indices = #map1}]} {
    %mul3A = arith.constant 2 : i32
    %mul3A_0 = arith.muli %arg1, %mul3A : i32
    %add3A = arith.addi %mul3A_0, %arg0 : i32
    %broadcast_in_dim3A = arith.constant 0.000000e+00 : f32
    %broadcast_in_dim3A_1 = vector.broadcast %broadcast_in_dim3A : f32 to vector<16xf32>
    %scan3A = arith.constant 0 : i32
    %scan3A_2 = arith.constant 128 : i32
    %scan3A_3 = arith.addi %scan3A, %scan3A_2 : i32
    %scan3A_4 = arith.constant 1 : i32
    scf.for %scan3A_94 = %scan3A to %scan3A_3 step %scan3A_4  : i32 {
      %mul3A_95 = arith.constant 1 : i32
      %mul3A_96 = arith.muli %scan3A_94, %mul3A_95 : i32
      %add3A_97 = arith.constant 0 : i32
      %add3A_98 = arith.addi %add3A_97, %mul3A_96 : i32
      %swap3A = arith.index_cast %add3A_98 : i32 to index
      %swap3A_99 = arith.constant 0 : index
      %swap3A_100 = tpu.vector_load %arg12[%swap3A, %swap3A_99] {strides = array<i32>} : memref<128x128xf32, #tpu.memory_space<vmem>>, vector<16xf32>,
      tpu.vector_store %arg12[%swap3A, %swap3A_99], %broadcast_in_dim3A_1 {strides = array<i32>} : memref<128x128xf32, #tpu.memory_space<vmem>>, vector<16xf32>,
      %swap3A_101 = arith.index_cast %add3A_98 : i32 to index
      %swap3A_102 = arith.constant 16 : index
      %swap3A_103 = tpu.vector_load %arg12[%swap3A_101, %swap3A_102] {strides = array<i32>} : memref<128x128xf32, #tpu.memory_space<vmem>>, vector<16xf32>,
      tpu.vector_store %arg12[%swap3A_101, %swap3A_102], %broadcast_in_dim3A_1 {strides = array<i32>} : memref<128x128xf32, #tpu.memory_space<vmem>>, vector<16xf32>,
      %swap3A_104 = arith.index_cast %add3A_98 : i32 to index
      %swap3A_105 = arith.constant 32 : index
      %swap3A_106 = tpu.vector_load %arg12[%swap3A_104, %swap3A_105] {strides = array<i32>} : memref<128x128xf32, #tpu.memory_space<vmem>>, vector<16xf32>,
      tpu.vector_store %arg12[%swap3A_104, %swap3A_105], %broadcast_in_dim3A_1 {strides = array<i32>} : memref<128x128xf32, #tpu.memory_space<vmem>>, vector<16xf32>,
      %swap3A_107 = arith.index_cast %add3A_98 : i32 to index
      %swap3A_108 = arith.constant 48 : index
      %swap3A_109 = tpu.vector_load %arg12[%swap3A_107, %swap3A_108] {strides = array<i32>} : memref<128x128xf32, #tpu.memory_space<vmem>>, vector<16xf32>,
      tpu.vector_store %arg12[%swap3A_107, %swap3A_108], %broadcast_in_dim3A_1 {strides = array<i32>} : memref<128x128xf32, #tpu.memory_space<vmem>>, vector<16xf32>,
      %swap3A_110 = arith.index_cast %add3A_98 : i32 to index
      %swap3A_111 = arith.constant 64 : index
      %swap3A_112 = tpu.vector_load %arg12[%swap3A_110, %swap3A_111] {strides = array<i32>} : memref<128x128xf32, #tpu.memory_space<vmem>>, vector<16xf32>,
      tpu.vector_store %arg12[%swap3A_110, %swap3A_111], %broadcast_in_dim3A_1 {strides = array<i32>} : memref<128x128xf32, #tpu.memory_space<vmem>>, vector<16xf32>,
      %swap3A_113 = arith.index_cast %add3A_98 : i32 to index
      %swap3A_114 = arith.constant 80 : index
      %swap3A_115 = tpu.vector_load %arg12[%swap3A_113, %swap3A_114] {strides = array<i32>} : memref<128x128xf32, #tpu.memory_space<vmem>>, vector<16xf32>,
      tpu.vector_store %arg12[%swap3A_113, %swap3A_114], %broadcast_in_dim3A_1 {strides = array<i32>} : memref<128x128xf32, #tpu.memory_space<vmem>>, vector<16xf32>,
      %swap3A_116 = arith.index_cast %add3A_98 : i32 to index
      %swap3A_117 = arith.constant 96 : index
      %swap3A_118 = tpu.vector_load %arg12[%swap3A_116, %swap3A_117] {strides = array<i32>} : memref<128x128xf32, #tpu.memory_space<vmem>>, vector<16xf32>,
      tpu.vector_store %arg12[%swap3A_116, %swap3A_117], %broadcast_in_dim3A_1 {strides = array<i32>} : memref<128x128xf32, #tpu.memory_space<vmem>>, vector<16xf32>,
      %swap3A_119 = arith.index_cast %add3A_98 : i32 to index
      %swap3A_120 = arith.constant 112 : index
      %swap3A_121 = tpu.vector_load %arg12[%swap3A_119, %swap3A_120] {strides = array<i32>} : memref<128x128xf32, #tpu.memory_space<vmem>>, vector<16xf32>,
      tpu.vector_store %arg12[%swap3A_119, %swap3A_120], %broadcast_in_dim3A_1 {strides = array<i32>} : memref<128x128xf32, #tpu.memory_space<vmem>>, vector<16xf32>,
    }
    %scan3A_5 = arith.constant 128 : i32
    %scan3A_6 = arith.constant 0 : i32
    %scan3A_7 = arith.constant 5 : i32
    %scan3A_8 = arith.addi %scan3A_6, %scan3A_7 : i32
    %scan3A_9 = arith.constant 1 : i32
    scf.for %scan3A_94 = %scan3A_6 to %scan3A_8 step %scan3A_9  : i32 {
      %mul3A_95 = arith.constant 1 : i32
      %mul3A_96 = arith.muli %scan3A_94, %mul3A_95 : i32
      %add3A_97 = arith.constant 0 : i32
      %add3A_98 = arith.addi %add3A_97, %mul3A_96 : i32
      %mul3A_99 = arith.constant 640 : i32
      %mul3A_100 = arith.muli %arg1, %mul3A_99 : i32
      %mul3A_101 = arith.constant 128 : i32
      %mul3A_102 = arith.muli %add3A_98, %mul3A_101 : i32
      %add3A_103 = arith.addi %mul3A_100, %mul3A_102 : i32
      "tpu.region"() ({
        %run_scoped3A = tpu.sem_alloc : memref<!tpu.dma_semaphore, #tpu.memory_space<semaphore_mem>>
        %dma_start3A_104 = arith.constant 0 : i32
        %dma_start3A_105 = tpu.memref_slice %arg22[%add3A_103, %dma_start3A_104] : memref<10240x128xf32, #tpu.memory_space<vmem_shared>> -> memref<128x128xf32, #tpu.memory_space<vmem_shared>>
        %dma_start3A_106 = arith.constant 0 : i32
        %dma_start3A_107 = tpu.memref_slice %arg22[%add3A_103, %dma_start3A_106] : memref<10240x128xf32, #tpu.memory_space<vmem_shared>> -> memref<128x128xf32, #tpu.memory_space<vmem_shared>>
        tpu.enqueue_dma source(%arg12 : memref<128x128xf32, #tpu.memory_space<vmem>>) target(%dma_start3A_107 : memref<128x128xf32, #tpu.memory_space<vmem_shared>>) target_semaphore(%run_scoped3A : memref<!tpu.dma_semaphore, #tpu.memory_space<semaphore_mem>>)
        %dma_wait3A_108 = arith.constant 0 : i32
        %dma_wait3A_109 = tpu.memref_slice %arg22[%add3A_103, %dma_wait3A_108] : memref<10240x128xf32, #tpu.memory_space<vmem_shared>> -> memref<128x128xf32, #tpu.memory_space<vmem_shared>>
        %dma_wait3A_110 = arith.constant 0 : i32
        %dma_wait3A_111 = tpu.memref_slice %arg22[%add3A_103, %dma_wait3A_110] : memref<10240x128xf32, #tpu.memory_space<vmem_shared>> -> memref<128x128xf32, #tpu.memory_space<vmem_shared>>
        tpu.wait_dma2 semaphore(%run_scoped3A : memref<!tpu.dma_semaphore, #tpu.memory_space<semaphore_mem>>) src(%arg12 : memref<128x128xf32, #tpu.memory_space<vmem>>) dst(%dma_wait3A_111 : memref<128x128xf32, #tpu.memory_space<vmem_shared>>)
        tpu.yield
      }) : () -> ()
    }
    %scan3A_10 = arith.constant 5 : i32
    "tpu.region"() ({
      %run_scoped3A = tpu.sem_alloc : memref<!tpu.dma_semaphore, #tpu.memory_space<semaphore_mem>>
      %dma_start3A_94 = arith.constant 0 : i32
      %dma_start3A_95 = arith.constant 0 : i32
      %dma_start3A_96 = tpu.memref_slice %arg3[%add3A, %dma_start3A_94, %dma_start3A_95] : memref<32x79x128xi32, #tpu.memory_space<hbm>> -> memref<1x79x128xi32, #tpu.memory_space<hbm>>
      %dma_start3A_97 = tpu.memref_squeeze %dma_start3A_96 : memref<1x79x128xi32, #tpu.memory_space<hbm>> -> memref<79x128xi32, #tpu.memory_space<hbm>>
      %dma_start3A_98 = arith.constant 0 : i32
      %dma_start3A_99 = arith.constant 0 : i32
      %dma_start3A_100 = tpu.memref_slice %arg3[%add3A, %dma_start3A_98, %dma_start3A_99] : memref<32x79x128xi32, #tpu.memory_space<hbm>> -> memref<1x79x128xi32, #tpu.memory_space<hbm>>
      %dma_start3A_101 = tpu.memref_squeeze %dma_start3A_100 : memref<1x79x128xi32, #tpu.memory_space<hbm>> -> memref<79x128xi32, #tpu.memory_space<hbm>>
      tpu.enqueue_dma source(%dma_start3A_101 : memref<79x128xi32, #tpu.memory_space<hbm>>) target(%arg7 : memref<79x128xi32, #tpu.memory_space<vmem>>) target_semaphore(%run_scoped3A : memref<!tpu.dma_semaphore, #tpu.memory_space<semaphore_mem>>)
      %dma_wait3A_102 = arith.constant 0 : i32
      %dma_wait3A_103 = arith.constant 0 : i32
      %dma_wait3A_104 = tpu.memref_slice %arg3[%add3A, %dma_wait3A_102, %dma_wait3A_103] : memref<32x79x128xi32, #tpu.memory_space<hbm>> -> memref<1x79x128xi32, #tpu.memory_space<hbm>>
      %dma_wait3A_105 = tpu.memref_squeeze %dma_wait3A_104 : memref<1x79x128xi32, #tpu.memory_space<hbm>> -> memref<79x128xi32, #tpu.memory_space<hbm>>
      %dma_wait3A_106 = arith.constant 0 : i32
      %dma_wait3A_107 = arith.constant 0 : i32
      %dma_wait3A_108 = tpu.memref_slice %arg3[%add3A, %dma_wait3A_106, %dma_wait3A_107] : memref<32x79x128xi32, #tpu.memory_space<hbm>> -> memref<1x79x128xi32, #tpu.memory_space<hbm>>
      %dma_wait3A_109 = tpu.memref_squeeze %dma_wait3A_108 : memref<1x79x128xi32, #tpu.memory_space<hbm>> -> memref<79x128xi32, #tpu.memory_space<hbm>>
      tpu.wait_dma2 semaphore(%run_scoped3A : memref<!tpu.dma_semaphore, #tpu.memory_space<semaphore_mem>>) src(%dma_wait3A_109 : memref<79x128xi32, #tpu.memory_space<hbm>>) dst(%arg7 : memref<79x128xi32, #tpu.memory_space<vmem>>)
      tpu.yield
    }) : () -> ()
    %barrier3A = arith.constant 0 : index
    tpu.barrier barrier_id(%barrier3A)
    %dma_start3A = arith.constant 0 : i32
    %dma_start3A_11 = arith.constant 0 : i32
    %dma_start3A_12 = arith.constant 0 : i32
    %dma_start3A_13 = tpu.memref_slice %arg4[%add3A, %dma_start3A, %dma_start3A_11, %dma_start3A_12] : memref<32x79x1x128xi32, #tpu.memory_space<hbm>> -> memref<1x1x1x128xi32, #tpu.memory_space<hbm>>
    %dma_start3A_14 = tpu.memref_squeeze %dma_start3A_13 : memref<1x1x1x128xi32, #tpu.memory_space<hbm>> -> memref<1x128xi32, #tpu.memory_space<hbm>>
    %dma_start3A_15 = arith.constant 0 : i32
    %dma_start3A_16 = arith.constant 0 : i32
    %dma_start3A_17 = tpu.memref_slice %arg4[%add3A, %dma_start3A, %dma_start3A_15, %dma_start3A_16] : memref<32x79x1x128xi32, #tpu.memory_space<hbm>> -> memref<1x1x1x128xi32, #tpu.memory_space<hbm>>
    %dma_start3A_18 = tpu.memref_squeeze %dma_start3A_17 : memref<1x1x1x128xi32, #tpu.memory_space<hbm>> -> memref<1x128xi32, #tpu.memory_space<hbm>>
    tpu.enqueue_dma source(%dma_start3A_18 : memref<1x128xi32, #tpu.memory_space<hbm>>) target(%arg8 : memref<1x128xi32, #tpu.memory_space<vmem>>) target_semaphore(%arg14 : memref<!tpu.dma_semaphore, #tpu.memory_space<semaphore_mem>>)
    %dma_start3A_19 = arith.constant 0 : i32
    %dma_start3A_20 = arith.constant 0 : i32
    %dma_start3A_21 = arith.constant 0 : i32
    %dma_start3A_22 = tpu.memref_slice %arg5[%add3A, %dma_start3A_19, %dma_start3A_20, %dma_start3A_21] : memref<32x79x1x128xf32, #tpu.memory_space<hbm>> -> memref<1x1x1x128xf32, #tpu.memory_space<hbm>>
    %dma_start3A_23 = tpu.memref_squeeze %dma_start3A_22 : memref<1x1x1x128xf32, #tpu.memory_space<hbm>> -> memref<1x128xf32, #tpu.memory_space<hbm>>
    %dma_start3A_24 = arith.constant 0 : i32
    %dma_start3A_25 = arith.constant 0 : i32
    %dma_start3A_26 = tpu.memref_slice %arg5[%add3A, %dma_start3A_19, %dma_start3A_24, %dma_start3A_25] : memref<32x79x1x128xf32, #tpu.memory_space<hbm>> -> memref<1x1x1x128xf32, #tpu.memory_space<hbm>>
    %dma_start3A_27 = tpu.memref_squeeze %dma_start3A_26 : memref<1x1x1x128xf32, #tpu.memory_space<hbm>> -> memref<1x128xf32, #tpu.memory_space<hbm>>
    tpu.enqueue_dma source(%dma_start3A_27 : memref<1x128xf32, #tpu.memory_space<hbm>>) target(%arg10 : memref<1x128xf32, #tpu.memory_space<vmem>>) target_semaphore(%arg16 : memref<!tpu.dma_semaphore, #tpu.memory_space<semaphore_mem>>)
    %dma_start3A_28 = arith.constant 1 : i32
    %dma_start3A_29 = arith.constant 0 : i32
    %dma_start3A_30 = arith.constant 0 : i32
    %dma_start3A_31 = tpu.memref_slice %arg4[%add3A, %dma_start3A_28, %dma_start3A_29, %dma_start3A_30] : memref<32x79x1x128xi32, #tpu.memory_space<hbm>> -> memref<1x1x1x128xi32, #tpu.memory_space<hbm>>
    %dma_start3A_32 = tpu.memref_squeeze %dma_start3A_31 : memref<1x1x1x128xi32, #tpu.memory_space<hbm>> -> memref<1x128xi32, #tpu.memory_space<hbm>>
    %dma_start3A_33 = arith.constant 0 : i32
    %dma_start3A_34 = arith.constant 0 : i32
    %dma_start3A_35 = tpu.memref_slice %arg4[%add3A, %dma_start3A_28, %dma_start3A_33, %dma_start3A_34] : memref<32x79x1x128xi32, #tpu.memory_space<hbm>> -> memref<1x1x1x128xi32, #tpu.memory_space<hbm>>
    %dma_start3A_36 = tpu.memref_squeeze %dma_start3A_35 : memref<1x1x1x128xi32, #tpu.memory_space<hbm>> -> memref<1x128xi32, #tpu.memory_space<hbm>>
    tpu.enqueue_dma source(%dma_start3A_36 : memref<1x128xi32, #tpu.memory_space<hbm>>) target(%arg9 : memref<1x128xi32, #tpu.memory_space<vmem>>) target_semaphore(%arg15 : memref<!tpu.dma_semaphore, #tpu.memory_space<semaphore_mem>>)
    %dma_start3A_37 = arith.constant 1 : i32
    %dma_start3A_38 = arith.constant 0 : i32
    %dma_start3A_39 = arith.constant 0 : i32
    %dma_start3A_40 = tpu.memref_slice %arg5[%add3A, %dma_start3A_37, %dma_start3A_38, %dma_start3A_39] : memref<32x79x1x128xf32, #tpu.memory_space<hbm>> -> memref<1x1x1x128xf32, #tpu.memory_space<hbm>>
    %dma_start3A_41 = tpu.memref_squeeze %dma_start3A_40 : memref<1x1x1x128xf32, #tpu.memory_space<hbm>> -> memref<1x128xf32, #tpu.memory_space<hbm>>
    %dma_start3A_42 = arith.constant 0 : i32
    %dma_start3A_43 = arith.constant 0 : i32
    %dma_start3A_44 = tpu.memref_slice %arg5[%add3A, %dma_start3A_37, %dma_start3A_42, %dma_start3A_43] : memref<32x79x1x128xf32, #tpu.memory_space<hbm>> -> memref<1x1x1x128xf32, #tpu.memory_space<hbm>>
    %dma_start3A_45 = tpu.memref_squeeze %dma_start3A_44 : memref<1x1x1x128xf32, #tpu.memory_space<hbm>> -> memref<1x128xf32, #tpu.memory_space<hbm>>
    tpu.enqueue_dma source(%dma_start3A_45 : memref<1x128xf32, #tpu.memory_space<hbm>>) target(%arg11 : memref<1x128xf32, #tpu.memory_space<vmem>>) target_semaphore(%arg17 : memref<!tpu.dma_semaphore, #tpu.memory_space<semaphore_mem>>)
    %dma_wait3A = arith.constant 0 : i32
    %dma_wait3A_46 = arith.constant 0 : i32
    %dma_wait3A_47 = arith.constant 0 : i32
    %dma_wait3A_48 = arith.constant 0 : i32
    %dma_wait3A_49 = tpu.memref_slice %arg4[%dma_wait3A, %dma_wait3A_46, %dma_wait3A_47, %dma_wait3A_48] : memref<32x79x1x128xi32, #tpu.memory_space<hbm>> -> memref<1x1x1x128xi32, #tpu.memory_space<hbm>>
    %dma_wait3A_50 = tpu.memref_squeeze %dma_wait3A_49 : memref<1x1x1x128xi32, #tpu.memory_space<hbm>> -> memref<1x128xi32, #tpu.memory_space<hbm>>
    %dma_wait3A_51 = arith.constant 0 : i32
    %dma_wait3A_52 = arith.constant 0 : i32
    %dma_wait3A_53 = tpu.memref_slice %arg4[%dma_wait3A, %dma_wait3A_46, %dma_wait3A_51, %dma_wait3A_52] : memref<32x79x1x128xi32, #tpu.memory_space<hbm>> -> memref<1x1x1x128xi32, #tpu.memory_space<hbm>>
    %dma_wait3A_54 = tpu.memref_squeeze %dma_wait3A_53 : memref<1x1x1x128xi32, #tpu.memory_space<hbm>> -> memref<1x128xi32, #tpu.memory_space<hbm>>
    tpu.wait_dma2 semaphore(%arg14 : memref<!tpu.dma_semaphore, #tpu.memory_space<semaphore_mem>>) src(%dma_wait3A_54 : memref<1x128xi32, #tpu.memory_space<hbm>>) dst(%arg8 : memref<1x128xi32, #tpu.memory_space<vmem>>)
    %dma_wait3A_55 = arith.constant 0 : i32
    %dma_wait3A_56 = arith.constant 0 : i32
    %dma_wait3A_57 = arith.constant 0 : i32
    %dma_wait3A_58 = arith.constant 0 : i32
    %dma_wait3A_59 = tpu.memref_slice %arg5[%dma_wait3A_55, %dma_wait3A_56, %dma_wait3A_57, %dma_wait3A_58] : memref<32x79x1x128xf32, #tpu.memory_space<hbm>> -> memref<1x1x1x128xf32, #tpu.memory_space<hbm>>
    %dma_wait3A_60 = tpu.memref_squeeze %dma_wait3A_59 : memref<1x1x1x128xf32, #tpu.memory_space<hbm>> -> memref<1x128xf32, #tpu.memory_space<hbm>>
    %dma_wait3A_61 = arith.constant 0 : i32
    %dma_wait3A_62 = arith.constant 0 : i32
    %dma_wait3A_63 = tpu.memref_slice %arg5[%dma_wait3A_55, %dma_wait3A_56, %dma_wait3A_61, %dma_wait3A_62] : memref<32x79x1x128xf32, #tpu.memory_space<hbm>> -> memref<1x1x1x128xf32, #tpu.memory_space<hbm>>
    %dma_wait3A_64 = tpu.memref_squeeze %dma_wait3A_63 : memref<1x1x1x128xf32, #tpu.memory_space<hbm>> -> memref<1x128xf32, #tpu.memory_space<hbm>>
    tpu.wait_dma2 semaphore(%arg16 : memref<!tpu.dma_semaphore, #tpu.memory_space<semaphore_mem>>) src(%dma_wait3A_64 : memref<1x128xf32, #tpu.memory_space<hbm>>) dst(%arg10 : memref<1x128xf32, #tpu.memory_space<vmem>>)
    %dma_start3A_65 = arith.constant 0 : i32
    %dma_start3A_66 = arith.constant 0 : i32
    %dma_start3A_67 = tpu.memref_slice %arg8[%dma_start3A_65, %dma_start3A_66] : memref<1x128xi32, #tpu.memory_space<vmem>> -> memref<1x128xi32, #tpu.memory_space<vmem>>
    %dma_start3A_68 = tpu.memref_squeeze %dma_start3A_67 : memref<1x128xi32, #tpu.memory_space<vmem>> -> memref<128xi32, #tpu.memory_space<vmem>>
    %dma_start3A_69 = arith.constant 0 : i32
    %dma_start3A_70 = arith.constant 0 : i32
    %dma_start3A_71 = tpu.memref_slice %arg2[%dma_start3A_69, %dma_start3A_70] : memref<10240x128xf32, #tpu.memory_space<hbm>> -> memref<10240x128xf32, #tpu.memory_space<hbm>>
    tpu.enqueue_indirect_dma source(%dma_start3A_71 : memref<10240x128xf32, #tpu.memory_space<hbm>>) target(%arg12 : memref<128x128xf32, #tpu.memory_space<vmem>>) offsets(%dma_start3A_68 : memref<128xi32, #tpu.memory_space<vmem>>) semaphore(%arg18 : memref<!tpu.dma_semaphore, #tpu.memory_space<semaphore_mem>>)
    %scan3A_72 = arith.constant 0 : i32
    %scan3A_73 = arith.constant 79 : i32
    %scan3A_74 = arith.addi %scan3A_72, %scan3A_73 : i32
    %scan3A_75 = arith.constant 1 : i32
    scf.for %scan3A_94 = %scan3A_72 to %scan3A_74 step %scan3A_75  : i32 {
      %mul3A_95 = arith.constant 1 : i32
      %mul3A_96 = arith.muli %scan3A_94, %mul3A_95 : i32
      %add3A_97 = arith.constant 0 : i32
      %add3A_98 = arith.addi %add3A_97, %mul3A_96 : i32
      %rem3A = arith.constant 2 : i32
      %rem3A_99 = arith.remsi %add3A_98, %rem3A : i32
      %eq3A = arith.constant 0 : i32
      %eq3A_100 = arith.cmpi eq, %rem3A_99, %eq3A : i32
      %convert_element_type3A = arith.extui %eq3A_100 : i1 to i32
      %cond3A = arith.constant 0 : i32
      %cond3A_101 = arith.cmpi ne, %convert_element_type3A, %cond3A : i32
      scf.if %cond3A_101 {
        %add3A_109 = arith.constant 1 : i32
        %add3A_110 = arith.addi %add3A_98, %add3A_109 : i32
        %lt3A = arith.constant 79 : i32
        %lt3A_111 = arith.cmpi slt, %add3A_110, %lt3A : i32
        %convert_element_type3A_112 = arith.extui %lt3A_111 : i1 to i32
        %cond3A_113 = arith.constant 0 : i32
        %cond3A_114 = arith.cmpi ne, %convert_element_type3A_112, %cond3A_113 : i32
        scf.if %cond3A_114 {
          %ge3A = arith.constant 1 : i32
          %ge3A_139 = arith.cmpi sge, %add3A_98, %ge3A : i32
          %convert_element_type3A_140 = arith.extui %ge3A_139 : i1 to i32
          %cond3A_141 = arith.constant 0 : i32
          %cond3A_142 = arith.cmpi ne, %convert_element_type3A_140, %cond3A_141 : i32
          scf.if %cond3A_142 {
            %dma_wait3A_172 = arith.constant 0 : i32
            %dma_wait3A_173 = arith.constant 0 : i32
            %dma_wait3A_174 = tpu.memref_slice %arg2[%dma_wait3A_172, %dma_wait3A_173] : memref<10240x128xf32, #tpu.memory_space<hbm>> -> memref<128x128xf32, #tpu.memory_space<hbm>>
            %dma_wait3A_175 = arith.constant 0 : i32
            %dma_wait3A_176 = arith.constant 0 : i32
            %dma_wait3A_177 = tpu.memref_slice %arg2[%dma_wait3A_175, %dma_wait3A_176] : memref<10240x128xf32, #tpu.memory_space<hbm>> -> memref<128x128xf32, #tpu.memory_space<hbm>>
            tpu.wait_dma2 semaphore(%arg21 : memref<!tpu.dma_semaphore, #tpu.memory_space<semaphore_mem>>) src(%dma_wait3A_177 : memref<128x128xf32, #tpu.memory_space<hbm>>) dst(%arg13 : memref<128x128xf32, #tpu.memory_space<vmem>>)
          } else {
          }
          %dma_wait3A_143 = arith.constant 0 : i32
          %dma_wait3A_144 = arith.constant 0 : i32
          %dma_wait3A_145 = arith.constant 0 : i32
          %dma_wait3A_146 = arith.constant 0 : i32
          %dma_wait3A_147 = tpu.memref_slice %arg4[%dma_wait3A_143, %dma_wait3A_144, %dma_wait3A_145, %dma_wait3A_146] : memref<32x79x1x128xi32, #tpu.memory_space<hbm>> -> memref<1x1x1x128xi32, #tpu.memory_space<hbm>>
          %dma_wait3A_148 = tpu.memref_squeeze %dma_wait3A_147 : memref<1x1x1x128xi32, #tpu.memory_space<hbm>> -> memref<1x128xi32, #tpu.memory_space<hbm>>
          %dma_wait3A_149 = arith.constant 0 : i32
          %dma_wait3A_150 = arith.constant 0 : i32
          %dma_wait3A_151 = tpu.memref_slice %arg4[%dma_wait3A_143, %dma_wait3A_144, %dma_wait3A_149, %dma_wait3A_150] : memref<32x79x1x128xi32, #tpu.memory_space<hbm>> -> memref<1x1x1x128xi32, #tpu.memory_space<hbm>>
          %dma_wait3A_152 = tpu.memref_squeeze %dma_wait3A_151 : memref<1x1x1x128xi32, #tpu.memory_space<hbm>> -> memref<1x128xi32, #tpu.memory_space<hbm>>
          tpu.wait_dma2 semaphore(%arg15 : memref<!tpu.dma_semaphore, #tpu.memory_space<semaphore_mem>>) src(%dma_wait3A_152 : memref<1x128xi32, #tpu.memory_space<hbm>>) dst(%arg9 : memref<1x128xi32, #tpu.memory_space<vmem>>)
          %dma_wait3A_153 = arith.constant 0 : i32
          %dma_wait3A_154 = arith.constant 0 : i32
          %dma_wait3A_155 = arith.constant 0 : i32
          %dma_wait3A_156 = arith.constant 0 : i32
          %dma_wait3A_157 = tpu.memref_slice %arg5[%dma_wait3A_153, %dma_wait3A_154, %dma_wait3A_155, %dma_wait3A_156] : memref<32x79x1x128xf32, #tpu.memory_space<hbm>> -> memref<1x1x1x128xf32, #tpu.memory_space<hbm>>
          %dma_wait3A_158 = tpu.memref_squeeze %dma_wait3A_157 : memref<1x1x1x128xf32, #tpu.memory_space<hbm>> -> memref<1x128xf32, #tpu.memory_space<hbm>>
          %dma_wait3A_159 = arith.constant 0 : i32
          %dma_wait3A_160 = arith.constant 0 : i32
          %dma_wait3A_161 = tpu.memref_slice %arg5[%dma_wait3A_153, %dma_wait3A_154, %dma_wait3A_159, %dma_wait3A_160] : memref<32x79x1x128xf32, #tpu.memory_space<hbm>> -> memref<1x1x1x128xf32, #tpu.memory_space<hbm>>
          %dma_wait3A_162 = tpu.memref_squeeze %dma_wait3A_161 : memref<1x1x1x128xf32, #tpu.memory_space<hbm>> -> memref<1x128xf32, #tpu.memory_space<hbm>>
          tpu.wait_dma2 semaphore(%arg17 : memref<!tpu.dma_semaphore, #tpu.memory_space<semaphore_mem>>) src(%dma_wait3A_162 : memref<1x128xf32, #tpu.memory_space<hbm>>) dst(%arg11 : memref<1x128xf32, #tpu.memory_space<vmem>>)
          %add3A_163 = arith.constant 1 : i32
          %add3A_164 = arith.addi %add3A_98, %add3A_163 : i32
          %dma_start3A_165 = arith.constant 0 : i32
          %dma_start3A_166 = arith.constant 0 : i32
          %dma_start3A_167 = tpu.memref_slice %arg9[%dma_start3A_165, %dma_start3A_166] : memref<1x128xi32, #tpu.memory_space<vmem>> -> memref<1x128xi32, #tpu.memory_space<vmem>>
          %dma_start3A_168 = tpu.memref_squeeze %dma_start3A_167 : memref<1x128xi32, #tpu.memory_space<vmem>> -> memref<128xi32, #tpu.memory_space<vmem>>
          %dma_start3A_169 = arith.constant 0 : i32
          %dma_start3A_170 = arith.constant 0 : i32
          %dma_start3A_171 = tpu.memref_slice %arg2[%dma_start3A_169, %dma_start3A_170] : memref<10240x128xf32, #tpu.memory_space<hbm>> -> memref<10240x128xf32, #tpu.memory_space<hbm>>
          tpu.enqueue_indirect_dma source(%dma_start3A_171 : memref<10240x128xf32, #tpu.memory_space<hbm>>) target(%arg13 : memref<128x128xf32, #tpu.memory_space<vmem>>) offsets(%dma_start3A_168 : memref<128xi32, #tpu.memory_space<vmem>>) semaphore(%arg19 : memref<!tpu.dma_semaphore, #tpu.memory_space<semaphore_mem>>)
        } else {
        }
        %dma_wait3A_115 = arith.constant 0 : i32
        %dma_wait3A_116 = arith.constant 0 : i32
        %dma_wait3A_117 = tpu.memref_slice %arg2[%dma_wait3A_115, %dma_wait3A_116] : memref<10240x128xf32, #tpu.memory_space<hbm>> -> memref<128x128xf32, #tpu.memory_space<hbm>>
        %dma_wait3A_118 = arith.constant 0 : i32
        %dma_wait3A_119 = arith.constant 0 : i32
        %dma_wait3A_120 = tpu.memref_slice %arg2[%dma_wait3A_118, %dma_wait3A_119] : memref<10240x128xf32, #tpu.memory_space<hbm>> -> memref<128x128xf32, #tpu.memory_space<hbm>>
        tpu.wait_dma2 semaphore(%arg18 : memref<!tpu.dma_semaphore, #tpu.memory_space<semaphore_mem>>) src(%dma_wait3A_120 : memref<128x128xf32, #tpu.memory_space<hbm>>) dst(%arg12 : memref<128x128xf32, #tpu.memory_space<vmem>>)
        %scan3A_121 = arith.constant 0 : i32
        %scan3A_122 = arith.constant 8 : i32
        %scan3A_123 = arith.addi %scan3A_121, %scan3A_122 : i32
        %scan3A_124 = arith.constant 1 : i32
        scf.for %scan3A_139 = %scan3A_121 to %scan3A_123 step %scan3A_124  : i32 {
          %mul3A_140 = arith.constant 16 : i32
          %mul3A_141 = arith.muli %scan3A_139, %mul3A_140 : i32
          %add3A_142 = arith.constant 0 : i32
          %add3A_143 = arith.addi %add3A_142, %mul3A_141 : i32
          %get3A = arith.constant 0 : i32
          %get3A_144 = arith.index_cast %get3A : i32 to index
          %get3A_145 = arith.index_cast %add3A_143 : i32 to index
          %get3A_146 = tpu.vector_load %arg10[%get3A_144, %get3A_145] {strides = array<i32>} : memref<1x128xf32, #tpu.memory_space<vmem>>, vector<16xf32>,
          %broadcast_in_dim3A_147 = arith.constant 0 : i32
          %broadcast_in_dim3A_148 = vector.broadcast %broadcast_in_dim3A_147 : i32 to vector<16xi32>
          %lt3A_149 = arith.constant 0 : i32
          %lt3A_150 = vector.broadcast %lt3A_149 : i32 to vector<16xi32>
          %lt3A_151 = arith.cmpi slt, %broadcast_in_dim3A_148, %lt3A_150 : vector<16xi32>
          %add3A_152 = arith.constant 16 : i32
          %add3A_153 = vector.broadcast %add3A_152 : i32 to vector<16xi32>
          %add3A_154 = arith.addi %broadcast_in_dim3A_148, %add3A_153 : vector<16xi32>
          %select_n3A = arith.select %lt3A_151, %add3A_154, %broadcast_in_dim3A_148 : vector<16xi1>, vector<16xi32>
          %broadcast_in_dim3A_155 = vector.shape_cast %select_n3A : vector<16xi32> to vector<16x1xi32>
          %gather3A = vector.shape_cast %broadcast_in_dim3A_155 : vector<16x1xi32> to vector<16xi32>
          %gather3A_156 = tpu.dynamic_gather %get3A_146[%gather3A] in [0] : vector<16xf32>, vector<16xi32> -> vector<16xf32>
          %add3A_157 = arith.constant 0 : i32
          %add3A_158 = arith.addi %add3A_143, %add3A_157 : i32
          %get3A_159 = arith.index_cast %add3A_158 : i32 to index
          %get3A_160 = arith.constant 0 : index
          %get3A_161 = tpu.vector_load %arg12[%get3A_159, %get3A_160] {strides = array<i32>} : memref<128x128xf32, #tpu.memory_space<vmem>>, vector<16xf32>,
          %mul3A_162 = arith.mulf %get3A_161, %gather3A_156 : vector<16xf32>
          %swap3A = arith.index_cast %add3A_158 : i32 to index
          %swap3A_163 = arith.constant 0 : index
          %swap3A_164 = tpu.vector_load %arg12[%swap3A, %swap3A_163] {strides = array<i32>} : memref<128x128xf32, #tpu.memory_space<vmem>>, vector<16xf32>,
          tpu.vector_store %arg12[%swap3A, %swap3A_163], %mul3A_162 {strides = array<i32>} : memref<128x128xf32, #tpu.memory_space<vmem>>, vector<16xf32>,
          %get3A_165 = arith.index_cast %add3A_158 : i32 to index
          %get3A_166 = arith.constant 16 : index
          %get3A_167 = tpu.vector_load %arg12[%get3A_165, %get3A_166] {strides = array<i32>} : memref<128x128xf32, #tpu.memory_space<vmem>>, vector<16xf32>,
          %mul3A_168 = arith.mulf %get3A_167, %gather3A_156 : vector<16xf32>
          %swap3A_169 = arith.index_cast %add3A_158 : i32 to index
          %swap3A_170 = arith.constant 16 : index
          %swap3A_171 = tpu.vector_load %arg12[%swap3A_169, %swap3A_170] {strides = array<i32>} : memref<128x128xf32, #tpu.memory_space<vmem>>, vector<16xf32>,
          tpu.vector_store %arg12[%swap3A_169, %swap3A_170], %mul3A_168 {strides = array<i32>} : memref<128x128xf32, #tpu.memory_space<vmem>>, vector<16xf32>,
          %get3A_172 = arith.index_cast %add3A_158 : i32 to index
          %get3A_173 = arith.constant 32 : index
          %get3A_174 = tpu.vector_load %arg12[%get3A_172, %get3A_173] {strides = array<i32>} : memref<128x128xf32, #tpu.memory_space<vmem>>, vector<16xf32>,
          %mul3A_175 = arith.mulf %get3A_174, %gather3A_156 : vector<16xf32>
          %swap3A_176 = arith.index_cast %add3A_158 : i32 to index
          %swap3A_177 = arith.constant 32 : index
          %swap3A_178 = tpu.vector_load %arg12[%swap3A_176, %swap3A_177] {strides = array<i32>} : memref<128x128xf32, #tpu.memory_space<vmem>>, vector<16xf32>,
          tpu.vector_store %arg12[%swap3A_176, %swap3A_177], %mul3A_175 {strides = array<i32>} : memref<128x128xf32, #tpu.memory_space<vmem>>, vector<16xf32>,
          %get3A_179 = arith.index_cast %add3A_158 : i32 to index
          %get3A_180 = arith.constant 48 : index
          %get3A_181 = tpu.vector_load %arg12[%get3A_179, %get3A_180] {strides = array<i32>} : memref<128x128xf32, #tpu.memory_space<vmem>>, vector<16xf32>,
          %mul3A_182 = arith.mulf %get3A_181, %gather3A_156 : vector<16xf32>
          %swap3A_183 = arith.index_cast %add3A_158 : i32 to index
          %swap3A_184 = arith.constant 48 : index
          %swap3A_185 = tpu.vector_load %arg12[%swap3A_183, %swap3A_184] {strides = array<i32>} : memref<128x128xf32, #tpu.memory_space<vmem>>, vector<16xf32>,
          tpu.vector_store %arg12[%swap3A_183, %swap3A_184], %mul3A_182 {strides = array<i32>} : memref<128x128xf32, #tpu.memory_space<vmem>>, vector<16xf32>,
          %get3A_186 = arith.index_cast %add3A_158 : i32 to index
          %get3A_187 = arith.constant 64 : index
          %get3A_188 = tpu.vector_load %arg12[%get3A_186, %get3A_187] {strides = array<i32>} : memref<128x128xf32, #tpu.memory_space<vmem>>, vector<16xf32>,
          %mul3A_189 = arith.mulf %get3A_188, %gather3A_156 : vector<16xf32>
          %swap3A_190 = arith.index_cast %add3A_158 : i32 to index
          %swap3A_191 = arith.constant 64 : index
          %swap3A_192 = tpu.vector_load %arg12[%swap3A_190, %swap3A_191] {strides = array<i32>} : memref<128x128xf32, #tpu.memory_space<vmem>>, vector<16xf32>,
          tpu.vector_store %arg12[%swap3A_190, %swap3A_191], %mul3A_189 {strides = array<i32>} : memref<128x128xf32, #tpu.memory_space<vmem>>, vector<16xf32>,
          %get3A_193 = arith.index_cast %add3A_158 : i32 to index
          %get3A_194 = arith.constant 80 : index
          %get3A_195 = tpu.vector_load %arg12[%get3A_193, %get3A_194] {strides = array<i32>} : memref<128x128xf32, #tpu.memory_space<vmem>>, vector<16xf32>,
          %mul3A_196 = arith.mulf %get3A_195, %gather3A_156 : vector<16xf32>
          %swap3A_197 = arith.index_cast %add3A_158 : i32 to index
          %swap3A_198 = arith.constant 80 : index
          %swap3A_199 = tpu.vector_load %arg12[%swap3A_197, %swap3A_198] {strides = array<i32>} : memref<128x128xf32, #tpu.memory_space<vmem>>, vector<16xf32>,
          tpu.vector_store %arg12[%swap3A_197, %swap3A_198], %mul3A_196 {strides = array<i32>} : memref<128x128xf32, #tpu.memory_space<vmem>>, vector<16xf32>,
          %get3A_200 = arith.index_cast %add3A_158 : i32 to index
          %get3A_201 = arith.constant 96 : index
          %get3A_202 = tpu.vector_load %arg12[%get3A_200, %get3A_201] {strides = array<i32>} : memref<128x128xf32, #tpu.memory_space<vmem>>, vector<16xf32>,
          %mul3A_203 = arith.mulf %get3A_202, %gather3A_156 : vector<16xf32>
          %swap3A_204 = arith.index_cast %add3A_158 : i32 to index
          %swap3A_205 = arith.constant 96 : index
          %swap3A_206 = tpu.vector_load %arg12[%swap3A_204, %swap3A_205] {strides = array<i32>} : memref<128x128xf32, #tpu.memory_space<vmem>>, vector<16xf32>,
          tpu.vector_store %arg12[%swap3A_204, %swap3A_205], %mul3A_203 {strides = array<i32>} : memref<128x128xf32, #tpu.memory_space<vmem>>, vector<16xf32>,
          %get3A_207 = arith.index_cast %add3A_158 : i32 to index
          %get3A_208 = arith.constant 112 : index
          %get3A_209 = tpu.vector_load %arg12[%get3A_207, %get3A_208] {strides = array<i32>} : memref<128x128xf32, #tpu.memory_space<vmem>>, vector<16xf32>,
          %mul3A_210 = arith.mulf %get3A_209, %gather3A_156 : vector<16xf32>
          %swap3A_211 = arith.index_cast %add3A_158 : i32 to index
          %swap3A_212 = arith.constant 112 : index
          %swap3A_213 = tpu.vector_load %arg12[%swap3A_211, %swap3A_212] {strides = array<i32>} : memref<128x128xf32, #tpu.memory_space<vmem>>, vector<16xf32>,
          tpu.vector_store %arg12[%swap3A_211, %swap3A_212], %mul3A_210 {strides = array<i32>} : memref<128x128xf32, #tpu.memory_space<vmem>>, vector<16xf32>,
          %broadcast_in_dim3A_214 = arith.constant 1 : i32
          %broadcast_in_dim3A_215 = vector.broadcast %broadcast_in_dim3A_214 : i32 to vector<16xi32>
          %lt3A_216 = arith.constant 0 : i32
          %lt3A_217 = vector.broadcast %lt3A_216 : i32 to vector<16xi32>
          %lt3A_218 = arith.cmpi slt, %broadcast_in_dim3A_215, %lt3A_217 : vector<16xi32>
          %add3A_219 = arith.constant 16 : i32
          %add3A_220 = vector.broadcast %add3A_219 : i32 to vector<16xi32>
          %add3A_221 = arith.addi %broadcast_in_dim3A_215, %add3A_220 : vector<16xi32>
          %select_n3A_222 = arith.select %lt3A_218, %add3A_221, %broadcast_in_dim3A_215 : vector<16xi1>, vector<16xi32>
          %broadcast_in_dim3A_223 = vector.shape_cast %select_n3A_222 : vector<16xi32> to vector<16x1xi32>
          %gather3A_224 = vector.shape_cast %broadcast_in_dim3A_223 : vector<16x1xi32> to vector<16xi32>
          %gather3A_225 = tpu.dynamic_gather %get3A_146[%gather3A_224] in [0] : vector<16xf32>, vector<16xi32> -> vector<16xf32>
          %add3A_226 = arith.constant 1 : i32
          %add3A_227 = arith.addi %add3A_143, %add3A_226 : i32
          %get3A_228 = arith.index_cast %add3A_227 : i32 to index
          %get3A_229 = arith.constant 0 : index
          %get3A_230 = tpu.vector_load %arg12[%get3A_228, %get3A_229] {strides = array<i32>} : memref<128x128xf32, #tpu.memory_space<vmem>>, vector<16xf32>,
          %mul3A_231 = arith.mulf %get3A_230, %gather3A_225 : vector<16xf32>
          %swap3A_232 = arith.index_cast %add3A_227 : i32 to index
          %swap3A_233 = arith.constant 0 : index
          %swap3A_234 = tpu.vector_load %arg12[%swap3A_232, %swap3A_233] {strides = array<i32>} : memref<128x128xf32, #tpu.memory_space<vmem>>, vector<16xf32>,
          tpu.vector_store %arg12[%swap3A_232, %swap3A_233], %mul3A_231 {strides = array<i32>} : memref<128x128xf32, #tpu.memory_space<vmem>>, vector<16xf32>,
          %get3A_235 = arith.index_cast %add3A_227 : i32 to index
          %get3A_236 = arith.constant 16 : index
          %get3A_237 = tpu.vector_load %arg12[%get3A_235, %get3A_236] {strides = array<i32>} : memref<128x128xf32, #tpu.memory_space<vmem>>, vector<16xf32>,
          %mul3A_238 = arith.mulf %get3A_237, %gather3A_225 : vector<16xf32>
          %swap3A_239 = arith.index_cast %add3A_227 : i32 to index
          %swap3A_240 = arith.constant 16 : index
          %swap3A_241 = tpu.vector_load %arg12[%swap3A_239, %swap3A_240] {strides = array<i32>} : memref<128x128xf32, #tpu.memory_space<vmem>>, vector<16xf32>,
          tpu.vector_store %arg12[%swap3A_239, %swap3A_240], %mul3A_238 {strides = array<i32>} : memref<128x128xf32, #tpu.memory_space<vmem>>, vector<16xf32>,
          %get3A_242 = arith.index_cast %add3A_227 : i32 to index
          %get3A_243 = arith.constant 32 : index
          %get3A_244 = tpu.vector_load %arg12[%get3A_242, %get3A_243] {strides = array<i32>} : memref<128x128xf32, #tpu.memory_space<vmem>>, vector<16xf32>,
          %mul3A_245 = arith.mulf %get3A_244, %gather3A_225 : vector<16xf32>
          %swap3A_246 = arith.index_cast %add3A_227 : i32 to index
          %swap3A_247 = arith.constant 32 : index
          %swap3A_248 = tpu.vector_load %arg12[%swap3A_246, %swap3A_247] {strides = array<i32>} : memref<128x128xf32, #tpu.memory_space<vmem>>, vector<16xf32>,
          tpu.vector_store %arg12[%swap3A_246, %swap3A_247], %mul3A_245 {strides = array<i32>} : memref<128x128xf32, #tpu.memory_space<vmem>>, vector<16xf32>,
          %get3A_249 = arith.index_cast %add3A_227 : i32 to index
          %get3A_250 = arith.constant 48 : index
          %get3A_251 = tpu.vector_load %arg12[%get3A_249, %get3A_250] {strides = array<i32>} : memref<128x128xf32, #tpu.memory_space<vmem>>, vector<16xf32>,
          %mul3A_252 = arith.mulf %get3A_251, %gather3A_225 : vector<16xf32>
          %swap3A_253 = arith.index_cast %add3A_227 : i32 to index
          %swap3A_254 = arith.constant 48 : index
          %swap3A_255 = tpu.vector_load %arg12[%swap3A_253, %swap3A_254] {strides = array<i32>} : memref<128x128xf32, #tpu.memory_space<vmem>>, vector<16xf32>,
          tpu.vector_store %arg12[%swap3A_253, %swap3A_254], %mul3A_252 {strides = array<i32>} : memref<128x128xf32, #tpu.memory_space<vmem>>, vector<16xf32>,
          %get3A_256 = arith.index_cast %add3A_227 : i32 to index
          %get3A_257 = arith.constant 64 : index
          %get3A_258 = tpu.vector_load %arg12[%get3A_256, %get3A_257] {strides = array<i32>} : memref<128x128xf32, #tpu.memory_space<vmem>>, vector<16xf32>,
          %mul3A_259 = arith.mulf %get3A_258, %gather3A_225 : vector<16xf32>
          %swap3A_260 = arith.index_cast %add3A_227 : i32 to index
          %swap3A_261 = arith.constant 64 : index
          %swap3A_262 = tpu.vector_load %arg12[%swap3A_260, %swap3A_261] {strides = array<i32>} : memref<128x128xf32, #tpu.memory_space<vmem>>, vector<16xf32>,
          tpu.vector_store %arg12[%swap3A_260, %swap3A_261], %mul3A_259 {strides = array<i32>} : memref<128x128xf32, #tpu.memory_space<vmem>>, vector<16xf32>,
          %get3A_263 = arith.index_cast %add3A_227 : i32 to index
          %get3A_264 = arith.constant 80 : index
          %get3A_265 = tpu.vector_load %arg12[%get3A_263, %get3A_264] {strides = array<i32>} : memref<128x128xf32, #tpu.memory_space<vmem>>, vector<16xf32>,
          %mul3A_266 = arith.mulf %get3A_265, %gather3A_225 : vector<16xf32>
          %swap3A_267 = arith.index_cast %add3A_227 : i32 to index
          %swap3A_268 = arith.constant 80 : index
          %swap3A_269 = tpu.vector_load %arg12[%swap3A_267, %swap3A_268] {strides = array<i32>} : memref<128x128xf32, #tpu.memory_space<vmem>>, vector<16xf32>,
          tpu.vector_store %arg12[%swap3A_267, %swap3A_268], %mul3A_266 {strides = array<i32>} : memref<128x128xf32, #tpu.memory_space<vmem>>, vector<16xf32>,
          %get3A_270 = arith.index_cast %add3A_227 : i32 to index
          %get3A_271 = arith.constant 96 : index
          %get3A_272 = tpu.vector_load %arg12[%get3A_270, %get3A_271] {strides = array<i32>} : memref<128x128xf32, #tpu.memory_space<vmem>>, vector<16xf32>,
          %mul3A_273 = arith.mulf %get3A_272, %gather3A_225 : vector<16xf32>
          %swap3A_274 = arith.index_cast %add3A_227 : i32 to index
          %swap3A_275 = arith.constant 96 : index
          %swap3A_276 = tpu.vector_load %arg12[%swap3A_274, %swap3A_275] {strides = array<i32>} : memref<128x128xf32, #tpu.memory_space<vmem>>, vector<16xf32>,
          tpu.vector_store %arg12[%swap3A_274, %swap3A_275], %mul3A_273 {strides = array<i32>} : memref<128x128xf32, #tpu.memory_space<vmem>>, vector<16xf32>,
          %get3A_277 = arith.index_cast %add3A_227 : i32 to index
          %get3A_278 = arith.constant 112 : index
          %get3A_279 = tpu.vector_load %arg12[%get3A_277, %get3A_278] {strides = array<i32>} : memref<128x128xf32, #tpu.memory_space<vmem>>, vector<16xf32>,
          %mul3A_280 = arith.mulf %get3A_279, %gather3A_225 : vector<16xf32>
          %swap3A_281 = arith.index_cast %add3A_227 : i32 to index
          %swap3A_282 = arith.constant 112 : index
          %swap3A_283 = tpu.vector_load %arg12[%swap3A_281, %swap3A_282] {strides = array<i32>} : memref<128x128xf32, #tpu.memory_space<vmem>>, vector<16xf32>,
          tpu.vector_store %arg12[%swap3A_281, %swap3A_282], %mul3A_280 {strides = array<i32>} : memref<128x128xf32, #tpu.memory_space<vmem>>, vector<16xf32>,
          %broadcast_in_dim3A_284 = arith.constant 2 : i32
          %broadcast_in_dim3A_285 = vector.broadcast %broadcast_in_dim3A_284 : i32 to vector<16xi32>
          %lt3A_286 = arith.constant 0 : i32
          %lt3A_287 = vector.broadcast %lt3A_286 : i32 to vector<16xi32>
          %lt3A_288 = arith.cmpi slt, %broadcast_in_dim3A_285, %lt3A_287 : vector<16xi32>
          %add3A_289 = arith.constant 16 : i32
          %add3A_290 = vector.broadcast %add3A_289 : i32 to vector<16xi32>
          %add3A_291 = arith.addi %broadcast_in_dim3A_285, %add3A_290 : vector<16xi32>
          %select_n3A_292 = arith.select %lt3A_288, %add3A_291, %broadcast_in_dim3A_285 : vector<16xi1>, vector<16xi32>
          %broadcast_in_dim3A_293 = vector.shape_cast %select_n3A_292 : vector<16xi32> to vector<16x1xi32>
          %gather3A_294 = vector.shape_cast %broadcast_in_dim3A_293 : vector<16x1xi32> to vector<16xi32>
          %gather3A_295 = tpu.dynamic_gather %get3A_146[%gather3A_294] in [0] : vector<16xf32>, vector<16xi32> -> vector<16xf32>
          %add3A_296 = arith.constant 2 : i32
          %add3A_297 = arith.addi %add3A_143, %add3A_296 : i32
          %get3A_298 = arith.index_cast %add3A_297 : i32 to index
          %get3A_299 = arith.constant 0 : index
          %get3A_300 = tpu.vector_load %arg12[%get3A_298, %get3A_299] {strides = array<i32>} : memref<128x128xf32, #tpu.memory_space<vmem>>, vector<16xf32>,
          %mul3A_301 = arith.mulf %get3A_300, %gather3A_295 : vector<16xf32>
          %swap3A_302 = arith.index_cast %add3A_297 : i32 to index
          %swap3A_303 = arith.constant 0 : index
          %swap3A_304 = tpu.vector_load %arg12[%swap3A_302, %swap3A_303] {strides = array<i32>} : memref<128x128xf32, #tpu.memory_space<vmem>>, vector<16xf32>,
          tpu.vector_store %arg12[%swap3A_302, %swap3A_303], %mul3A_301 {strides = array<i32>} : memref<128x128xf32, #tpu.memory_space<vmem>>, vector<16xf32>,
          %get3A_305 = arith.index_cast %add3A_297 : i32 to index
          %get3A_306 = arith.constant 16 : index
          %get3A_307 = tpu.vector_load %arg12[%get3A_305, %get3A_306] {strides = array<i32>} : memref<128x128xf32, #tpu.memory_space<vmem>>, vector<16xf32>,
          %mul3A_308 = arith.mulf %get3A_307, %gather3A_295 : vector<16xf32>
          %swap3A_309 = arith.index_cast %add3A_297 : i32 to index
          %swap3A_310 = arith.constant 16 : index
          %swap3A_311 = tpu.vector_load %arg12[%swap3A_309, %swap3A_310] {strides = array<i32>} : memref<128x128xf32, #tpu.memory_space<vmem>>, vector<16xf32>,
          tpu.vector_store %arg12[%swap3A_309, %swap3A_310], %mul3A_308 {strides = array<i32>} : memref<128x128xf32, #tpu.memory_space<vmem>>, vector<16xf32>,
          %get3A_312 = arith.index_cast %add3A_297 : i32 to index
          %get3A_313 = arith.constant 32 : index
          %get3A_314 = tpu.vector_load %arg12[%get3A_312, %get3A_313] {strides = array<i32>} : memref<128x128xf32, #tpu.memory_space<vmem>>, vector<16xf32>,
          %mul3A_315 = arith.mulf %get3A_314, %gather3A_295 : vector<16xf32>
          %swap3A_316 = arith.index_cast %add3A_297 : i32 to index
          %swap3A_317 = arith.constant 32 : index
          %swap3A_318 = tpu.vector_load %arg12[%swap3A_316, %swap3A_317] {strides = array<i32>} : memref<128x128xf32, #tpu.memory_space<vmem>>, vector<16xf32>,
          tpu.vector_store %arg12[%swap3A_316, %swap3A_317], %mul3A_315 {strides = array<i32>} : memref<128x128xf32, #tpu.memory_space<vmem>>, vector<16xf32>,
          %get3A_319 = arith.index_cast %add3A_297 : i32 to index
          %get3A_320 = arith.constant 48 : index
          %get3A_321 = tpu.vector_load %arg12[%get3A_319, %get3A_320] {strides = array<i32>} : memref<128x128xf32, #tpu.memory_space<vmem>>, vector<16xf32>,
          %mul3A_322 = arith.mulf %get3A_321, %gather3A_295 : vector<16xf32>
          %swap3A_323 = arith.index_cast %add3A_297 : i32 to index
          %swap3A_324 = arith.constant 48 : index
          %swap3A_325 = tpu.vector_load %arg12[%swap3A_323, %swap3A_324] {strides = array<i32>} : memref<128x128xf32, #tpu.memory_space<vmem>>, vector<16xf32>,
          tpu.vector_store %arg12[%swap3A_323, %swap3A_324], %mul3A_322 {strides = array<i32>} : memref<128x128xf32, #tpu.memory_space<vmem>>, vector<16xf32>,
          %get3A_326 = arith.index_cast %add3A_297 : i32 to index
          %get3A_327 = arith.constant 64 : index
          %get3A_328 = tpu.vector_load %arg12[%get3A_326, %get3A_327] {strides = array<i32>} : memref<128x128xf32, #tpu.memory_space<vmem>>, vector<16xf32>,
          %mul3A_329 = arith.mulf %get3A_328, %gather3A_295 : vector<16xf32>
          %swap3A_330 = arith.index_cast %add3A_297 : i32 to index
          %swap3A_331 = arith.constant 64 : index
          %swap3A_332 = tpu.vector_load %arg12[%swap3A_330, %swap3A_331] {strides = array<i32>} : memref<128x128xf32, #tpu.memory_space<vmem>>, vector<16xf32>,
          tpu.vector_store %arg12[%swap3A_330, %swap3A_331], %mul3A_329 {strides = array<i32>} : memref<128x128xf32, #tpu.memory_space<vmem>>, vector<16xf32>,
          %get3A_333 = arith.index_cast %add3A_297 : i32 to index
          %get3A_334 = arith.constant 80 : index
          %get3A_335 = tpu.vector_load %arg12[%get3A_333, %get3A_334] {strides = array<i32>} : memref<128x128xf32, #tpu.memory_space<vmem>>, vector<16xf32>,
          %mul3A_336 = arith.mulf %get3A_335, %gather3A_295 : vector<16xf32>
          %swap3A_337 = arith.index_cast %add3A_297 : i32 to index
          %swap3A_338 = arith.constant 80 : index
          %swap3A_339 = tpu.vector_load %arg12[%swap3A_337, %swap3A_338] {strides = array<i32>} : memref<128x128xf32, #tpu.memory_space<vmem>>, vector<16xf32>,
          tpu.vector_store %arg12[%swap3A_337, %swap3A_338], %mul3A_336 {strides = array<i32>} : memref<128x128xf32, #tpu.memory_space<vmem>>, vector<16xf32>,
          %get3A_340 = arith.index_cast %add3A_297 : i32 to index
          %get3A_341 = arith.constant 96 : index
          %get3A_342 = tpu.vector_load %arg12[%get3A_340, %get3A_341] {strides = array<i32>} : memref<128x128xf32, #tpu.memory_space<vmem>>, vector<16xf32>,
          %mul3A_343 = arith.mulf %get3A_342, %gather3A_295 : vector<16xf32>
          %swap3A_344 = arith.index_cast %add3A_297 : i32 to index
          %swap3A_345 = arith.constant 96 : index
          %swap3A_346 = tpu.vector_load %arg12[%swap3A_344, %swap3A_345] {strides = array<i32>} : memref<128x128xf32, #tpu.memory_space<vmem>>, vector<16xf32>,
          tpu.vector_store %arg12[%swap3A_344, %swap3A_345], %mul3A_343 {strides = array<i32>} : memref<128x128xf32, #tpu.memory_space<vmem>>, vector<16xf32>,
          %get3A_347 = arith.index_cast %add3A_297 : i32 to index
          %get3A_348 = arith.constant 112 : index
          %get3A_349 = tpu.vector_load %arg12[%get3A_347, %get3A_348] {strides = array<i32>} : memref<128x128xf32, #tpu.memory_space<vmem>>, vector<16xf32>,
          %mul3A_350 = arith.mulf %get3A_349, %gather3A_295 : vector<16xf32>
          %swap3A_351 = arith.index_cast %add3A_297 : i32 to index
          %swap3A_352 = arith.constant 112 : index
          %swap3A_353 = tpu.vector_load %arg12[%swap3A_351, %swap3A_352] {strides = array<i32>} : memref<128x128xf32, #tpu.memory_space<vmem>>, vector<16xf32>,
          tpu.vector_store %arg12[%swap3A_351, %swap3A_352], %mul3A_350 {strides = array<i32>} : memref<128x128xf32, #tpu.memory_space<vmem>>, vector<16xf32>,
          %broadcast_in_dim3A_354 = arith.constant 3 : i32
          %broadcast_in_dim3A_355 = vector.broadcast %broadcast_in_dim3A_354 : i32 to vector<16xi32>
          %lt3A_356 = arith.constant 0 : i32
          %lt3A_357 = vector.broadcast %lt3A_356 : i32 to vector<16xi32>
          %lt3A_358 = arith.cmpi slt, %broadcast_in_dim3A_355, %lt3A_357 : vector<16xi32>
          %add3A_359 = arith.constant 16 : i32
          %add3A_360 = vector.broadcast %add3A_359 : i32 to vector<16xi32>
          %add3A_361 = arith.addi %broadcast_in_dim3A_355, %add3A_360 : vector<16xi32>
          %select_n3A_362 = arith.select %lt3A_358, %add3A_361, %broadcast_in_dim3A_355 : vector<16xi1>, vector<16xi32>
          %broadcast_in_dim3A_363 = vector.shape_cast %select_n3A_362 : vector<16xi32> to vector<16x1xi32>
          %gather3A_364 = vector.shape_cast %broadcast_in_dim3A_363 : vector<16x1xi32> to vector<16xi32>
          %gather3A_365 = tpu.dynamic_gather %get3A_146[%gather3A_364] in [0] : vector<16xf32>, vector<16xi32> -> vector<16xf32>
          %add3A_366 = arith.constant 3 : i32
          %add3A_367 = arith.addi %add3A_143, %add3A_366 : i32
          %get3A_368 = arith.index_cast %add3A_367 : i32 to index
          %get3A_369 = arith.constant 0 : index
          %get3A_370 = tpu.vector_load %arg12[%get3A_368, %get3A_369] {strides = array<i32>} : memref<128x128xf32, #tpu.memory_space<vmem>>, vector<16xf32>,
          %mul3A_371 = arith.mulf %get3A_370, %gather3A_365 : vector<16xf32>
          %swap3A_372 = arith.index_cast %add3A_367 : i32 to index
          %swap3A_373 = arith.constant 0 : index
          %swap3A_374 = tpu.vector_load %arg12[%swap3A_372, %swap3A_373] {strides = array<i32>} : memref<128x128xf32, #tpu.memory_space<vmem>>, vector<16xf32>,
          tpu.vector_store %arg12[%swap3A_372, %swap3A_373], %mul3A_371 {strides = array<i32>} : memref<128x128xf32, #tpu.memory_space<vmem>>, vector<16xf32>,
          %get3A_375 = arith.index_cast %add3A_367 : i32 to index
          %get3A_376 = arith.constant 16 : index
          %get3A_377 = tpu.vector_load %arg12[%get3A_375, %get3A_376] {strides = array<i32>} : memref<128x128xf32, #tpu.memory_space<vmem>>, vector<16xf32>,
          %mul3A_378 = arith.mulf %get3A_377, %gather3A_365 : vector<16xf32>
          %swap3A_379 = arith.index_cast %add3A_367 : i32 to index
          %swap3A_380 = arith.constant 16 : index
          %swap3A_381 = tpu.vector_load %arg12[%swap3A_379, %swap3A_380] {strides = array<i32>} : memref<128x128xf32, #tpu.memory_space<vmem>>, vector<16xf32>,
          tpu.vector_store %arg12[%swap3A_379, %swap3A_380], %mul3A_378 {strides = array<i32>} : memref<128x128xf32, #tpu.memory_space<vmem>>, vector<16xf32>,
          %get3A_382 = arith.index_cast %add3A_367 : i32 to index
          %get3A_383 = arith.constant 32 : index
          %get3A_384 = tpu.vector_load %arg12[%get3A_382, %get3A_383] {strides = array<i32>} : memref<128x128xf32, #tpu.memory_space<vmem>>, vector<16xf32>,
          %mul3A_385 = arith.mulf %get3A_384, %gather3A_365 : vector<16xf32>
          %swap3A_386 = arith.index_cast %add3A_367 : i32 to index
          %swap3A_387 = arith.constant 32 : index
          %swap3A_388 = tpu.vector_load %arg12[%swap3A_386, %swap3A_387] {strides = array<i32>} : memref<128x128xf32, #tpu.memory_space<vmem>>, vector<16xf32>,
          tpu.vector_store %arg12[%swap3A_386, %swap3A_387], %mul3A_385 {strides = array<i32>} : memref<128x128xf32, #tpu.memory_space<vmem>>, vector<16xf32>,
          %get3A_389 = arith.index_cast %add3A_367 : i32 to index
          %get3A_390 = arith.constant 48 : index
          %get3A_391 = tpu.vector_load %arg12[%get3A_389, %get3A_390] {strides = array<i32>} : memref<128x128xf32, #tpu.memory_space<vmem>>, vector<16xf32>,
          %mul3A_392 = arith.mulf %get3A_391, %gather3A_365 : vector<16xf32>
          %swap3A_393 = arith.index_cast %add3A_367 : i32 to index
          %swap3A_394 = arith.constant 48 : index
          %swap3A_395 = tpu.vector_load %arg12[%swap3A_393, %swap3A_394] {strides = array<i32>} : memref<128x128xf32, #tpu.memory_space<vmem>>, vector<16xf32>,
          tpu.vector_store %arg12[%swap3A_393, %swap3A_394], %mul3A_392 {strides = array<i32>} : memref<128x128xf32, #tpu.memory_space<vmem>>, vector<16xf32>,
          %get3A_396 = arith.index_cast %add3A_367 : i32 to index
          %get3A_397 = arith.constant 64 : index
          %get3A_398 = tpu.vector_load %arg12[%get3A_396, %get3A_397] {strides = array<i32>} : memref<128x128xf32, #tpu.memory_space<vmem>>, vector<16xf32>,
          %mul3A_399 = arith.mulf %get3A_398, %gather3A_365 : vector<16xf32>
          %swap3A_400 = arith.index_cast %add3A_367 : i32 to index
          %swap3A_401 = arith.constant 64 : index
          %swap3A_402 = tpu.vector_load %arg12[%swap3A_400, %swap3A_401] {strides = array<i32>} : memref<128x128xf32, #tpu.memory_space<vmem>>, vector<16xf32>,
          tpu.vector_store %arg12[%swap3A_400, %swap3A_401], %mul3A_399 {strides = array<i32>} : memref<128x128xf32, #tpu.memory_space<vmem>>, vector<16xf32>,
          %get3A_403 = arith.index_cast %add3A_367 : i32 to index
          %get3A_404 = arith.constant 80 : index
          %get3A_405 = tpu.vector_load %arg12[%get3A_403, %get3A_404] {strides = array<i32>} : memref<128x128xf32, #tpu.memory_space<vmem>>, vector<16xf32>,
          %mul3A_406 = arith.mulf %get3A_405, %gather3A_365 : vector<16xf32>
          %swap3A_407 = arith.index_cast %add3A_367 : i32 to index
          %swap3A_408 = arith.constant 80 : index
          %swap3A_409 = tpu.vector_load %arg12[%swap3A_407, %swap3A_408] {strides = array<i32>} : memref<128x128xf32, #tpu.memory_space<vmem>>, vector<16xf32>,
          tpu.vector_store %arg12[%swap3A_407, %swap3A_408], %mul3A_406 {strides = array<i32>} : memref<128x128xf32, #tpu.memory_space<vmem>>, vector<16xf32>,
          %get3A_410 = arith.index_cast %add3A_367 : i32 to index
          %get3A_411 = arith.constant 96 : index
          %get3A_412 = tpu.vector_load %arg12[%get3A_410, %get3A_411] {strides = array<i32>} : memref<128x128xf32, #tpu.memory_space<vmem>>, vector<16xf32>,
          %mul3A_413 = arith.mulf %get3A_412, %gather3A_365 : vector<16xf32>
          %swap3A_414 = arith.index_cast %add3A_367 : i32 to index
          %swap3A_415 = arith.constant 96 : index
          %swap3A_416 = tpu.vector_load %arg12[%swap3A_414, %swap3A_415] {strides = array<i32>} : memref<128x128xf32, #tpu.memory_space<vmem>>, vector<16xf32>,
          tpu.vector_store %arg12[%swap3A_414, %swap3A_415], %mul3A_413 {strides = array<i32>} : memref<128x128xf32, #tpu.memory_space<vmem>>, vector<16xf32>,
          %get3A_417 = arith.index_cast %add3A_367 : i32 to index
          %get3A_418 = arith.constant 112 : index
          %get3A_419 = tpu.vector_load %arg12[%get3A_417, %get3A_418] {strides = array<i32>} : memref<128x128xf32, #tpu.memory_space<vmem>>, vector<16xf32>,
          %mul3A_420 = arith.mulf %get3A_419, %gather3A_365 : vector<16xf32>
          %swap3A_421 = arith.index_cast %add3A_367 : i32 to index
          %swap3A_422 = arith.constant 112 : index
          %swap3A_423 = tpu.vector_load %arg12[%swap3A_421, %swap3A_422] {strides = array<i32>} : memref<128x128xf32, #tpu.memory_space<vmem>>, vector<16xf32>,
          tpu.vector_store %arg12[%swap3A_421, %swap3A_422], %mul3A_420 {strides = array<i32>} : memref<128x128xf32, #tpu.memory_space<vmem>>, vector<16xf32>,
          %broadcast_in_dim3A_424 = arith.constant 4 : i32
          %broadcast_in_dim3A_425 = vector.broadcast %broadcast_in_dim3A_424 : i32 to vector<16xi32>
          %lt3A_426 = arith.constant 0 : i32
          %lt3A_427 = vector.broadcast %lt3A_426 : i32 to vector<16xi32>
          %lt3A_428 = arith.cmpi slt, %broadcast_in_dim3A_425, %lt3A_427 : vector<16xi32>
          %add3A_429 = arith.constant 16 : i32
          %add3A_430 = vector.broadcast %add3A_429 : i32 to vector<16xi32>
          %add3A_431 = arith.addi %broadcast_in_dim3A_425, %add3A_430 : vector<16xi32>
          %select_n3A_432 = arith.select %lt3A_428, %add3A_431, %broadcast_in_dim3A_425 : vector<16xi1>, vector<16xi32>
          %broadcast_in_dim3A_433 = vector.shape_cast %select_n3A_432 : vector<16xi32> to vector<16x1xi32>
          %gather3A_434 = vector.shape_cast %broadcast_in_dim3A_433 : vector<16x1xi32> to vector<16xi32>
          %gather3A_435 = tpu.dynamic_gather %get3A_146[%gather3A_434] in [0] : vector<16xf32>, vector<16xi32> -> vector<16xf32>
          %add3A_436 = arith.constant 4 : i32
          %add3A_437 = arith.addi %add3A_143, %add3A_436 : i32
          %get3A_438 = arith.index_cast %add3A_437 : i32 to index
          %get3A_439 = arith.constant 0 : index
          %get3A_440 = tpu.vector_load %arg12[%get3A_438, %get3A_439] {strides = array<i32>} : memref<128x128xf32, #tpu.memory_space<vmem>>, vector<16xf32>,
          %mul3A_441 = arith.mulf %get3A_440, %gather3A_435 : vector<16xf32>
          %swap3A_442 = arith.index_cast %add3A_437 : i32 to index
          %swap3A_443 = arith.constant 0 : index
          %swap3A_444 = tpu.vector_load %arg12[%swap3A_442, %swap3A_443] {strides = array<i32>} : memref<128x128xf32, #tpu.memory_space<vmem>>, vector<16xf32>,
          tpu.vector_store %arg12[%swap3A_442, %swap3A_443], %mul3A_441 {strides = array<i32>} : memref<128x128xf32, #tpu.memory_space<vmem>>, vector<16xf32>,
          %get3A_445 = arith.index_cast %add3A_437 : i32 to index
          %get3A_446 = arith.constant 16 : index
          %get3A_447 = tpu.vector_load %arg12[%get3A_445, %get3A_446] {strides = array<i32>} : memref<128x128xf32, #tpu.memory_space<vmem>>, vector<16xf32>,
          %mul3A_448 = arith.mulf %get3A_447, %gather3A_435 : vector<16xf32>
          %swap3A_449 = arith.index_cast %add3A_437 : i32 to index
          %swap3A_450 = arith.constant 16 : index
          %swap3A_451 = tpu.vector_load %arg12[%swap3A_449, %swap3A_450] {strides = array<i32>} : memref<128x128xf32, #tpu.memory_space<vmem>>, vector<16xf32>,
          tpu.vector_store %arg12[%swap3A_449, %swap3A_450], %mul3A_448 {strides = array<i32>} : memref<128x128xf32, #tpu.memory_space<vmem>>, vector<16xf32>,
          %get3A_452 = arith.index_cast %add3A_437 : i32 to index
          %get3A_453 = arith.constant 32 : index
          %get3A_454 = tpu.vector_load %arg12[%get3A_452, %get3A_453] {strides = array<i32>} : memref<128x128xf32, #tpu.memory_space<vmem>>, vector<16xf32>,
          %mul3A_455 = arith.mulf %get3A_454, %gather3A_435 : vector<16xf32>
          %swap3A_456 = arith.index_cast %add3A_437 : i32 to index
          %swap3A_457 = arith.constant 32 : index
          %swap3A_458 = tpu.vector_load %arg12[%swap3A_456, %swap3A_457] {strides = array<i32>} : memref<128x128xf32, #tpu.memory_space<vmem>>, vector<16xf32>,
          tpu.vector_store %arg12[%swap3A_456, %swap3A_457], %mul3A_455 {strides = array<i32>} : memref<128x128xf32, #tpu.memory_space<vmem>>, vector<16xf32>,
          %get3A_459 = arith.index_cast %add3A_437 : i32 to index
          %get3A_460 = arith.constant 48 : index
          %get3A_461 = tpu.vector_load %arg12[%get3A_459, %get3A_460] {strides = array<i32>} : memref<128x128xf32, #tpu.memory_space<vmem>>, vector<16xf32>,
          %mul3A_462 = arith.mulf %get3A_461, %gather3A_435 : vector<16xf32>
          %swap3A_463 = arith.index_cast %add3A_437 : i32 to index
          %swap3A_464 = arith.constant 48 : index
          %swap3A_465 = tpu.vector_load %arg12[%swap3A_463, %swap3A_464] {strides = array<i32>} : memref<128x128xf32, #tpu.memory_space<vmem>>, vector<16xf32>,
          tpu.vector_store %arg12[%swap3A_463, %swap3A_464], %mul3A_462 {strides = array<i32>} : memref<128x128xf32, #tpu.memory_space<vmem>>, vector<16xf32>,
          %get3A_466 = arith.index_cast %add3A_437 : i32 to index
          %get3A_467 = arith.constant 64 : index
          %get3A_468 = tpu.vector_load %arg12[%get3A_466, %get3A_467] {strides = array<i32>} : memref<128x128xf32, #tpu.memory_space<vmem>>, vector<16xf32>,
          %mul3A_469 = arith.mulf %get3A_468, %gather3A_435 : vector<16xf32>
          %swap3A_470 = arith.index_cast %add3A_437 : i32 to index
          %swap3A_471 = arith.constant 64 : index
          %swap3A_472 = tpu.vector_load %arg12[%swap3A_470, %swap3A_471] {strides = array<i32>} : memref<128x128xf32, #tpu.memory_space<vmem>>, vector<16xf32>,
          tpu.vector_store %arg12[%swap3A_470, %swap3A_471], %mul3A_469 {strides = array<i32>} : memref<128x128xf32, #tpu.memory_space<vmem>>, vector<16xf32>,
          %get3A_473 = arith.index_cast %add3A_437 : i32 to index
          %get3A_474 = arith.constant 80 : index
          %get3A_475 = tpu.vector_load %arg12[%get3A_473, %get3A_474] {strides = array<i32>} : memref<128x128xf32, #tpu.memory_space<vmem>>, vector<16xf32>,
          %mul3A_476 = arith.mulf %get3A_475, %gather3A_435 : vector<16xf32>
          %swap3A_477 = arith.index_cast %add3A_437 : i32 to index
          %swap3A_478 = arith.constant 80 : index
          %swap3A_479 = tpu.vector_load %arg12[%swap3A_477, %swap3A_478] {strides = array<i32>} : memref<128x128xf32, #tpu.memory_space<vmem>>, vector<16xf32>,
          tpu.vector_store %arg12[%swap3A_477, %swap3A_478], %mul3A_476 {strides = array<i32>} : memref<128x128xf32, #tpu.memory_space<vmem>>, vector<16xf32>,
          %get3A_480 = arith.index_cast %add3A_437 : i32 to index
          %get3A_481 = arith.constant 96 : index
          %get3A_482 = tpu.vector_load %arg12[%get3A_480, %get3A_481] {strides = array<i32>} : memref<128x128xf32, #tpu.memory_space<vmem>>, vector<16xf32>,
          %mul3A_483 = arith.mulf %get3A_482, %gather3A_435 : vector<16xf32>
          %swap3A_484 = arith.index_cast %add3A_437 : i32 to index
          %swap3A_485 = arith.constant 96 : index
          %swap3A_486 = tpu.vector_load %arg12[%swap3A_484, %swap3A_485] {strides = array<i32>} : memref<128x128xf32, #tpu.memory_space<vmem>>, vector<16xf32>,
          tpu.vector_store %arg12[%swap3A_484, %swap3A_485], %mul3A_483 {strides = array<i32>} : memref<128x128xf32, #tpu.memory_space<vmem>>, vector<16xf32>,
          %get3A_487 = arith.index_cast %add3A_437 : i32 to index
          %get3A_488 = arith.constant 112 : index
          %get3A_489 = tpu.vector_load %arg12[%get3A_487, %get3A_488] {strides = array<i32>} : memref<128x128xf32, #tpu.memory_space<vmem>>, vector<16xf32>,
          %mul3A_490 = arith.mulf %get3A_489, %gather3A_435 : vector<16xf32>
          %swap3A_491 = arith.index_cast %add3A_437 : i32 to index
          %swap3A_492 = arith.constant 112 : index
          %swap3A_493 = tpu.vector_load %arg12[%swap3A_491, %swap3A_492] {strides = array<i32>} : memref<128x128xf32, #tpu.memory_space<vmem>>, vector<16xf32>,
          tpu.vector_store %arg12[%swap3A_491, %swap3A_492], %mul3A_490 {strides = array<i32>} : memref<128x128xf32, #tpu.memory_space<vmem>>, vector<16xf32>,
          %broadcast_in_dim3A_494 = arith.constant 5 : i32
          %broadcast_in_dim3A_495 = vector.broadcast %broadcast_in_dim3A_494 : i32 to vector<16xi32>
          %lt3A_496 = arith.constant 0 : i32
          %lt3A_497 = vector.broadcast %lt3A_496 : i32 to vector<16xi32>
          %lt3A_498 = arith.cmpi slt, %broadcast_in_dim3A_495, %lt3A_497 : vector<16xi32>
          %add3A_499 = arith.constant 16 : i32
          %add3A_500 = vector.broadcast %add3A_499 : i32 to vector<16xi32>
          %add3A_501 = arith.addi %broadcast_in_dim3A_495, %add3A_500 : vector<16xi32>
          %select_n3A_502 = arith.select %lt3A_498, %add3A_501, %broadcast_in_dim3A_495 : vector<16xi1>, vector<16xi32>
          %broadcast_in_dim3A_503 = vector.shape_cast %select_n3A_502 : vector<16xi32> to vector<16x1xi32>
          %gather3A_504 = vector.shape_cast %broadcast_in_dim3A_503 : vector<16x1xi32> to vector<16xi32>
          %gather3A_505 = tpu.dynamic_gather %get3A_146[%gather3A_504] in [0] : vector<16xf32>, vector<16xi32> -> vector<16xf32>
          %add3A_506 = arith.constant 5 : i32
          %add3A_507 = arith.addi %add3A_143, %add3A_506 : i32
          %get3A_508 = arith.index_cast %add3A_507 : i32 to index
          %get3A_509 = arith.constant 0 : index
          %get3A_510 = tpu.vector_load %arg12[%get3A_508, %get3A_509] {strides = array<i32>} : memref<128x128xf32, #tpu.memory_space<vmem>>, vector<16xf32>,
          %mul3A_511 = arith.mulf %get3A_510, %gather3A_505 : vector<16xf32>
          %swap3A_512 = arith.index_cast %add3A_507 : i32 to index
          %swap3A_513 = arith.constant 0 : index
          %swap3A_514 = tpu.vector_load %arg12[%swap3A_512, %swap3A_513] {strides = array<i32>} : memref<128x128xf32, #tpu.memory_space<vmem>>, vector<16xf32>,
          tpu.vector_store %arg12[%swap3A_512, %swap3A_513], %mul3A_511 {strides = array<i32>} : memref<128x128xf32, #tpu.memory_space<vmem>>, vector<16xf32>,
          %get3A_515 = arith.index_cast %add3A_507 : i32 to index
          %get3A_516 = arith.constant 16 : index
          %get3A_517 = tpu.vector_load %arg12[%get3A_515, %get3A_516] {strides = array<i32>} : memref<128x128xf32, #tpu.memory_space<vmem>>, vector<16xf32>,
          %mul3A_518 = arith.mulf %get3A_517, %gather3A_505 : vector<16xf32>
          %swap3A_519 = arith.index_cast %add3A_507 : i32 to index
          %swap3A_520 = arith.constant 16 : index
          %swap3A_521 = tpu.vector_load %arg12[%swap3A_519, %swap3A_520] {strides = array<i32>} : memref<128x128xf32, #tpu.memory_space<vmem>>, vector<16xf32>,
          tpu.vector_store %arg12[%swap3A_519, %swap3A_520], %mul3A_518 {strides = array<i32>} : memref<128x128xf32, #tpu.memory_space<vmem>>, vector<16xf32>,
          %get3A_522 = arith.index_cast %add3A_507 : i32 to index
          %get3A_523 = arith.constant 32 : index
          %get3A_524 = tpu.vector_load %arg12[%get3A_522, %get3A_523] {strides = array<i32>} : memref<128x128xf32, #tpu.memory_space<vmem>>, vector<16xf32>,
          %mul3A_525 = arith.mulf %get3A_524, %gather3A_505 : vector<16xf32>
          %swap3A_526 = arith.index_cast %add3A_507 : i32 to index
          %swap3A_527 = arith.constant 32 : index
          %swap3A_528 = tpu.vector_load %arg12[%swap3A_526, %swap3A_527] {strides = array<i32>} : memref<128x128xf32, #tpu.memory_space<vmem>>, vector<16xf32>,
          tpu.vector_store %arg12[%swap3A_526, %swap3A_527], %mul3A_525 {strides = array<i32>} : memref<128x128xf32, #tpu.memory_space<vmem>>, vector<16xf32>,
          %get3A_529 = arith.index_cast %add3A_507 : i32 to index
          %get3A_530 = arith.constant 48 : index
          %get3A_531 = tpu.vector_load %arg12[%get3A_529, %get3A_530] {strides = array<i32>} : memref<128x128xf32, #tpu.memory_space<vmem>>, vector<16xf32>,
          %mul3A_532 = arith.mulf %get3A_531, %gather3A_505 : vector<16xf32>
          %swap3A_533 = arith.index_cast %add3A_507 : i32 to index
          %swap3A_534 = arith.constant 48 : index
          %swap3A_535 = tpu.vector_load %arg12[%swap3A_533, %swap3A_534] {strides = array<i32>} : memref<128x128xf32, #tpu.memory_space<vmem>>, vector<16xf32>,
          tpu.vector_store %arg12[%swap3A_533, %swap3A_534], %mul3A_532 {strides = array<i32>} : memref<128x128xf32, #tpu.memory_space<vmem>>, vector<16xf32>,
          %get3A_536 = arith.index_cast %add3A_507 : i32 to index
          %get3A_537 = arith.constant 64 : index
          %get3A_538 = tpu.vector_load %arg12[%get3A_536, %get3A_537] {strides = array<i32>} : memref<128x128xf32, #tpu.memory_space<vmem>>, vector<16xf32>,
          %mul3A_539 = arith.mulf %get3A_538, %gather3A_505 : vector<16xf32>
          %swap3A_540 = arith.index_cast %add3A_507 : i32 to index
          %swap3A_541 = arith.constant 64 : index
          %swap3A_542 = tpu.vector_load %arg12[%swap3A_540, %swap3A_541] {strides = array<i32>} : memref<128x128xf32, #tpu.memory_space<vmem>>, vector<16xf32>,
          tpu.vector_store %arg12[%swap3A_540, %swap3A_541], %mul3A_539 {strides = array<i32>} : memref<128x128xf32, #tpu.memory_space<vmem>>, vector<16xf32>,
          %get3A_543 = arith.index_cast %add3A_507 : i32 to index
          %get3A_544 = arith.constant 80 : index
          %get3A_545 = tpu.vector_load %arg12[%get3A_543, %get3A_544] {strides = array<i32>} : memref<128x128xf32, #tpu.memory_space<vmem>>, vector<16xf32>,
          %mul3A_546 = arith.mulf %get3A_545, %gather3A_505 : vector<16xf32>
          %swap3A_547 = arith.index_cast %add3A_507 : i32 to index
          %swap3A_548 = arith.constant 80 : index
          %swap3A_549 = tpu.vector_load %arg12[%swap3A_547, %swap3A_548] {strides = array<i32>} : memref<128x128xf32, #tpu.memory_space<vmem>>, vector<16xf32>,
          tpu.vector_store %arg12[%swap3A_547, %swap3A_548], %mul3A_546 {strides = array<i32>} : memref<128x128xf32, #tpu.memory_space<vmem>>, vector<16xf32>,
          %get3A_550 = arith.index_cast %add3A_507 : i32 to index
          %get3A_551 = arith.constant 96 : index
          %get3A_552 = tpu.vector_load %arg12[%get3A_550, %get3A_551] {strides = array<i32>} : memref<128x128xf32, #tpu.memory_space<vmem>>, vector<16xf32>,
          %mul3A_553 = arith.mulf %get3A_552, %gather3A_505 : vector<16xf32>
          %swap3A_554 = arith.index_cast %add3A_507 : i32 to index
          %swap3A_555 = arith.constant 96 : index
          %swap3A_556 = tpu.vector_load %arg12[%swap3A_554, %swap3A_555] {strides = array<i32>} : memref<128x128xf32, #tpu.memory_space<vmem>>, vector<16xf32>,
          tpu.vector_store %arg12[%swap3A_554, %swap3A_555], %mul3A_553 {strides = array<i32>} : memref<128x128xf32, #tpu.memory_space<vmem>>, vector<16xf32>,
          %get3A_557 = arith.index_cast %add3A_507 : i32 to index
          %get3A_558 = arith.constant 112 : index
          %get3A_559 = tpu.vector_load %arg12[%get3A_557, %get3A_558] {strides = array<i32>} : memref<128x128xf32, #tpu.memory_space<vmem>>, vector<16xf32>,
          %mul3A_560 = arith.mulf %get3A_559, %gather3A_505 : vector<16xf32>
          %swap3A_561 = arith.index_cast %add3A_507 : i32 to index
          %swap3A_562 = arith.constant 112 : index
          %swap3A_563 = tpu.vector_load %arg12[%swap3A_561, %swap3A_562] {strides = array<i32>} : memref<128x128xf32, #tpu.memory_space<vmem>>, vector<16xf32>,
          tpu.vector_store %arg12[%swap3A_561, %swap3A_562], %mul3A_560 {strides = array<i32>} : memref<128x128xf32, #tpu.memory_space<vmem>>, vector<16xf32>,
          %broadcast_in_dim3A_564 = arith.constant 6 : i32
          %broadcast_in_dim3A_565 = vector.broadcast %broadcast_in_dim3A_564 : i32 to vector<16xi32>
          %lt3A_566 = arith.constant 0 : i32
          %lt3A_567 = vector.broadcast %lt3A_566 : i32 to vector<16xi32>
          %lt3A_568 = arith.cmpi slt, %broadcast_in_dim3A_565, %lt3A_567 : vector<16xi32>
          %add3A_569 = arith.constant 16 : i32
          %add3A_570 = vector.broadcast %add3A_569 : i32 to vector<16xi32>
          %add3A_571 = arith.addi %broadcast_in_dim3A_565, %add3A_570 : vector<16xi32>
          %select_n3A_572 = arith.select %lt3A_568, %add3A_571, %broadcast_in_dim3A_565 : vector<16xi1>, vector<16xi32>
          %broadcast_in_dim3A_573 = vector.shape_cast %select_n3A_572 : vector<16xi32> to vector<16x1xi32>
          %gather3A_574 = vector.shape_cast %broadcast_in_dim3A_573 : vector<16x1xi32> to vector<16xi32>
          %gather3A_575 = tpu.dynamic_gather %get3A_146[%gather3A_574] in [0] : vector<16xf32>, vector<16xi32> -> vector<16xf32>
          %add3A_576 = arith.constant 6 : i32
          %add3A_577 = arith.addi %add3A_143, %add3A_576 : i32
          %get3A_578 = arith.index_cast %add3A_577 : i32 to index
          %get3A_579 = arith.constant 0 : index
          %get3A_580 = tpu.vector_load %arg12[%get3A_578, %get3A_579] {strides = array<i32>} : memref<128x128xf32, #tpu.memory_space<vmem>>, vector<16xf32>,
          %mul3A_581 = arith.mulf %get3A_580, %gather3A_575 : vector<16xf32>
          %swap3A_582 = arith.index_cast %add3A_577 : i32 to index
          %swap3A_583 = arith.constant 0 : index
          %swap3A_584 = tpu.vector_load %arg12[%swap3A_582, %swap3A_583] {strides = array<i32>} : memref<128x128xf32, #tpu.memory_space<vmem>>, vector<16xf32>,
          tpu.vector_store %arg12[%swap3A_582, %swap3A_583], %mul3A_581 {strides = array<i32>} : memref<128x128xf32, #tpu.memory_space<vmem>>, vector<16xf32>,
          %get3A_585 = arith.index_cast %add3A_577 : i32 to index
          %get3A_586 = arith.constant 16 : index
          %get3A_587 = tpu.vector_load %arg12[%get3A_585, %get3A_586] {strides = array<i32>} : memref<128x128xf32, #tpu.memory_space<vmem>>, vector<16xf32>,
          %mul3A_588 = arith.mulf %get3A_587, %gather3A_575 : vector<16xf32>
          %swap3A_589 = arith.index_cast %add3A_577 : i32 to index
          %swap3A_590 = arith.constant 16 : index
          %swap3A_591 = tpu.vector_load %arg12[%swap3A_589, %swap3A_590] {strides = array<i32>} : memref<128x128xf32, #tpu.memory_space<vmem>>, vector<16xf32>,
          tpu.vector_store %arg12[%swap3A_589, %swap3A_590], %mul3A_588 {strides = array<i32>} : memref<128x128xf32, #tpu.memory_space<vmem>>, vector<16xf32>,
          %get3A_592 = arith.index_cast %add3A_577 : i32 to index
          %get3A_593 = arith.constant 32 : index
          %get3A_594 = tpu.vector_load %arg12[%get3A_592, %get3A_593] {strides = array<i32>} : memref<128x128xf32, #tpu.memory_space<vmem>>, vector<16xf32>,
          %mul3A_595 = arith.mulf %get3A_594, %gather3A_575 : vector<16xf32>
          %swap3A_596 = arith.index_cast %add3A_577 : i32 to index
          %swap3A_597 = arith.constant 32 : index
          %swap3A_598 = tpu.vector_load %arg12[%swap3A_596, %swap3A_597] {strides = array<i32>} : memref<128x128xf32, #tpu.memory_space<vmem>>, vector<16xf32>,
          tpu.vector_store %arg12[%swap3A_596, %swap3A_597], %mul3A_595 {strides = array<i32>} : memref<128x128xf32, #tpu.memory_space<vmem>>, vector<16xf32>,
          %get3A_599 = arith.index_cast %add3A_577 : i32 to index
          %get3A_600 = arith.constant 48 : index
          %get3A_601 = tpu.vector_load %arg12[%get3A_599, %get3A_600] {strides = array<i32>} : memref<128x128xf32, #tpu.memory_space<vmem>>, vector<16xf32>,
          %mul3A_602 = arith.mulf %get3A_601, %gather3A_575 : vector<16xf32>
          %swap3A_603 = arith.index_cast %add3A_577 : i32 to index
          %swap3A_604 = arith.constant 48 : index
          %swap3A_605 = tpu.vector_load %arg12[%swap3A_603, %swap3A_604] {strides = array<i32>} : memref<128x128xf32, #tpu.memory_space<vmem>>, vector<16xf32>,
          tpu.vector_store %arg12[%swap3A_603, %swap3A_604], %mul3A_602 {strides = array<i32>} : memref<128x128xf32, #tpu.memory_space<vmem>>, vector<16xf32>,
          %get3A_606 = arith.index_cast %add3A_577 : i32 to index
          %get3A_607 = arith.constant 64 : index
          %get3A_608 = tpu.vector_load %arg12[%get3A_606, %get3A_607] {strides = array<i32>} : memref<128x128xf32, #tpu.memory_space<vmem>>, vector<16xf32>,
          %mul3A_609 = arith.mulf %get3A_608, %gather3A_575 : vector<16xf32>
          %swap3A_610 = arith.index_cast %add3A_577 : i32 to index
          %swap3A_611 = arith.constant 64 : index
          %swap3A_612 = tpu.vector_load %arg12[%swap3A_610, %swap3A_611] {strides = array<i32>} : memref<128x128xf32, #tpu.memory_space<vmem>>, vector<16xf32>,
          tpu.vector_store %arg12[%swap3A_610, %swap3A_611], %mul3A_609 {strides = array<i32>} : memref<128x128xf32, #tpu.memory_space<vmem>>, vector<16xf32>,
          %get3A_613 = arith.index_cast %add3A_577 : i32 to index
          %get3A_614 = arith.constant 80 : index
          %get3A_615 = tpu.vector_load %arg12[%get3A_613, %get3A_614] {strides = array<i32>} : memref<128x128xf32, #tpu.memory_space<vmem>>, vector<16xf32>,
          %mul3A_616 = arith.mulf %get3A_615, %gather3A_575 : vector<16xf32>
          %swap3A_617 = arith.index_cast %add3A_577 : i32 to index
          %swap3A_618 = arith.constant 80 : index
          %swap3A_619 = tpu.vector_load %arg12[%swap3A_617, %swap3A_618] {strides = array<i32>} : memref<128x128xf32, #tpu.memory_space<vmem>>, vector<16xf32>,
          tpu.vector_store %arg12[%swap3A_617, %swap3A_618], %mul3A_616 {strides = array<i32>} : memref<128x128xf32, #tpu.memory_space<vmem>>, vector<16xf32>,
          %get3A_620 = arith.index_cast %add3A_577 : i32 to index
          %get3A_621 = arith.constant 96 : index
          %get3A_622 = tpu.vector_load %arg12[%get3A_620, %get3A_621] {strides = array<i32>} : memref<128x128xf32, #tpu.memory_space<vmem>>, vector<16xf32>,
          %mul3A_623 = arith.mulf %get3A_622, %gather3A_575 : vector<16xf32>
          %swap3A_624 = arith.index_cast %add3A_577 : i32 to index
          %swap3A_625 = arith.constant 96 : index
          %swap3A_626 = tpu.vector_load %arg12[%swap3A_624, %swap3A_625] {strides = array<i32>} : memref<128x128xf32, #tpu.memory_space<vmem>>, vector<16xf32>,
          tpu.vector_store %arg12[%swap3A_624, %swap3A_625], %mul3A_623 {strides = array<i32>} : memref<128x128xf32, #tpu.memory_space<vmem>>, vector<16xf32>,
          %get3A_627 = arith.index_cast %add3A_577 : i32 to index
          %get3A_628 = arith.constant 112 : index
          %get3A_629 = tpu.vector_load %arg12[%get3A_627, %get3A_628] {strides = array<i32>} : memref<128x128xf32, #tpu.memory_space<vmem>>, vector<16xf32>,
          %mul3A_630 = arith.mulf %get3A_629, %gather3A_575 : vector<16xf32>
          %swap3A_631 = arith.index_cast %add3A_577 : i32 to index
          %swap3A_632 = arith.constant 112 : index
          %swap3A_633 = tpu.vector_load %arg12[%swap3A_631, %swap3A_632] {strides = array<i32>} : memref<128x128xf32, #tpu.memory_space<vmem>>, vector<16xf32>,
          tpu.vector_store %arg12[%swap3A_631, %swap3A_632], %mul3A_630 {strides = array<i32>} : memref<128x128xf32, #tpu.memory_space<vmem>>, vector<16xf32>,
          %broadcast_in_dim3A_634 = arith.constant 7 : i32
          %broadcast_in_dim3A_635 = vector.broadcast %broadcast_in_dim3A_634 : i32 to vector<16xi32>
          %lt3A_636 = arith.constant 0 : i32
          %lt3A_637 = vector.broadcast %lt3A_636 : i32 to vector<16xi32>
          %lt3A_638 = arith.cmpi slt, %broadcast_in_dim3A_635, %lt3A_637 : vector<16xi32>
          %add3A_639 = arith.constant 16 : i32
          %add3A_640 = vector.broadcast %add3A_639 : i32 to vector<16xi32>
          %add3A_641 = arith.addi %broadcast_in_dim3A_635, %add3A_640 : vector<16xi32>
          %select_n3A_642 = arith.select %lt3A_638, %add3A_641, %broadcast_in_dim3A_635 : vector<16xi1>, vector<16xi32>
          %broadcast_in_dim3A_643 = vector.shape_cast %select_n3A_642 : vector<16xi32> to vector<16x1xi32>
          %gather3A_644 = vector.shape_cast %broadcast_in_dim3A_643 : vector<16x1xi32> to vector<16xi32>
          %gather3A_645 = tpu.dynamic_gather %get3A_146[%gather3A_644] in [0] : vector<16xf32>, vector<16xi32> -> vector<16xf32>
          %add3A_646 = arith.constant 7 : i32
          %add3A_647 = arith.addi %add3A_143, %add3A_646 : i32
          %get3A_648 = arith.index_cast %add3A_647 : i32 to index
          %get3A_649 = arith.constant 0 : index
          %get3A_650 = tpu.vector_load %arg12[%get3A_648, %get3A_649] {strides = array<i32>} : memref<128x128xf32, #tpu.memory_space<vmem>>, vector<16xf32>,
          %mul3A_651 = arith.mulf %get3A_650, %gather3A_645 : vector<16xf32>
          %swap3A_652 = arith.index_cast %add3A_647 : i32 to index
          %swap3A_653 = arith.constant 0 : index
          %swap3A_654 = tpu.vector_load %arg12[%swap3A_652, %swap3A_653] {strides = array<i32>} : memref<128x128xf32, #tpu.memory_space<vmem>>, vector<16xf32>,
          tpu.vector_store %arg12[%swap3A_652, %swap3A_653], %mul3A_651 {strides = array<i32>} : memref<128x128xf32, #tpu.memory_space<vmem>>, vector<16xf32>,
          %get3A_655 = arith.index_cast %add3A_647 : i32 to index
          %get3A_656 = arith.constant 16 : index
          %get3A_657 = tpu.vector_load %arg12[%get3A_655, %get3A_656] {strides = array<i32>} : memref<128x128xf32, #tpu.memory_space<vmem>>, vector<16xf32>,
          %mul3A_658 = arith.mulf %get3A_657, %gather3A_645 : vector<16xf32>
          %swap3A_659 = arith.index_cast %add3A_647 : i32 to index
          %swap3A_660 = arith.constant 16 : index
          %swap3A_661 = tpu.vector_load %arg12[%swap3A_659, %swap3A_660] {strides = array<i32>} : memref<128x128xf32, #tpu.memory_space<vmem>>, vector<16xf32>,
          tpu.vector_store %arg12[%swap3A_659, %swap3A_660], %mul3A_658 {strides = array<i32>} : memref<128x128xf32, #tpu.memory_space<vmem>>, vector<16xf32>,
          %get3A_662 = arith.index_cast %add3A_647 : i32 to index
          %get3A_663 = arith.constant 32 : index
          %get3A_664 = tpu.vector_load %arg12[%get3A_662, %get3A_663] {strides = array<i32>} : memref<128x128xf32, #tpu.memory_space<vmem>>, vector<16xf32>,
          %mul3A_665 = arith.mulf %get3A_664, %gather3A_645 : vector<16xf32>
          %swap3A_666 = arith.index_cast %add3A_647 : i32 to index
          %swap3A_667 = arith.constant 32 : index
          %swap3A_668 = tpu.vector_load %arg12[%swap3A_666, %swap3A_667] {strides = array<i32>} : memref<128x128xf32, #tpu.memory_space<vmem>>, vector<16xf32>,
          tpu.vector_store %arg12[%swap3A_666, %swap3A_667], %mul3A_665 {strides = array<i32>} : memref<128x128xf32, #tpu.memory_space<vmem>>, vector<16xf32>,
          %get3A_669 = arith.index_cast %add3A_647 : i32 to index
          %get3A_670 = arith.constant 48 : index
          %get3A_671 = tpu.vector_load %arg12[%get3A_669, %get3A_670] {strides = array<i32>} : memref<128x128xf32, #tpu.memory_space<vmem>>, vector<16xf32>,
          %mul3A_672 = arith.mulf %get3A_671, %gather3A_645 : vector<16xf32>
          %swap3A_673 = arith.index_cast %add3A_647 : i32 to index
          %swap3A_674 = arith.constant 48 : index
          %swap3A_675 = tpu.vector_load %arg12[%swap3A_673, %swap3A_674] {strides = array<i32>} : memref<128x128xf32, #tpu.memory_space<vmem>>, vector<16xf32>,
          tpu.vector_store %arg12[%swap3A_673, %swap3A_674], %mul3A_672 {strides = array<i32>} : memref<128x128xf32, #tpu.memory_space<vmem>>, vector<16xf32>,
          %get3A_676 = arith.index_cast %add3A_647 : i32 to index
          %get3A_677 = arith.constant 64 : index
          %get3A_678 = tpu.vector_load %arg12[%get3A_676, %get3A_677] {strides = array<i32>} : memref<128x128xf32, #tpu.memory_space<vmem>>, vector<16xf32>,
          %mul3A_679 = arith.mulf %get3A_678, %gather3A_645 : vector<16xf32>
          %swap3A_680 = arith.index_cast %add3A_647 : i32 to index
          %swap3A_681 = arith.constant 64 : index
          %swap3A_682 = tpu.vector_load %arg12[%swap3A_680, %swap3A_681] {strides = array<i32>} : memref<128x128xf32, #tpu.memory_space<vmem>>, vector<16xf32>,
          tpu.vector_store %arg12[%swap3A_680, %swap3A_681], %mul3A_679 {strides = array<i32>} : memref<128x128xf32, #tpu.memory_space<vmem>>, vector<16xf32>,
          %get3A_683 = arith.index_cast %add3A_647 : i32 to index
          %get3A_684 = arith.constant 80 : index
          %get3A_685 = tpu.vector_load %arg12[%get3A_683, %get3A_684] {strides = array<i32>} : memref<128x128xf32, #tpu.memory_space<vmem>>, vector<16xf32>,
          %mul3A_686 = arith.mulf %get3A_685, %gather3A_645 : vector<16xf32>
          %swap3A_687 = arith.index_cast %add3A_647 : i32 to index
          %swap3A_688 = arith.constant 80 : index
          %swap3A_689 = tpu.vector_load %arg12[%swap3A_687, %swap3A_688] {strides = array<i32>} : memref<128x128xf32, #tpu.memory_space<vmem>>, vector<16xf32>,
          tpu.vector_store %arg12[%swap3A_687, %swap3A_688], %mul3A_686 {strides = array<i32>} : memref<128x128xf32, #tpu.memory_space<vmem>>, vector<16xf32>,
          %get3A_690 = arith.index_cast %add3A_647 : i32 to index
          %get3A_691 = arith.constant 96 : index
          %get3A_692 = tpu.vector_load %arg12[%get3A_690, %get3A_691] {strides = array<i32>} : memref<128x128xf32, #tpu.memory_space<vmem>>, vector<16xf32>,
          %mul3A_693 = arith.mulf %get3A_692, %gather3A_645 : vector<16xf32>
          %swap3A_694 = arith.index_cast %add3A_647 : i32 to index
          %swap3A_695 = arith.constant 96 : index
          %swap3A_696 = tpu.vector_load %arg12[%swap3A_694, %swap3A_695] {strides = array<i32>} : memref<128x128xf32, #tpu.memory_space<vmem>>, vector<16xf32>,
          tpu.vector_store %arg12[%swap3A_694, %swap3A_695], %mul3A_693 {strides = array<i32>} : memref<128x128xf32, #tpu.memory_space<vmem>>, vector<16xf32>,
          %get3A_697 = arith.index_cast %add3A_647 : i32 to index
          %get3A_698 = arith.constant 112 : index
          %get3A_699 = tpu.vector_load %arg12[%get3A_697, %get3A_698] {strides = array<i32>} : memref<128x128xf32, #tpu.memory_space<vmem>>, vector<16xf32>,
          %mul3A_700 = arith.mulf %get3A_699, %gather3A_645 : vector<16xf32>
          %swap3A_701 = arith.index_cast %add3A_647 : i32 to index
          %swap3A_702 = arith.constant 112 : index
          %swap3A_703 = tpu.vector_load %arg12[%swap3A_701, %swap3A_702] {strides = array<i32>} : memref<128x128xf32, #tpu.memory_space<vmem>>, vector<16xf32>,
          tpu.vector_store %arg12[%swap3A_701, %swap3A_702], %mul3A_700 {strides = array<i32>} : memref<128x128xf32, #tpu.memory_space<vmem>>, vector<16xf32>,
          %broadcast_in_dim3A_704 = arith.constant 8 : i32
          %broadcast_in_dim3A_705 = vector.broadcast %broadcast_in_dim3A_704 : i32 to vector<16xi32>
          %lt3A_706 = arith.constant 0 : i32
          %lt3A_707 = vector.broadcast %lt3A_706 : i32 to vector<16xi32>
          %lt3A_708 = arith.cmpi slt, %broadcast_in_dim3A_705, %lt3A_707 : vector<16xi32>
          %add3A_709 = arith.constant 16 : i32
          %add3A_710 = vector.broadcast %add3A_709 : i32 to vector<16xi32>
          %add3A_711 = arith.addi %broadcast_in_dim3A_705, %add3A_710 : vector<16xi32>
          %select_n3A_712 = arith.select %lt3A_708, %add3A_711, %broadcast_in_dim3A_705 : vector<16xi1>, vector<16xi32>
          %broadcast_in_dim3A_713 = vector.shape_cast %select_n3A_712 : vector<16xi32> to vector<16x1xi32>
          %gather3A_714 = vector.shape_cast %broadcast_in_dim3A_713 : vector<16x1xi32> to vector<16xi32>
          %gather3A_715 = tpu.dynamic_gather %get3A_146[%gather3A_714] in [0] : vector<16xf32>, vector<16xi32> -> vector<16xf32>
          %add3A_716 = arith.constant 8 : i32
          %add3A_717 = arith.addi %add3A_143, %add3A_716 : i32
          %get3A_718 = arith.index_cast %add3A_717 : i32 to index
          %get3A_719 = arith.constant 0 : index
          %get3A_720 = tpu.vector_load %arg12[%get3A_718, %get3A_719] {strides = array<i32>} : memref<128x128xf32, #tpu.memory_space<vmem>>, vector<16xf32>,
          %mul3A_721 = arith.mulf %get3A_720, %gather3A_715 : vector<16xf32>
          %swap3A_722 = arith.index_cast %add3A_717 : i32 to index
          %swap3A_723 = arith.constant 0 : index
          %swap3A_724 = tpu.vector_load %arg12[%swap3A_722, %swap3A_723] {strides = array<i32>} : memref<128x128xf32, #tpu.memory_space<vmem>>, vector<16xf32>,
          tpu.vector_store %arg12[%swap3A_722, %swap3A_723], %mul3A_721 {strides = array<i32>} : memref<128x128xf32, #tpu.memory_space<vmem>>, vector<16xf32>,
          %get3A_725 = arith.index_cast %add3A_717 : i32 to index
          %get3A_726 = arith.constant 16 : index
          %get3A_727 = tpu.vector_load %arg12[%get3A_725, %get3A_726] {strides = array<i32>} : memref<128x128xf32, #tpu.memory_space<vmem>>, vector<16xf32>,
          %mul3A_728 = arith.mulf %get3A_727, %gather3A_715 : vector<16xf32>
          %swap3A_729 = arith.index_cast %add3A_717 : i32 to index
          %swap3A_730 = arith.constant 16 : index
          %swap3A_731 = tpu.vector_load %arg12[%swap3A_729, %swap3A_730] {strides = array<i32>} : memref<128x128xf32, #tpu.memory_space<vmem>>, vector<16xf32>,
          tpu.vector_store %arg12[%swap3A_729, %swap3A_730], %mul3A_728 {strides = array<i32>} : memref<128x128xf32, #tpu.memory_space<vmem>>, vector<16xf32>,
          %get3A_732 = arith.index_cast %add3A_717 : i32 to index
          %get3A_733 = arith.constant 32 : index
          %get3A_734 = tpu.vector_load %arg12[%get3A_732, %get3A_733] {strides = array<i32>} : memref<128x128xf32, #tpu.memory_space<vmem>>, vector<16xf32>,
          %mul3A_735 = arith.mulf %get3A_734, %gather3A_715 : vector<16xf32>
          %swap3A_736 = arith.index_cast %add3A_717 : i32 to index
          %swap3A_737 = arith.constant 32 : index
          %swap3A_738 = tpu.vector_load %arg12[%swap3A_736, %swap3A_737] {strides = array<i32>} : memref<128x128xf32, #tpu.memory_space<vmem>>, vector<16xf32>,
          tpu.vector_store %arg12[%swap3A_736, %swap3A_737], %mul3A_735 {strides = array<i32>} : memref<128x128xf32, #tpu.memory_space<vmem>>, vector<16xf32>,
          %get3A_739 = arith.index_cast %add3A_717 : i32 to index
          %get3A_740 = arith.constant 48 : index
          %get3A_741 = tpu.vector_load %arg12[%get3A_739, %get3A_740] {strides = array<i32>} : memref<128x128xf32, #tpu.memory_space<vmem>>, vector<16xf32>,
          %mul3A_742 = arith.mulf %get3A_741, %gather3A_715 : vector<16xf32>
          %swap3A_743 = arith.index_cast %add3A_717 : i32 to index
          %swap3A_744 = arith.constant 48 : index
          %swap3A_745 = tpu.vector_load %arg12[%swap3A_743, %swap3A_744] {strides = array<i32>} : memref<128x128xf32, #tpu.memory_space<vmem>>, vector<16xf32>,
          tpu.vector_store %arg12[%swap3A_743, %swap3A_744], %mul3A_742 {strides = array<i32>} : memref<128x128xf32, #tpu.memory_space<vmem>>, vector<16xf32>,
          %get3A_746 = arith.index_cast %add3A_717 : i32 to index
          %get3A_747 = arith.constant 64 : index
          %get3A_748 = tpu.vector_load %arg12[%get3A_746, %get3A_747] {strides = array<i32>} : memref<128x128xf32, #tpu.memory_space<vmem>>, vector<16xf32>,
          %mul3A_749 = arith.mulf %get3A_748, %gather3A_715 : vector<16xf32>
          %swap3A_750 = arith.index_cast %add3A_717 : i32 to index
          %swap3A_751 = arith.constant 64 : index
          %swap3A_752 = tpu.vector_load %arg12[%swap3A_750, %swap3A_751] {strides = array<i32>} : memref<128x128xf32, #tpu.memory_space<vmem>>, vector<16xf32>,
          tpu.vector_store %arg12[%swap3A_750, %swap3A_751], %mul3A_749 {strides = array<i32>} : memref<128x128xf32, #tpu.memory_space<vmem>>, vector<16xf32>,
          %get3A_753 = arith.index_cast %add3A_717 : i32 to index
          %get3A_754 = arith.constant 80 : index
          %get3A_755 = tpu.vector_load %arg12[%get3A_753, %get3A_754] {strides = array<i32>} : memref<128x128xf32, #tpu.memory_space<vmem>>, vector<16xf32>,
          %mul3A_756 = arith.mulf %get3A_755, %gather3A_715 : vector<16xf32>
          %swap3A_757 = arith.index_cast %add3A_717 : i32 to index
          %swap3A_758 = arith.constant 80 : index
          %swap3A_759 = tpu.vector_load %arg12[%swap3A_757, %swap3A_758] {strides = array<i32>} : memref<128x128xf32, #tpu.memory_space<vmem>>, vector<16xf32>,
          tpu.vector_store %arg12[%swap3A_757, %swap3A_758], %mul3A_756 {strides = array<i32>} : memref<128x128xf32, #tpu.memory_space<vmem>>, vector<16xf32>,
          %get3A_760 = arith.index_cast %add3A_717 : i32 to index
          %get3A_761 = arith.constant 96 : index
          %get3A_762 = tpu.vector_load %arg12[%get3A_760, %get3A_761] {strides = array<i32>} : memref<128x128xf32, #tpu.memory_space<vmem>>, vector<16xf32>,
          %mul3A_763 = arith.mulf %get3A_762, %gather3A_715 : vector<16xf32>
          %swap3A_764 = arith.index_cast %add3A_717 : i32 to index
          %swap3A_765 = arith.constant 96 : index
          %swap3A_766 = tpu.vector_load %arg12[%swap3A_764, %swap3A_765] {strides = array<i32>} : memref<128x128xf32, #tpu.memory_space<vmem>>, vector<16xf32>,
          tpu.vector_store %arg12[%swap3A_764, %swap3A_765], %mul3A_763 {strides = array<i32>} : memref<128x128xf32, #tpu.memory_space<vmem>>, vector<16xf32>,
          %get3A_767 = arith.index_cast %add3A_717 : i32 to index
          %get3A_768 = arith.constant 112 : index
          %get3A_769 = tpu.vector_load %arg12[%get3A_767, %get3A_768] {strides = array<i32>} : memref<128x128xf32, #tpu.memory_space<vmem>>, vector<16xf32>,
          %mul3A_770 = arith.mulf %get3A_769, %gather3A_715 : vector<16xf32>
          %swap3A_771 = arith.index_cast %add3A_717 : i32 to index
          %swap3A_772 = arith.constant 112 : index
          %swap3A_773 = tpu.vector_load %arg12[%swap3A_771, %swap3A_772] {strides = array<i32>} : memref<128x128xf32, #tpu.memory_space<vmem>>, vector<16xf32>,
          tpu.vector_store %arg12[%swap3A_771, %swap3A_772], %mul3A_770 {strides = array<i32>} : memref<128x128xf32, #tpu.memory_space<vmem>>, vector<16xf32>,
          %broadcast_in_dim3A_774 = arith.constant 9 : i32
          %broadcast_in_dim3A_775 = vector.broadcast %broadcast_in_dim3A_774 : i32 to vector<16xi32>
          %lt3A_776 = arith.constant 0 : i32
          %lt3A_777 = vector.broadcast %lt3A_776 : i32 to vector<16xi32>
          %lt3A_778 = arith.cmpi slt, %broadcast_in_dim3A_775, %lt3A_777 : vector<16xi32>
          %add3A_779 = arith.constant 16 : i32
          %add3A_780 = vector.broadcast %add3A_779 : i32 to vector<16xi32>
          %add3A_781 = arith.addi %broadcast_in_dim3A_775, %add3A_780 : vector<16xi32>
          %select_n3A_782 = arith.select %lt3A_778, %add3A_781, %broadcast_in_dim3A_775 : vector<16xi1>, vector<16xi32>
          %broadcast_in_dim3A_783 = vector.shape_cast %select_n3A_782 : vector<16xi32> to vector<16x1xi32>
          %gather3A_784 = vector.shape_cast %broadcast_in_dim3A_783 : vector<16x1xi32> to vector<16xi32>
          %gather3A_785 = tpu.dynamic_gather %get3A_146[%gather3A_784] in [0] : vector<16xf32>, vector<16xi32> -> vector<16xf32>
          %add3A_786 = arith.constant 9 : i32
          %add3A_787 = arith.addi %add3A_143, %add3A_786 : i32
          %get3A_788 = arith.index_cast %add3A_787 : i32 to index
          %get3A_789 = arith.constant 0 : index
          %get3A_790 = tpu.vector_load %arg12[%get3A_788, %get3A_789] {strides = array<i32>} : memref<128x128xf32, #tpu.memory_space<vmem>>, vector<16xf32>,
          %mul3A_791 = arith.mulf %get3A_790, %gather3A_785 : vector<16xf32>
          %swap3A_792 = arith.index_cast %add3A_787 : i32 to index
          %swap3A_793 = arith.constant 0 : index
          %swap3A_794 = tpu.vector_load %arg12[%swap3A_792, %swap3A_793] {strides = array<i32>} : memref<128x128xf32, #tpu.memory_space<vmem>>, vector<16xf32>,
          tpu.vector_store %arg12[%swap3A_792, %swap3A_793], %mul3A_791 {strides = array<i32>} : memref<128x128xf32, #tpu.memory_space<vmem>>, vector<16xf32>,
          %get3A_795 = arith.index_cast %add3A_787 : i32 to index
          %get3A_796 = arith.constant 16 : index
          %get3A_797 = tpu.vector_load %arg12[%get3A_795, %get3A_796] {strides = array<i32>} : memref<128x128xf32, #tpu.memory_space<vmem>>, vector<16xf32>,
          %mul3A_798 = arith.mulf %get3A_797, %gather3A_785 : vector<16xf32>
          %swap3A_799 = arith.index_cast %add3A_787 : i32 to index
          %swap3A_800 = arith.constant 16 : index
          %swap3A_801 = tpu.vector_load %arg12[%swap3A_799, %swap3A_800] {strides = array<i32>} : memref<128x128xf32, #tpu.memory_space<vmem>>, vector<16xf32>,
          tpu.vector_store %arg12[%swap3A_799, %swap3A_800], %mul3A_798 {strides = array<i32>} : memref<128x128xf32, #tpu.memory_space<vmem>>, vector<16xf32>,
          %get3A_802 = arith.index_cast %add3A_787 : i32 to index
          %get3A_803 = arith.constant 32 : index
          %get3A_804 = tpu.vector_load %arg12[%get3A_802, %get3A_803] {strides = array<i32>} : memref<128x128xf32, #tpu.memory_space<vmem>>, vector<16xf32>,
          %mul3A_805 = arith.mulf %get3A_804, %gather3A_785 : vector<16xf32>
          %swap3A_806 = arith.index_cast %add3A_787 : i32 to index
          %swap3A_807 = arith.constant 32 : index
          %swap3A_808 = tpu.vector_load %arg12[%swap3A_806, %swap3A_807] {strides = array<i32>} : memref<128x128xf32, #tpu.memory_space<vmem>>, vector<16xf32>,
          tpu.vector_store %arg12[%swap3A_806, %swap3A_807], %mul3A_805 {strides = array<i32>} : memref<128x128xf32, #tpu.memory_space<vmem>>, vector<16xf32>,
          %get3A_809 = arith.index_cast %add3A_787 : i32 to index
          %get3A_810 = arith.constant 48 : index
          %get3A_811 = tpu.vector_load %arg12[%get3A_809, %get3A_810] {strides = array<i32>} : memref<128x128xf32, #tpu.memory_space<vmem>>, vector<16xf32>,
          %mul3A_812 = arith.mulf %get3A_811, %gather3A_785 : vector<16xf32>
          %swap3A_813 = arith.index_cast %add3A_787 : i32 to index
          %swap3A_814 = arith.constant 48 : index
          %swap3A_815 = tpu.vector_load %arg12[%swap3A_813, %swap3A_814] {strides = array<i32>} : memref<128x128xf32, #tpu.memory_space<vmem>>, vector<16xf32>,
          tpu.vector_store %arg12[%swap3A_813, %swap3A_814], %mul3A_812 {strides = array<i32>} : memref<128x128xf32, #tpu.memory_space<vmem>>, vector<16xf32>,
          %get3A_816 = arith.index_cast %add3A_787 : i32 to index
          %get3A_817 = arith.constant 64 : index
          %get3A_818 = tpu.vector_load %arg12[%get3A_816, %get3A_817] {strides = array<i32>} : memref<128x128xf32, #tpu.memory_space<vmem>>, vector<16xf32>,
          %mul3A_819 = arith.mulf %get3A_818, %gather3A_785 : vector<16xf32>
          %swap3A_820 = arith.index_cast %add3A_787 : i32 to index
          %swap3A_821 = arith.constant 64 : index
          %swap3A_822 = tpu.vector_load %arg12[%swap3A_820, %swap3A_821] {strides = array<i32>} : memref<128x128xf32, #tpu.memory_space<vmem>>, vector<16xf32>,
          tpu.vector_store %arg12[%swap3A_820, %swap3A_821], %mul3A_819 {strides = array<i32>} : memref<128x128xf32, #tpu.memory_space<vmem>>, vector<16xf32>,
          %get3A_823 = arith.index_cast %add3A_787 : i32 to index
          %get3A_824 = arith.constant 80 : index
          %get3A_825 = tpu.vector_load %arg12[%get3A_823, %get3A_824] {strides = array<i32>} : memref<128x128xf32, #tpu.memory_space<vmem>>, vector<16xf32>,
          %mul3A_826 = arith.mulf %get3A_825, %gather3A_785 : vector<16xf32>
          %swap3A_827 = arith.index_cast %add3A_787 : i32 to index
          %swap3A_828 = arith.constant 80 : index
          %swap3A_829 = tpu.vector_load %arg12[%swap3A_827, %swap3A_828] {strides = array<i32>} : memref<128x128xf32, #tpu.memory_space<vmem>>, vector<16xf32>,
          tpu.vector_store %arg12[%swap3A_827, %swap3A_828], %mul3A_826 {strides = array<i32>} : memref<128x128xf32, #tpu.memory_space<vmem>>, vector<16xf32>,
          %get3A_830 = arith.index_cast %add3A_787 : i32 to index
          %get3A_831 = arith.constant 96 : index
          %get3A_832 = tpu.vector_load %arg12[%get3A_830, %get3A_831] {strides = array<i32>} : memref<128x128xf32, #tpu.memory_space<vmem>>, vector<16xf32>,
          %mul3A_833 = arith.mulf %get3A_832, %gather3A_785 : vector<16xf32>
          %swap3A_834 = arith.index_cast %add3A_787 : i32 to index
          %swap3A_835 = arith.constant 96 : index
          %swap3A_836 = tpu.vector_load %arg12[%swap3A_834, %swap3A_835] {strides = array<i32>} : memref<128x128xf32, #tpu.memory_space<vmem>>, vector<16xf32>,
          tpu.vector_store %arg12[%swap3A_834, %swap3A_835], %mul3A_833 {strides = array<i32>} : memref<128x128xf32, #tpu.memory_space<vmem>>, vector<16xf32>,
          %get3A_837 = arith.index_cast %add3A_787 : i32 to index
          %get3A_838 = arith.constant 112 : index
          %get3A_839 = tpu.vector_load %arg12[%get3A_837, %get3A_838] {strides = array<i32>} : memref<128x128xf32, #tpu.memory_space<vmem>>, vector<16xf32>,
          %mul3A_840 = arith.mulf %get3A_839, %gather3A_785 : vector<16xf32>
          %swap3A_841 = arith.index_cast %add3A_787 : i32 to index
          %swap3A_842 = arith.constant 112 : index
          %swap3A_843 = tpu.vector_load %arg12[%swap3A_841, %swap3A_842] {strides = array<i32>} : memref<128x128xf32, #tpu.memory_space<vmem>>, vector<16xf32>,
          tpu.vector_store %arg12[%swap3A_841, %swap3A_842], %mul3A_840 {strides = array<i32>} : memref<128x128xf32, #tpu.memory_space<vmem>>, vector<16xf32>,
          %broadcast_in_dim3A_844 = arith.constant 10 : i32
          %broadcast_in_dim3A_845 = vector.broadcast %broadcast_in_dim3A_844 : i32 to vector<16xi32>
          %lt3A_846 = arith.constant 0 : i32
          %lt3A_847 = vector.broadcast %lt3A_846 : i32 to vector<16xi32>
          %lt3A_848 = arith.cmpi slt, %broadcast_in_dim3A_845, %lt3A_847 : vector<16xi32>
          %add3A_849 = arith.constant 16 : i32
          %add3A_850 = vector.broadcast %add3A_849 : i32 to vector<16xi32>
          %add3A_851 = arith.addi %broadcast_in_dim3A_845, %add3A_850 : vector<16xi32>
          %select_n3A_852 = arith.select %lt3A_848, %add3A_851, %broadcast_in_dim3A_845 : vector<16xi1>, vector<16xi32>
          %broadcast_in_dim3A_853 = vector.shape_cast %select_n3A_852 : vector<16xi32> to vector<16x1xi32>
          %gather3A_854 = vector.shape_cast %broadcast_in_dim3A_853 : vector<16x1xi32> to vector<16xi32>
          %gather3A_855 = tpu.dynamic_gather %get3A_146[%gather3A_854] in [0] : vector<16xf32>, vector<16xi32> -> vector<16xf32>
          %add3A_856 = arith.constant 10 : i32
          %add3A_857 = arith.addi %add3A_143, %add3A_856 : i32
          %get3A_858 = arith.index_cast %add3A_857 : i32 to index
          %get3A_859 = arith.constant 0 : index
          %get3A_860 = tpu.vector_load %arg12[%get3A_858, %get3A_859] {strides = array<i32>} : memref<128x128xf32, #tpu.memory_space<vmem>>, vector<16xf32>,
          %mul3A_861 = arith.mulf %get3A_860, %gather3A_855 : vector<16xf32>
          %swap3A_862 = arith.index_cast %add3A_857 : i32 to index
          %swap3A_863 = arith.constant 0 : index
          %swap3A_864 = tpu.vector_load %arg12[%swap3A_862, %swap3A_863] {strides = array<i32>} : memref<128x128xf32, #tpu.memory_space<vmem>>, vector<16xf32>,
          tpu.vector_store %arg12[%swap3A_862, %swap3A_863], %mul3A_861 {strides = array<i32>} : memref<128x128xf32, #tpu.memory_space<vmem>>, vector<16xf32>,
          %get3A_865 = arith.index_cast %add3A_857 : i32 to index
          %get3A_866 = arith.constant 16 : index
          %get3A_867 = tpu.vector_load %arg12[%get3A_865, %get3A_866] {strides = array<i32>} : memref<128x128xf32, #tpu.memory_space<vmem>>, vector<16xf32>,
          %mul3A_868 = arith.mulf %get3A_867, %gather3A_855 : vector<16xf32>
          %swap3A_869 = arith.index_cast %add3A_857 : i32 to index
          %swap3A_870 = arith.constant 16 : index
          %swap3A_871 = tpu.vector_load %arg12[%swap3A_869, %swap3A_870] {strides = array<i32>} : memref<128x128xf32, #tpu.memory_space<vmem>>, vector<16xf32>,
          tpu.vector_store %arg12[%swap3A_869, %swap3A_870], %mul3A_868 {strides = array<i32>} : memref<128x128xf32, #tpu.memory_space<vmem>>, vector<16xf32>,
          %get3A_872 = arith.index_cast %add3A_857 : i32 to index
          %get3A_873 = arith.constant 32 : index
          %get3A_874 = tpu.vector_load %arg12[%get3A_872, %get3A_873] {strides = array<i32>} : memref<128x128xf32, #tpu.memory_space<vmem>>, vector<16xf32>,
          %mul3A_875 = arith.mulf %get3A_874, %gather3A_855 : vector<16xf32>
          %swap3A_876 = arith.index_cast %add3A_857 : i32 to index
          %swap3A_877 = arith.constant 32 : index
          %swap3A_878 = tpu.vector_load %arg12[%swap3A_876, %swap3A_877] {strides = array<i32>} : memref<128x128xf32, #tpu.memory_space<vmem>>, vector<16xf32>,
          tpu.vector_store %arg12[%swap3A_876, %swap3A_877], %mul3A_875 {strides = array<i32>} : memref<128x128xf32, #tpu.memory_space<vmem>>, vector<16xf32>,
          %get3A_879 = arith.index_cast %add3A_857 : i32 to index
          %get3A_880 = arith.constant 48 : index
          %get3A_881 = tpu.vector_load %arg12[%get3A_879, %get3A_880] {strides = array<i32>} : memref<128x128xf32, #tpu.memory_space<vmem>>, vector<16xf32>,
          %mul3A_882 = arith.mulf %get3A_881, %gather3A_855 : vector<16xf32>
          %swap3A_883 = arith.index_cast %add3A_857 : i32 to index
          %swap3A_884 = arith.constant 48 : index
          %swap3A_885 = tpu.vector_load %arg12[%swap3A_883, %swap3A_884] {strides = array<i32>} : memref<128x128xf32, #tpu.memory_space<vmem>>, vector<16xf32>,
          tpu.vector_store %arg12[%swap3A_883, %swap3A_884], %mul3A_882 {strides = array<i32>} : memref<128x128xf32, #tpu.memory_space<vmem>>, vector<16xf32>,
          %get3A_886 = arith.index_cast %add3A_857 : i32 to index
          %get3A_887 = arith.constant 64 : index
          %get3A_888 = tpu.vector_load %arg12[%get3A_886, %get3A_887] {strides = array<i32>} : memref<128x128xf32, #tpu.memory_space<vmem>>, vector<16xf32>,
          %mul3A_889 = arith.mulf %get3A_888, %gather3A_855 : vector<16xf32>
          %swap3A_890 = arith.index_cast %add3A_857 : i32 to index
          %swap3A_891 = arith.constant 64 : index
          %swap3A_892 = tpu.vector_load %arg12[%swap3A_890, %swap3A_891] {strides = array<i32>} : memref<128x128xf32, #tpu.memory_space<vmem>>, vector<16xf32>,
          tpu.vector_store %arg12[%swap3A_890, %swap3A_891], %mul3A_889 {strides = array<i32>} : memref<128x128xf32, #tpu.memory_space<vmem>>, vector<16xf32>,
          %get3A_893 = arith.index_cast %add3A_857 : i32 to index
          %get3A_894 = arith.constant 80 : index
          %get3A_895 = tpu.vector_load %arg12[%get3A_893, %get3A_894] {strides = array<i32>} : memref<128x128xf32, #tpu.memory_space<vmem>>, vector<16xf32>,
          %mul3A_896 = arith.mulf %get3A_895, %gather3A_855 : vector<16xf32>
          %swap3A_897 = arith.index_cast %add3A_857 : i32 to index
          %swap3A_898 = arith.constant 80 : index
          %swap3A_899 = tpu.vector_load %arg12[%swap3A_897, %swap3A_898] {strides = array<i32>} : memref<128x128xf32, #tpu.memory_space<vmem>>, vector<16xf32>,
          tpu.vector_store %arg12[%swap3A_897, %swap3A_898], %mul3A_896 {strides = array<i32>} : memref<128x128xf32, #tpu.memory_space<vmem>>, vector<16xf32>,
          %get3A_900 = arith.index_cast %add3A_857 : i32 to index
          %get3A_901 = arith.constant 96 : index
          %get3A_902 = tpu.vector_load %arg12[%get3A_900, %get3A_901] {strides = array<i32>} : memref<128x128xf32, #tpu.memory_space<vmem>>, vector<16xf32>,
          %mul3A_903 = arith.mulf %get3A_902, %gather3A_855 : vector<16xf32>
          %swap3A_904 = arith.index_cast %add3A_857 : i32 to index
          %swap3A_905 = arith.constant 96 : index
          %swap3A_906 = tpu.vector_load %arg12[%swap3A_904, %swap3A_905] {strides = array<i32>} : memref<128x128xf32, #tpu.memory_space<vmem>>, vector<16xf32>,
          tpu.vector_store %arg12[%swap3A_904, %swap3A_905], %mul3A_903 {strides = array<i32>} : memref<128x128xf32, #tpu.memory_space<vmem>>, vector<16xf32>,
          %get3A_907 = arith.index_cast %add3A_857 : i32 to index
          %get3A_908 = arith.constant 112 : index
          %get3A_909 = tpu.vector_load %arg12[%get3A_907, %get3A_908] {strides = array<i32>} : memref<128x128xf32, #tpu.memory_space<vmem>>, vector<16xf32>,
          %mul3A_910 = arith.mulf %get3A_909, %gather3A_855 : vector<16xf32>
          %swap3A_911 = arith.index_cast %add3A_857 : i32 to index
          %swap3A_912 = arith.constant 112 : index
          %swap3A_913 = tpu.vector_load %arg12[%swap3A_911, %swap3A_912] {strides = array<i32>} : memref<128x128xf32, #tpu.memory_space<vmem>>, vector<16xf32>,
          tpu.vector_store %arg12[%swap3A_911, %swap3A_912], %mul3A_910 {strides = array<i32>} : memref<128x128xf32, #tpu.memory_space<vmem>>, vector<16xf32>,
          %broadcast_in_dim3A_914 = arith.constant 11 : i32
          %broadcast_in_dim3A_915 = vector.broadcast %broadcast_in_dim3A_914 : i32 to vector<16xi32>
          %lt3A_916 = arith.constant 0 : i32
          %lt3A_917 = vector.broadcast %lt3A_916 : i32 to vector<16xi32>
          %lt3A_918 = arith.cmpi slt, %broadcast_in_dim3A_915, %lt3A_917 : vector<16xi32>
          %add3A_919 = arith.constant 16 : i32
          %add3A_920 = vector.broadcast %add3A_919 : i32 to vector<16xi32>
          %add3A_921 = arith.addi %broadcast_in_dim3A_915, %add3A_920 : vector<16xi32>
          %select_n3A_922 = arith.select %lt3A_918, %add3A_921, %broadcast_in_dim3A_915 : vector<16xi1>, vector<16xi32>
          %broadcast_in_dim3A_923 = vector.shape_cast %select_n3A_922 : vector<16xi32> to vector<16x1xi32>
          %gather3A_924 = vector.shape_cast %broadcast_in_dim3A_923 : vector<16x1xi32> to vector<16xi32>
          %gather3A_925 = tpu.dynamic_gather %get3A_146[%gather3A_924] in [0] : vector<16xf32>, vector<16xi32> -> vector<16xf32>
          %add3A_926 = arith.constant 11 : i32
          %add3A_927 = arith.addi %add3A_143, %add3A_926 : i32
          %get3A_928 = arith.index_cast %add3A_927 : i32 to index
          %get3A_929 = arith.constant 0 : index
          %get3A_930 = tpu.vector_load %arg12[%get3A_928, %get3A_929] {strides = array<i32>} : memref<128x128xf32, #tpu.memory_space<vmem>>, vector<16xf32>,
          %mul3A_931 = arith.mulf %get3A_930, %gather3A_925 : vector<16xf32>
          %swap3A_932 = arith.index_cast %add3A_927 : i32 to index
          %swap3A_933 = arith.constant 0 : index
          %swap3A_934 = tpu.vector_load %arg12[%swap3A_932, %swap3A_933] {strides = array<i32>} : memref<128x128xf32, #tpu.memory_space<vmem>>, vector<16xf32>,
          tpu.vector_store %arg12[%swap3A_932, %swap3A_933], %mul3A_931 {strides = array<i32>} : memref<128x128xf32, #tpu.memory_space<vmem>>, vector<16xf32>,
          %get3A_935 = arith.index_cast %add3A_927 : i32 to index
          %get3A_936 = arith.constant 16 : index
          %get3A_937 = tpu.vector_load %arg12[%get3A_935, %get3A_936] {strides = array<i32>} : memref<128x128xf32, #tpu.memory_space<vmem>>, vector<16xf32>,
          %mul3A_938 = arith.mulf %get3A_937, %gather3A_925 : vector<16xf32>
          %swap3A_939 = arith.index_cast %add3A_927 : i32 to index
          %swap3A_940 = arith.constant 16 : index
          %swap3A_941 = tpu.vector_load %arg12[%swap3A_939, %swap3A_940] {strides = array<i32>} : memref<128x128xf32, #tpu.memory_space<vmem>>, vector<16xf32>,
          tpu.vector_store %arg12[%swap3A_939, %swap3A_940], %mul3A_938 {strides = array<i32>} : memref<128x128xf32, #tpu.memory_space<vmem>>, vector<16xf32>,
          %get3A_942 = arith.index_cast %add3A_927 : i32 to index
          %get3A_943 = arith.constant 32 : index
          %get3A_944 = tpu.vector_load %arg12[%get3A_942, %get3A_943] {strides = array<i32>} : memref<128x128xf32, #tpu.memory_space<vmem>>, vector<16xf32>,
          %mul3A_945 = arith.mulf %get3A_944, %gather3A_925 : vector<16xf32>
          %swap3A_946 = arith.index_cast %add3A_927 : i32 to index
          %swap3A_947 = arith.constant 32 : index
          %swap3A_948 = tpu.vector_load %arg12[%swap3A_946, %swap3A_947] {strides = array<i32>} : memref<128x128xf32, #tpu.memory_space<vmem>>, vector<16xf32>,
          tpu.vector_store %arg12[%swap3A_946, %swap3A_947], %mul3A_945 {strides = array<i32>} : memref<128x128xf32, #tpu.memory_space<vmem>>, vector<16xf32>,
          %get3A_949 = arith.index_cast %add3A_927 : i32 to index
          %get3A_950 = arith.constant 48 : index
          %get3A_951 = tpu.vector_load %arg12[%get3A_949, %get3A_950] {strides = array<i32>} : memref<128x128xf32, #tpu.memory_space<vmem>>, vector<16xf32>,
          %mul3A_952 = arith.mulf %get3A_951, %gather3A_925 : vector<16xf32>
          %swap3A_953 = arith.index_cast %add3A_927 : i32 to index
          %swap3A_954 = arith.constant 48 : index
          %swap3A_955 = tpu.vector_load %arg12[%swap3A_953, %swap3A_954] {strides = array<i32>} : memref<128x128xf32, #tpu.memory_space<vmem>>, vector<16xf32>,
          tpu.vector_store %arg12[%swap3A_953, %swap3A_954], %mul3A_952 {strides = array<i32>} : memref<128x128xf32, #tpu.memory_space<vmem>>, vector<16xf32>,
          %get3A_956 = arith.index_cast %add3A_927 : i32 to index
          %get3A_957 = arith.constant 64 : index
          %get3A_958 = tpu.vector_load %arg12[%get3A_956, %get3A_957] {strides = array<i32>} : memref<128x128xf32, #tpu.memory_space<vmem>>, vector<16xf32>,
          %mul3A_959 = arith.mulf %get3A_958, %gather3A_925 : vector<16xf32>
          %swap3A_960 = arith.index_cast %add3A_927 : i32 to index
          %swap3A_961 = arith.constant 64 : index
          %swap3A_962 = tpu.vector_load %arg12[%swap3A_960, %swap3A_961] {strides = array<i32>} : memref<128x128xf32, #tpu.memory_space<vmem>>, vector<16xf32>,
          tpu.vector_store %arg12[%swap3A_960, %swap3A_961], %mul3A_959 {strides = array<i32>} : memref<128x128xf32, #tpu.memory_space<vmem>>, vector<16xf32>,
          %get3A_963 = arith.index_cast %add3A_927 : i32 to index
          %get3A_964 = arith.constant 80 : index
          %get3A_965 = tpu.vector_load %arg12[%get3A_963, %get3A_964] {strides = array<i32>} : memref<128x128xf32, #tpu.memory_space<vmem>>, vector<16xf32>,
          %mul3A_966 = arith.mulf %get3A_965, %gather3A_925 : vector<16xf32>
          %swap3A_967 = arith.index_cast %add3A_927 : i32 to index
          %swap3A_968 = arith.constant 80 : index
          %swap3A_969 = tpu.vector_load %arg12[%swap3A_967, %swap3A_968] {strides = array<i32>} : memref<128x128xf32, #tpu.memory_space<vmem>>, vector<16xf32>,
          tpu.vector_store %arg12[%swap3A_967, %swap3A_968], %mul3A_966 {strides = array<i32>} : memref<128x128xf32, #tpu.memory_space<vmem>>, vector<16xf32>,
          %get3A_970 = arith.index_cast %add3A_927 : i32 to index
          %get3A_971 = arith.constant 96 : index
          %get3A_972 = tpu.vector_load %arg12[%get3A_970, %get3A_971] {strides = array<i32>} : memref<128x128xf32, #tpu.memory_space<vmem>>, vector<16xf32>,
          %mul3A_973 = arith.mulf %get3A_972, %gather3A_925 : vector<16xf32>
          %swap3A_974 = arith.index_cast %add3A_927 : i32 to index
          %swap3A_975 = arith.constant 96 : index
          %swap3A_976 = tpu.vector_load %arg12[%swap3A_974, %swap3A_975] {strides = array<i32>} : memref<128x128xf32, #tpu.memory_space<vmem>>, vector<16xf32>,
          tpu.vector_store %arg12[%swap3A_974, %swap3A_975], %mul3A_973 {strides = array<i32>} : memref<128x128xf32, #tpu.memory_space<vmem>>, vector<16xf32>,
          %get3A_977 = arith.index_cast %add3A_927 : i32 to index
          %get3A_978 = arith.constant 112 : index
          %get3A_979 = tpu.vector_load %arg12[%get3A_977, %get3A_978] {strides = array<i32>} : memref<128x128xf32, #tpu.memory_space<vmem>>, vector<16xf32>,
          %mul3A_980 = arith.mulf %get3A_979, %gather3A_925 : vector<16xf32>
          %swap3A_981 = arith.index_cast %add3A_927 : i32 to index
          %swap3A_982 = arith.constant 112 : index
          %swap3A_983 = tpu.vector_load %arg12[%swap3A_981, %swap3A_982] {strides = array<i32>} : memref<128x128xf32, #tpu.memory_space<vmem>>, vector<16xf32>,
          tpu.vector_store %arg12[%swap3A_981, %swap3A_982], %mul3A_980 {strides = array<i32>} : memref<128x128xf32, #tpu.memory_space<vmem>>, vector<16xf32>,
          %broadcast_in_dim3A_984 = arith.constant 12 : i32
          %broadcast_in_dim3A_985 = vector.broadcast %broadcast_in_dim3A_984 : i32 to vector<16xi32>
          %lt3A_986 = arith.constant 0 : i32
          %lt3A_987 = vector.broadcast %lt3A_986 : i32 to vector<16xi32>
          %lt3A_988 = arith.cmpi slt, %broadcast_in_dim3A_985, %lt3A_987 : vector<16xi32>
          %add3A_989 = arith.constant 16 : i32
          %add3A_990 = vector.broadcast %add3A_989 : i32 to vector<16xi32>
          %add3A_991 = arith.addi %broadcast_in_dim3A_985, %add3A_990 : vector<16xi32>
          %select_n3A_992 = arith.select %lt3A_988, %add3A_991, %broadcast_in_dim3A_985 : vector<16xi1>, vector<16xi32>
          %broadcast_in_dim3A_993 = vector.shape_cast %select_n3A_992 : vector<16xi32> to vector<16x1xi32>
          %gather3A_994 = vector.shape_cast %broadcast_in_dim3A_993 : vector<16x1xi32> to vector<16xi32>
          %gather3A_995 = tpu.dynamic_gather %get3A_146[%gather3A_994] in [0] : vector<16xf32>, vector<16xi32> -> vector<16xf32>
          %add3A_996 = arith.constant 12 : i32
          %add3A_997 = arith.addi %add3A_143, %add3A_996 : i32
          %get3A_998 = arith.index_cast %add3A_997 : i32 to index
          %get3A_999 = arith.constant 0 : index
          %get3A_1000 = tpu.vector_load %arg12[%get3A_998, %get3A_999] {strides = array<i32>} : memref<128x128xf32, #tpu.memory_space<vmem>>, vector<16xf32>,
          %mul3A_1001 = arith.mulf %get3A_1000, %gather3A_995 : vector<16xf32>
          %swap3A_1002 = arith.index_cast %add3A_997 : i32 to index
          %swap3A_1003 = arith.constant 0 : index
          %swap3A_1004 = tpu.vector_load %arg12[%swap3A_1002, %swap3A_1003] {strides = array<i32>} : memref<128x128xf32, #tpu.memory_space<vmem>>, vector<16xf32>,
          tpu.vector_store %arg12[%swap3A_1002, %swap3A_1003], %mul3A_1001 {strides = array<i32>} : memref<128x128xf32, #tpu.memory_space<vmem>>, vector<16xf32>,
          %get3A_1005 = arith.index_cast %add3A_997 : i32 to index
          %get3A_1006 = arith.constant 16 : index
          %get3A_1007 = tpu.vector_load %arg12[%get3A_1005, %get3A_1006] {strides = array<i32>} : memref<128x128xf32, #tpu.memory_space<vmem>>, vector<16xf32>,
          %mul3A_1008 = arith.mulf %get3A_1007, %gather3A_995 : vector<16xf32>
          %swap3A_1009 = arith.index_cast %add3A_997 : i32 to index
          %swap3A_1010 = arith.constant 16 : index
          %swap3A_1011 = tpu.vector_load %arg12[%swap3A_1009, %swap3A_1010] {strides = array<i32>} : memref<128x128xf32, #tpu.memory_space<vmem>>, vector<16xf32>,
          tpu.vector_store %arg12[%swap3A_1009, %swap3A_1010], %mul3A_1008 {strides = array<i32>} : memref<128x128xf32, #tpu.memory_space<vmem>>, vector<16xf32>,
          %get3A_1012 = arith.index_cast %add3A_997 : i32 to index
          %get3A_1013 = arith.constant 32 : index
          %get3A_1014 = tpu.vector_load %arg12[%get3A_1012, %get3A_1013] {strides = array<i32>} : memref<128x128xf32, #tpu.memory_space<vmem>>, vector<16xf32>,
          %mul3A_1015 = arith.mulf %get3A_1014, %gather3A_995 : vector<16xf32>
          %swap3A_1016 = arith.index_cast %add3A_997 : i32 to index
          %swap3A_1017 = arith.constant 32 : index
          %swap3A_1018 = tpu.vector_load %arg12[%swap3A_1016, %swap3A_1017] {strides = array<i32>} : memref<128x128xf32, #tpu.memory_space<vmem>>, vector<16xf32>,
          tpu.vector_store %arg12[%swap3A_1016, %swap3A_1017], %mul3A_1015 {strides = array<i32>} : memref<128x128xf32, #tpu.memory_space<vmem>>, vector<16xf32>,
          %get3A_1019 = arith.index_cast %add3A_997 : i32 to index
          %get3A_1020 = arith.constant 48 : index
          %get3A_1021 = tpu.vector_load %arg12[%get3A_1019, %get3A_1020] {strides = array<i32>} : memref<128x128xf32, #tpu.memory_space<vmem>>, vector<16xf32>,
          %mul3A_1022 = arith.mulf %get3A_1021, %gather3A_995 : vector<16xf32>
          %swap3A_1023 = arith.index_cast %add3A_997 : i32 to index
          %swap3A_1024 = arith.constant 48 : index
          %swap3A_1025 = tpu.vector_load %arg12[%swap3A_1023, %swap3A_1024] {strides = array<i32>} : memref<128x128xf32, #tpu.memory_space<vmem>>, vector<16xf32>,
          tpu.vector_store %arg12[%swap3A_1023, %swap3A_1024], %mul3A_1022 {strides = array<i32>} : memref<128x128xf32, #tpu.memory_space<vmem>>, vector<16xf32>,
          %get3A_1026 = arith.index_cast %add3A_997 : i32 to index
          %get3A_1027 = arith.constant 64 : index
          %get3A_1028 = tpu.vector_load %arg12[%get3A_1026, %get3A_1027] {strides = array<i32>} : memref<128x128xf32, #tpu.memory_space<vmem>>, vector<16xf32>,
          %mul3A_1029 = arith.mulf %get3A_1028, %gather3A_995 : vector<16xf32>
          %swap3A_1030 = arith.index_cast %add3A_997 : i32 to index
          %swap3A_1031 = arith.constant 64 : index
          %swap3A_1032 = tpu.vector_load %arg12[%swap3A_1030, %swap3A_1031] {strides = array<i32>} : memref<128x128xf32, #tpu.memory_space<vmem>>, vector<16xf32>,
          tpu.vector_store %arg12[%swap3A_1030, %swap3A_1031], %mul3A_1029 {strides = array<i32>} : memref<128x128xf32, #tpu.memory_space<vmem>>, vector<16xf32>,
          %get3A_1033 = arith.index_cast %add3A_997 : i32 to index
          %get3A_1034 = arith.constant 80 : index
          %get3A_1035 = tpu.vector_load %arg12[%get3A_1033, %get3A_1034] {strides = array<i32>} : memref<128x128xf32, #tpu.memory_space<vmem>>, vector<16xf32>,
          %mul3A_1036 = arith.mulf %get3A_1035, %gather3A_995 : vector<16xf32>
          %swap3A_1037 = arith.index_cast %add3A_997 : i32 to index
          %swap3A_1038 = arith.constant 80 : index
          %swap3A_1039 = tpu.vector_load %arg12[%swap3A_1037, %swap3A_1038] {strides = array<i32>} : memref<128x128xf32, #tpu.memory_space<vmem>>, vector<16xf32>,
          tpu.vector_store %arg12[%swap3A_1037, %swap3A_1038], %mul3A_1036 {strides = array<i32>} : memref<128x128xf32, #tpu.memory_space<vmem>>, vector<16xf32>,
          %get3A_1040 = arith.index_cast %add3A_997 : i32 to index
          %get3A_1041 = arith.constant 96 : index
          %get3A_1042 = tpu.vector_load %arg12[%get3A_1040, %get3A_1041] {strides = array<i32>} : memref<128x128xf32, #tpu.memory_space<vmem>>, vector<16xf32>,
          %mul3A_1043 = arith.mulf %get3A_1042, %gather3A_995 : vector<16xf32>
          %swap3A_1044 = arith.index_cast %add3A_997 : i32 to index
          %swap3A_1045 = arith.constant 96 : index
          %swap3A_1046 = tpu.vector_load %arg12[%swap3A_1044, %swap3A_1045] {strides = array<i32>} : memref<128x128xf32, #tpu.memory_space<vmem>>, vector<16xf32>,
          tpu.vector_store %arg12[%swap3A_1044, %swap3A_1045], %mul3A_1043 {strides = array<i32>} : memref<128x128xf32, #tpu.memory_space<vmem>>, vector<16xf32>,
          %get3A_1047 = arith.index_cast %add3A_997 : i32 to index
          %get3A_1048 = arith.constant 112 : index
          %get3A_1049 = tpu.vector_load %arg12[%get3A_1047, %get3A_1048] {strides = array<i32>} : memref<128x128xf32, #tpu.memory_space<vmem>>, vector<16xf32>,
          %mul3A_1050 = arith.mulf %get3A_1049, %gather3A_995 : vector<16xf32>
          %swap3A_1051 = arith.index_cast %add3A_997 : i32 to index
          %swap3A_1052 = arith.constant 112 : index
          %swap3A_1053 = tpu.vector_load %arg12[%swap3A_1051, %swap3A_1052] {strides = array<i32>} : memref<128x128xf32, #tpu.memory_space<vmem>>, vector<16xf32>,
          tpu.vector_store %arg12[%swap3A_1051, %swap3A_1052], %mul3A_1050 {strides = array<i32>} : memref<128x128xf32, #tpu.memory_space<vmem>>, vector<16xf32>,
          %broadcast_in_dim3A_1054 = arith.constant 13 : i32
          %broadcast_in_dim3A_1055 = vector.broadcast %broadcast_in_dim3A_1054 : i32 to vector<16xi32>
          %lt3A_1056 = arith.constant 0 : i32
          %lt3A_1057 = vector.broadcast %lt3A_1056 : i32 to vector<16xi32>
          %lt3A_1058 = arith.cmpi slt, %broadcast_in_dim3A_1055, %lt3A_1057 : vector<16xi32>
          %add3A_1059 = arith.constant 16 : i32
          %add3A_1060 = vector.broadcast %add3A_1059 : i32 to vector<16xi32>
          %add3A_1061 = arith.addi %broadcast_in_dim3A_1055, %add3A_1060 : vector<16xi32>
          %select_n3A_1062 = arith.select %lt3A_1058, %add3A_1061, %broadcast_in_dim3A_1055 : vector<16xi1>, vector<16xi32>
          %broadcast_in_dim3A_1063 = vector.shape_cast %select_n3A_1062 : vector<16xi32> to vector<16x1xi32>
          %gather3A_1064 = vector.shape_cast %broadcast_in_dim3A_1063 : vector<16x1xi32> to vector<16xi32>
          %gather3A_1065 = tpu.dynamic_gather %get3A_146[%gather3A_1064] in [0] : vector<16xf32>, vector<16xi32> -> vector<16xf32>
          %add3A_1066 = arith.constant 13 : i32
          %add3A_1067 = arith.addi %add3A_143, %add3A_1066 : i32
          %get3A_1068 = arith.index_cast %add3A_1067 : i32 to index
          %get3A_1069 = arith.constant 0 : index
          %get3A_1070 = tpu.vector_load %arg12[%get3A_1068, %get3A_1069] {strides = array<i32>} : memref<128x128xf32, #tpu.memory_space<vmem>>, vector<16xf32>,
          %mul3A_1071 = arith.mulf %get3A_1070, %gather3A_1065 : vector<16xf32>
          %swap3A_1072 = arith.index_cast %add3A_1067 : i32 to index
          %swap3A_1073 = arith.constant 0 : index
          %swap3A_1074 = tpu.vector_load %arg12[%swap3A_1072, %swap3A_1073] {strides = array<i32>} : memref<128x128xf32, #tpu.memory_space<vmem>>, vector<16xf32>,
          tpu.vector_store %arg12[%swap3A_1072, %swap3A_1073], %mul3A_1071 {strides = array<i32>} : memref<128x128xf32, #tpu.memory_space<vmem>>, vector<16xf32>,
          %get3A_1075 = arith.index_cast %add3A_1067 : i32 to index
          %get3A_1076 = arith.constant 16 : index
          %get3A_1077 = tpu.vector_load %arg12[%get3A_1075, %get3A_1076] {strides = array<i32>} : memref<128x128xf32, #tpu.memory_space<vmem>>, vector<16xf32>,
          %mul3A_1078 = arith.mulf %get3A_1077, %gather3A_1065 : vector<16xf32>
          %swap3A_1079 = arith.index_cast %add3A_1067 : i32 to index
          %swap3A_1080 = arith.constant 16 : index
          %swap3A_1081 = tpu.vector_load %arg12[%swap3A_1079, %swap3A_1080] {strides = array<i32>} : memref<128x128xf32, #tpu.memory_space<vmem>>, vector<16xf32>,
          tpu.vector_store %arg12[%swap3A_1079, %swap3A_1080], %mul3A_1078 {strides = array<i32>} : memref<128x128xf32, #tpu.memory_space<vmem>>, vector<16xf32>,
          %get3A_1082 = arith.index_cast %add3A_1067 : i32 to index
          %get3A_1083 = arith.constant 32 : index
          %get3A_1084 = tpu.vector_load %arg12[%get3A_1082, %get3A_1083] {strides = array<i32>} : memref<128x128xf32, #tpu.memory_space<vmem>>, vector<16xf32>,
          %mul3A_1085 = arith.mulf %get3A_1084, %gather3A_1065 : vector<16xf32>
          %swap3A_1086 = arith.index_cast %add3A_1067 : i32 to index
          %swap3A_1087 = arith.constant 32 : index
          %swap3A_1088 = tpu.vector_load %arg12[%swap3A_1086, %swap3A_1087] {strides = array<i32>} : memref<128x128xf32, #tpu.memory_space<vmem>>, vector<16xf32>,
          tpu.vector_store %arg12[%swap3A_1086, %swap3A_1087], %mul3A_1085 {strides = array<i32>} : memref<128x128xf32, #tpu.memory_space<vmem>>, vector<16xf32>,
          %get3A_1089 = arith.index_cast %add3A_1067 : i32 to index
          %get3A_1090 = arith.constant 48 : index
          %get3A_1091 = tpu.vector_load %arg12[%get3A_1089, %get3A_1090] {strides = array<i32>} : memref<128x128xf32, #tpu.memory_space<vmem>>, vector<16xf32>,
          %mul3A_1092 = arith.mulf %get3A_1091, %gather3A_1065 : vector<16xf32>
          %swap3A_1093 = arith.index_cast %add3A_1067 : i32 to index
          %swap3A_1094 = arith.constant 48 : index
          %swap3A_1095 = tpu.vector_load %arg12[%swap3A_1093, %swap3A_1094] {strides = array<i32>} : memref<128x128xf32, #tpu.memory_space<vmem>>, vector<16xf32>,
          tpu.vector_store %arg12[%swap3A_1093, %swap3A_1094], %mul3A_1092 {strides = array<i32>} : memref<128x128xf32, #tpu.memory_space<vmem>>, vector<16xf32>,
          %get3A_1096 = arith.index_cast %add3A_1067 : i32 to index
          %get3A_1097 = arith.constant 64 : index
          %get3A_1098 = tpu.vector_load %arg12[%get3A_1096, %get3A_1097] {strides = array<i32>} : memref<128x128xf32, #tpu.memory_space<vmem>>, vector<16xf32>,
          %mul3A_1099 = arith.mulf %get3A_1098, %gather3A_1065 : vector<16xf32>
          %swap3A_1100 = arith.index_cast %add3A_1067 : i32 to index
          %swap3A_1101 = arith.constant 64 : index
          %swap3A_1102 = tpu.vector_load %arg12[%swap3A_1100, %swap3A_1101] {strides = array<i32>} : memref<128x128xf32, #tpu.memory_space<vmem>>, vector<16xf32>,
          tpu.vector_store %arg12[%swap3A_1100, %swap3A_1101], %mul3A_1099 {strides = array<i32>} : memref<128x128xf32, #tpu.memory_space<vmem>>, vector<16xf32>,
          %get3A_1103 = arith.index_cast %add3A_1067 : i32 to index
          %get3A_1104 = arith.constant 80 : index
          %get3A_1105 = tpu.vector_load %arg12[%get3A_1103, %get3A_1104] {strides = array<i32>} : memref<128x128xf32, #tpu.memory_space<vmem>>, vector<16xf32>,
          %mul3A_1106 = arith.mulf %get3A_1105, %gather3A_1065 : vector<16xf32>
          %swap3A_1107 = arith.index_cast %add3A_1067 : i32 to index
          %swap3A_1108 = arith.constant 80 : index
          %swap3A_1109 = tpu.vector_load %arg12[%swap3A_1107, %swap3A_1108] {strides = array<i32>} : memref<128x128xf32, #tpu.memory_space<vmem>>, vector<16xf32>,
          tpu.vector_store %arg12[%swap3A_1107, %swap3A_1108], %mul3A_1106 {strides = array<i32>} : memref<128x128xf32, #tpu.memory_space<vmem>>, vector<16xf32>,
          %get3A_1110 = arith.index_cast %add3A_1067 : i32 to index
          %get3A_1111 = arith.constant 96 : index
          %get3A_1112 = tpu.vector_load %arg12[%get3A_1110, %get3A_1111] {strides = array<i32>} : memref<128x128xf32, #tpu.memory_space<vmem>>, vector<16xf32>,
          %mul3A_1113 = arith.mulf %get3A_1112, %gather3A_1065 : vector<16xf32>
          %swap3A_1114 = arith.index_cast %add3A_1067 : i32 to index
          %swap3A_1115 = arith.constant 96 : index
          %swap3A_1116 = tpu.vector_load %arg12[%swap3A_1114, %swap3A_1115] {strides = array<i32>} : memref<128x128xf32, #tpu.memory_space<vmem>>, vector<16xf32>,
          tpu.vector_store %arg12[%swap3A_1114, %swap3A_1115], %mul3A_1113 {strides = array<i32>} : memref<128x128xf32, #tpu.memory_space<vmem>>, vector<16xf32>,
          %get3A_1117 = arith.index_cast %add3A_1067 : i32 to index
          %get3A_1118 = arith.constant 112 : index
          %get3A_1119 = tpu.vector_load %arg12[%get3A_1117, %get3A_1118] {strides = array<i32>} : memref<128x128xf32, #tpu.memory_space<vmem>>, vector<16xf32>,
          %mul3A_1120 = arith.mulf %get3A_1119, %gather3A_1065 : vector<16xf32>
          %swap3A_1121 = arith.index_cast %add3A_1067 : i32 to index
          %swap3A_1122 = arith.constant 112 : index
          %swap3A_1123 = tpu.vector_load %arg12[%swap3A_1121, %swap3A_1122] {strides = array<i32>} : memref<128x128xf32, #tpu.memory_space<vmem>>, vector<16xf32>,
          tpu.vector_store %arg12[%swap3A_1121, %swap3A_1122], %mul3A_1120 {strides = array<i32>} : memref<128x128xf32, #tpu.memory_space<vmem>>, vector<16xf32>,
          %broadcast_in_dim3A_1124 = arith.constant 14 : i32
          %broadcast_in_dim3A_1125 = vector.broadcast %broadcast_in_dim3A_1124 : i32 to vector<16xi32>
          %lt3A_1126 = arith.constant 0 : i32
          %lt3A_1127 = vector.broadcast %lt3A_1126 : i32 to vector<16xi32>
          %lt3A_1128 = arith.cmpi slt, %broadcast_in_dim3A_1125, %lt3A_1127 : vector<16xi32>
          %add3A_1129 = arith.constant 16 : i32
          %add3A_1130 = vector.broadcast %add3A_1129 : i32 to vector<16xi32>
          %add3A_1131 = arith.addi %broadcast_in_dim3A_1125, %add3A_1130 : vector<16xi32>
          %select_n3A_1132 = arith.select %lt3A_1128, %add3A_1131, %broadcast_in_dim3A_1125 : vector<16xi1>, vector<16xi32>
          %broadcast_in_dim3A_1133 = vector.shape_cast %select_n3A_1132 : vector<16xi32> to vector<16x1xi32>
          %gather3A_1134 = vector.shape_cast %broadcast_in_dim3A_1133 : vector<16x1xi32> to vector<16xi32>
          %gather3A_1135 = tpu.dynamic_gather %get3A_146[%gather3A_1134] in [0] : vector<16xf32>, vector<16xi32> -> vector<16xf32>
          %add3A_1136 = arith.constant 14 : i32
          %add3A_1137 = arith.addi %add3A_143, %add3A_1136 : i32
          %get3A_1138 = arith.index_cast %add3A_1137 : i32 to index
          %get3A_1139 = arith.constant 0 : index
          %get3A_1140 = tpu.vector_load %arg12[%get3A_1138, %get3A_1139] {strides = array<i32>} : memref<128x128xf32, #tpu.memory_space<vmem>>, vector<16xf32>,
          %mul3A_1141 = arith.mulf %get3A_1140, %gather3A_1135 : vector<16xf32>
          %swap3A_1142 = arith.index_cast %add3A_1137 : i32 to index
          %swap3A_1143 = arith.constant 0 : index
          %swap3A_1144 = tpu.vector_load %arg12[%swap3A_1142, %swap3A_1143] {strides = array<i32>} : memref<128x128xf32, #tpu.memory_space<vmem>>, vector<16xf32>,
          tpu.vector_store %arg12[%swap3A_1142, %swap3A_1143], %mul3A_1141 {strides = array<i32>} : memref<128x128xf32, #tpu.memory_space<vmem>>, vector<16xf32>,
          %get3A_1145 = arith.index_cast %add3A_1137 : i32 to index
          %get3A_1146 = arith.constant 16 : index
          %get3A_1147 = tpu.vector_load %arg12[%get3A_1145, %get3A_1146] {strides = array<i32>} : memref<128x128xf32, #tpu.memory_space<vmem>>, vector<16xf32>,
          %mul3A_1148 = arith.mulf %get3A_1147, %gather3A_1135 : vector<16xf32>
          %swap3A_1149 = arith.index_cast %add3A_1137 : i32 to index
          %swap3A_1150 = arith.constant 16 : index
          %swap3A_1151 = tpu.vector_load %arg12[%swap3A_1149, %swap3A_1150] {strides = array<i32>} : memref<128x128xf32, #tpu.memory_space<vmem>>, vector<16xf32>,
          tpu.vector_store %arg12[%swap3A_1149, %swap3A_1150], %mul3A_1148 {strides = array<i32>} : memref<128x128xf32, #tpu.memory_space<vmem>>, vector<16xf32>,
          %get3A_1152 = arith.index_cast %add3A_1137 : i32 to index
          %get3A_1153 = arith.constant 32 : index
          %get3A_1154 = tpu.vector_load %arg12[%get3A_1152, %get3A_1153] {strides = array<i32>} : memref<128x128xf32, #tpu.memory_space<vmem>>, vector<16xf32>,
          %mul3A_1155 = arith.mulf %get3A_1154, %gather3A_1135 : vector<16xf32>
          %swap3A_1156 = arith.index_cast %add3A_1137 : i32 to index
          %swap3A_1157 = arith.constant 32 : index
          %swap3A_1158 = tpu.vector_load %arg12[%swap3A_1156, %swap3A_1157] {strides = array<i32>} : memref<128x128xf32, #tpu.memory_space<vmem>>, vector<16xf32>,
          tpu.vector_store %arg12[%swap3A_1156, %swap3A_1157], %mul3A_1155 {strides = array<i32>} : memref<128x128xf32, #tpu.memory_space<vmem>>, vector<16xf32>,
          %get3A_1159 = arith.index_cast %add3A_1137 : i32 to index
          %get3A_1160 = arith.constant 48 : index
          %get3A_1161 = tpu.vector_load %arg12[%get3A_1159, %get3A_1160] {strides = array<i32>} : memref<128x128xf32, #tpu.memory_space<vmem>>, vector<16xf32>,
          %mul3A_1162 = arith.mulf %get3A_1161, %gather3A_1135 : vector<16xf32>
          %swap3A_1163 = arith.index_cast %add3A_1137 : i32 to index
          %swap3A_1164 = arith.constant 48 : index
          %swap3A_1165 = tpu.vector_load %arg12[%swap3A_1163, %swap3A_1164] {strides = array<i32>} : memref<128x128xf32, #tpu.memory_space<vmem>>, vector<16xf32>,
          tpu.vector_store %arg12[%swap3A_1163, %swap3A_1164], %mul3A_1162 {strides = array<i32>} : memref<128x128xf32, #tpu.memory_space<vmem>>, vector<16xf32>,
          %get3A_1166 = arith.index_cast %add3A_1137 : i32 to index
          %get3A_1167 = arith.constant 64 : index
          %get3A_1168 = tpu.vector_load %arg12[%get3A_1166, %get3A_1167] {strides = array<i32>} : memref<128x128xf32, #tpu.memory_space<vmem>>, vector<16xf32>,
          %mul3A_1169 = arith.mulf %get3A_1168, %gather3A_1135 : vector<16xf32>
          %swap3A_1170 = arith.index_cast %add3A_1137 : i32 to index
          %swap3A_1171 = arith.constant 64 : index
          %swap3A_1172 = tpu.vector_load %arg12[%swap3A_1170, %swap3A_1171] {strides = array<i32>} : memref<128x128xf32, #tpu.memory_space<vmem>>, vector<16xf32>,
          tpu.vector_store %arg12[%swap3A_1170, %swap3A_1171], %mul3A_1169 {strides = array<i32>} : memref<128x128xf32, #tpu.memory_space<vmem>>, vector<16xf32>,
          %get3A_1173 = arith.index_cast %add3A_1137 : i32 to index
          %get3A_1174 = arith.constant 80 : index
          %get3A_1175 = tpu.vector_load %arg12[%get3A_1173, %get3A_1174] {strides = array<i32>} : memref<128x128xf32, #tpu.memory_space<vmem>>, vector<16xf32>,
          %mul3A_1176 = arith.mulf %get3A_1175, %gather3A_1135 : vector<16xf32>
          %swap3A_1177 = arith.index_cast %add3A_1137 : i32 to index
          %swap3A_1178 = arith.constant 80 : index
          %swap3A_1179 = tpu.vector_load %arg12[%swap3A_1177, %swap3A_1178] {strides = array<i32>} : memref<128x128xf32, #tpu.memory_space<vmem>>, vector<16xf32>,
          tpu.vector_store %arg12[%swap3A_1177, %swap3A_1178], %mul3A_1176 {strides = array<i32>} : memref<128x128xf32, #tpu.memory_space<vmem>>, vector<16xf32>,
          %get3A_1180 = arith.index_cast %add3A_1137 : i32 to index
          %get3A_1181 = arith.constant 96 : index
          %get3A_1182 = tpu.vector_load %arg12[%get3A_1180, %get3A_1181] {strides = array<i32>} : memref<128x128xf32, #tpu.memory_space<vmem>>, vector<16xf32>,
          %mul3A_1183 = arith.mulf %get3A_1182, %gather3A_1135 : vector<16xf32>
          %swap3A_1184 = arith.index_cast %add3A_1137 : i32 to index
          %swap3A_1185 = arith.constant 96 : index
          %swap3A_1186 = tpu.vector_load %arg12[%swap3A_1184, %swap3A_1185] {strides = array<i32>} : memref<128x128xf32, #tpu.memory_space<vmem>>, vector<16xf32>,
          tpu.vector_store %arg12[%swap3A_1184, %swap3A_1185], %mul3A_1183 {strides = array<i32>} : memref<128x128xf32, #tpu.memory_space<vmem>>, vector<16xf32>,
          %get3A_1187 = arith.index_cast %add3A_1137 : i32 to index
          %get3A_1188 = arith.constant 112 : index
          %get3A_1189 = tpu.vector_load %arg12[%get3A_1187, %get3A_1188] {strides = array<i32>} : memref<128x128xf32, #tpu.memory_space<vmem>>, vector<16xf32>,
          %mul3A_1190 = arith.mulf %get3A_1189, %gather3A_1135 : vector<16xf32>
          %swap3A_1191 = arith.index_cast %add3A_1137 : i32 to index
          %swap3A_1192 = arith.constant 112 : index
          %swap3A_1193 = tpu.vector_load %arg12[%swap3A_1191, %swap3A_1192] {strides = array<i32>} : memref<128x128xf32, #tpu.memory_space<vmem>>, vector<16xf32>,
          tpu.vector_store %arg12[%swap3A_1191, %swap3A_1192], %mul3A_1190 {strides = array<i32>} : memref<128x128xf32, #tpu.memory_space<vmem>>, vector<16xf32>,
          %broadcast_in_dim3A_1194 = arith.constant 15 : i32
          %broadcast_in_dim3A_1195 = vector.broadcast %broadcast_in_dim3A_1194 : i32 to vector<16xi32>
          %lt3A_1196 = arith.constant 0 : i32
          %lt3A_1197 = vector.broadcast %lt3A_1196 : i32 to vector<16xi32>
          %lt3A_1198 = arith.cmpi slt, %broadcast_in_dim3A_1195, %lt3A_1197 : vector<16xi32>
          %add3A_1199 = arith.constant 16 : i32
          %add3A_1200 = vector.broadcast %add3A_1199 : i32 to vector<16xi32>
          %add3A_1201 = arith.addi %broadcast_in_dim3A_1195, %add3A_1200 : vector<16xi32>
          %select_n3A_1202 = arith.select %lt3A_1198, %add3A_1201, %broadcast_in_dim3A_1195 : vector<16xi1>, vector<16xi32>
          %broadcast_in_dim3A_1203 = vector.shape_cast %select_n3A_1202 : vector<16xi32> to vector<16x1xi32>
          %gather3A_1204 = vector.shape_cast %broadcast_in_dim3A_1203 : vector<16x1xi32> to vector<16xi32>
          %gather3A_1205 = tpu.dynamic_gather %get3A_146[%gather3A_1204] in [0] : vector<16xf32>, vector<16xi32> -> vector<16xf32>
          %add3A_1206 = arith.constant 15 : i32
          %add3A_1207 = arith.addi %add3A_143, %add3A_1206 : i32
          %get3A_1208 = arith.index_cast %add3A_1207 : i32 to index
          %get3A_1209 = arith.constant 0 : index
          %get3A_1210 = tpu.vector_load %arg12[%get3A_1208, %get3A_1209] {strides = array<i32>} : memref<128x128xf32, #tpu.memory_space<vmem>>, vector<16xf32>,
          %mul3A_1211 = arith.mulf %get3A_1210, %gather3A_1205 : vector<16xf32>
          %swap3A_1212 = arith.index_cast %add3A_1207 : i32 to index
          %swap3A_1213 = arith.constant 0 : index
          %swap3A_1214 = tpu.vector_load %arg12[%swap3A_1212, %swap3A_1213] {strides = array<i32>} : memref<128x128xf32, #tpu.memory_space<vmem>>, vector<16xf32>,
          tpu.vector_store %arg12[%swap3A_1212, %swap3A_1213], %mul3A_1211 {strides = array<i32>} : memref<128x128xf32, #tpu.memory_space<vmem>>, vector<16xf32>,
          %get3A_1215 = arith.index_cast %add3A_1207 : i32 to index
          %get3A_1216 = arith.constant 16 : index
          %get3A_1217 = tpu.vector_load %arg12[%get3A_1215, %get3A_1216] {strides = array<i32>} : memref<128x128xf32, #tpu.memory_space<vmem>>, vector<16xf32>,
          %mul3A_1218 = arith.mulf %get3A_1217, %gather3A_1205 : vector<16xf32>
          %swap3A_1219 = arith.index_cast %add3A_1207 : i32 to index
          %swap3A_1220 = arith.constant 16 : index
          %swap3A_1221 = tpu.vector_load %arg12[%swap3A_1219, %swap3A_1220] {strides = array<i32>} : memref<128x128xf32, #tpu.memory_space<vmem>>, vector<16xf32>,
          tpu.vector_store %arg12[%swap3A_1219, %swap3A_1220], %mul3A_1218 {strides = array<i32>} : memref<128x128xf32, #tpu.memory_space<vmem>>, vector<16xf32>,
          %get3A_1222 = arith.index_cast %add3A_1207 : i32 to index
          %get3A_1223 = arith.constant 32 : index
          %get3A_1224 = tpu.vector_load %arg12[%get3A_1222, %get3A_1223] {strides = array<i32>} : memref<128x128xf32, #tpu.memory_space<vmem>>, vector<16xf32>,
          %mul3A_1225 = arith.mulf %get3A_1224, %gather3A_1205 : vector<16xf32>
          %swap3A_1226 = arith.index_cast %add3A_1207 : i32 to index
          %swap3A_1227 = arith.constant 32 : index
          %swap3A_1228 = tpu.vector_load %arg12[%swap3A_1226, %swap3A_1227] {strides = array<i32>} : memref<128x128xf32, #tpu.memory_space<vmem>>, vector<16xf32>,
          tpu.vector_store %arg12[%swap3A_1226, %swap3A_1227], %mul3A_1225 {strides = array<i32>} : memref<128x128xf32, #tpu.memory_space<vmem>>, vector<16xf32>,
          %get3A_1229 = arith.index_cast %add3A_1207 : i32 to index
          %get3A_1230 = arith.constant 48 : index
          %get3A_1231 = tpu.vector_load %arg12[%get3A_1229, %get3A_1230] {strides = array<i32>} : memref<128x128xf32, #tpu.memory_space<vmem>>, vector<16xf32>,
          %mul3A_1232 = arith.mulf %get3A_1231, %gather3A_1205 : vector<16xf32>
          %swap3A_1233 = arith.index_cast %add3A_1207 : i32 to index
          %swap3A_1234 = arith.constant 48 : index
          %swap3A_1235 = tpu.vector_load %arg12[%swap3A_1233, %swap3A_1234] {strides = array<i32>} : memref<128x128xf32, #tpu.memory_space<vmem>>, vector<16xf32>,
          tpu.vector_store %arg12[%swap3A_1233, %swap3A_1234], %mul3A_1232 {strides = array<i32>} : memref<128x128xf32, #tpu.memory_space<vmem>>, vector<16xf32>,
          %get3A_1236 = arith.index_cast %add3A_1207 : i32 to index
          %get3A_1237 = arith.constant 64 : index
          %get3A_1238 = tpu.vector_load %arg12[%get3A_1236, %get3A_1237] {strides = array<i32>} : memref<128x128xf32, #tpu.memory_space<vmem>>, vector<16xf32>,
          %mul3A_1239 = arith.mulf %get3A_1238, %gather3A_1205 : vector<16xf32>
          %swap3A_1240 = arith.index_cast %add3A_1207 : i32 to index
          %swap3A_1241 = arith.constant 64 : index
          %swap3A_1242 = tpu.vector_load %arg12[%swap3A_1240, %swap3A_1241] {strides = array<i32>} : memref<128x128xf32, #tpu.memory_space<vmem>>, vector<16xf32>,
          tpu.vector_store %arg12[%swap3A_1240, %swap3A_1241], %mul3A_1239 {strides = array<i32>} : memref<128x128xf32, #tpu.memory_space<vmem>>, vector<16xf32>,
          %get3A_1243 = arith.index_cast %add3A_1207 : i32 to index
          %get3A_1244 = arith.constant 80 : index
          %get3A_1245 = tpu.vector_load %arg12[%get3A_1243, %get3A_1244] {strides = array<i32>} : memref<128x128xf32, #tpu.memory_space<vmem>>, vector<16xf32>,
          %mul3A_1246 = arith.mulf %get3A_1245, %gather3A_1205 : vector<16xf32>
          %swap3A_1247 = arith.index_cast %add3A_1207 : i32 to index
          %swap3A_1248 = arith.constant 80 : index
          %swap3A_1249 = tpu.vector_load %arg12[%swap3A_1247, %swap3A_1248] {strides = array<i32>} : memref<128x128xf32, #tpu.memory_space<vmem>>, vector<16xf32>,
          tpu.vector_store %arg12[%swap3A_1247, %swap3A_1248], %mul3A_1246 {strides = array<i32>} : memref<128x128xf32, #tpu.memory_space<vmem>>, vector<16xf32>,
          %get3A_1250 = arith.index_cast %add3A_1207 : i32 to index
          %get3A_1251 = arith.constant 96 : index
          %get3A_1252 = tpu.vector_load %arg12[%get3A_1250, %get3A_1251] {strides = array<i32>} : memref<128x128xf32, #tpu.memory_space<vmem>>, vector<16xf32>,
          %mul3A_1253 = arith.mulf %get3A_1252, %gather3A_1205 : vector<16xf32>
          %swap3A_1254 = arith.index_cast %add3A_1207 : i32 to index
          %swap3A_1255 = arith.constant 96 : index
          %swap3A_1256 = tpu.vector_load %arg12[%swap3A_1254, %swap3A_1255] {strides = array<i32>} : memref<128x128xf32, #tpu.memory_space<vmem>>, vector<16xf32>,
          tpu.vector_store %arg12[%swap3A_1254, %swap3A_1255], %mul3A_1253 {strides = array<i32>} : memref<128x128xf32, #tpu.memory_space<vmem>>, vector<16xf32>,
          %get3A_1257 = arith.index_cast %add3A_1207 : i32 to index
          %get3A_1258 = arith.constant 112 : index
          %get3A_1259 = tpu.vector_load %arg12[%get3A_1257, %get3A_1258] {strides = array<i32>} : memref<128x128xf32, #tpu.memory_space<vmem>>, vector<16xf32>,
          %mul3A_1260 = arith.mulf %get3A_1259, %gather3A_1205 : vector<16xf32>
          %swap3A_1261 = arith.index_cast %add3A_1207 : i32 to index
          %swap3A_1262 = arith.constant 112 : index
          %swap3A_1263 = tpu.vector_load %arg12[%swap3A_1261, %swap3A_1262] {strides = array<i32>} : memref<128x128xf32, #tpu.memory_space<vmem>>, vector<16xf32>,
          tpu.vector_store %arg12[%swap3A_1261, %swap3A_1262], %mul3A_1260 {strides = array<i32>} : memref<128x128xf32, #tpu.memory_space<vmem>>, vector<16xf32>,
        }
        %scan3A_125 = arith.constant 8 : i32
        %dma_start3A_126 = arith.constant 0 : i32
        %dma_start3A_127 = tpu.memref_slice %arg7[%add3A_98, %dma_start3A_126] : memref<79x128xi32, #tpu.memory_space<vmem>> -> memref<1x128xi32, #tpu.memory_space<vmem>>
        %dma_start3A_128 = tpu.memref_squeeze %dma_start3A_127 : memref<1x128xi32, #tpu.memory_space<vmem>> -> memref<128xi32, #tpu.memory_space<vmem>>
        %dma_start3A_129 = arith.constant 0 : i32
        %dma_start3A_130 = arith.constant 0 : i32
        %dma_start3A_131 = tpu.memref_slice %arg22[%dma_start3A_129, %dma_start3A_130] : memref<10240x128xf32, #tpu.memory_space<vmem_shared>> -> memref<10240x128xf32, #tpu.memory_space<vmem_shared>>
        tpu.enqueue_indirect_dma source(%arg12 : memref<128x128xf32, #tpu.memory_space<vmem>>) target(%dma_start3A_131 : memref<10240x128xf32, #tpu.memory_space<vmem_shared>>) offsets(%dma_start3A_128 : memref<128xi32, #tpu.memory_space<vmem>>) semaphore(%arg20 : memref<!tpu.dma_semaphore, #tpu.memory_space<semaphore_mem>>) {add = true}
        %add3A_132 = arith.constant 2 : i32
        %add3A_133 = arith.addi %add3A_98, %add3A_132 : i32
        %lt3A_134 = arith.constant 79 : i32
        %lt3A_135 = arith.cmpi slt, %add3A_133, %lt3A_134 : i32
        %convert_element_type3A_136 = arith.extui %lt3A_135 : i1 to i32
        %cond3A_137 = arith.constant 0 : i32
        %cond3A_138 = arith.cmpi ne, %convert_element_type3A_136, %cond3A_137 : i32
        scf.if %cond3A_138 {
          %add3A_139 = arith.constant 2 : i32
          %add3A_140 = arith.addi %add3A_98, %add3A_139 : i32
          %dma_start3A_141 = arith.constant 0 : i32
          %dma_start3A_142 = arith.constant 0 : i32
          %dma_start3A_143 = tpu.memref_slice %arg4[%add3A, %add3A_140, %dma_start3A_141, %dma_start3A_142] : memref<32x79x1x128xi32, #tpu.memory_space<hbm>> -> memref<1x1x1x128xi32, #tpu.memory_space<hbm>>
          %dma_start3A_144 = tpu.memref_squeeze %dma_start3A_143 : memref<1x1x1x128xi32, #tpu.memory_space<hbm>> -> memref<1x128xi32, #tpu.memory_space<hbm>>
          %dma_start3A_145 = arith.constant 0 : i32
          %dma_start3A_146 = arith.constant 0 : i32
          %dma_start3A_147 = tpu.memref_slice %arg4[%add3A, %add3A_140, %dma_start3A_145, %dma_start3A_146] : memref<32x79x1x128xi32, #tpu.memory_space<hbm>> -> memref<1x1x1x128xi32, #tpu.memory_space<hbm>>
          %dma_start3A_148 = tpu.memref_squeeze %dma_start3A_147 : memref<1x1x1x128xi32, #tpu.memory_space<hbm>> -> memref<1x128xi32, #tpu.memory_space<hbm>>
          tpu.enqueue_dma source(%dma_start3A_148 : memref<1x128xi32, #tpu.memory_space<hbm>>) target(%arg8 : memref<1x128xi32, #tpu.memory_space<vmem>>) target_semaphore(%arg14 : memref<!tpu.dma_semaphore, #tpu.memory_space<semaphore_mem>>)
          %dma_start3A_149 = arith.constant 0 : i32
          %dma_start3A_150 = arith.constant 0 : i32
          %dma_start3A_151 = tpu.memref_slice %arg5[%add3A, %add3A_140, %dma_start3A_149, %dma_start3A_150] : memref<32x79x1x128xf32, #tpu.memory_space<hbm>> -> memref<1x1x1x128xf32, #tpu.memory_space<hbm>>
          %dma_start3A_152 = tpu.memref_squeeze %dma_start3A_151 : memref<1x1x1x128xf32, #tpu.memory_space<hbm>> -> memref<1x128xf32, #tpu.memory_space<hbm>>
          %dma_start3A_153 = arith.constant 0 : i32
          %dma_start3A_154 = arith.constant 0 : i32
          %dma_start3A_155 = tpu.memref_slice %arg5[%add3A, %add3A_140, %dma_start3A_153, %dma_start3A_154] : memref<32x79x1x128xf32, #tpu.memory_space<hbm>> -> memref<1x1x1x128xf32, #tpu.memory_space<hbm>>
          %dma_start3A_156 = tpu.memref_squeeze %dma_start3A_155 : memref<1x1x1x128xf32, #tpu.memory_space<hbm>> -> memref<1x128xf32, #tpu.memory_space<hbm>>
          tpu.enqueue_dma source(%dma_start3A_156 : memref<1x128xf32, #tpu.memory_space<hbm>>) target(%arg10 : memref<1x128xf32, #tpu.memory_space<vmem>>) target_semaphore(%arg16 : memref<!tpu.dma_semaphore, #tpu.memory_space<semaphore_mem>>)
        } else {
        }
      } else {
      }
      %rem3A_102 = arith.constant 2 : i32
      %rem3A_103 = arith.remsi %add3A_98, %rem3A_102 : i32
      %eq3A_104 = arith.constant 1 : i32
      %eq3A_105 = arith.cmpi eq, %rem3A_103, %eq3A_104 : i32
      %convert_element_type3A_106 = arith.extui %eq3A_105 : i1 to i32
      %cond3A_107 = arith.constant 0 : i32
      %cond3A_108 = arith.cmpi ne, %convert_element_type3A_106, %cond3A_107 : i32
      scf.if %cond3A_108 {
        %add3A_109 = arith.constant 1 : i32
        %add3A_110 = arith.addi %add3A_98, %add3A_109 : i32
        %lt3A = arith.constant 79 : i32
        %lt3A_111 = arith.cmpi slt, %add3A_110, %lt3A : i32
        %convert_element_type3A_112 = arith.extui %lt3A_111 : i1 to i32
        %cond3A_113 = arith.constant 0 : i32
        %cond3A_114 = arith.cmpi ne, %convert_element_type3A_112, %cond3A_113 : i32
        scf.if %cond3A_114 {
          %ge3A = arith.constant 1 : i32
          %ge3A_139 = arith.cmpi sge, %add3A_98, %ge3A : i32
          %convert_element_type3A_140 = arith.extui %ge3A_139 : i1 to i32
          %cond3A_141 = arith.constant 0 : i32
          %cond3A_142 = arith.cmpi ne, %convert_element_type3A_140, %cond3A_141 : i32
          scf.if %cond3A_142 {
            %dma_wait3A_172 = arith.constant 0 : i32
            %dma_wait3A_173 = arith.constant 0 : i32
            %dma_wait3A_174 = tpu.memref_slice %arg2[%dma_wait3A_172, %dma_wait3A_173] : memref<10240x128xf32, #tpu.memory_space<hbm>> -> memref<128x128xf32, #tpu.memory_space<hbm>>
            %dma_wait3A_175 = arith.constant 0 : i32
            %dma_wait3A_176 = arith.constant 0 : i32
            %dma_wait3A_177 = tpu.memref_slice %arg2[%dma_wait3A_175, %dma_wait3A_176] : memref<10240x128xf32, #tpu.memory_space<hbm>> -> memref<128x128xf32, #tpu.memory_space<hbm>>
            tpu.wait_dma2 semaphore(%arg20 : memref<!tpu.dma_semaphore, #tpu.memory_space<semaphore_mem>>) src(%dma_wait3A_177 : memref<128x128xf32, #tpu.memory_space<hbm>>) dst(%arg12 : memref<128x128xf32, #tpu.memory_space<vmem>>)
          } else {
          }
          %dma_wait3A_143 = arith.constant 0 : i32
          %dma_wait3A_144 = arith.constant 0 : i32
          %dma_wait3A_145 = arith.constant 0 : i32
          %dma_wait3A_146 = arith.constant 0 : i32
          %dma_wait3A_147 = tpu.memref_slice %arg4[%dma_wait3A_143, %dma_wait3A_144, %dma_wait3A_145, %dma_wait3A_146] : memref<32x79x1x128xi32, #tpu.memory_space<hbm>> -> memref<1x1x1x128xi32, #tpu.memory_space<hbm>>
          %dma_wait3A_148 = tpu.memref_squeeze %dma_wait3A_147 : memref<1x1x1x128xi32, #tpu.memory_space<hbm>> -> memref<1x128xi32, #tpu.memory_space<hbm>>
          %dma_wait3A_149 = arith.constant 0 : i32
          %dma_wait3A_150 = arith.constant 0 : i32
          %dma_wait3A_151 = tpu.memref_slice %arg4[%dma_wait3A_143, %dma_wait3A_144, %dma_wait3A_149, %dma_wait3A_150] : memref<32x79x1x128xi32, #tpu.memory_space<hbm>> -> memref<1x1x1x128xi32, #tpu.memory_space<hbm>>
          %dma_wait3A_152 = tpu.memref_squeeze %dma_wait3A_151 : memref<1x1x1x128xi32, #tpu.memory_space<hbm>> -> memref<1x128xi32, #tpu.memory_space<hbm>>
          tpu.wait_dma2 semaphore(%arg14 : memref<!tpu.dma_semaphore, #tpu.memory_space<semaphore_mem>>) src(%dma_wait3A_152 : memref<1x128xi32, #tpu.memory_space<hbm>>) dst(%arg8 : memref<1x128xi32, #tpu.memory_space<vmem>>)
          %dma_wait3A_153 = arith.constant 0 : i32
          %dma_wait3A_154 = arith.constant 0 : i32
          %dma_wait3A_155 = arith.constant 0 : i32
          %dma_wait3A_156 = arith.constant 0 : i32
          %dma_wait3A_157 = tpu.memref_slice %arg5[%dma_wait3A_153, %dma_wait3A_154, %dma_wait3A_155, %dma_wait3A_156] : memref<32x79x1x128xf32, #tpu.memory_space<hbm>> -> memref<1x1x1x128xf32, #tpu.memory_space<hbm>>
          %dma_wait3A_158 = tpu.memref_squeeze %dma_wait3A_157 : memref<1x1x1x128xf32, #tpu.memory_space<hbm>> -> memref<1x128xf32, #tpu.memory_space<hbm>>
          %dma_wait3A_159 = arith.constant 0 : i32
          %dma_wait3A_160 = arith.constant 0 : i32
          %dma_wait3A_161 = tpu.memref_slice %arg5[%dma_wait3A_153, %dma_wait3A_154, %dma_wait3A_159, %dma_wait3A_160] : memref<32x79x1x128xf32, #tpu.memory_space<hbm>> -> memref<1x1x1x128xf32, #tpu.memory_space<hbm>>
          %dma_wait3A_162 = tpu.memref_squeeze %dma_wait3A_161 : memref<1x1x1x128xf32, #tpu.memory_space<hbm>> -> memref<1x128xf32, #tpu.memory_space<hbm>>
          tpu.wait_dma2 semaphore(%arg16 : memref<!tpu.dma_semaphore, #tpu.memory_space<semaphore_mem>>) src(%dma_wait3A_162 : memref<1x128xf32, #tpu.memory_space<hbm>>) dst(%arg10 : memref<1x128xf32, #tpu.memory_space<vmem>>)
          %add3A_163 = arith.constant 1 : i32
          %add3A_164 = arith.addi %add3A_98, %add3A_163 : i32
          %dma_start3A_165 = arith.constant 0 : i32
          %dma_start3A_166 = arith.constant 0 : i32
          %dma_start3A_167 = tpu.memref_slice %arg8[%dma_start3A_165, %dma_start3A_166] : memref<1x128xi32, #tpu.memory_space<vmem>> -> memref<1x128xi32, #tpu.memory_space<vmem>>
          %dma_start3A_168 = tpu.memref_squeeze %dma_start3A_167 : memref<1x128xi32, #tpu.memory_space<vmem>> -> memref<128xi32, #tpu.memory_space<vmem>>
          %dma_start3A_169 = arith.constant 0 : i32
          %dma_start3A_170 = arith.constant 0 : i32
          %dma_start3A_171 = tpu.memref_slice %arg2[%dma_start3A_169, %dma_start3A_170] : memref<10240x128xf32, #tpu.memory_space<hbm>> -> memref<10240x128xf32, #tpu.memory_space<hbm>>
          tpu.enqueue_indirect_dma source(%dma_start3A_171 : memref<10240x128xf32, #tpu.memory_space<hbm>>) target(%arg12 : memref<128x128xf32, #tpu.memory_space<vmem>>) offsets(%dma_start3A_168 : memref<128xi32, #tpu.memory_space<vmem>>) semaphore(%arg18 : memref<!tpu.dma_semaphore, #tpu.memory_space<semaphore_mem>>)
        } else {
        }
        %dma_wait3A_115 = arith.constant 0 : i32
        %dma_wait3A_116 = arith.constant 0 : i32
        %dma_wait3A_117 = tpu.memref_slice %arg2[%dma_wait3A_115, %dma_wait3A_116] : memref<10240x128xf32, #tpu.memory_space<hbm>> -> memref<128x128xf32, #tpu.memory_space<hbm>>
        %dma_wait3A_118 = arith.constant 0 : i32
        %dma_wait3A_119 = arith.constant 0 : i32
        %dma_wait3A_120 = tpu.memref_slice %arg2[%dma_wait3A_118, %dma_wait3A_119] : memref<10240x128xf32, #tpu.memory_space<hbm>> -> memref<128x128xf32, #tpu.memory_space<hbm>>
        tpu.wait_dma2 semaphore(%arg19 : memref<!tpu.dma_semaphore, #tpu.memory_space<semaphore_mem>>) src(%dma_wait3A_120 : memref<128x128xf32, #tpu.memory_space<hbm>>) dst(%arg13 : memref<128x128xf32, #tpu.memory_space<vmem>>)
        %scan3A_121 = arith.constant 0 : i32
        %scan3A_122 = arith.constant 8 : i32
        %scan3A_123 = arith.addi %scan3A_121, %scan3A_122 : i32
        %scan3A_124 = arith.constant 1 : i32
        scf.for %scan3A_139 = %scan3A_121 to %scan3A_123 step %scan3A_124  : i32 {
          %mul3A_140 = arith.constant 16 : i32
          %mul3A_141 = arith.muli %scan3A_139, %mul3A_140 : i32
          %add3A_142 = arith.constant 0 : i32
          %add3A_143 = arith.addi %add3A_142, %mul3A_141 : i32
          %get3A = arith.constant 0 : i32
          %get3A_144 = arith.index_cast %get3A : i32 to index
          %get3A_145 = arith.index_cast %add3A_143 : i32 to index
          %get3A_146 = tpu.vector_load %arg11[%get3A_144, %get3A_145] {strides = array<i32>} : memref<1x128xf32, #tpu.memory_space<vmem>>, vector<16xf32>,
          %broadcast_in_dim3A_147 = arith.constant 0 : i32
          %broadcast_in_dim3A_148 = vector.broadcast %broadcast_in_dim3A_147 : i32 to vector<16xi32>
          %lt3A_149 = arith.constant 0 : i32
          %lt3A_150 = vector.broadcast %lt3A_149 : i32 to vector<16xi32>
          %lt3A_151 = arith.cmpi slt, %broadcast_in_dim3A_148, %lt3A_150 : vector<16xi32>
          %add3A_152 = arith.constant 16 : i32
          %add3A_153 = vector.broadcast %add3A_152 : i32 to vector<16xi32>
          %add3A_154 = arith.addi %broadcast_in_dim3A_148, %add3A_153 : vector<16xi32>
          %select_n3A = arith.select %lt3A_151, %add3A_154, %broadcast_in_dim3A_148 : vector<16xi1>, vector<16xi32>
          %broadcast_in_dim3A_155 = vector.shape_cast %select_n3A : vector<16xi32> to vector<16x1xi32>
          %gather3A = vector.shape_cast %broadcast_in_dim3A_155 : vector<16x1xi32> to vector<16xi32>
          %gather3A_156 = tpu.dynamic_gather %get3A_146[%gather3A] in [0] : vector<16xf32>, vector<16xi32> -> vector<16xf32>
          %add3A_157 = arith.constant 0 : i32
          %add3A_158 = arith.addi %add3A_143, %add3A_157 : i32
          %get3A_159 = arith.index_cast %add3A_158 : i32 to index
          %get3A_160 = arith.constant 0 : index
          %get3A_161 = tpu.vector_load %arg13[%get3A_159, %get3A_160] {strides = array<i32>} : memref<128x128xf32, #tpu.memory_space<vmem>>, vector<16xf32>,
          %mul3A_162 = arith.mulf %get3A_161, %gather3A_156 : vector<16xf32>
          %swap3A = arith.index_cast %add3A_158 : i32 to index
          %swap3A_163 = arith.constant 0 : index
          %swap3A_164 = tpu.vector_load %arg13[%swap3A, %swap3A_163] {strides = array<i32>} : memref<128x128xf32, #tpu.memory_space<vmem>>, vector<16xf32>,
          tpu.vector_store %arg13[%swap3A, %swap3A_163], %mul3A_162 {strides = array<i32>} : memref<128x128xf32, #tpu.memory_space<vmem>>, vector<16xf32>,
          %get3A_165 = arith.index_cast %add3A_158 : i32 to index
          %get3A_166 = arith.constant 16 : index
          %get3A_167 = tpu.vector_load %arg13[%get3A_165, %get3A_166] {strides = array<i32>} : memref<128x128xf32, #tpu.memory_space<vmem>>, vector<16xf32>,
          %mul3A_168 = arith.mulf %get3A_167, %gather3A_156 : vector<16xf32>
          %swap3A_169 = arith.index_cast %add3A_158 : i32 to index
          %swap3A_170 = arith.constant 16 : index
          %swap3A_171 = tpu.vector_load %arg13[%swap3A_169, %swap3A_170] {strides = array<i32>} : memref<128x128xf32, #tpu.memory_space<vmem>>, vector<16xf32>,
          tpu.vector_store %arg13[%swap3A_169, %swap3A_170], %mul3A_168 {strides = array<i32>} : memref<128x128xf32, #tpu.memory_space<vmem>>, vector<16xf32>,
          %get3A_172 = arith.index_cast %add3A_158 : i32 to index
          %get3A_173 = arith.constant 32 : index
          %get3A_174 = tpu.vector_load %arg13[%get3A_172, %get3A_173] {strides = array<i32>} : memref<128x128xf32, #tpu.memory_space<vmem>>, vector<16xf32>,
          %mul3A_175 = arith.mulf %get3A_174, %gather3A_156 : vector<16xf32>
          %swap3A_176 = arith.index_cast %add3A_158 : i32 to index
          %swap3A_177 = arith.constant 32 : index
          %swap3A_178 = tpu.vector_load %arg13[%swap3A_176, %swap3A_177] {strides = array<i32>} : memref<128x128xf32, #tpu.memory_space<vmem>>, vector<16xf32>,
          tpu.vector_store %arg13[%swap3A_176, %swap3A_177], %mul3A_175 {strides = array<i32>} : memref<128x128xf32, #tpu.memory_space<vmem>>, vector<16xf32>,
          %get3A_179 = arith.index_cast %add3A_158 : i32 to index
          %get3A_180 = arith.constant 48 : index
          %get3A_181 = tpu.vector_load %arg13[%get3A_179, %get3A_180] {strides = array<i32>} : memref<128x128xf32, #tpu.memory_space<vmem>>, vector<16xf32>,
          %mul3A_182 = arith.mulf %get3A_181, %gather3A_156 : vector<16xf32>
          %swap3A_183 = arith.index_cast %add3A_158 : i32 to index
          %swap3A_184 = arith.constant 48 : index
          %swap3A_185 = tpu.vector_load %arg13[%swap3A_183, %swap3A_184] {strides = array<i32>} : memref<128x128xf32, #tpu.memory_space<vmem>>, vector<16xf32>,
          tpu.vector_store %arg13[%swap3A_183, %swap3A_184], %mul3A_182 {strides = array<i32>} : memref<128x128xf32, #tpu.memory_space<vmem>>, vector<16xf32>,
          %get3A_186 = arith.index_cast %add3A_158 : i32 to index
          %get3A_187 = arith.constant 64 : index
          %get3A_188 = tpu.vector_load %arg13[%get3A_186, %get3A_187] {strides = array<i32>} : memref<128x128xf32, #tpu.memory_space<vmem>>, vector<16xf32>,
          %mul3A_189 = arith.mulf %get3A_188, %gather3A_156 : vector<16xf32>
          %swap3A_190 = arith.index_cast %add3A_158 : i32 to index
          %swap3A_191 = arith.constant 64 : index
          %swap3A_192 = tpu.vector_load %arg13[%swap3A_190, %swap3A_191] {strides = array<i32>} : memref<128x128xf32, #tpu.memory_space<vmem>>, vector<16xf32>,
          tpu.vector_store %arg13[%swap3A_190, %swap3A_191], %mul3A_189 {strides = array<i32>} : memref<128x128xf32, #tpu.memory_space<vmem>>, vector<16xf32>,
          %get3A_193 = arith.index_cast %add3A_158 : i32 to index
          %get3A_194 = arith.constant 80 : index
          %get3A_195 = tpu.vector_load %arg13[%get3A_193, %get3A_194] {strides = array<i32>} : memref<128x128xf32, #tpu.memory_space<vmem>>, vector<16xf32>,
          %mul3A_196 = arith.mulf %get3A_195, %gather3A_156 : vector<16xf32>
          %swap3A_197 = arith.index_cast %add3A_158 : i32 to index
          %swap3A_198 = arith.constant 80 : index
          %swap3A_199 = tpu.vector_load %arg13[%swap3A_197, %swap3A_198] {strides = array<i32>} : memref<128x128xf32, #tpu.memory_space<vmem>>, vector<16xf32>,
          tpu.vector_store %arg13[%swap3A_197, %swap3A_198], %mul3A_196 {strides = array<i32>} : memref<128x128xf32, #tpu.memory_space<vmem>>, vector<16xf32>,
          %get3A_200 = arith.index_cast %add3A_158 : i32 to index
          %get3A_201 = arith.constant 96 : index
          %get3A_202 = tpu.vector_load %arg13[%get3A_200, %get3A_201] {strides = array<i32>} : memref<128x128xf32, #tpu.memory_space<vmem>>, vector<16xf32>,
          %mul3A_203 = arith.mulf %get3A_202, %gather3A_156 : vector<16xf32>
          %swap3A_204 = arith.index_cast %add3A_158 : i32 to index
          %swap3A_205 = arith.constant 96 : index
          %swap3A_206 = tpu.vector_load %arg13[%swap3A_204, %swap3A_205] {strides = array<i32>} : memref<128x128xf32, #tpu.memory_space<vmem>>, vector<16xf32>,
          tpu.vector_store %arg13[%swap3A_204, %swap3A_205], %mul3A_203 {strides = array<i32>} : memref<128x128xf32, #tpu.memory_space<vmem>>, vector<16xf32>,
          %get3A_207 = arith.index_cast %add3A_158 : i32 to index
          %get3A_208 = arith.constant 112 : index
          %get3A_209 = tpu.vector_load %arg13[%get3A_207, %get3A_208] {strides = array<i32>} : memref<128x128xf32, #tpu.memory_space<vmem>>, vector<16xf32>,
          %mul3A_210 = arith.mulf %get3A_209, %gather3A_156 : vector<16xf32>
          %swap3A_211 = arith.index_cast %add3A_158 : i32 to index
          %swap3A_212 = arith.constant 112 : index
          %swap3A_213 = tpu.vector_load %arg13[%swap3A_211, %swap3A_212] {strides = array<i32>} : memref<128x128xf32, #tpu.memory_space<vmem>>, vector<16xf32>,
          tpu.vector_store %arg13[%swap3A_211, %swap3A_212], %mul3A_210 {strides = array<i32>} : memref<128x128xf32, #tpu.memory_space<vmem>>, vector<16xf32>,
          %broadcast_in_dim3A_214 = arith.constant 1 : i32
          %broadcast_in_dim3A_215 = vector.broadcast %broadcast_in_dim3A_214 : i32 to vector<16xi32>
          %lt3A_216 = arith.constant 0 : i32
          %lt3A_217 = vector.broadcast %lt3A_216 : i32 to vector<16xi32>
          %lt3A_218 = arith.cmpi slt, %broadcast_in_dim3A_215, %lt3A_217 : vector<16xi32>
          %add3A_219 = arith.constant 16 : i32
          %add3A_220 = vector.broadcast %add3A_219 : i32 to vector<16xi32>
          %add3A_221 = arith.addi %broadcast_in_dim3A_215, %add3A_220 : vector<16xi32>
          %select_n3A_222 = arith.select %lt3A_218, %add3A_221, %broadcast_in_dim3A_215 : vector<16xi1>, vector<16xi32>
          %broadcast_in_dim3A_223 = vector.shape_cast %select_n3A_222 : vector<16xi32> to vector<16x1xi32>
          %gather3A_224 = vector.shape_cast %broadcast_in_dim3A_223 : vector<16x1xi32> to vector<16xi32>
          %gather3A_225 = tpu.dynamic_gather %get3A_146[%gather3A_224] in [0] : vector<16xf32>, vector<16xi32> -> vector<16xf32>
          %add3A_226 = arith.constant 1 : i32
          %add3A_227 = arith.addi %add3A_143, %add3A_226 : i32
          %get3A_228 = arith.index_cast %add3A_227 : i32 to index
          %get3A_229 = arith.constant 0 : index
          %get3A_230 = tpu.vector_load %arg13[%get3A_228, %get3A_229] {strides = array<i32>} : memref<128x128xf32, #tpu.memory_space<vmem>>, vector<16xf32>,
          %mul3A_231 = arith.mulf %get3A_230, %gather3A_225 : vector<16xf32>
          %swap3A_232 = arith.index_cast %add3A_227 : i32 to index
          %swap3A_233 = arith.constant 0 : index
          %swap3A_234 = tpu.vector_load %arg13[%swap3A_232, %swap3A_233] {strides = array<i32>} : memref<128x128xf32, #tpu.memory_space<vmem>>, vector<16xf32>,
          tpu.vector_store %arg13[%swap3A_232, %swap3A_233], %mul3A_231 {strides = array<i32>} : memref<128x128xf32, #tpu.memory_space<vmem>>, vector<16xf32>,
          %get3A_235 = arith.index_cast %add3A_227 : i32 to index
          %get3A_236 = arith.constant 16 : index
          %get3A_237 = tpu.vector_load %arg13[%get3A_235, %get3A_236] {strides = array<i32>} : memref<128x128xf32, #tpu.memory_space<vmem>>, vector<16xf32>,
          %mul3A_238 = arith.mulf %get3A_237, %gather3A_225 : vector<16xf32>
          %swap3A_239 = arith.index_cast %add3A_227 : i32 to index
          %swap3A_240 = arith.constant 16 : index
          %swap3A_241 = tpu.vector_load %arg13[%swap3A_239, %swap3A_240] {strides = array<i32>} : memref<128x128xf32, #tpu.memory_space<vmem>>, vector<16xf32>,
          tpu.vector_store %arg13[%swap3A_239, %swap3A_240], %mul3A_238 {strides = array<i32>} : memref<128x128xf32, #tpu.memory_space<vmem>>, vector<16xf32>,
          %get3A_242 = arith.index_cast %add3A_227 : i32 to index
          %get3A_243 = arith.constant 32 : index
          %get3A_244 = tpu.vector_load %arg13[%get3A_242, %get3A_243] {strides = array<i32>} : memref<128x128xf32, #tpu.memory_space<vmem>>, vector<16xf32>,
          %mul3A_245 = arith.mulf %get3A_244, %gather3A_225 : vector<16xf32>
          %swap3A_246 = arith.index_cast %add3A_227 : i32 to index
          %swap3A_247 = arith.constant 32 : index
          %swap3A_248 = tpu.vector_load %arg13[%swap3A_246, %swap3A_247] {strides = array<i32>} : memref<128x128xf32, #tpu.memory_space<vmem>>, vector<16xf32>,
          tpu.vector_store %arg13[%swap3A_246, %swap3A_247], %mul3A_245 {strides = array<i32>} : memref<128x128xf32, #tpu.memory_space<vmem>>, vector<16xf32>,
          %get3A_249 = arith.index_cast %add3A_227 : i32 to index
          %get3A_250 = arith.constant 48 : index
          %get3A_251 = tpu.vector_load %arg13[%get3A_249, %get3A_250] {strides = array<i32>} : memref<128x128xf32, #tpu.memory_space<vmem>>, vector<16xf32>,
          %mul3A_252 = arith.mulf %get3A_251, %gather3A_225 : vector<16xf32>
          %swap3A_253 = arith.index_cast %add3A_227 : i32 to index
          %swap3A_254 = arith.constant 48 : index
          %swap3A_255 = tpu.vector_load %arg13[%swap3A_253, %swap3A_254] {strides = array<i32>} : memref<128x128xf32, #tpu.memory_space<vmem>>, vector<16xf32>,
          tpu.vector_store %arg13[%swap3A_253, %swap3A_254], %mul3A_252 {strides = array<i32>} : memref<128x128xf32, #tpu.memory_space<vmem>>, vector<16xf32>,
          %get3A_256 = arith.index_cast %add3A_227 : i32 to index
          %get3A_257 = arith.constant 64 : index
          %get3A_258 = tpu.vector_load %arg13[%get3A_256, %get3A_257] {strides = array<i32>} : memref<128x128xf32, #tpu.memory_space<vmem>>, vector<16xf32>,
          %mul3A_259 = arith.mulf %get3A_258, %gather3A_225 : vector<16xf32>
          %swap3A_260 = arith.index_cast %add3A_227 : i32 to index
          %swap3A_261 = arith.constant 64 : index
          %swap3A_262 = tpu.vector_load %arg13[%swap3A_260, %swap3A_261] {strides = array<i32>} : memref<128x128xf32, #tpu.memory_space<vmem>>, vector<16xf32>,
          tpu.vector_store %arg13[%swap3A_260, %swap3A_261], %mul3A_259 {strides = array<i32>} : memref<128x128xf32, #tpu.memory_space<vmem>>, vector<16xf32>,
          %get3A_263 = arith.index_cast %add3A_227 : i32 to index
          %get3A_264 = arith.constant 80 : index
          %get3A_265 = tpu.vector_load %arg13[%get3A_263, %get3A_264] {strides = array<i32>} : memref<128x128xf32, #tpu.memory_space<vmem>>, vector<16xf32>,
          %mul3A_266 = arith.mulf %get3A_265, %gather3A_225 : vector<16xf32>
          %swap3A_267 = arith.index_cast %add3A_227 : i32 to index
          %swap3A_268 = arith.constant 80 : index
          %swap3A_269 = tpu.vector_load %arg13[%swap3A_267, %swap3A_268] {strides = array<i32>} : memref<128x128xf32, #tpu.memory_space<vmem>>, vector<16xf32>,
          tpu.vector_store %arg13[%swap3A_267, %swap3A_268], %mul3A_266 {strides = array<i32>} : memref<128x128xf32, #tpu.memory_space<vmem>>, vector<16xf32>,
          %get3A_270 = arith.index_cast %add3A_227 : i32 to index
          %get3A_271 = arith.constant 96 : index
          %get3A_272 = tpu.vector_load %arg13[%get3A_270, %get3A_271] {strides = array<i32>} : memref<128x128xf32, #tpu.memory_space<vmem>>, vector<16xf32>,
          %mul3A_273 = arith.mulf %get3A_272, %gather3A_225 : vector<16xf32>
          %swap3A_274 = arith.index_cast %add3A_227 : i32 to index
          %swap3A_275 = arith.constant 96 : index
          %swap3A_276 = tpu.vector_load %arg13[%swap3A_274, %swap3A_275] {strides = array<i32>} : memref<128x128xf32, #tpu.memory_space<vmem>>, vector<16xf32>,
          tpu.vector_store %arg13[%swap3A_274, %swap3A_275], %mul3A_273 {strides = array<i32>} : memref<128x128xf32, #tpu.memory_space<vmem>>, vector<16xf32>,
          %get3A_277 = arith.index_cast %add3A_227 : i32 to index
          %get3A_278 = arith.constant 112 : index
          %get3A_279 = tpu.vector_load %arg13[%get3A_277, %get3A_278] {strides = array<i32>} : memref<128x128xf32, #tpu.memory_space<vmem>>, vector<16xf32>,
          %mul3A_280 = arith.mulf %get3A_279, %gather3A_225 : vector<16xf32>
          %swap3A_281 = arith.index_cast %add3A_227 : i32 to index
          %swap3A_282 = arith.constant 112 : index
          %swap3A_283 = tpu.vector_load %arg13[%swap3A_281, %swap3A_282] {strides = array<i32>} : memref<128x128xf32, #tpu.memory_space<vmem>>, vector<16xf32>,
          tpu.vector_store %arg13[%swap3A_281, %swap3A_282], %mul3A_280 {strides = array<i32>} : memref<128x128xf32, #tpu.memory_space<vmem>>, vector<16xf32>,
          %broadcast_in_dim3A_284 = arith.constant 2 : i32
          %broadcast_in_dim3A_285 = vector.broadcast %broadcast_in_dim3A_284 : i32 to vector<16xi32>
          %lt3A_286 = arith.constant 0 : i32
          %lt3A_287 = vector.broadcast %lt3A_286 : i32 to vector<16xi32>
          %lt3A_288 = arith.cmpi slt, %broadcast_in_dim3A_285, %lt3A_287 : vector<16xi32>
          %add3A_289 = arith.constant 16 : i32
          %add3A_290 = vector.broadcast %add3A_289 : i32 to vector<16xi32>
          %add3A_291 = arith.addi %broadcast_in_dim3A_285, %add3A_290 : vector<16xi32>
          %select_n3A_292 = arith.select %lt3A_288, %add3A_291, %broadcast_in_dim3A_285 : vector<16xi1>, vector<16xi32>
          %broadcast_in_dim3A_293 = vector.shape_cast %select_n3A_292 : vector<16xi32> to vector<16x1xi32>
          %gather3A_294 = vector.shape_cast %broadcast_in_dim3A_293 : vector<16x1xi32> to vector<16xi32>
          %gather3A_295 = tpu.dynamic_gather %get3A_146[%gather3A_294] in [0] : vector<16xf32>, vector<16xi32> -> vector<16xf32>
          %add3A_296 = arith.constant 2 : i32
          %add3A_297 = arith.addi %add3A_143, %add3A_296 : i32
          %get3A_298 = arith.index_cast %add3A_297 : i32 to index
          %get3A_299 = arith.constant 0 : index
          %get3A_300 = tpu.vector_load %arg13[%get3A_298, %get3A_299] {strides = array<i32>} : memref<128x128xf32, #tpu.memory_space<vmem>>, vector<16xf32>,
          %mul3A_301 = arith.mulf %get3A_300, %gather3A_295 : vector<16xf32>
          %swap3A_302 = arith.index_cast %add3A_297 : i32 to index
          %swap3A_303 = arith.constant 0 : index
          %swap3A_304 = tpu.vector_load %arg13[%swap3A_302, %swap3A_303] {strides = array<i32>} : memref<128x128xf32, #tpu.memory_space<vmem>>, vector<16xf32>,
          tpu.vector_store %arg13[%swap3A_302, %swap3A_303], %mul3A_301 {strides = array<i32>} : memref<128x128xf32, #tpu.memory_space<vmem>>, vector<16xf32>,
          %get3A_305 = arith.index_cast %add3A_297 : i32 to index
          %get3A_306 = arith.constant 16 : index
          %get3A_307 = tpu.vector_load %arg13[%get3A_305, %get3A_306] {strides = array<i32>} : memref<128x128xf32, #tpu.memory_space<vmem>>, vector<16xf32>,
          %mul3A_308 = arith.mulf %get3A_307, %gather3A_295 : vector<16xf32>
          %swap3A_309 = arith.index_cast %add3A_297 : i32 to index
          %swap3A_310 = arith.constant 16 : index
          %swap3A_311 = tpu.vector_load %arg13[%swap3A_309, %swap3A_310] {strides = array<i32>} : memref<128x128xf32, #tpu.memory_space<vmem>>, vector<16xf32>,
          tpu.vector_store %arg13[%swap3A_309, %swap3A_310], %mul3A_308 {strides = array<i32>} : memref<128x128xf32, #tpu.memory_space<vmem>>, vector<16xf32>,
          %get3A_312 = arith.index_cast %add3A_297 : i32 to index
          %get3A_313 = arith.constant 32 : index
          %get3A_314 = tpu.vector_load %arg13[%get3A_312, %get3A_313] {strides = array<i32>} : memref<128x128xf32, #tpu.memory_space<vmem>>, vector<16xf32>,
          %mul3A_315 = arith.mulf %get3A_314, %gather3A_295 : vector<16xf32>
          %swap3A_316 = arith.index_cast %add3A_297 : i32 to index
          %swap3A_317 = arith.constant 32 : index
          %swap3A_318 = tpu.vector_load %arg13[%swap3A_316, %swap3A_317] {strides = array<i32>} : memref<128x128xf32, #tpu.memory_space<vmem>>, vector<16xf32>,
          tpu.vector_store %arg13[%swap3A_316, %swap3A_317], %mul3A_315 {strides = array<i32>} : memref<128x128xf32, #tpu.memory_space<vmem>>, vector<16xf32>,
          %get3A_319 = arith.index_cast %add3A_297 : i32 to index
          %get3A_320 = arith.constant 48 : index
          %get3A_321 = tpu.vector_load %arg13[%get3A_319, %get3A_320] {strides = array<i32>} : memref<128x128xf32, #tpu.memory_space<vmem>>, vector<16xf32>,
          %mul3A_322 = arith.mulf %get3A_321, %gather3A_295 : vector<16xf32>
          %swap3A_323 = arith.index_cast %add3A_297 : i32 to index
          %swap3A_324 = arith.constant 48 : index
          %swap3A_325 = tpu.vector_load %arg13[%swap3A_323, %swap3A_324] {strides = array<i32>} : memref<128x128xf32, #tpu.memory_space<vmem>>, vector<16xf32>,
          tpu.vector_store %arg13[%swap3A_323, %swap3A_324], %mul3A_322 {strides = array<i32>} : memref<128x128xf32, #tpu.memory_space<vmem>>, vector<16xf32>,
          %get3A_326 = arith.index_cast %add3A_297 : i32 to index
          %get3A_327 = arith.constant 64 : index
          %get3A_328 = tpu.vector_load %arg13[%get3A_326, %get3A_327] {strides = array<i32>} : memref<128x128xf32, #tpu.memory_space<vmem>>, vector<16xf32>,
          %mul3A_329 = arith.mulf %get3A_328, %gather3A_295 : vector<16xf32>
          %swap3A_330 = arith.index_cast %add3A_297 : i32 to index
          %swap3A_331 = arith.constant 64 : index
          %swap3A_332 = tpu.vector_load %arg13[%swap3A_330, %swap3A_331] {strides = array<i32>} : memref<128x128xf32, #tpu.memory_space<vmem>>, vector<16xf32>,
          tpu.vector_store %arg13[%swap3A_330, %swap3A_331], %mul3A_329 {strides = array<i32>} : memref<128x128xf32, #tpu.memory_space<vmem>>, vector<16xf32>,
          %get3A_333 = arith.index_cast %add3A_297 : i32 to index
          %get3A_334 = arith.constant 80 : index
          %get3A_335 = tpu.vector_load %arg13[%get3A_333, %get3A_334] {strides = array<i32>} : memref<128x128xf32, #tpu.memory_space<vmem>>, vector<16xf32>,
          %mul3A_336 = arith.mulf %get3A_335, %gather3A_295 : vector<16xf32>
          %swap3A_337 = arith.index_cast %add3A_297 : i32 to index
          %swap3A_338 = arith.constant 80 : index
          %swap3A_339 = tpu.vector_load %arg13[%swap3A_337, %swap3A_338] {strides = array<i32>} : memref<128x128xf32, #tpu.memory_space<vmem>>, vector<16xf32>,
          tpu.vector_store %arg13[%swap3A_337, %swap3A_338], %mul3A_336 {strides = array<i32>} : memref<128x128xf32, #tpu.memory_space<vmem>>, vector<16xf32>,
          %get3A_340 = arith.index_cast %add3A_297 : i32 to index
          %get3A_341 = arith.constant 96 : index
          %get3A_342 = tpu.vector_load %arg13[%get3A_340, %get3A_341] {strides = array<i32>} : memref<128x128xf32, #tpu.memory_space<vmem>>, vector<16xf32>,
          %mul3A_343 = arith.mulf %get3A_342, %gather3A_295 : vector<16xf32>
          %swap3A_344 = arith.index_cast %add3A_297 : i32 to index
          %swap3A_345 = arith.constant 96 : index
          %swap3A_346 = tpu.vector_load %arg13[%swap3A_344, %swap3A_345] {strides = array<i32>} : memref<128x128xf32, #tpu.memory_space<vmem>>, vector<16xf32>,
          tpu.vector_store %arg13[%swap3A_344, %swap3A_345], %mul3A_343 {strides = array<i32>} : memref<128x128xf32, #tpu.memory_space<vmem>>, vector<16xf32>,
          %get3A_347 = arith.index_cast %add3A_297 : i32 to index
          %get3A_348 = arith.constant 112 : index
          %get3A_349 = tpu.vector_load %arg13[%get3A_347, %get3A_348] {strides = array<i32>} : memref<128x128xf32, #tpu.memory_space<vmem>>, vector<16xf32>,
          %mul3A_350 = arith.mulf %get3A_349, %gather3A_295 : vector<16xf32>
          %swap3A_351 = arith.index_cast %add3A_297 : i32 to index
          %swap3A_352 = arith.constant 112 : index
          %swap3A_353 = tpu.vector_load %arg13[%swap3A_351, %swap3A_352] {strides = array<i32>} : memref<128x128xf32, #tpu.memory_space<vmem>>, vector<16xf32>,
          tpu.vector_store %arg13[%swap3A_351, %swap3A_352], %mul3A_350 {strides = array<i32>} : memref<128x128xf32, #tpu.memory_space<vmem>>, vector<16xf32>,
          %broadcast_in_dim3A_354 = arith.constant 3 : i32
          %broadcast_in_dim3A_355 = vector.broadcast %broadcast_in_dim3A_354 : i32 to vector<16xi32>
          %lt3A_356 = arith.constant 0 : i32
          %lt3A_357 = vector.broadcast %lt3A_356 : i32 to vector<16xi32>
          %lt3A_358 = arith.cmpi slt, %broadcast_in_dim3A_355, %lt3A_357 : vector<16xi32>
          %add3A_359 = arith.constant 16 : i32
          %add3A_360 = vector.broadcast %add3A_359 : i32 to vector<16xi32>
          %add3A_361 = arith.addi %broadcast_in_dim3A_355, %add3A_360 : vector<16xi32>
          %select_n3A_362 = arith.select %lt3A_358, %add3A_361, %broadcast_in_dim3A_355 : vector<16xi1>, vector<16xi32>
          %broadcast_in_dim3A_363 = vector.shape_cast %select_n3A_362 : vector<16xi32> to vector<16x1xi32>
          %gather3A_364 = vector.shape_cast %broadcast_in_dim3A_363 : vector<16x1xi32> to vector<16xi32>
          %gather3A_365 = tpu.dynamic_gather %get3A_146[%gather3A_364] in [0] : vector<16xf32>, vector<16xi32> -> vector<16xf32>
          %add3A_366 = arith.constant 3 : i32
          %add3A_367 = arith.addi %add3A_143, %add3A_366 : i32
          %get3A_368 = arith.index_cast %add3A_367 : i32 to index
          %get3A_369 = arith.constant 0 : index
          %get3A_370 = tpu.vector_load %arg13[%get3A_368, %get3A_369] {strides = array<i32>} : memref<128x128xf32, #tpu.memory_space<vmem>>, vector<16xf32>,
          %mul3A_371 = arith.mulf %get3A_370, %gather3A_365 : vector<16xf32>
          %swap3A_372 = arith.index_cast %add3A_367 : i32 to index
          %swap3A_373 = arith.constant 0 : index
          %swap3A_374 = tpu.vector_load %arg13[%swap3A_372, %swap3A_373] {strides = array<i32>} : memref<128x128xf32, #tpu.memory_space<vmem>>, vector<16xf32>,
          tpu.vector_store %arg13[%swap3A_372, %swap3A_373], %mul3A_371 {strides = array<i32>} : memref<128x128xf32, #tpu.memory_space<vmem>>, vector<16xf32>,
          %get3A_375 = arith.index_cast %add3A_367 : i32 to index
          %get3A_376 = arith.constant 16 : index
          %get3A_377 = tpu.vector_load %arg13[%get3A_375, %get3A_376] {strides = array<i32>} : memref<128x128xf32, #tpu.memory_space<vmem>>, vector<16xf32>,
          %mul3A_378 = arith.mulf %get3A_377, %gather3A_365 : vector<16xf32>
          %swap3A_379 = arith.index_cast %add3A_367 : i32 to index
          %swap3A_380 = arith.constant 16 : index
          %swap3A_381 = tpu.vector_load %arg13[%swap3A_379, %swap3A_380] {strides = array<i32>} : memref<128x128xf32, #tpu.memory_space<vmem>>, vector<16xf32>,
          tpu.vector_store %arg13[%swap3A_379, %swap3A_380], %mul3A_378 {strides = array<i32>} : memref<128x128xf32, #tpu.memory_space<vmem>>, vector<16xf32>,
          %get3A_382 = arith.index_cast %add3A_367 : i32 to index
          %get3A_383 = arith.constant 32 : index
          %get3A_384 = tpu.vector_load %arg13[%get3A_382, %get3A_383] {strides = array<i32>} : memref<128x128xf32, #tpu.memory_space<vmem>>, vector<16xf32>,
          %mul3A_385 = arith.mulf %get3A_384, %gather3A_365 : vector<16xf32>
          %swap3A_386 = arith.index_cast %add3A_367 : i32 to index
          %swap3A_387 = arith.constant 32 : index
          %swap3A_388 = tpu.vector_load %arg13[%swap3A_386, %swap3A_387] {strides = array<i32>} : memref<128x128xf32, #tpu.memory_space<vmem>>, vector<16xf32>,
          tpu.vector_store %arg13[%swap3A_386, %swap3A_387], %mul3A_385 {strides = array<i32>} : memref<128x128xf32, #tpu.memory_space<vmem>>, vector<16xf32>,
          %get3A_389 = arith.index_cast %add3A_367 : i32 to index
          %get3A_390 = arith.constant 48 : index
          %get3A_391 = tpu.vector_load %arg13[%get3A_389, %get3A_390] {strides = array<i32>} : memref<128x128xf32, #tpu.memory_space<vmem>>, vector<16xf32>,
          %mul3A_392 = arith.mulf %get3A_391, %gather3A_365 : vector<16xf32>
          %swap3A_393 = arith.index_cast %add3A_367 : i32 to index
          %swap3A_394 = arith.constant 48 : index
          %swap3A_395 = tpu.vector_load %arg13[%swap3A_393, %swap3A_394] {strides = array<i32>} : memref<128x128xf32, #tpu.memory_space<vmem>>, vector<16xf32>,
          tpu.vector_store %arg13[%swap3A_393, %swap3A_394], %mul3A_392 {strides = array<i32>} : memref<128x128xf32, #tpu.memory_space<vmem>>, vector<16xf32>,
          %get3A_396 = arith.index_cast %add3A_367 : i32 to index
          %get3A_397 = arith.constant 64 : index
          %get3A_398 = tpu.vector_load %arg13[%get3A_396, %get3A_397] {strides = array<i32>} : memref<128x128xf32, #tpu.memory_space<vmem>>, vector<16xf32>,
          %mul3A_399 = arith.mulf %get3A_398, %gather3A_365 : vector<16xf32>
          %swap3A_400 = arith.index_cast %add3A_367 : i32 to index
          %swap3A_401 = arith.constant 64 : index
          %swap3A_402 = tpu.vector_load %arg13[%swap3A_400, %swap3A_401] {strides = array<i32>} : memref<128x128xf32, #tpu.memory_space<vmem>>, vector<16xf32>,
          tpu.vector_store %arg13[%swap3A_400, %swap3A_401], %mul3A_399 {strides = array<i32>} : memref<128x128xf32, #tpu.memory_space<vmem>>, vector<16xf32>,
          %get3A_403 = arith.index_cast %add3A_367 : i32 to index
          %get3A_404 = arith.constant 80 : index
          %get3A_405 = tpu.vector_load %arg13[%get3A_403, %get3A_404] {strides = array<i32>} : memref<128x128xf32, #tpu.memory_space<vmem>>, vector<16xf32>,
          %mul3A_406 = arith.mulf %get3A_405, %gather3A_365 : vector<16xf32>
          %swap3A_407 = arith.index_cast %add3A_367 : i32 to index
          %swap3A_408 = arith.constant 80 : index
          %swap3A_409 = tpu.vector_load %arg13[%swap3A_407, %swap3A_408] {strides = array<i32>} : memref<128x128xf32, #tpu.memory_space<vmem>>, vector<16xf32>,
          tpu.vector_store %arg13[%swap3A_407, %swap3A_408], %mul3A_406 {strides = array<i32>} : memref<128x128xf32, #tpu.memory_space<vmem>>, vector<16xf32>,
          %get3A_410 = arith.index_cast %add3A_367 : i32 to index
          %get3A_411 = arith.constant 96 : index
          %get3A_412 = tpu.vector_load %arg13[%get3A_410, %get3A_411] {strides = array<i32>} : memref<128x128xf32, #tpu.memory_space<vmem>>, vector<16xf32>,
          %mul3A_413 = arith.mulf %get3A_412, %gather3A_365 : vector<16xf32>
          %swap3A_414 = arith.index_cast %add3A_367 : i32 to index
          %swap3A_415 = arith.constant 96 : index
          %swap3A_416 = tpu.vector_load %arg13[%swap3A_414, %swap3A_415] {strides = array<i32>} : memref<128x128xf32, #tpu.memory_space<vmem>>, vector<16xf32>,
          tpu.vector_store %arg13[%swap3A_414, %swap3A_415], %mul3A_413 {strides = array<i32>} : memref<128x128xf32, #tpu.memory_space<vmem>>, vector<16xf32>,
          %get3A_417 = arith.index_cast %add3A_367 : i32 to index
          %get3A_418 = arith.constant 112 : index
          %get3A_419 = tpu.vector_load %arg13[%get3A_417, %get3A_418] {strides = array<i32>} : memref<128x128xf32, #tpu.memory_space<vmem>>, vector<16xf32>,
          %mul3A_420 = arith.mulf %get3A_419, %gather3A_365 : vector<16xf32>
          %swap3A_421 = arith.index_cast %add3A_367 : i32 to index
          %swap3A_422 = arith.constant 112 : index
          %swap3A_423 = tpu.vector_load %arg13[%swap3A_421, %swap3A_422] {strides = array<i32>} : memref<128x128xf32, #tpu.memory_space<vmem>>, vector<16xf32>,
          tpu.vector_store %arg13[%swap3A_421, %swap3A_422], %mul3A_420 {strides = array<i32>} : memref<128x128xf32, #tpu.memory_space<vmem>>, vector<16xf32>,
          %broadcast_in_dim3A_424 = arith.constant 4 : i32
          %broadcast_in_dim3A_425 = vector.broadcast %broadcast_in_dim3A_424 : i32 to vector<16xi32>
          %lt3A_426 = arith.constant 0 : i32
          %lt3A_427 = vector.broadcast %lt3A_426 : i32 to vector<16xi32>
          %lt3A_428 = arith.cmpi slt, %broadcast_in_dim3A_425, %lt3A_427 : vector<16xi32>
          %add3A_429 = arith.constant 16 : i32
          %add3A_430 = vector.broadcast %add3A_429 : i32 to vector<16xi32>
          %add3A_431 = arith.addi %broadcast_in_dim3A_425, %add3A_430 : vector<16xi32>
          %select_n3A_432 = arith.select %lt3A_428, %add3A_431, %broadcast_in_dim3A_425 : vector<16xi1>, vector<16xi32>
          %broadcast_in_dim3A_433 = vector.shape_cast %select_n3A_432 : vector<16xi32> to vector<16x1xi32>
          %gather3A_434 = vector.shape_cast %broadcast_in_dim3A_433 : vector<16x1xi32> to vector<16xi32>
          %gather3A_435 = tpu.dynamic_gather %get3A_146[%gather3A_434] in [0] : vector<16xf32>, vector<16xi32> -> vector<16xf32>
          %add3A_436 = arith.constant 4 : i32
          %add3A_437 = arith.addi %add3A_143, %add3A_436 : i32
          %get3A_438 = arith.index_cast %add3A_437 : i32 to index
          %get3A_439 = arith.constant 0 : index
          %get3A_440 = tpu.vector_load %arg13[%get3A_438, %get3A_439] {strides = array<i32>} : memref<128x128xf32, #tpu.memory_space<vmem>>, vector<16xf32>,
          %mul3A_441 = arith.mulf %get3A_440, %gather3A_435 : vector<16xf32>
          %swap3A_442 = arith.index_cast %add3A_437 : i32 to index
          %swap3A_443 = arith.constant 0 : index
          %swap3A_444 = tpu.vector_load %arg13[%swap3A_442, %swap3A_443] {strides = array<i32>} : memref<128x128xf32, #tpu.memory_space<vmem>>, vector<16xf32>,
          tpu.vector_store %arg13[%swap3A_442, %swap3A_443], %mul3A_441 {strides = array<i32>} : memref<128x128xf32, #tpu.memory_space<vmem>>, vector<16xf32>,
          %get3A_445 = arith.index_cast %add3A_437 : i32 to index
          %get3A_446 = arith.constant 16 : index
          %get3A_447 = tpu.vector_load %arg13[%get3A_445, %get3A_446] {strides = array<i32>} : memref<128x128xf32, #tpu.memory_space<vmem>>, vector<16xf32>,
          %mul3A_448 = arith.mulf %get3A_447, %gather3A_435 : vector<16xf32>
          %swap3A_449 = arith.index_cast %add3A_437 : i32 to index
          %swap3A_450 = arith.constant 16 : index
          %swap3A_451 = tpu.vector_load %arg13[%swap3A_449, %swap3A_450] {strides = array<i32>} : memref<128x128xf32, #tpu.memory_space<vmem>>, vector<16xf32>,
          tpu.vector_store %arg13[%swap3A_449, %swap3A_450], %mul3A_448 {strides = array<i32>} : memref<128x128xf32, #tpu.memory_space<vmem>>, vector<16xf32>,
          %get3A_452 = arith.index_cast %add3A_437 : i32 to index
          %get3A_453 = arith.constant 32 : index
          %get3A_454 = tpu.vector_load %arg13[%get3A_452, %get3A_453] {strides = array<i32>} : memref<128x128xf32, #tpu.memory_space<vmem>>, vector<16xf32>,
          %mul3A_455 = arith.mulf %get3A_454, %gather3A_435 : vector<16xf32>
          %swap3A_456 = arith.index_cast %add3A_437 : i32 to index
          %swap3A_457 = arith.constant 32 : index
          %swap3A_458 = tpu.vector_load %arg13[%swap3A_456, %swap3A_457] {strides = array<i32>} : memref<128x128xf32, #tpu.memory_space<vmem>>, vector<16xf32>,
          tpu.vector_store %arg13[%swap3A_456, %swap3A_457], %mul3A_455 {strides = array<i32>} : memref<128x128xf32, #tpu.memory_space<vmem>>, vector<16xf32>,
          %get3A_459 = arith.index_cast %add3A_437 : i32 to index
          %get3A_460 = arith.constant 48 : index
          %get3A_461 = tpu.vector_load %arg13[%get3A_459, %get3A_460] {strides = array<i32>} : memref<128x128xf32, #tpu.memory_space<vmem>>, vector<16xf32>,
          %mul3A_462 = arith.mulf %get3A_461, %gather3A_435 : vector<16xf32>
          %swap3A_463 = arith.index_cast %add3A_437 : i32 to index
          %swap3A_464 = arith.constant 48 : index
          %swap3A_465 = tpu.vector_load %arg13[%swap3A_463, %swap3A_464] {strides = array<i32>} : memref<128x128xf32, #tpu.memory_space<vmem>>, vector<16xf32>,
          tpu.vector_store %arg13[%swap3A_463, %swap3A_464], %mul3A_462 {strides = array<i32>} : memref<128x128xf32, #tpu.memory_space<vmem>>, vector<16xf32>,
          %get3A_466 = arith.index_cast %add3A_437 : i32 to index
          %get3A_467 = arith.constant 64 : index
          %get3A_468 = tpu.vector_load %arg13[%get3A_466, %get3A_467] {strides = array<i32>} : memref<128x128xf32, #tpu.memory_space<vmem>>, vector<16xf32>,
          %mul3A_469 = arith.mulf %get3A_468, %gather3A_435 : vector<16xf32>
          %swap3A_470 = arith.index_cast %add3A_437 : i32 to index
          %swap3A_471 = arith.constant 64 : index
          %swap3A_472 = tpu.vector_load %arg13[%swap3A_470, %swap3A_471] {strides = array<i32>} : memref<128x128xf32, #tpu.memory_space<vmem>>, vector<16xf32>,
          tpu.vector_store %arg13[%swap3A_470, %swap3A_471], %mul3A_469 {strides = array<i32>} : memref<128x128xf32, #tpu.memory_space<vmem>>, vector<16xf32>,
          %get3A_473 = arith.index_cast %add3A_437 : i32 to index
          %get3A_474 = arith.constant 80 : index
          %get3A_475 = tpu.vector_load %arg13[%get3A_473, %get3A_474] {strides = array<i32>} : memref<128x128xf32, #tpu.memory_space<vmem>>, vector<16xf32>,
          %mul3A_476 = arith.mulf %get3A_475, %gather3A_435 : vector<16xf32>
          %swap3A_477 = arith.index_cast %add3A_437 : i32 to index
          %swap3A_478 = arith.constant 80 : index
          %swap3A_479 = tpu.vector_load %arg13[%swap3A_477, %swap3A_478] {strides = array<i32>} : memref<128x128xf32, #tpu.memory_space<vmem>>, vector<16xf32>,
          tpu.vector_store %arg13[%swap3A_477, %swap3A_478], %mul3A_476 {strides = array<i32>} : memref<128x128xf32, #tpu.memory_space<vmem>>, vector<16xf32>,
          %get3A_480 = arith.index_cast %add3A_437 : i32 to index
          %get3A_481 = arith.constant 96 : index
          %get3A_482 = tpu.vector_load %arg13[%get3A_480, %get3A_481] {strides = array<i32>} : memref<128x128xf32, #tpu.memory_space<vmem>>, vector<16xf32>,
          %mul3A_483 = arith.mulf %get3A_482, %gather3A_435 : vector<16xf32>
          %swap3A_484 = arith.index_cast %add3A_437 : i32 to index
          %swap3A_485 = arith.constant 96 : index
          %swap3A_486 = tpu.vector_load %arg13[%swap3A_484, %swap3A_485] {strides = array<i32>} : memref<128x128xf32, #tpu.memory_space<vmem>>, vector<16xf32>,
          tpu.vector_store %arg13[%swap3A_484, %swap3A_485], %mul3A_483 {strides = array<i32>} : memref<128x128xf32, #tpu.memory_space<vmem>>, vector<16xf32>,
          %get3A_487 = arith.index_cast %add3A_437 : i32 to index
          %get3A_488 = arith.constant 112 : index
          %get3A_489 = tpu.vector_load %arg13[%get3A_487, %get3A_488] {strides = array<i32>} : memref<128x128xf32, #tpu.memory_space<vmem>>, vector<16xf32>,
          %mul3A_490 = arith.mulf %get3A_489, %gather3A_435 : vector<16xf32>
          %swap3A_491 = arith.index_cast %add3A_437 : i32 to index
          %swap3A_492 = arith.constant 112 : index
          %swap3A_493 = tpu.vector_load %arg13[%swap3A_491, %swap3A_492] {strides = array<i32>} : memref<128x128xf32, #tpu.memory_space<vmem>>, vector<16xf32>,
          tpu.vector_store %arg13[%swap3A_491, %swap3A_492], %mul3A_490 {strides = array<i32>} : memref<128x128xf32, #tpu.memory_space<vmem>>, vector<16xf32>,
          %broadcast_in_dim3A_494 = arith.constant 5 : i32
          %broadcast_in_dim3A_495 = vector.broadcast %broadcast_in_dim3A_494 : i32 to vector<16xi32>
          %lt3A_496 = arith.constant 0 : i32
          %lt3A_497 = vector.broadcast %lt3A_496 : i32 to vector<16xi32>
          %lt3A_498 = arith.cmpi slt, %broadcast_in_dim3A_495, %lt3A_497 : vector<16xi32>
          %add3A_499 = arith.constant 16 : i32
          %add3A_500 = vector.broadcast %add3A_499 : i32 to vector<16xi32>
          %add3A_501 = arith.addi %broadcast_in_dim3A_495, %add3A_500 : vector<16xi32>
          %select_n3A_502 = arith.select %lt3A_498, %add3A_501, %broadcast_in_dim3A_495 : vector<16xi1>, vector<16xi32>
          %broadcast_in_dim3A_503 = vector.shape_cast %select_n3A_502 : vector<16xi32> to vector<16x1xi32>
          %gather3A_504 = vector.shape_cast %broadcast_in_dim3A_503 : vector<16x1xi32> to vector<16xi32>
          %gather3A_505 = tpu.dynamic_gather %get3A_146[%gather3A_504] in [0] : vector<16xf32>, vector<16xi32> -> vector<16xf32>
          %add3A_506 = arith.constant 5 : i32
          %add3A_507 = arith.addi %add3A_143, %add3A_506 : i32
          %get3A_508 = arith.index_cast %add3A_507 : i32 to index
          %get3A_509 = arith.constant 0 : index
          %get3A_510 = tpu.vector_load %arg13[%get3A_508, %get3A_509] {strides = array<i32>} : memref<128x128xf32, #tpu.memory_space<vmem>>, vector<16xf32>,
          %mul3A_511 = arith.mulf %get3A_510, %gather3A_505 : vector<16xf32>
          %swap3A_512 = arith.index_cast %add3A_507 : i32 to index
          %swap3A_513 = arith.constant 0 : index
          %swap3A_514 = tpu.vector_load %arg13[%swap3A_512, %swap3A_513] {strides = array<i32>} : memref<128x128xf32, #tpu.memory_space<vmem>>, vector<16xf32>,
          tpu.vector_store %arg13[%swap3A_512, %swap3A_513], %mul3A_511 {strides = array<i32>} : memref<128x128xf32, #tpu.memory_space<vmem>>, vector<16xf32>,
          %get3A_515 = arith.index_cast %add3A_507 : i32 to index
          %get3A_516 = arith.constant 16 : index
          %get3A_517 = tpu.vector_load %arg13[%get3A_515, %get3A_516] {strides = array<i32>} : memref<128x128xf32, #tpu.memory_space<vmem>>, vector<16xf32>,
          %mul3A_518 = arith.mulf %get3A_517, %gather3A_505 : vector<16xf32>
          %swap3A_519 = arith.index_cast %add3A_507 : i32 to index
          %swap3A_520 = arith.constant 16 : index
          %swap3A_521 = tpu.vector_load %arg13[%swap3A_519, %swap3A_520] {strides = array<i32>} : memref<128x128xf32, #tpu.memory_space<vmem>>, vector<16xf32>,
          tpu.vector_store %arg13[%swap3A_519, %swap3A_520], %mul3A_518 {strides = array<i32>} : memref<128x128xf32, #tpu.memory_space<vmem>>, vector<16xf32>,
          %get3A_522 = arith.index_cast %add3A_507 : i32 to index
          %get3A_523 = arith.constant 32 : index
          %get3A_524 = tpu.vector_load %arg13[%get3A_522, %get3A_523] {strides = array<i32>} : memref<128x128xf32, #tpu.memory_space<vmem>>, vector<16xf32>,
          %mul3A_525 = arith.mulf %get3A_524, %gather3A_505 : vector<16xf32>
          %swap3A_526 = arith.index_cast %add3A_507 : i32 to index
          %swap3A_527 = arith.constant 32 : index
          %swap3A_528 = tpu.vector_load %arg13[%swap3A_526, %swap3A_527] {strides = array<i32>} : memref<128x128xf32, #tpu.memory_space<vmem>>, vector<16xf32>,
          tpu.vector_store %arg13[%swap3A_526, %swap3A_527], %mul3A_525 {strides = array<i32>} : memref<128x128xf32, #tpu.memory_space<vmem>>, vector<16xf32>,
          %get3A_529 = arith.index_cast %add3A_507 : i32 to index
          %get3A_530 = arith.constant 48 : index
          %get3A_531 = tpu.vector_load %arg13[%get3A_529, %get3A_530] {strides = array<i32>} : memref<128x128xf32, #tpu.memory_space<vmem>>, vector<16xf32>,
          %mul3A_532 = arith.mulf %get3A_531, %gather3A_505 : vector<16xf32>
          %swap3A_533 = arith.index_cast %add3A_507 : i32 to index
          %swap3A_534 = arith.constant 48 : index
          %swap3A_535 = tpu.vector_load %arg13[%swap3A_533, %swap3A_534] {strides = array<i32>} : memref<128x128xf32, #tpu.memory_space<vmem>>, vector<16xf32>,
          tpu.vector_store %arg13[%swap3A_533, %swap3A_534], %mul3A_532 {strides = array<i32>} : memref<128x128xf32, #tpu.memory_space<vmem>>, vector<16xf32>,
          %get3A_536 = arith.index_cast %add3A_507 : i32 to index
          %get3A_537 = arith.constant 64 : index
          %get3A_538 = tpu.vector_load %arg13[%get3A_536, %get3A_537] {strides = array<i32>} : memref<128x128xf32, #tpu.memory_space<vmem>>, vector<16xf32>,
          %mul3A_539 = arith.mulf %get3A_538, %gather3A_505 : vector<16xf32>
          %swap3A_540 = arith.index_cast %add3A_507 : i32 to index
          %swap3A_541 = arith.constant 64 : index
          %swap3A_542 = tpu.vector_load %arg13[%swap3A_540, %swap3A_541] {strides = array<i32>} : memref<128x128xf32, #tpu.memory_space<vmem>>, vector<16xf32>,
          tpu.vector_store %arg13[%swap3A_540, %swap3A_541], %mul3A_539 {strides = array<i32>} : memref<128x128xf32, #tpu.memory_space<vmem>>, vector<16xf32>,
          %get3A_543 = arith.index_cast %add3A_507 : i32 to index
          %get3A_544 = arith.constant 80 : index
          %get3A_545 = tpu.vector_load %arg13[%get3A_543, %get3A_544] {strides = array<i32>} : memref<128x128xf32, #tpu.memory_space<vmem>>, vector<16xf32>,
          %mul3A_546 = arith.mulf %get3A_545, %gather3A_505 : vector<16xf32>
          %swap3A_547 = arith.index_cast %add3A_507 : i32 to index
          %swap3A_548 = arith.constant 80 : index
          %swap3A_549 = tpu.vector_load %arg13[%swap3A_547, %swap3A_548] {strides = array<i32>} : memref<128x128xf32, #tpu.memory_space<vmem>>, vector<16xf32>,
          tpu.vector_store %arg13[%swap3A_547, %swap3A_548], %mul3A_546 {strides = array<i32>} : memref<128x128xf32, #tpu.memory_space<vmem>>, vector<16xf32>,
          %get3A_550 = arith.index_cast %add3A_507 : i32 to index
          %get3A_551 = arith.constant 96 : index
          %get3A_552 = tpu.vector_load %arg13[%get3A_550, %get3A_551] {strides = array<i32>} : memref<128x128xf32, #tpu.memory_space<vmem>>, vector<16xf32>,
          %mul3A_553 = arith.mulf %get3A_552, %gather3A_505 : vector<16xf32>
          %swap3A_554 = arith.index_cast %add3A_507 : i32 to index
          %swap3A_555 = arith.constant 96 : index
          %swap3A_556 = tpu.vector_load %arg13[%swap3A_554, %swap3A_555] {strides = array<i32>} : memref<128x128xf32, #tpu.memory_space<vmem>>, vector<16xf32>,
          tpu.vector_store %arg13[%swap3A_554, %swap3A_555], %mul3A_553 {strides = array<i32>} : memref<128x128xf32, #tpu.memory_space<vmem>>, vector<16xf32>,
          %get3A_557 = arith.index_cast %add3A_507 : i32 to index
          %get3A_558 = arith.constant 112 : index
          %get3A_559 = tpu.vector_load %arg13[%get3A_557, %get3A_558] {strides = array<i32>} : memref<128x128xf32, #tpu.memory_space<vmem>>, vector<16xf32>,
          %mul3A_560 = arith.mulf %get3A_559, %gather3A_505 : vector<16xf32>
          %swap3A_561 = arith.index_cast %add3A_507 : i32 to index
          %swap3A_562 = arith.constant 112 : index
          %swap3A_563 = tpu.vector_load %arg13[%swap3A_561, %swap3A_562] {strides = array<i32>} : memref<128x128xf32, #tpu.memory_space<vmem>>, vector<16xf32>,
          tpu.vector_store %arg13[%swap3A_561, %swap3A_562], %mul3A_560 {strides = array<i32>} : memref<128x128xf32, #tpu.memory_space<vmem>>, vector<16xf32>,
          %broadcast_in_dim3A_564 = arith.constant 6 : i32
          %broadcast_in_dim3A_565 = vector.broadcast %broadcast_in_dim3A_564 : i32 to vector<16xi32>
          %lt3A_566 = arith.constant 0 : i32
          %lt3A_567 = vector.broadcast %lt3A_566 : i32 to vector<16xi32>
          %lt3A_568 = arith.cmpi slt, %broadcast_in_dim3A_565, %lt3A_567 : vector<16xi32>
          %add3A_569 = arith.constant 16 : i32
          %add3A_570 = vector.broadcast %add3A_569 : i32 to vector<16xi32>
          %add3A_571 = arith.addi %broadcast_in_dim3A_565, %add3A_570 : vector<16xi32>
          %select_n3A_572 = arith.select %lt3A_568, %add3A_571, %broadcast_in_dim3A_565 : vector<16xi1>, vector<16xi32>
          %broadcast_in_dim3A_573 = vector.shape_cast %select_n3A_572 : vector<16xi32> to vector<16x1xi32>
          %gather3A_574 = vector.shape_cast %broadcast_in_dim3A_573 : vector<16x1xi32> to vector<16xi32>
          %gather3A_575 = tpu.dynamic_gather %get3A_146[%gather3A_574] in [0] : vector<16xf32>, vector<16xi32> -> vector<16xf32>
          %add3A_576 = arith.constant 6 : i32
          %add3A_577 = arith.addi %add3A_143, %add3A_576 : i32
          %get3A_578 = arith.index_cast %add3A_577 : i32 to index
          %get3A_579 = arith.constant 0 : index
          %get3A_580 = tpu.vector_load %arg13[%get3A_578, %get3A_579] {strides = array<i32>} : memref<128x128xf32, #tpu.memory_space<vmem>>, vector<16xf32>,
          %mul3A_581 = arith.mulf %get3A_580, %gather3A_575 : vector<16xf32>
          %swap3A_582 = arith.index_cast %add3A_577 : i32 to index
          %swap3A_583 = arith.constant 0 : index
          %swap3A_584 = tpu.vector_load %arg13[%swap3A_582, %swap3A_583] {strides = array<i32>} : memref<128x128xf32, #tpu.memory_space<vmem>>, vector<16xf32>,
          tpu.vector_store %arg13[%swap3A_582, %swap3A_583], %mul3A_581 {strides = array<i32>} : memref<128x128xf32, #tpu.memory_space<vmem>>, vector<16xf32>,
          %get3A_585 = arith.index_cast %add3A_577 : i32 to index
          %get3A_586 = arith.constant 16 : index
          %get3A_587 = tpu.vector_load %arg13[%get3A_585, %get3A_586] {strides = array<i32>} : memref<128x128xf32, #tpu.memory_space<vmem>>, vector<16xf32>,
          %mul3A_588 = arith.mulf %get3A_587, %gather3A_575 : vector<16xf32>
          %swap3A_589 = arith.index_cast %add3A_577 : i32 to index
          %swap3A_590 = arith.constant 16 : index
          %swap3A_591 = tpu.vector_load %arg13[%swap3A_589, %swap3A_590] {strides = array<i32>} : memref<128x128xf32, #tpu.memory_space<vmem>>, vector<16xf32>,
          tpu.vector_store %arg13[%swap3A_589, %swap3A_590], %mul3A_588 {strides = array<i32>} : memref<128x128xf32, #tpu.memory_space<vmem>>, vector<16xf32>,
          %get3A_592 = arith.index_cast %add3A_577 : i32 to index
          %get3A_593 = arith.constant 32 : index
          %get3A_594 = tpu.vector_load %arg13[%get3A_592, %get3A_593] {strides = array<i32>} : memref<128x128xf32, #tpu.memory_space<vmem>>, vector<16xf32>,
          %mul3A_595 = arith.mulf %get3A_594, %gather3A_575 : vector<16xf32>
          %swap3A_596 = arith.index_cast %add3A_577 : i32 to index
          %swap3A_597 = arith.constant 32 : index
          %swap3A_598 = tpu.vector_load %arg13[%swap3A_596, %swap3A_597] {strides = array<i32>} : memref<128x128xf32, #tpu.memory_space<vmem>>, vector<16xf32>,
          tpu.vector_store %arg13[%swap3A_596, %swap3A_597], %mul3A_595 {strides = array<i32>} : memref<128x128xf32, #tpu.memory_space<vmem>>, vector<16xf32>,
          %get3A_599 = arith.index_cast %add3A_577 : i32 to index
          %get3A_600 = arith.constant 48 : index
          %get3A_601 = tpu.vector_load %arg13[%get3A_599, %get3A_600] {strides = array<i32>} : memref<128x128xf32, #tpu.memory_space<vmem>>, vector<16xf32>,
          %mul3A_602 = arith.mulf %get3A_601, %gather3A_575 : vector<16xf32>
          %swap3A_603 = arith.index_cast %add3A_577 : i32 to index
          %swap3A_604 = arith.constant 48 : index
          %swap3A_605 = tpu.vector_load %arg13[%swap3A_603, %swap3A_604] {strides = array<i32>} : memref<128x128xf32, #tpu.memory_space<vmem>>, vector<16xf32>,
          tpu.vector_store %arg13[%swap3A_603, %swap3A_604], %mul3A_602 {strides = array<i32>} : memref<128x128xf32, #tpu.memory_space<vmem>>, vector<16xf32>,
          %get3A_606 = arith.index_cast %add3A_577 : i32 to index
          %get3A_607 = arith.constant 64 : index
          %get3A_608 = tpu.vector_load %arg13[%get3A_606, %get3A_607] {strides = array<i32>} : memref<128x128xf32, #tpu.memory_space<vmem>>, vector<16xf32>,
          %mul3A_609 = arith.mulf %get3A_608, %gather3A_575 : vector<16xf32>
          %swap3A_610 = arith.index_cast %add3A_577 : i32 to index
          %swap3A_611 = arith.constant 64 : index
          %swap3A_612 = tpu.vector_load %arg13[%swap3A_610, %swap3A_611] {strides = array<i32>} : memref<128x128xf32, #tpu.memory_space<vmem>>, vector<16xf32>,
          tpu.vector_store %arg13[%swap3A_610, %swap3A_611], %mul3A_609 {strides = array<i32>} : memref<128x128xf32, #tpu.memory_space<vmem>>, vector<16xf32>,
          %get3A_613 = arith.index_cast %add3A_577 : i32 to index
          %get3A_614 = arith.constant 80 : index
          %get3A_615 = tpu.vector_load %arg13[%get3A_613, %get3A_614] {strides = array<i32>} : memref<128x128xf32, #tpu.memory_space<vmem>>, vector<16xf32>,
          %mul3A_616 = arith.mulf %get3A_615, %gather3A_575 : vector<16xf32>
          %swap3A_617 = arith.index_cast %add3A_577 : i32 to index
          %swap3A_618 = arith.constant 80 : index
          %swap3A_619 = tpu.vector_load %arg13[%swap3A_617, %swap3A_618] {strides = array<i32>} : memref<128x128xf32, #tpu.memory_space<vmem>>, vector<16xf32>,
          tpu.vector_store %arg13[%swap3A_617, %swap3A_618], %mul3A_616 {strides = array<i32>} : memref<128x128xf32, #tpu.memory_space<vmem>>, vector<16xf32>,
          %get3A_620 = arith.index_cast %add3A_577 : i32 to index
          %get3A_621 = arith.constant 96 : index
          %get3A_622 = tpu.vector_load %arg13[%get3A_620, %get3A_621] {strides = array<i32>} : memref<128x128xf32, #tpu.memory_space<vmem>>, vector<16xf32>,
          %mul3A_623 = arith.mulf %get3A_622, %gather3A_575 : vector<16xf32>
          %swap3A_624 = arith.index_cast %add3A_577 : i32 to index
          %swap3A_625 = arith.constant 96 : index
          %swap3A_626 = tpu.vector_load %arg13[%swap3A_624, %swap3A_625] {strides = array<i32>} : memref<128x128xf32, #tpu.memory_space<vmem>>, vector<16xf32>,
          tpu.vector_store %arg13[%swap3A_624, %swap3A_625], %mul3A_623 {strides = array<i32>} : memref<128x128xf32, #tpu.memory_space<vmem>>, vector<16xf32>,
          %get3A_627 = arith.index_cast %add3A_577 : i32 to index
          %get3A_628 = arith.constant 112 : index
          %get3A_629 = tpu.vector_load %arg13[%get3A_627, %get3A_628] {strides = array<i32>} : memref<128x128xf32, #tpu.memory_space<vmem>>, vector<16xf32>,
          %mul3A_630 = arith.mulf %get3A_629, %gather3A_575 : vector<16xf32>
          %swap3A_631 = arith.index_cast %add3A_577 : i32 to index
          %swap3A_632 = arith.constant 112 : index
          %swap3A_633 = tpu.vector_load %arg13[%swap3A_631, %swap3A_632] {strides = array<i32>} : memref<128x128xf32, #tpu.memory_space<vmem>>, vector<16xf32>,
          tpu.vector_store %arg13[%swap3A_631, %swap3A_632], %mul3A_630 {strides = array<i32>} : memref<128x128xf32, #tpu.memory_space<vmem>>, vector<16xf32>,
          %broadcast_in_dim3A_634 = arith.constant 7 : i32
          %broadcast_in_dim3A_635 = vector.broadcast %broadcast_in_dim3A_634 : i32 to vector<16xi32>
          %lt3A_636 = arith.constant 0 : i32
          %lt3A_637 = vector.broadcast %lt3A_636 : i32 to vector<16xi32>
          %lt3A_638 = arith.cmpi slt, %broadcast_in_dim3A_635, %lt3A_637 : vector<16xi32>
          %add3A_639 = arith.constant 16 : i32
          %add3A_640 = vector.broadcast %add3A_639 : i32 to vector<16xi32>
          %add3A_641 = arith.addi %broadcast_in_dim3A_635, %add3A_640 : vector<16xi32>
          %select_n3A_642 = arith.select %lt3A_638, %add3A_641, %broadcast_in_dim3A_635 : vector<16xi1>, vector<16xi32>
          %broadcast_in_dim3A_643 = vector.shape_cast %select_n3A_642 : vector<16xi32> to vector<16x1xi32>
          %gather3A_644 = vector.shape_cast %broadcast_in_dim3A_643 : vector<16x1xi32> to vector<16xi32>
          %gather3A_645 = tpu.dynamic_gather %get3A_146[%gather3A_644] in [0] : vector<16xf32>, vector<16xi32> -> vector<16xf32>
          %add3A_646 = arith.constant 7 : i32
          %add3A_647 = arith.addi %add3A_143, %add3A_646 : i32
          %get3A_648 = arith.index_cast %add3A_647 : i32 to index
          %get3A_649 = arith.constant 0 : index
          %get3A_650 = tpu.vector_load %arg13[%get3A_648, %get3A_649] {strides = array<i32>} : memref<128x128xf32, #tpu.memory_space<vmem>>, vector<16xf32>,
          %mul3A_651 = arith.mulf %get3A_650, %gather3A_645 : vector<16xf32>
          %swap3A_652 = arith.index_cast %add3A_647 : i32 to index
          %swap3A_653 = arith.constant 0 : index
          %swap3A_654 = tpu.vector_load %arg13[%swap3A_652, %swap3A_653] {strides = array<i32>} : memref<128x128xf32, #tpu.memory_space<vmem>>, vector<16xf32>,
          tpu.vector_store %arg13[%swap3A_652, %swap3A_653], %mul3A_651 {strides = array<i32>} : memref<128x128xf32, #tpu.memory_space<vmem>>, vector<16xf32>,
          %get3A_655 = arith.index_cast %add3A_647 : i32 to index
          %get3A_656 = arith.constant 16 : index
          %get3A_657 = tpu.vector_load %arg13[%get3A_655, %get3A_656] {strides = array<i32>} : memref<128x128xf32, #tpu.memory_space<vmem>>, vector<16xf32>,
          %mul3A_658 = arith.mulf %get3A_657, %gather3A_645 : vector<16xf32>
          %swap3A_659 = arith.index_cast %add3A_647 : i32 to index
          %swap3A_660 = arith.constant 16 : index
          %swap3A_661 = tpu.vector_load %arg13[%swap3A_659, %swap3A_660] {strides = array<i32>} : memref<128x128xf32, #tpu.memory_space<vmem>>, vector<16xf32>,
          tpu.vector_store %arg13[%swap3A_659, %swap3A_660], %mul3A_658 {strides = array<i32>} : memref<128x128xf32, #tpu.memory_space<vmem>>, vector<16xf32>,
          %get3A_662 = arith.index_cast %add3A_647 : i32 to index
          %get3A_663 = arith.constant 32 : index
          %get3A_664 = tpu.vector_load %arg13[%get3A_662, %get3A_663] {strides = array<i32>} : memref<128x128xf32, #tpu.memory_space<vmem>>, vector<16xf32>,
          %mul3A_665 = arith.mulf %get3A_664, %gather3A_645 : vector<16xf32>
          %swap3A_666 = arith.index_cast %add3A_647 : i32 to index
          %swap3A_667 = arith.constant 32 : index
          %swap3A_668 = tpu.vector_load %arg13[%swap3A_666, %swap3A_667] {strides = array<i32>} : memref<128x128xf32, #tpu.memory_space<vmem>>, vector<16xf32>,
          tpu.vector_store %arg13[%swap3A_666, %swap3A_667], %mul3A_665 {strides = array<i32>} : memref<128x128xf32, #tpu.memory_space<vmem>>, vector<16xf32>,
          %get3A_669 = arith.index_cast %add3A_647 : i32 to index
          %get3A_670 = arith.constant 48 : index
          %get3A_671 = tpu.vector_load %arg13[%get3A_669, %get3A_670] {strides = array<i32>} : memref<128x128xf32, #tpu.memory_space<vmem>>, vector<16xf32>,
          %mul3A_672 = arith.mulf %get3A_671, %gather3A_645 : vector<16xf32>
          %swap3A_673 = arith.index_cast %add3A_647 : i32 to index
          %swap3A_674 = arith.constant 48 : index
          %swap3A_675 = tpu.vector_load %arg13[%swap3A_673, %swap3A_674] {strides = array<i32>} : memref<128x128xf32, #tpu.memory_space<vmem>>, vector<16xf32>,
          tpu.vector_store %arg13[%swap3A_673, %swap3A_674], %mul3A_672 {strides = array<i32>} : memref<128x128xf32, #tpu.memory_space<vmem>>, vector<16xf32>,
          %get3A_676 = arith.index_cast %add3A_647 : i32 to index
          %get3A_677 = arith.constant 64 : index
          %get3A_678 = tpu.vector_load %arg13[%get3A_676, %get3A_677] {strides = array<i32>} : memref<128x128xf32, #tpu.memory_space<vmem>>, vector<16xf32>,
          %mul3A_679 = arith.mulf %get3A_678, %gather3A_645 : vector<16xf32>
          %swap3A_680 = arith.index_cast %add3A_647 : i32 to index
          %swap3A_681 = arith.constant 64 : index
          %swap3A_682 = tpu.vector_load %arg13[%swap3A_680, %swap3A_681] {strides = array<i32>} : memref<128x128xf32, #tpu.memory_space<vmem>>, vector<16xf32>,
          tpu.vector_store %arg13[%swap3A_680, %swap3A_681], %mul3A_679 {strides = array<i32>} : memref<128x128xf32, #tpu.memory_space<vmem>>, vector<16xf32>,
          %get3A_683 = arith.index_cast %add3A_647 : i32 to index
          %get3A_684 = arith.constant 80 : index
          %get3A_685 = tpu.vector_load %arg13[%get3A_683, %get3A_684] {strides = array<i32>} : memref<128x128xf32, #tpu.memory_space<vmem>>, vector<16xf32>,
          %mul3A_686 = arith.mulf %get3A_685, %gather3A_645 : vector<16xf32>
          %swap3A_687 = arith.index_cast %add3A_647 : i32 to index
          %swap3A_688 = arith.constant 80 : index
          %swap3A_689 = tpu.vector_load %arg13[%swap3A_687, %swap3A_688] {strides = array<i32>} : memref<128x128xf32, #tpu.memory_space<vmem>>, vector<16xf32>,
          tpu.vector_store %arg13[%swap3A_687, %swap3A_688], %mul3A_686 {strides = array<i32>} : memref<128x128xf32, #tpu.memory_space<vmem>>, vector<16xf32>,
          %get3A_690 = arith.index_cast %add3A_647 : i32 to index
          %get3A_691 = arith.constant 96 : index
          %get3A_692 = tpu.vector_load %arg13[%get3A_690, %get3A_691] {strides = array<i32>} : memref<128x128xf32, #tpu.memory_space<vmem>>, vector<16xf32>,
          %mul3A_693 = arith.mulf %get3A_692, %gather3A_645 : vector<16xf32>
          %swap3A_694 = arith.index_cast %add3A_647 : i32 to index
          %swap3A_695 = arith.constant 96 : index
          %swap3A_696 = tpu.vector_load %arg13[%swap3A_694, %swap3A_695] {strides = array<i32>} : memref<128x128xf32, #tpu.memory_space<vmem>>, vector<16xf32>,
          tpu.vector_store %arg13[%swap3A_694, %swap3A_695], %mul3A_693 {strides = array<i32>} : memref<128x128xf32, #tpu.memory_space<vmem>>, vector<16xf32>,
          %get3A_697 = arith.index_cast %add3A_647 : i32 to index
          %get3A_698 = arith.constant 112 : index
          %get3A_699 = tpu.vector_load %arg13[%get3A_697, %get3A_698] {strides = array<i32>} : memref<128x128xf32, #tpu.memory_space<vmem>>, vector<16xf32>,
          %mul3A_700 = arith.mulf %get3A_699, %gather3A_645 : vector<16xf32>
          %swap3A_701 = arith.index_cast %add3A_647 : i32 to index
          %swap3A_702 = arith.constant 112 : index
          %swap3A_703 = tpu.vector_load %arg13[%swap3A_701, %swap3A_702] {strides = array<i32>} : memref<128x128xf32, #tpu.memory_space<vmem>>, vector<16xf32>,
          tpu.vector_store %arg13[%swap3A_701, %swap3A_702], %mul3A_700 {strides = array<i32>} : memref<128x128xf32, #tpu.memory_space<vmem>>, vector<16xf32>,
          %broadcast_in_dim3A_704 = arith.constant 8 : i32
          %broadcast_in_dim3A_705 = vector.broadcast %broadcast_in_dim3A_704 : i32 to vector<16xi32>
          %lt3A_706 = arith.constant 0 : i32
          %lt3A_707 = vector.broadcast %lt3A_706 : i32 to vector<16xi32>
          %lt3A_708 = arith.cmpi slt, %broadcast_in_dim3A_705, %lt3A_707 : vector<16xi32>
          %add3A_709 = arith.constant 16 : i32
          %add3A_710 = vector.broadcast %add3A_709 : i32 to vector<16xi32>
          %add3A_711 = arith.addi %broadcast_in_dim3A_705, %add3A_710 : vector<16xi32>
          %select_n3A_712 = arith.select %lt3A_708, %add3A_711, %broadcast_in_dim3A_705 : vector<16xi1>, vector<16xi32>
          %broadcast_in_dim3A_713 = vector.shape_cast %select_n3A_712 : vector<16xi32> to vector<16x1xi32>
          %gather3A_714 = vector.shape_cast %broadcast_in_dim3A_713 : vector<16x1xi32> to vector<16xi32>
          %gather3A_715 = tpu.dynamic_gather %get3A_146[%gather3A_714] in [0] : vector<16xf32>, vector<16xi32> -> vector<16xf32>
          %add3A_716 = arith.constant 8 : i32
          %add3A_717 = arith.addi %add3A_143, %add3A_716 : i32
          %get3A_718 = arith.index_cast %add3A_717 : i32 to index
          %get3A_719 = arith.constant 0 : index
          %get3A_720 = tpu.vector_load %arg13[%get3A_718, %get3A_719] {strides = array<i32>} : memref<128x128xf32, #tpu.memory_space<vmem>>, vector<16xf32>,
          %mul3A_721 = arith.mulf %get3A_720, %gather3A_715 : vector<16xf32>
          %swap3A_722 = arith.index_cast %add3A_717 : i32 to index
          %swap3A_723 = arith.constant 0 : index
          %swap3A_724 = tpu.vector_load %arg13[%swap3A_722, %swap3A_723] {strides = array<i32>} : memref<128x128xf32, #tpu.memory_space<vmem>>, vector<16xf32>,
          tpu.vector_store %arg13[%swap3A_722, %swap3A_723], %mul3A_721 {strides = array<i32>} : memref<128x128xf32, #tpu.memory_space<vmem>>, vector<16xf32>,
          %get3A_725 = arith.index_cast %add3A_717 : i32 to index
          %get3A_726 = arith.constant 16 : index
          %get3A_727 = tpu.vector_load %arg13[%get3A_725, %get3A_726] {strides = array<i32>} : memref<128x128xf32, #tpu.memory_space<vmem>>, vector<16xf32>,
          %mul3A_728 = arith.mulf %get3A_727, %gather3A_715 : vector<16xf32>
          %swap3A_729 = arith.index_cast %add3A_717 : i32 to index
          %swap3A_730 = arith.constant 16 : index
          %swap3A_731 = tpu.vector_load %arg13[%swap3A_729, %swap3A_730] {strides = array<i32>} : memref<128x128xf32, #tpu.memory_space<vmem>>, vector<16xf32>,
          tpu.vector_store %arg13[%swap3A_729, %swap3A_730], %mul3A_728 {strides = array<i32>} : memref<128x128xf32, #tpu.memory_space<vmem>>, vector<16xf32>,
          %get3A_732 = arith.index_cast %add3A_717 : i32 to index
          %get3A_733 = arith.constant 32 : index
          %get3A_734 = tpu.vector_load %arg13[%get3A_732, %get3A_733] {strides = array<i32>} : memref<128x128xf32, #tpu.memory_space<vmem>>, vector<16xf32>,
          %mul3A_735 = arith.mulf %get3A_734, %gather3A_715 : vector<16xf32>
          %swap3A_736 = arith.index_cast %add3A_717 : i32 to index
          %swap3A_737 = arith.constant 32 : index
          %swap3A_738 = tpu.vector_load %arg13[%swap3A_736, %swap3A_737] {strides = array<i32>} : memref<128x128xf32, #tpu.memory_space<vmem>>, vector<16xf32>,
          tpu.vector_store %arg13[%swap3A_736, %swap3A_737], %mul3A_735 {strides = array<i32>} : memref<128x128xf32, #tpu.memory_space<vmem>>, vector<16xf32>,
          %get3A_739 = arith.index_cast %add3A_717 : i32 to index
          %get3A_740 = arith.constant 48 : index
          %get3A_741 = tpu.vector_load %arg13[%get3A_739, %get3A_740] {strides = array<i32>} : memref<128x128xf32, #tpu.memory_space<vmem>>, vector<16xf32>,
          %mul3A_742 = arith.mulf %get3A_741, %gather3A_715 : vector<16xf32>
          %swap3A_743 = arith.index_cast %add3A_717 : i32 to index
          %swap3A_744 = arith.constant 48 : index
          %swap3A_745 = tpu.vector_load %arg13[%swap3A_743, %swap3A_744] {strides = array<i32>} : memref<128x128xf32, #tpu.memory_space<vmem>>, vector<16xf32>,
          tpu.vector_store %arg13[%swap3A_743, %swap3A_744], %mul3A_742 {strides = array<i32>} : memref<128x128xf32, #tpu.memory_space<vmem>>, vector<16xf32>,
          %get3A_746 = arith.index_cast %add3A_717 : i32 to index
          %get3A_747 = arith.constant 64 : index
          %get3A_748 = tpu.vector_load %arg13[%get3A_746, %get3A_747] {strides = array<i32>} : memref<128x128xf32, #tpu.memory_space<vmem>>, vector<16xf32>,
          %mul3A_749 = arith.mulf %get3A_748, %gather3A_715 : vector<16xf32>
          %swap3A_750 = arith.index_cast %add3A_717 : i32 to index
          %swap3A_751 = arith.constant 64 : index
          %swap3A_752 = tpu.vector_load %arg13[%swap3A_750, %swap3A_751] {strides = array<i32>} : memref<128x128xf32, #tpu.memory_space<vmem>>, vector<16xf32>,
          tpu.vector_store %arg13[%swap3A_750, %swap3A_751], %mul3A_749 {strides = array<i32>} : memref<128x128xf32, #tpu.memory_space<vmem>>, vector<16xf32>,
          %get3A_753 = arith.index_cast %add3A_717 : i32 to index
          %get3A_754 = arith.constant 80 : index
          %get3A_755 = tpu.vector_load %arg13[%get3A_753, %get3A_754] {strides = array<i32>} : memref<128x128xf32, #tpu.memory_space<vmem>>, vector<16xf32>,
          %mul3A_756 = arith.mulf %get3A_755, %gather3A_715 : vector<16xf32>
          %swap3A_757 = arith.index_cast %add3A_717 : i32 to index
          %swap3A_758 = arith.constant 80 : index
          %swap3A_759 = tpu.vector_load %arg13[%swap3A_757, %swap3A_758] {strides = array<i32>} : memref<128x128xf32, #tpu.memory_space<vmem>>, vector<16xf32>,
          tpu.vector_store %arg13[%swap3A_757, %swap3A_758], %mul3A_756 {strides = array<i32>} : memref<128x128xf32, #tpu.memory_space<vmem>>, vector<16xf32>,
          %get3A_760 = arith.index_cast %add3A_717 : i32 to index
          %get3A_761 = arith.constant 96 : index
          %get3A_762 = tpu.vector_load %arg13[%get3A_760, %get3A_761] {strides = array<i32>} : memref<128x128xf32, #tpu.memory_space<vmem>>, vector<16xf32>,
          %mul3A_763 = arith.mulf %get3A_762, %gather3A_715 : vector<16xf32>
          %swap3A_764 = arith.index_cast %add3A_717 : i32 to index
          %swap3A_765 = arith.constant 96 : index
          %swap3A_766 = tpu.vector_load %arg13[%swap3A_764, %swap3A_765] {strides = array<i32>} : memref<128x128xf32, #tpu.memory_space<vmem>>, vector<16xf32>,
          tpu.vector_store %arg13[%swap3A_764, %swap3A_765], %mul3A_763 {strides = array<i32>} : memref<128x128xf32, #tpu.memory_space<vmem>>, vector<16xf32>,
          %get3A_767 = arith.index_cast %add3A_717 : i32 to index
          %get3A_768 = arith.constant 112 : index
          %get3A_769 = tpu.vector_load %arg13[%get3A_767, %get3A_768] {strides = array<i32>} : memref<128x128xf32, #tpu.memory_space<vmem>>, vector<16xf32>,
          %mul3A_770 = arith.mulf %get3A_769, %gather3A_715 : vector<16xf32>
          %swap3A_771 = arith.index_cast %add3A_717 : i32 to index
          %swap3A_772 = arith.constant 112 : index
          %swap3A_773 = tpu.vector_load %arg13[%swap3A_771, %swap3A_772] {strides = array<i32>} : memref<128x128xf32, #tpu.memory_space<vmem>>, vector<16xf32>,
          tpu.vector_store %arg13[%swap3A_771, %swap3A_772], %mul3A_770 {strides = array<i32>} : memref<128x128xf32, #tpu.memory_space<vmem>>, vector<16xf32>,
          %broadcast_in_dim3A_774 = arith.constant 9 : i32
          %broadcast_in_dim3A_775 = vector.broadcast %broadcast_in_dim3A_774 : i32 to vector<16xi32>
          %lt3A_776 = arith.constant 0 : i32
          %lt3A_777 = vector.broadcast %lt3A_776 : i32 to vector<16xi32>
          %lt3A_778 = arith.cmpi slt, %broadcast_in_dim3A_775, %lt3A_777 : vector<16xi32>
          %add3A_779 = arith.constant 16 : i32
          %add3A_780 = vector.broadcast %add3A_779 : i32 to vector<16xi32>
          %add3A_781 = arith.addi %broadcast_in_dim3A_775, %add3A_780 : vector<16xi32>
          %select_n3A_782 = arith.select %lt3A_778, %add3A_781, %broadcast_in_dim3A_775 : vector<16xi1>, vector<16xi32>
          %broadcast_in_dim3A_783 = vector.shape_cast %select_n3A_782 : vector<16xi32> to vector<16x1xi32>
          %gather3A_784 = vector.shape_cast %broadcast_in_dim3A_783 : vector<16x1xi32> to vector<16xi32>
          %gather3A_785 = tpu.dynamic_gather %get3A_146[%gather3A_784] in [0] : vector<16xf32>, vector<16xi32> -> vector<16xf32>
          %add3A_786 = arith.constant 9 : i32
          %add3A_787 = arith.addi %add3A_143, %add3A_786 : i32
          %get3A_788 = arith.index_cast %add3A_787 : i32 to index
          %get3A_789 = arith.constant 0 : index
          %get3A_790 = tpu.vector_load %arg13[%get3A_788, %get3A_789] {strides = array<i32>} : memref<128x128xf32, #tpu.memory_space<vmem>>, vector<16xf32>,
          %mul3A_791 = arith.mulf %get3A_790, %gather3A_785 : vector<16xf32>
          %swap3A_792 = arith.index_cast %add3A_787 : i32 to index
          %swap3A_793 = arith.constant 0 : index
          %swap3A_794 = tpu.vector_load %arg13[%swap3A_792, %swap3A_793] {strides = array<i32>} : memref<128x128xf32, #tpu.memory_space<vmem>>, vector<16xf32>,
          tpu.vector_store %arg13[%swap3A_792, %swap3A_793], %mul3A_791 {strides = array<i32>} : memref<128x128xf32, #tpu.memory_space<vmem>>, vector<16xf32>,
          %get3A_795 = arith.index_cast %add3A_787 : i32 to index
          %get3A_796 = arith.constant 16 : index
          %get3A_797 = tpu.vector_load %arg13[%get3A_795, %get3A_796] {strides = array<i32>} : memref<128x128xf32, #tpu.memory_space<vmem>>, vector<16xf32>,
          %mul3A_798 = arith.mulf %get3A_797, %gather3A_785 : vector<16xf32>
          %swap3A_799 = arith.index_cast %add3A_787 : i32 to index
          %swap3A_800 = arith.constant 16 : index
          %swap3A_801 = tpu.vector_load %arg13[%swap3A_799, %swap3A_800] {strides = array<i32>} : memref<128x128xf32, #tpu.memory_space<vmem>>, vector<16xf32>,
          tpu.vector_store %arg13[%swap3A_799, %swap3A_800], %mul3A_798 {strides = array<i32>} : memref<128x128xf32, #tpu.memory_space<vmem>>, vector<16xf32>,
          %get3A_802 = arith.index_cast %add3A_787 : i32 to index
          %get3A_803 = arith.constant 32 : index
          %get3A_804 = tpu.vector_load %arg13[%get3A_802, %get3A_803] {strides = array<i32>} : memref<128x128xf32, #tpu.memory_space<vmem>>, vector<16xf32>,
          %mul3A_805 = arith.mulf %get3A_804, %gather3A_785 : vector<16xf32>
          %swap3A_806 = arith.index_cast %add3A_787 : i32 to index
          %swap3A_807 = arith.constant 32 : index
          %swap3A_808 = tpu.vector_load %arg13[%swap3A_806, %swap3A_807] {strides = array<i32>} : memref<128x128xf32, #tpu.memory_space<vmem>>, vector<16xf32>,
          tpu.vector_store %arg13[%swap3A_806, %swap3A_807], %mul3A_805 {strides = array<i32>} : memref<128x128xf32, #tpu.memory_space<vmem>>, vector<16xf32>,
          %get3A_809 = arith.index_cast %add3A_787 : i32 to index
          %get3A_810 = arith.constant 48 : index
          %get3A_811 = tpu.vector_load %arg13[%get3A_809, %get3A_810] {strides = array<i32>} : memref<128x128xf32, #tpu.memory_space<vmem>>, vector<16xf32>,
          %mul3A_812 = arith.mulf %get3A_811, %gather3A_785 : vector<16xf32>
          %swap3A_813 = arith.index_cast %add3A_787 : i32 to index
          %swap3A_814 = arith.constant 48 : index
          %swap3A_815 = tpu.vector_load %arg13[%swap3A_813, %swap3A_814] {strides = array<i32>} : memref<128x128xf32, #tpu.memory_space<vmem>>, vector<16xf32>,
          tpu.vector_store %arg13[%swap3A_813, %swap3A_814], %mul3A_812 {strides = array<i32>} : memref<128x128xf32, #tpu.memory_space<vmem>>, vector<16xf32>,
          %get3A_816 = arith.index_cast %add3A_787 : i32 to index
          %get3A_817 = arith.constant 64 : index
          %get3A_818 = tpu.vector_load %arg13[%get3A_816, %get3A_817] {strides = array<i32>} : memref<128x128xf32, #tpu.memory_space<vmem>>, vector<16xf32>,
          %mul3A_819 = arith.mulf %get3A_818, %gather3A_785 : vector<16xf32>
          %swap3A_820 = arith.index_cast %add3A_787 : i32 to index
          %swap3A_821 = arith.constant 64 : index
          %swap3A_822 = tpu.vector_load %arg13[%swap3A_820, %swap3A_821] {strides = array<i32>} : memref<128x128xf32, #tpu.memory_space<vmem>>, vector<16xf32>,
          tpu.vector_store %arg13[%swap3A_820, %swap3A_821], %mul3A_819 {strides = array<i32>} : memref<128x128xf32, #tpu.memory_space<vmem>>, vector<16xf32>,
          %get3A_823 = arith.index_cast %add3A_787 : i32 to index
          %get3A_824 = arith.constant 80 : index
          %get3A_825 = tpu.vector_load %arg13[%get3A_823, %get3A_824] {strides = array<i32>} : memref<128x128xf32, #tpu.memory_space<vmem>>, vector<16xf32>,
          %mul3A_826 = arith.mulf %get3A_825, %gather3A_785 : vector<16xf32>
          %swap3A_827 = arith.index_cast %add3A_787 : i32 to index
          %swap3A_828 = arith.constant 80 : index
          %swap3A_829 = tpu.vector_load %arg13[%swap3A_827, %swap3A_828] {strides = array<i32>} : memref<128x128xf32, #tpu.memory_space<vmem>>, vector<16xf32>,
          tpu.vector_store %arg13[%swap3A_827, %swap3A_828], %mul3A_826 {strides = array<i32>} : memref<128x128xf32, #tpu.memory_space<vmem>>, vector<16xf32>,
          %get3A_830 = arith.index_cast %add3A_787 : i32 to index
          %get3A_831 = arith.constant 96 : index
          %get3A_832 = tpu.vector_load %arg13[%get3A_830, %get3A_831] {strides = array<i32>} : memref<128x128xf32, #tpu.memory_space<vmem>>, vector<16xf32>,
          %mul3A_833 = arith.mulf %get3A_832, %gather3A_785 : vector<16xf32>
          %swap3A_834 = arith.index_cast %add3A_787 : i32 to index
          %swap3A_835 = arith.constant 96 : index
          %swap3A_836 = tpu.vector_load %arg13[%swap3A_834, %swap3A_835] {strides = array<i32>} : memref<128x128xf32, #tpu.memory_space<vmem>>, vector<16xf32>,
          tpu.vector_store %arg13[%swap3A_834, %swap3A_835], %mul3A_833 {strides = array<i32>} : memref<128x128xf32, #tpu.memory_space<vmem>>, vector<16xf32>,
          %get3A_837 = arith.index_cast %add3A_787 : i32 to index
          %get3A_838 = arith.constant 112 : index
          %get3A_839 = tpu.vector_load %arg13[%get3A_837, %get3A_838] {strides = array<i32>} : memref<128x128xf32, #tpu.memory_space<vmem>>, vector<16xf32>,
          %mul3A_840 = arith.mulf %get3A_839, %gather3A_785 : vector<16xf32>
          %swap3A_841 = arith.index_cast %add3A_787 : i32 to index
          %swap3A_842 = arith.constant 112 : index
          %swap3A_843 = tpu.vector_load %arg13[%swap3A_841, %swap3A_842] {strides = array<i32>} : memref<128x128xf32, #tpu.memory_space<vmem>>, vector<16xf32>,
          tpu.vector_store %arg13[%swap3A_841, %swap3A_842], %mul3A_840 {strides = array<i32>} : memref<128x128xf32, #tpu.memory_space<vmem>>, vector<16xf32>,
          %broadcast_in_dim3A_844 = arith.constant 10 : i32
          %broadcast_in_dim3A_845 = vector.broadcast %broadcast_in_dim3A_844 : i32 to vector<16xi32>
          %lt3A_846 = arith.constant 0 : i32
          %lt3A_847 = vector.broadcast %lt3A_846 : i32 to vector<16xi32>
          %lt3A_848 = arith.cmpi slt, %broadcast_in_dim3A_845, %lt3A_847 : vector<16xi32>
          %add3A_849 = arith.constant 16 : i32
          %add3A_850 = vector.broadcast %add3A_849 : i32 to vector<16xi32>
          %add3A_851 = arith.addi %broadcast_in_dim3A_845, %add3A_850 : vector<16xi32>
          %select_n3A_852 = arith.select %lt3A_848, %add3A_851, %broadcast_in_dim3A_845 : vector<16xi1>, vector<16xi32>
          %broadcast_in_dim3A_853 = vector.shape_cast %select_n3A_852 : vector<16xi32> to vector<16x1xi32>
          %gather3A_854 = vector.shape_cast %broadcast_in_dim3A_853 : vector<16x1xi32> to vector<16xi32>
          %gather3A_855 = tpu.dynamic_gather %get3A_146[%gather3A_854] in [0] : vector<16xf32>, vector<16xi32> -> vector<16xf32>
          %add3A_856 = arith.constant 10 : i32
          %add3A_857 = arith.addi %add3A_143, %add3A_856 : i32
          %get3A_858 = arith.index_cast %add3A_857 : i32 to index
          %get3A_859 = arith.constant 0 : index
          %get3A_860 = tpu.vector_load %arg13[%get3A_858, %get3A_859] {strides = array<i32>} : memref<128x128xf32, #tpu.memory_space<vmem>>, vector<16xf32>,
          %mul3A_861 = arith.mulf %get3A_860, %gather3A_855 : vector<16xf32>
          %swap3A_862 = arith.index_cast %add3A_857 : i32 to index
          %swap3A_863 = arith.constant 0 : index
          %swap3A_864 = tpu.vector_load %arg13[%swap3A_862, %swap3A_863] {strides = array<i32>} : memref<128x128xf32, #tpu.memory_space<vmem>>, vector<16xf32>,
          tpu.vector_store %arg13[%swap3A_862, %swap3A_863], %mul3A_861 {strides = array<i32>} : memref<128x128xf32, #tpu.memory_space<vmem>>, vector<16xf32>,
          %get3A_865 = arith.index_cast %add3A_857 : i32 to index
          %get3A_866 = arith.constant 16 : index
          %get3A_867 = tpu.vector_load %arg13[%get3A_865, %get3A_866] {strides = array<i32>} : memref<128x128xf32, #tpu.memory_space<vmem>>, vector<16xf32>,
          %mul3A_868 = arith.mulf %get3A_867, %gather3A_855 : vector<16xf32>
          %swap3A_869 = arith.index_cast %add3A_857 : i32 to index
          %swap3A_870 = arith.constant 16 : index
          %swap3A_871 = tpu.vector_load %arg13[%swap3A_869, %swap3A_870] {strides = array<i32>} : memref<128x128xf32, #tpu.memory_space<vmem>>, vector<16xf32>,
          tpu.vector_store %arg13[%swap3A_869, %swap3A_870], %mul3A_868 {strides = array<i32>} : memref<128x128xf32, #tpu.memory_space<vmem>>, vector<16xf32>,
          %get3A_872 = arith.index_cast %add3A_857 : i32 to index
          %get3A_873 = arith.constant 32 : index
          %get3A_874 = tpu.vector_load %arg13[%get3A_872, %get3A_873] {strides = array<i32>} : memref<128x128xf32, #tpu.memory_space<vmem>>, vector<16xf32>,
          %mul3A_875 = arith.mulf %get3A_874, %gather3A_855 : vector<16xf32>
          %swap3A_876 = arith.index_cast %add3A_857 : i32 to index
          %swap3A_877 = arith.constant 32 : index
          %swap3A_878 = tpu.vector_load %arg13[%swap3A_876, %swap3A_877] {strides = array<i32>} : memref<128x128xf32, #tpu.memory_space<vmem>>, vector<16xf32>,
          tpu.vector_store %arg13[%swap3A_876, %swap3A_877], %mul3A_875 {strides = array<i32>} : memref<128x128xf32, #tpu.memory_space<vmem>>, vector<16xf32>,
          %get3A_879 = arith.index_cast %add3A_857 : i32 to index
          %get3A_880 = arith.constant 48 : index
          %get3A_881 = tpu.vector_load %arg13[%get3A_879, %get3A_880] {strides = array<i32>} : memref<128x128xf32, #tpu.memory_space<vmem>>, vector<16xf32>,
          %mul3A_882 = arith.mulf %get3A_881, %gather3A_855 : vector<16xf32>
          %swap3A_883 = arith.index_cast %add3A_857 : i32 to index
          %swap3A_884 = arith.constant 48 : index
          %swap3A_885 = tpu.vector_load %arg13[%swap3A_883, %swap3A_884] {strides = array<i32>} : memref<128x128xf32, #tpu.memory_space<vmem>>, vector<16xf32>,
          tpu.vector_store %arg13[%swap3A_883, %swap3A_884], %mul3A_882 {strides = array<i32>} : memref<128x128xf32, #tpu.memory_space<vmem>>, vector<16xf32>,
          %get3A_886 = arith.index_cast %add3A_857 : i32 to index
          %get3A_887 = arith.constant 64 : index
          %get3A_888 = tpu.vector_load %arg13[%get3A_886, %get3A_887] {strides = array<i32>} : memref<128x128xf32, #tpu.memory_space<vmem>>, vector<16xf32>,
          %mul3A_889 = arith.mulf %get3A_888, %gather3A_855 : vector<16xf32>
          %swap3A_890 = arith.index_cast %add3A_857 : i32 to index
          %swap3A_891 = arith.constant 64 : index
          %swap3A_892 = tpu.vector_load %arg13[%swap3A_890, %swap3A_891] {strides = array<i32>} : memref<128x128xf32, #tpu.memory_space<vmem>>, vector<16xf32>,
          tpu.vector_store %arg13[%swap3A_890, %swap3A_891], %mul3A_889 {strides = array<i32>} : memref<128x128xf32, #tpu.memory_space<vmem>>, vector<16xf32>,
          %get3A_893 = arith.index_cast %add3A_857 : i32 to index
          %get3A_894 = arith.constant 80 : index
          %get3A_895 = tpu.vector_load %arg13[%get3A_893, %get3A_894] {strides = array<i32>} : memref<128x128xf32, #tpu.memory_space<vmem>>, vector<16xf32>,
          %mul3A_896 = arith.mulf %get3A_895, %gather3A_855 : vector<16xf32>
          %swap3A_897 = arith.index_cast %add3A_857 : i32 to index
          %swap3A_898 = arith.constant 80 : index
          %swap3A_899 = tpu.vector_load %arg13[%swap3A_897, %swap3A_898] {strides = array<i32>} : memref<128x128xf32, #tpu.memory_space<vmem>>, vector<16xf32>,
          tpu.vector_store %arg13[%swap3A_897, %swap3A_898], %mul3A_896 {strides = array<i32>} : memref<128x128xf32, #tpu.memory_space<vmem>>, vector<16xf32>,
          %get3A_900 = arith.index_cast %add3A_857 : i32 to index
          %get3A_901 = arith.constant 96 : index
          %get3A_902 = tpu.vector_load %arg13[%get3A_900, %get3A_901] {strides = array<i32>} : memref<128x128xf32, #tpu.memory_space<vmem>>, vector<16xf32>,
          %mul3A_903 = arith.mulf %get3A_902, %gather3A_855 : vector<16xf32>
          %swap3A_904 = arith.index_cast %add3A_857 : i32 to index
          %swap3A_905 = arith.constant 96 : index
          %swap3A_906 = tpu.vector_load %arg13[%swap3A_904, %swap3A_905] {strides = array<i32>} : memref<128x128xf32, #tpu.memory_space<vmem>>, vector<16xf32>,
          tpu.vector_store %arg13[%swap3A_904, %swap3A_905], %mul3A_903 {strides = array<i32>} : memref<128x128xf32, #tpu.memory_space<vmem>>, vector<16xf32>,
          %get3A_907 = arith.index_cast %add3A_857 : i32 to index
          %get3A_908 = arith.constant 112 : index
          %get3A_909 = tpu.vector_load %arg13[%get3A_907, %get3A_908] {strides = array<i32>} : memref<128x128xf32, #tpu.memory_space<vmem>>, vector<16xf32>,
          %mul3A_910 = arith.mulf %get3A_909, %gather3A_855 : vector<16xf32>
          %swap3A_911 = arith.index_cast %add3A_857 : i32 to index
          %swap3A_912 = arith.constant 112 : index
          %swap3A_913 = tpu.vector_load %arg13[%swap3A_911, %swap3A_912] {strides = array<i32>} : memref<128x128xf32, #tpu.memory_space<vmem>>, vector<16xf32>,
          tpu.vector_store %arg13[%swap3A_911, %swap3A_912], %mul3A_910 {strides = array<i32>} : memref<128x128xf32, #tpu.memory_space<vmem>>, vector<16xf32>,
          %broadcast_in_dim3A_914 = arith.constant 11 : i32
          %broadcast_in_dim3A_915 = vector.broadcast %broadcast_in_dim3A_914 : i32 to vector<16xi32>
          %lt3A_916 = arith.constant 0 : i32
          %lt3A_917 = vector.broadcast %lt3A_916 : i32 to vector<16xi32>
          %lt3A_918 = arith.cmpi slt, %broadcast_in_dim3A_915, %lt3A_917 : vector<16xi32>
          %add3A_919 = arith.constant 16 : i32
          %add3A_920 = vector.broadcast %add3A_919 : i32 to vector<16xi32>
          %add3A_921 = arith.addi %broadcast_in_dim3A_915, %add3A_920 : vector<16xi32>
          %select_n3A_922 = arith.select %lt3A_918, %add3A_921, %broadcast_in_dim3A_915 : vector<16xi1>, vector<16xi32>
          %broadcast_in_dim3A_923 = vector.shape_cast %select_n3A_922 : vector<16xi32> to vector<16x1xi32>
          %gather3A_924 = vector.shape_cast %broadcast_in_dim3A_923 : vector<16x1xi32> to vector<16xi32>
          %gather3A_925 = tpu.dynamic_gather %get3A_146[%gather3A_924] in [0] : vector<16xf32>, vector<16xi32> -> vector<16xf32>
          %add3A_926 = arith.constant 11 : i32
          %add3A_927 = arith.addi %add3A_143, %add3A_926 : i32
          %get3A_928 = arith.index_cast %add3A_927 : i32 to index
          %get3A_929 = arith.constant 0 : index
          %get3A_930 = tpu.vector_load %arg13[%get3A_928, %get3A_929] {strides = array<i32>} : memref<128x128xf32, #tpu.memory_space<vmem>>, vector<16xf32>,
          %mul3A_931 = arith.mulf %get3A_930, %gather3A_925 : vector<16xf32>
          %swap3A_932 = arith.index_cast %add3A_927 : i32 to index
          %swap3A_933 = arith.constant 0 : index
          %swap3A_934 = tpu.vector_load %arg13[%swap3A_932, %swap3A_933] {strides = array<i32>} : memref<128x128xf32, #tpu.memory_space<vmem>>, vector<16xf32>,
          tpu.vector_store %arg13[%swap3A_932, %swap3A_933], %mul3A_931 {strides = array<i32>} : memref<128x128xf32, #tpu.memory_space<vmem>>, vector<16xf32>,
          %get3A_935 = arith.index_cast %add3A_927 : i32 to index
          %get3A_936 = arith.constant 16 : index
          %get3A_937 = tpu.vector_load %arg13[%get3A_935, %get3A_936] {strides = array<i32>} : memref<128x128xf32, #tpu.memory_space<vmem>>, vector<16xf32>,
          %mul3A_938 = arith.mulf %get3A_937, %gather3A_925 : vector<16xf32>
          %swap3A_939 = arith.index_cast %add3A_927 : i32 to index
          %swap3A_940 = arith.constant 16 : index
          %swap3A_941 = tpu.vector_load %arg13[%swap3A_939, %swap3A_940] {strides = array<i32>} : memref<128x128xf32, #tpu.memory_space<vmem>>, vector<16xf32>,
          tpu.vector_store %arg13[%swap3A_939, %swap3A_940], %mul3A_938 {strides = array<i32>} : memref<128x128xf32, #tpu.memory_space<vmem>>, vector<16xf32>,
          %get3A_942 = arith.index_cast %add3A_927 : i32 to index
          %get3A_943 = arith.constant 32 : index
          %get3A_944 = tpu.vector_load %arg13[%get3A_942, %get3A_943] {strides = array<i32>} : memref<128x128xf32, #tpu.memory_space<vmem>>, vector<16xf32>,
          %mul3A_945 = arith.mulf %get3A_944, %gather3A_925 : vector<16xf32>
          %swap3A_946 = arith.index_cast %add3A_927 : i32 to index
          %swap3A_947 = arith.constant 32 : index
          %swap3A_948 = tpu.vector_load %arg13[%swap3A_946, %swap3A_947] {strides = array<i32>} : memref<128x128xf32, #tpu.memory_space<vmem>>, vector<16xf32>,
          tpu.vector_store %arg13[%swap3A_946, %swap3A_947], %mul3A_945 {strides = array<i32>} : memref<128x128xf32, #tpu.memory_space<vmem>>, vector<16xf32>,
          %get3A_949 = arith.index_cast %add3A_927 : i32 to index
          %get3A_950 = arith.constant 48 : index
          %get3A_951 = tpu.vector_load %arg13[%get3A_949, %get3A_950] {strides = array<i32>} : memref<128x128xf32, #tpu.memory_space<vmem>>, vector<16xf32>,
          %mul3A_952 = arith.mulf %get3A_951, %gather3A_925 : vector<16xf32>
          %swap3A_953 = arith.index_cast %add3A_927 : i32 to index
          %swap3A_954 = arith.constant 48 : index
          %swap3A_955 = tpu.vector_load %arg13[%swap3A_953, %swap3A_954] {strides = array<i32>} : memref<128x128xf32, #tpu.memory_space<vmem>>, vector<16xf32>,
          tpu.vector_store %arg13[%swap3A_953, %swap3A_954], %mul3A_952 {strides = array<i32>} : memref<128x128xf32, #tpu.memory_space<vmem>>, vector<16xf32>,
          %get3A_956 = arith.index_cast %add3A_927 : i32 to index
          %get3A_957 = arith.constant 64 : index
          %get3A_958 = tpu.vector_load %arg13[%get3A_956, %get3A_957] {strides = array<i32>} : memref<128x128xf32, #tpu.memory_space<vmem>>, vector<16xf32>,
          %mul3A_959 = arith.mulf %get3A_958, %gather3A_925 : vector<16xf32>
          %swap3A_960 = arith.index_cast %add3A_927 : i32 to index
          %swap3A_961 = arith.constant 64 : index
          %swap3A_962 = tpu.vector_load %arg13[%swap3A_960, %swap3A_961] {strides = array<i32>} : memref<128x128xf32, #tpu.memory_space<vmem>>, vector<16xf32>,
          tpu.vector_store %arg13[%swap3A_960, %swap3A_961], %mul3A_959 {strides = array<i32>} : memref<128x128xf32, #tpu.memory_space<vmem>>, vector<16xf32>,
          %get3A_963 = arith.index_cast %add3A_927 : i32 to index
          %get3A_964 = arith.constant 80 : index
          %get3A_965 = tpu.vector_load %arg13[%get3A_963, %get3A_964] {strides = array<i32>} : memref<128x128xf32, #tpu.memory_space<vmem>>, vector<16xf32>,
          %mul3A_966 = arith.mulf %get3A_965, %gather3A_925 : vector<16xf32>
          %swap3A_967 = arith.index_cast %add3A_927 : i32 to index
          %swap3A_968 = arith.constant 80 : index
          %swap3A_969 = tpu.vector_load %arg13[%swap3A_967, %swap3A_968] {strides = array<i32>} : memref<128x128xf32, #tpu.memory_space<vmem>>, vector<16xf32>,
          tpu.vector_store %arg13[%swap3A_967, %swap3A_968], %mul3A_966 {strides = array<i32>} : memref<128x128xf32, #tpu.memory_space<vmem>>, vector<16xf32>,
          %get3A_970 = arith.index_cast %add3A_927 : i32 to index
          %get3A_971 = arith.constant 96 : index
          %get3A_972 = tpu.vector_load %arg13[%get3A_970, %get3A_971] {strides = array<i32>} : memref<128x128xf32, #tpu.memory_space<vmem>>, vector<16xf32>,
          %mul3A_973 = arith.mulf %get3A_972, %gather3A_925 : vector<16xf32>
          %swap3A_974 = arith.index_cast %add3A_927 : i32 to index
          %swap3A_975 = arith.constant 96 : index
          %swap3A_976 = tpu.vector_load %arg13[%swap3A_974, %swap3A_975] {strides = array<i32>} : memref<128x128xf32, #tpu.memory_space<vmem>>, vector<16xf32>,
          tpu.vector_store %arg13[%swap3A_974, %swap3A_975], %mul3A_973 {strides = array<i32>} : memref<128x128xf32, #tpu.memory_space<vmem>>, vector<16xf32>,
          %get3A_977 = arith.index_cast %add3A_927 : i32 to index
          %get3A_978 = arith.constant 112 : index
          %get3A_979 = tpu.vector_load %arg13[%get3A_977, %get3A_978] {strides = array<i32>} : memref<128x128xf32, #tpu.memory_space<vmem>>, vector<16xf32>,
          %mul3A_980 = arith.mulf %get3A_979, %gather3A_925 : vector<16xf32>
          %swap3A_981 = arith.index_cast %add3A_927 : i32 to index
          %swap3A_982 = arith.constant 112 : index
          %swap3A_983 = tpu.vector_load %arg13[%swap3A_981, %swap3A_982] {strides = array<i32>} : memref<128x128xf32, #tpu.memory_space<vmem>>, vector<16xf32>,
          tpu.vector_store %arg13[%swap3A_981, %swap3A_982], %mul3A_980 {strides = array<i32>} : memref<128x128xf32, #tpu.memory_space<vmem>>, vector<16xf32>,
          %broadcast_in_dim3A_984 = arith.constant 12 : i32
          %broadcast_in_dim3A_985 = vector.broadcast %broadcast_in_dim3A_984 : i32 to vector<16xi32>
          %lt3A_986 = arith.constant 0 : i32
          %lt3A_987 = vector.broadcast %lt3A_986 : i32 to vector<16xi32>
          %lt3A_988 = arith.cmpi slt, %broadcast_in_dim3A_985, %lt3A_987 : vector<16xi32>
          %add3A_989 = arith.constant 16 : i32
          %add3A_990 = vector.broadcast %add3A_989 : i32 to vector<16xi32>
          %add3A_991 = arith.addi %broadcast_in_dim3A_985, %add3A_990 : vector<16xi32>
          %select_n3A_992 = arith.select %lt3A_988, %add3A_991, %broadcast_in_dim3A_985 : vector<16xi1>, vector<16xi32>
          %broadcast_in_dim3A_993 = vector.shape_cast %select_n3A_992 : vector<16xi32> to vector<16x1xi32>
          %gather3A_994 = vector.shape_cast %broadcast_in_dim3A_993 : vector<16x1xi32> to vector<16xi32>
          %gather3A_995 = tpu.dynamic_gather %get3A_146[%gather3A_994] in [0] : vector<16xf32>, vector<16xi32> -> vector<16xf32>
          %add3A_996 = arith.constant 12 : i32
          %add3A_997 = arith.addi %add3A_143, %add3A_996 : i32
          %get3A_998 = arith.index_cast %add3A_997 : i32 to index
          %get3A_999 = arith.constant 0 : index
          %get3A_1000 = tpu.vector_load %arg13[%get3A_998, %get3A_999] {strides = array<i32>} : memref<128x128xf32, #tpu.memory_space<vmem>>, vector<16xf32>,
          %mul3A_1001 = arith.mulf %get3A_1000, %gather3A_995 : vector<16xf32>
          %swap3A_1002 = arith.index_cast %add3A_997 : i32 to index
          %swap3A_1003 = arith.constant 0 : index
          %swap3A_1004 = tpu.vector_load %arg13[%swap3A_1002, %swap3A_1003] {strides = array<i32>} : memref<128x128xf32, #tpu.memory_space<vmem>>, vector<16xf32>,
          tpu.vector_store %arg13[%swap3A_1002, %swap3A_1003], %mul3A_1001 {strides = array<i32>} : memref<128x128xf32, #tpu.memory_space<vmem>>, vector<16xf32>,
          %get3A_1005 = arith.index_cast %add3A_997 : i32 to index
          %get3A_1006 = arith.constant 16 : index
          %get3A_1007 = tpu.vector_load %arg13[%get3A_1005, %get3A_1006] {strides = array<i32>} : memref<128x128xf32, #tpu.memory_space<vmem>>, vector<16xf32>,
          %mul3A_1008 = arith.mulf %get3A_1007, %gather3A_995 : vector<16xf32>
          %swap3A_1009 = arith.index_cast %add3A_997 : i32 to index
          %swap3A_1010 = arith.constant 16 : index
          %swap3A_1011 = tpu.vector_load %arg13[%swap3A_1009, %swap3A_1010] {strides = array<i32>} : memref<128x128xf32, #tpu.memory_space<vmem>>, vector<16xf32>,
          tpu.vector_store %arg13[%swap3A_1009, %swap3A_1010], %mul3A_1008 {strides = array<i32>} : memref<128x128xf32, #tpu.memory_space<vmem>>, vector<16xf32>,
          %get3A_1012 = arith.index_cast %add3A_997 : i32 to index
          %get3A_1013 = arith.constant 32 : index
          %get3A_1014 = tpu.vector_load %arg13[%get3A_1012, %get3A_1013] {strides = array<i32>} : memref<128x128xf32, #tpu.memory_space<vmem>>, vector<16xf32>,
          %mul3A_1015 = arith.mulf %get3A_1014, %gather3A_995 : vector<16xf32>
          %swap3A_1016 = arith.index_cast %add3A_997 : i32 to index
          %swap3A_1017 = arith.constant 32 : index
          %swap3A_1018 = tpu.vector_load %arg13[%swap3A_1016, %swap3A_1017] {strides = array<i32>} : memref<128x128xf32, #tpu.memory_space<vmem>>, vector<16xf32>,
          tpu.vector_store %arg13[%swap3A_1016, %swap3A_1017], %mul3A_1015 {strides = array<i32>} : memref<128x128xf32, #tpu.memory_space<vmem>>, vector<16xf32>,
          %get3A_1019 = arith.index_cast %add3A_997 : i32 to index
          %get3A_1020 = arith.constant 48 : index
          %get3A_1021 = tpu.vector_load %arg13[%get3A_1019, %get3A_1020] {strides = array<i32>} : memref<128x128xf32, #tpu.memory_space<vmem>>, vector<16xf32>,
          %mul3A_1022 = arith.mulf %get3A_1021, %gather3A_995 : vector<16xf32>
          %swap3A_1023 = arith.index_cast %add3A_997 : i32 to index
          %swap3A_1024 = arith.constant 48 : index
          %swap3A_1025 = tpu.vector_load %arg13[%swap3A_1023, %swap3A_1024] {strides = array<i32>} : memref<128x128xf32, #tpu.memory_space<vmem>>, vector<16xf32>,
          tpu.vector_store %arg13[%swap3A_1023, %swap3A_1024], %mul3A_1022 {strides = array<i32>} : memref<128x128xf32, #tpu.memory_space<vmem>>, vector<16xf32>,
          %get3A_1026 = arith.index_cast %add3A_997 : i32 to index
          %get3A_1027 = arith.constant 64 : index
          %get3A_1028 = tpu.vector_load %arg13[%get3A_1026, %get3A_1027] {strides = array<i32>} : memref<128x128xf32, #tpu.memory_space<vmem>>, vector<16xf32>,
          %mul3A_1029 = arith.mulf %get3A_1028, %gather3A_995 : vector<16xf32>
          %swap3A_1030 = arith.index_cast %add3A_997 : i32 to index
          %swap3A_1031 = arith.constant 64 : index
          %swap3A_1032 = tpu.vector_load %arg13[%swap3A_1030, %swap3A_1031] {strides = array<i32>} : memref<128x128xf32, #tpu.memory_space<vmem>>, vector<16xf32>,
          tpu.vector_store %arg13[%swap3A_1030, %swap3A_1031], %mul3A_1029 {strides = array<i32>} : memref<128x128xf32, #tpu.memory_space<vmem>>, vector<16xf32>,
          %get3A_1033 = arith.index_cast %add3A_997 : i32 to index
          %get3A_1034 = arith.constant 80 : index
          %get3A_1035 = tpu.vector_load %arg13[%get3A_1033, %get3A_1034] {strides = array<i32>} : memref<128x128xf32, #tpu.memory_space<vmem>>, vector<16xf32>,
          %mul3A_1036 = arith.mulf %get3A_1035, %gather3A_995 : vector<16xf32>
          %swap3A_1037 = arith.index_cast %add3A_997 : i32 to index
          %swap3A_1038 = arith.constant 80 : index
          %swap3A_1039 = tpu.vector_load %arg13[%swap3A_1037, %swap3A_1038] {strides = array<i32>} : memref<128x128xf32, #tpu.memory_space<vmem>>, vector<16xf32>,
          tpu.vector_store %arg13[%swap3A_1037, %swap3A_1038], %mul3A_1036 {strides = array<i32>} : memref<128x128xf32, #tpu.memory_space<vmem>>, vector<16xf32>,
          %get3A_1040 = arith.index_cast %add3A_997 : i32 to index
          %get3A_1041 = arith.constant 96 : index
          %get3A_1042 = tpu.vector_load %arg13[%get3A_1040, %get3A_1041] {strides = array<i32>} : memref<128x128xf32, #tpu.memory_space<vmem>>, vector<16xf32>,
          %mul3A_1043 = arith.mulf %get3A_1042, %gather3A_995 : vector<16xf32>
          %swap3A_1044 = arith.index_cast %add3A_997 : i32 to index
          %swap3A_1045 = arith.constant 96 : index
          %swap3A_1046 = tpu.vector_load %arg13[%swap3A_1044, %swap3A_1045] {strides = array<i32>} : memref<128x128xf32, #tpu.memory_space<vmem>>, vector<16xf32>,
          tpu.vector_store %arg13[%swap3A_1044, %swap3A_1045], %mul3A_1043 {strides = array<i32>} : memref<128x128xf32, #tpu.memory_space<vmem>>, vector<16xf32>,
          %get3A_1047 = arith.index_cast %add3A_997 : i32 to index
          %get3A_1048 = arith.constant 112 : index
          %get3A_1049 = tpu.vector_load %arg13[%get3A_1047, %get3A_1048] {strides = array<i32>} : memref<128x128xf32, #tpu.memory_space<vmem>>, vector<16xf32>,
          %mul3A_1050 = arith.mulf %get3A_1049, %gather3A_995 : vector<16xf32>
          %swap3A_1051 = arith.index_cast %add3A_997 : i32 to index
          %swap3A_1052 = arith.constant 112 : index
          %swap3A_1053 = tpu.vector_load %arg13[%swap3A_1051, %swap3A_1052] {strides = array<i32>} : memref<128x128xf32, #tpu.memory_space<vmem>>, vector<16xf32>,
          tpu.vector_store %arg13[%swap3A_1051, %swap3A_1052], %mul3A_1050 {strides = array<i32>} : memref<128x128xf32, #tpu.memory_space<vmem>>, vector<16xf32>,
          %broadcast_in_dim3A_1054 = arith.constant 13 : i32
          %broadcast_in_dim3A_1055 = vector.broadcast %broadcast_in_dim3A_1054 : i32 to vector<16xi32>
          %lt3A_1056 = arith.constant 0 : i32
          %lt3A_1057 = vector.broadcast %lt3A_1056 : i32 to vector<16xi32>
          %lt3A_1058 = arith.cmpi slt, %broadcast_in_dim3A_1055, %lt3A_1057 : vector<16xi32>
          %add3A_1059 = arith.constant 16 : i32
          %add3A_1060 = vector.broadcast %add3A_1059 : i32 to vector<16xi32>
          %add3A_1061 = arith.addi %broadcast_in_dim3A_1055, %add3A_1060 : vector<16xi32>
          %select_n3A_1062 = arith.select %lt3A_1058, %add3A_1061, %broadcast_in_dim3A_1055 : vector<16xi1>, vector<16xi32>
          %broadcast_in_dim3A_1063 = vector.shape_cast %select_n3A_1062 : vector<16xi32> to vector<16x1xi32>
          %gather3A_1064 = vector.shape_cast %broadcast_in_dim3A_1063 : vector<16x1xi32> to vector<16xi32>
          %gather3A_1065 = tpu.dynamic_gather %get3A_146[%gather3A_1064] in [0] : vector<16xf32>, vector<16xi32> -> vector<16xf32>
          %add3A_1066 = arith.constant 13 : i32
          %add3A_1067 = arith.addi %add3A_143, %add3A_1066 : i32
          %get3A_1068 = arith.index_cast %add3A_1067 : i32 to index
          %get3A_1069 = arith.constant 0 : index
          %get3A_1070 = tpu.vector_load %arg13[%get3A_1068, %get3A_1069] {strides = array<i32>} : memref<128x128xf32, #tpu.memory_space<vmem>>, vector<16xf32>,
          %mul3A_1071 = arith.mulf %get3A_1070, %gather3A_1065 : vector<16xf32>
          %swap3A_1072 = arith.index_cast %add3A_1067 : i32 to index
          %swap3A_1073 = arith.constant 0 : index
          %swap3A_1074 = tpu.vector_load %arg13[%swap3A_1072, %swap3A_1073] {strides = array<i32>} : memref<128x128xf32, #tpu.memory_space<vmem>>, vector<16xf32>,
          tpu.vector_store %arg13[%swap3A_1072, %swap3A_1073], %mul3A_1071 {strides = array<i32>} : memref<128x128xf32, #tpu.memory_space<vmem>>, vector<16xf32>,
          %get3A_1075 = arith.index_cast %add3A_1067 : i32 to index
          %get3A_1076 = arith.constant 16 : index
          %get3A_1077 = tpu.vector_load %arg13[%get3A_1075, %get3A_1076] {strides = array<i32>} : memref<128x128xf32, #tpu.memory_space<vmem>>, vector<16xf32>,
          %mul3A_1078 = arith.mulf %get3A_1077, %gather3A_1065 : vector<16xf32>
          %swap3A_1079 = arith.index_cast %add3A_1067 : i32 to index
          %swap3A_1080 = arith.constant 16 : index
          %swap3A_1081 = tpu.vector_load %arg13[%swap3A_1079, %swap3A_1080] {strides = array<i32>} : memref<128x128xf32, #tpu.memory_space<vmem>>, vector<16xf32>,
          tpu.vector_store %arg13[%swap3A_1079, %swap3A_1080], %mul3A_1078 {strides = array<i32>} : memref<128x128xf32, #tpu.memory_space<vmem>>, vector<16xf32>,
          %get3A_1082 = arith.index_cast %add3A_1067 : i32 to index
          %get3A_1083 = arith.constant 32 : index
          %get3A_1084 = tpu.vector_load %arg13[%get3A_1082, %get3A_1083] {strides = array<i32>} : memref<128x128xf32, #tpu.memory_space<vmem>>, vector<16xf32>,
          %mul3A_1085 = arith.mulf %get3A_1084, %gather3A_1065 : vector<16xf32>
          %swap3A_1086 = arith.index_cast %add3A_1067 : i32 to index
          %swap3A_1087 = arith.constant 32 : index
          %swap3A_1088 = tpu.vector_load %arg13[%swap3A_1086, %swap3A_1087] {strides = array<i32>} : memref<128x128xf32, #tpu.memory_space<vmem>>, vector<16xf32>,
          tpu.vector_store %arg13[%swap3A_1086, %swap3A_1087], %mul3A_1085 {strides = array<i32>} : memref<128x128xf32, #tpu.memory_space<vmem>>, vector<16xf32>,
          %get3A_1089 = arith.index_cast %add3A_1067 : i32 to index
          %get3A_1090 = arith.constant 48 : index
          %get3A_1091 = tpu.vector_load %arg13[%get3A_1089, %get3A_1090] {strides = array<i32>} : memref<128x128xf32, #tpu.memory_space<vmem>>, vector<16xf32>,
          %mul3A_1092 = arith.mulf %get3A_1091, %gather3A_1065 : vector<16xf32>
          %swap3A_1093 = arith.index_cast %add3A_1067 : i32 to index
          %swap3A_1094 = arith.constant 48 : index
          %swap3A_1095 = tpu.vector_load %arg13[%swap3A_1093, %swap3A_1094] {strides = array<i32>} : memref<128x128xf32, #tpu.memory_space<vmem>>, vector<16xf32>,
          tpu.vector_store %arg13[%swap3A_1093, %swap3A_1094], %mul3A_1092 {strides = array<i32>} : memref<128x128xf32, #tpu.memory_space<vmem>>, vector<16xf32>,
          %get3A_1096 = arith.index_cast %add3A_1067 : i32 to index
          %get3A_1097 = arith.constant 64 : index
          %get3A_1098 = tpu.vector_load %arg13[%get3A_1096, %get3A_1097] {strides = array<i32>} : memref<128x128xf32, #tpu.memory_space<vmem>>, vector<16xf32>,
          %mul3A_1099 = arith.mulf %get3A_1098, %gather3A_1065 : vector<16xf32>
          %swap3A_1100 = arith.index_cast %add3A_1067 : i32 to index
          %swap3A_1101 = arith.constant 64 : index
          %swap3A_1102 = tpu.vector_load %arg13[%swap3A_1100, %swap3A_1101] {strides = array<i32>} : memref<128x128xf32, #tpu.memory_space<vmem>>, vector<16xf32>,
          tpu.vector_store %arg13[%swap3A_1100, %swap3A_1101], %mul3A_1099 {strides = array<i32>} : memref<128x128xf32, #tpu.memory_space<vmem>>, vector<16xf32>,
          %get3A_1103 = arith.index_cast %add3A_1067 : i32 to index
          %get3A_1104 = arith.constant 80 : index
          %get3A_1105 = tpu.vector_load %arg13[%get3A_1103, %get3A_1104] {strides = array<i32>} : memref<128x128xf32, #tpu.memory_space<vmem>>, vector<16xf32>,
          %mul3A_1106 = arith.mulf %get3A_1105, %gather3A_1065 : vector<16xf32>
          %swap3A_1107 = arith.index_cast %add3A_1067 : i32 to index
          %swap3A_1108 = arith.constant 80 : index
          %swap3A_1109 = tpu.vector_load %arg13[%swap3A_1107, %swap3A_1108] {strides = array<i32>} : memref<128x128xf32, #tpu.memory_space<vmem>>, vector<16xf32>,
          tpu.vector_store %arg13[%swap3A_1107, %swap3A_1108], %mul3A_1106 {strides = array<i32>} : memref<128x128xf32, #tpu.memory_space<vmem>>, vector<16xf32>,
          %get3A_1110 = arith.index_cast %add3A_1067 : i32 to index
          %get3A_1111 = arith.constant 96 : index
          %get3A_1112 = tpu.vector_load %arg13[%get3A_1110, %get3A_1111] {strides = array<i32>} : memref<128x128xf32, #tpu.memory_space<vmem>>, vector<16xf32>,
          %mul3A_1113 = arith.mulf %get3A_1112, %gather3A_1065 : vector<16xf32>
          %swap3A_1114 = arith.index_cast %add3A_1067 : i32 to index
          %swap3A_1115 = arith.constant 96 : index
          %swap3A_1116 = tpu.vector_load %arg13[%swap3A_1114, %swap3A_1115] {strides = array<i32>} : memref<128x128xf32, #tpu.memory_space<vmem>>, vector<16xf32>,
          tpu.vector_store %arg13[%swap3A_1114, %swap3A_1115], %mul3A_1113 {strides = array<i32>} : memref<128x128xf32, #tpu.memory_space<vmem>>, vector<16xf32>,
          %get3A_1117 = arith.index_cast %add3A_1067 : i32 to index
          %get3A_1118 = arith.constant 112 : index
          %get3A_1119 = tpu.vector_load %arg13[%get3A_1117, %get3A_1118] {strides = array<i32>} : memref<128x128xf32, #tpu.memory_space<vmem>>, vector<16xf32>,
          %mul3A_1120 = arith.mulf %get3A_1119, %gather3A_1065 : vector<16xf32>
          %swap3A_1121 = arith.index_cast %add3A_1067 : i32 to index
          %swap3A_1122 = arith.constant 112 : index
          %swap3A_1123 = tpu.vector_load %arg13[%swap3A_1121, %swap3A_1122] {strides = array<i32>} : memref<128x128xf32, #tpu.memory_space<vmem>>, vector<16xf32>,
          tpu.vector_store %arg13[%swap3A_1121, %swap3A_1122], %mul3A_1120 {strides = array<i32>} : memref<128x128xf32, #tpu.memory_space<vmem>>, vector<16xf32>,
          %broadcast_in_dim3A_1124 = arith.constant 14 : i32
          %broadcast_in_dim3A_1125 = vector.broadcast %broadcast_in_dim3A_1124 : i32 to vector<16xi32>
          %lt3A_1126 = arith.constant 0 : i32
          %lt3A_1127 = vector.broadcast %lt3A_1126 : i32 to vector<16xi32>
          %lt3A_1128 = arith.cmpi slt, %broadcast_in_dim3A_1125, %lt3A_1127 : vector<16xi32>
          %add3A_1129 = arith.constant 16 : i32
          %add3A_1130 = vector.broadcast %add3A_1129 : i32 to vector<16xi32>
          %add3A_1131 = arith.addi %broadcast_in_dim3A_1125, %add3A_1130 : vector<16xi32>
          %select_n3A_1132 = arith.select %lt3A_1128, %add3A_1131, %broadcast_in_dim3A_1125 : vector<16xi1>, vector<16xi32>
          %broadcast_in_dim3A_1133 = vector.shape_cast %select_n3A_1132 : vector<16xi32> to vector<16x1xi32>
          %gather3A_1134 = vector.shape_cast %broadcast_in_dim3A_1133 : vector<16x1xi32> to vector<16xi32>
          %gather3A_1135 = tpu.dynamic_gather %get3A_146[%gather3A_1134] in [0] : vector<16xf32>, vector<16xi32> -> vector<16xf32>
          %add3A_1136 = arith.constant 14 : i32
          %add3A_1137 = arith.addi %add3A_143, %add3A_1136 : i32
          %get3A_1138 = arith.index_cast %add3A_1137 : i32 to index
          %get3A_1139 = arith.constant 0 : index
          %get3A_1140 = tpu.vector_load %arg13[%get3A_1138, %get3A_1139] {strides = array<i32>} : memref<128x128xf32, #tpu.memory_space<vmem>>, vector<16xf32>,
          %mul3A_1141 = arith.mulf %get3A_1140, %gather3A_1135 : vector<16xf32>
          %swap3A_1142 = arith.index_cast %add3A_1137 : i32 to index
          %swap3A_1143 = arith.constant 0 : index
          %swap3A_1144 = tpu.vector_load %arg13[%swap3A_1142, %swap3A_1143] {strides = array<i32>} : memref<128x128xf32, #tpu.memory_space<vmem>>, vector<16xf32>,
          tpu.vector_store %arg13[%swap3A_1142, %swap3A_1143], %mul3A_1141 {strides = array<i32>} : memref<128x128xf32, #tpu.memory_space<vmem>>, vector<16xf32>,
          %get3A_1145 = arith.index_cast %add3A_1137 : i32 to index
          %get3A_1146 = arith.constant 16 : index
          %get3A_1147 = tpu.vector_load %arg13[%get3A_1145, %get3A_1146] {strides = array<i32>} : memref<128x128xf32, #tpu.memory_space<vmem>>, vector<16xf32>,
          %mul3A_1148 = arith.mulf %get3A_1147, %gather3A_1135 : vector<16xf32>
          %swap3A_1149 = arith.index_cast %add3A_1137 : i32 to index
          %swap3A_1150 = arith.constant 16 : index
          %swap3A_1151 = tpu.vector_load %arg13[%swap3A_1149, %swap3A_1150] {strides = array<i32>} : memref<128x128xf32, #tpu.memory_space<vmem>>, vector<16xf32>,
          tpu.vector_store %arg13[%swap3A_1149, %swap3A_1150], %mul3A_1148 {strides = array<i32>} : memref<128x128xf32, #tpu.memory_space<vmem>>, vector<16xf32>,
          %get3A_1152 = arith.index_cast %add3A_1137 : i32 to index
          %get3A_1153 = arith.constant 32 : index
          %get3A_1154 = tpu.vector_load %arg13[%get3A_1152, %get3A_1153] {strides = array<i32>} : memref<128x128xf32, #tpu.memory_space<vmem>>, vector<16xf32>,
          %mul3A_1155 = arith.mulf %get3A_1154, %gather3A_1135 : vector<16xf32>
          %swap3A_1156 = arith.index_cast %add3A_1137 : i32 to index
          %swap3A_1157 = arith.constant 32 : index
          %swap3A_1158 = tpu.vector_load %arg13[%swap3A_1156, %swap3A_1157] {strides = array<i32>} : memref<128x128xf32, #tpu.memory_space<vmem>>, vector<16xf32>,
          tpu.vector_store %arg13[%swap3A_1156, %swap3A_1157], %mul3A_1155 {strides = array<i32>} : memref<128x128xf32, #tpu.memory_space<vmem>>, vector<16xf32>,
          %get3A_1159 = arith.index_cast %add3A_1137 : i32 to index
          %get3A_1160 = arith.constant 48 : index
          %get3A_1161 = tpu.vector_load %arg13[%get3A_1159, %get3A_1160] {strides = array<i32>} : memref<128x128xf32, #tpu.memory_space<vmem>>, vector<16xf32>,
          %mul3A_1162 = arith.mulf %get3A_1161, %gather3A_1135 : vector<16xf32>
          %swap3A_1163 = arith.index_cast %add3A_1137 : i32 to index
          %swap3A_1164 = arith.constant 48 : index
          %swap3A_1165 = tpu.vector_load %arg13[%swap3A_1163, %swap3A_1164] {strides = array<i32>} : memref<128x128xf32, #tpu.memory_space<vmem>>, vector<16xf32>,
          tpu.vector_store %arg13[%swap3A_1163, %swap3A_1164], %mul3A_1162 {strides = array<i32>} : memref<128x128xf32, #tpu.memory_space<vmem>>, vector<16xf32>,
          %get3A_1166 = arith.index_cast %add3A_1137 : i32 to index
          %get3A_1167 = arith.constant 64 : index
          %get3A_1168 = tpu.vector_load %arg13[%get3A_1166, %get3A_1167] {strides = array<i32>} : memref<128x128xf32, #tpu.memory_space<vmem>>, vector<16xf32>,
          %mul3A_1169 = arith.mulf %get3A_1168, %gather3A_1135 : vector<16xf32>
          %swap3A_1170 = arith.index_cast %add3A_1137 : i32 to index
          %swap3A_1171 = arith.constant 64 : index
          %swap3A_1172 = tpu.vector_load %arg13[%swap3A_1170, %swap3A_1171] {strides = array<i32>} : memref<128x128xf32, #tpu.memory_space<vmem>>, vector<16xf32>,
          tpu.vector_store %arg13[%swap3A_1170, %swap3A_1171], %mul3A_1169 {strides = array<i32>} : memref<128x128xf32, #tpu.memory_space<vmem>>, vector<16xf32>,
          %get3A_1173 = arith.index_cast %add3A_1137 : i32 to index
          %get3A_1174 = arith.constant 80 : index
          %get3A_1175 = tpu.vector_load %arg13[%get3A_1173, %get3A_1174] {strides = array<i32>} : memref<128x128xf32, #tpu.memory_space<vmem>>, vector<16xf32>,
          %mul3A_1176 = arith.mulf %get3A_1175, %gather3A_1135 : vector<16xf32>
          %swap3A_1177 = arith.index_cast %add3A_1137 : i32 to index
          %swap3A_1178 = arith.constant 80 : index
          %swap3A_1179 = tpu.vector_load %arg13[%swap3A_1177, %swap3A_1178] {strides = array<i32>} : memref<128x128xf32, #tpu.memory_space<vmem>>, vector<16xf32>,
          tpu.vector_store %arg13[%swap3A_1177, %swap3A_1178], %mul3A_1176 {strides = array<i32>} : memref<128x128xf32, #tpu.memory_space<vmem>>, vector<16xf32>,
          %get3A_1180 = arith.index_cast %add3A_1137 : i32 to index
          %get3A_1181 = arith.constant 96 : index
          %get3A_1182 = tpu.vector_load %arg13[%get3A_1180, %get3A_1181] {strides = array<i32>} : memref<128x128xf32, #tpu.memory_space<vmem>>, vector<16xf32>,
          %mul3A_1183 = arith.mulf %get3A_1182, %gather3A_1135 : vector<16xf32>
          %swap3A_1184 = arith.index_cast %add3A_1137 : i32 to index
          %swap3A_1185 = arith.constant 96 : index
          %swap3A_1186 = tpu.vector_load %arg13[%swap3A_1184, %swap3A_1185] {strides = array<i32>} : memref<128x128xf32, #tpu.memory_space<vmem>>, vector<16xf32>,
          tpu.vector_store %arg13[%swap3A_1184, %swap3A_1185], %mul3A_1183 {strides = array<i32>} : memref<128x128xf32, #tpu.memory_space<vmem>>, vector<16xf32>,
          %get3A_1187 = arith.index_cast %add3A_1137 : i32 to index
          %get3A_1188 = arith.constant 112 : index
          %get3A_1189 = tpu.vector_load %arg13[%get3A_1187, %get3A_1188] {strides = array<i32>} : memref<128x128xf32, #tpu.memory_space<vmem>>, vector<16xf32>,
          %mul3A_1190 = arith.mulf %get3A_1189, %gather3A_1135 : vector<16xf32>
          %swap3A_1191 = arith.index_cast %add3A_1137 : i32 to index
          %swap3A_1192 = arith.constant 112 : index
          %swap3A_1193 = tpu.vector_load %arg13[%swap3A_1191, %swap3A_1192] {strides = array<i32>} : memref<128x128xf32, #tpu.memory_space<vmem>>, vector<16xf32>,
          tpu.vector_store %arg13[%swap3A_1191, %swap3A_1192], %mul3A_1190 {strides = array<i32>} : memref<128x128xf32, #tpu.memory_space<vmem>>, vector<16xf32>,
          %broadcast_in_dim3A_1194 = arith.constant 15 : i32
          %broadcast_in_dim3A_1195 = vector.broadcast %broadcast_in_dim3A_1194 : i32 to vector<16xi32>
          %lt3A_1196 = arith.constant 0 : i32
          %lt3A_1197 = vector.broadcast %lt3A_1196 : i32 to vector<16xi32>
          %lt3A_1198 = arith.cmpi slt, %broadcast_in_dim3A_1195, %lt3A_1197 : vector<16xi32>
          %add3A_1199 = arith.constant 16 : i32
          %add3A_1200 = vector.broadcast %add3A_1199 : i32 to vector<16xi32>
          %add3A_1201 = arith.addi %broadcast_in_dim3A_1195, %add3A_1200 : vector<16xi32>
          %select_n3A_1202 = arith.select %lt3A_1198, %add3A_1201, %broadcast_in_dim3A_1195 : vector<16xi1>, vector<16xi32>
          %broadcast_in_dim3A_1203 = vector.shape_cast %select_n3A_1202 : vector<16xi32> to vector<16x1xi32>
          %gather3A_1204 = vector.shape_cast %broadcast_in_dim3A_1203 : vector<16x1xi32> to vector<16xi32>
          %gather3A_1205 = tpu.dynamic_gather %get3A_146[%gather3A_1204] in [0] : vector<16xf32>, vector<16xi32> -> vector<16xf32>
          %add3A_1206 = arith.constant 15 : i32
          %add3A_1207 = arith.addi %add3A_143, %add3A_1206 : i32
          %get3A_1208 = arith.index_cast %add3A_1207 : i32 to index
          %get3A_1209 = arith.constant 0 : index
          %get3A_1210 = tpu.vector_load %arg13[%get3A_1208, %get3A_1209] {strides = array<i32>} : memref<128x128xf32, #tpu.memory_space<vmem>>, vector<16xf32>,
          %mul3A_1211 = arith.mulf %get3A_1210, %gather3A_1205 : vector<16xf32>
          %swap3A_1212 = arith.index_cast %add3A_1207 : i32 to index
          %swap3A_1213 = arith.constant 0 : index
          %swap3A_1214 = tpu.vector_load %arg13[%swap3A_1212, %swap3A_1213] {strides = array<i32>} : memref<128x128xf32, #tpu.memory_space<vmem>>, vector<16xf32>,
          tpu.vector_store %arg13[%swap3A_1212, %swap3A_1213], %mul3A_1211 {strides = array<i32>} : memref<128x128xf32, #tpu.memory_space<vmem>>, vector<16xf32>,
          %get3A_1215 = arith.index_cast %add3A_1207 : i32 to index
          %get3A_1216 = arith.constant 16 : index
          %get3A_1217 = tpu.vector_load %arg13[%get3A_1215, %get3A_1216] {strides = array<i32>} : memref<128x128xf32, #tpu.memory_space<vmem>>, vector<16xf32>,
          %mul3A_1218 = arith.mulf %get3A_1217, %gather3A_1205 : vector<16xf32>
          %swap3A_1219 = arith.index_cast %add3A_1207 : i32 to index
          %swap3A_1220 = arith.constant 16 : index
          %swap3A_1221 = tpu.vector_load %arg13[%swap3A_1219, %swap3A_1220] {strides = array<i32>} : memref<128x128xf32, #tpu.memory_space<vmem>>, vector<16xf32>,
          tpu.vector_store %arg13[%swap3A_1219, %swap3A_1220], %mul3A_1218 {strides = array<i32>} : memref<128x128xf32, #tpu.memory_space<vmem>>, vector<16xf32>,
          %get3A_1222 = arith.index_cast %add3A_1207 : i32 to index
          %get3A_1223 = arith.constant 32 : index
          %get3A_1224 = tpu.vector_load %arg13[%get3A_1222, %get3A_1223] {strides = array<i32>} : memref<128x128xf32, #tpu.memory_space<vmem>>, vector<16xf32>,
          %mul3A_1225 = arith.mulf %get3A_1224, %gather3A_1205 : vector<16xf32>
          %swap3A_1226 = arith.index_cast %add3A_1207 : i32 to index
          %swap3A_1227 = arith.constant 32 : index
          %swap3A_1228 = tpu.vector_load %arg13[%swap3A_1226, %swap3A_1227] {strides = array<i32>} : memref<128x128xf32, #tpu.memory_space<vmem>>, vector<16xf32>,
          tpu.vector_store %arg13[%swap3A_1226, %swap3A_1227], %mul3A_1225 {strides = array<i32>} : memref<128x128xf32, #tpu.memory_space<vmem>>, vector<16xf32>,
          %get3A_1229 = arith.index_cast %add3A_1207 : i32 to index
          %get3A_1230 = arith.constant 48 : index
          %get3A_1231 = tpu.vector_load %arg13[%get3A_1229, %get3A_1230] {strides = array<i32>} : memref<128x128xf32, #tpu.memory_space<vmem>>, vector<16xf32>,
          %mul3A_1232 = arith.mulf %get3A_1231, %gather3A_1205 : vector<16xf32>
          %swap3A_1233 = arith.index_cast %add3A_1207 : i32 to index
          %swap3A_1234 = arith.constant 48 : index
          %swap3A_1235 = tpu.vector_load %arg13[%swap3A_1233, %swap3A_1234] {strides = array<i32>} : memref<128x128xf32, #tpu.memory_space<vmem>>, vector<16xf32>,
          tpu.vector_store %arg13[%swap3A_1233, %swap3A_1234], %mul3A_1232 {strides = array<i32>} : memref<128x128xf32, #tpu.memory_space<vmem>>, vector<16xf32>,
          %get3A_1236 = arith.index_cast %add3A_1207 : i32 to index
          %get3A_1237 = arith.constant 64 : index
          %get3A_1238 = tpu.vector_load %arg13[%get3A_1236, %get3A_1237] {strides = array<i32>} : memref<128x128xf32, #tpu.memory_space<vmem>>, vector<16xf32>,
          %mul3A_1239 = arith.mulf %get3A_1238, %gather3A_1205 : vector<16xf32>
          %swap3A_1240 = arith.index_cast %add3A_1207 : i32 to index
          %swap3A_1241 = arith.constant 64 : index
          %swap3A_1242 = tpu.vector_load %arg13[%swap3A_1240, %swap3A_1241] {strides = array<i32>} : memref<128x128xf32, #tpu.memory_space<vmem>>, vector<16xf32>,
          tpu.vector_store %arg13[%swap3A_1240, %swap3A_1241], %mul3A_1239 {strides = array<i32>} : memref<128x128xf32, #tpu.memory_space<vmem>>, vector<16xf32>,
          %get3A_1243 = arith.index_cast %add3A_1207 : i32 to index
          %get3A_1244 = arith.constant 80 : index
          %get3A_1245 = tpu.vector_load %arg13[%get3A_1243, %get3A_1244] {strides = array<i32>} : memref<128x128xf32, #tpu.memory_space<vmem>>, vector<16xf32>,
          %mul3A_1246 = arith.mulf %get3A_1245, %gather3A_1205 : vector<16xf32>
          %swap3A_1247 = arith.index_cast %add3A_1207 : i32 to index
          %swap3A_1248 = arith.constant 80 : index
          %swap3A_1249 = tpu.vector_load %arg13[%swap3A_1247, %swap3A_1248] {strides = array<i32>} : memref<128x128xf32, #tpu.memory_space<vmem>>, vector<16xf32>,
          tpu.vector_store %arg13[%swap3A_1247, %swap3A_1248], %mul3A_1246 {strides = array<i32>} : memref<128x128xf32, #tpu.memory_space<vmem>>, vector<16xf32>,
          %get3A_1250 = arith.index_cast %add3A_1207 : i32 to index
          %get3A_1251 = arith.constant 96 : index
          %get3A_1252 = tpu.vector_load %arg13[%get3A_1250, %get3A_1251] {strides = array<i32>} : memref<128x128xf32, #tpu.memory_space<vmem>>, vector<16xf32>,
          %mul3A_1253 = arith.mulf %get3A_1252, %gather3A_1205 : vector<16xf32>
          %swap3A_1254 = arith.index_cast %add3A_1207 : i32 to index
          %swap3A_1255 = arith.constant 96 : index
          %swap3A_1256 = tpu.vector_load %arg13[%swap3A_1254, %swap3A_1255] {strides = array<i32>} : memref<128x128xf32, #tpu.memory_space<vmem>>, vector<16xf32>,
          tpu.vector_store %arg13[%swap3A_1254, %swap3A_1255], %mul3A_1253 {strides = array<i32>} : memref<128x128xf32, #tpu.memory_space<vmem>>, vector<16xf32>,
          %get3A_1257 = arith.index_cast %add3A_1207 : i32 to index
          %get3A_1258 = arith.constant 112 : index
          %get3A_1259 = tpu.vector_load %arg13[%get3A_1257, %get3A_1258] {strides = array<i32>} : memref<128x128xf32, #tpu.memory_space<vmem>>, vector<16xf32>,
          %mul3A_1260 = arith.mulf %get3A_1259, %gather3A_1205 : vector<16xf32>
          %swap3A_1261 = arith.index_cast %add3A_1207 : i32 to index
          %swap3A_1262 = arith.constant 112 : index
          %swap3A_1263 = tpu.vector_load %arg13[%swap3A_1261, %swap3A_1262] {strides = array<i32>} : memref<128x128xf32, #tpu.memory_space<vmem>>, vector<16xf32>,
          tpu.vector_store %arg13[%swap3A_1261, %swap3A_1262], %mul3A_1260 {strides = array<i32>} : memref<128x128xf32, #tpu.memory_space<vmem>>, vector<16xf32>,
        }
        %scan3A_125 = arith.constant 8 : i32
        %dma_start3A_126 = arith.constant 0 : i32
        %dma_start3A_127 = tpu.memref_slice %arg7[%add3A_98, %dma_start3A_126] : memref<79x128xi32, #tpu.memory_space<vmem>> -> memref<1x128xi32, #tpu.memory_space<vmem>>
        %dma_start3A_128 = tpu.memref_squeeze %dma_start3A_127 : memref<1x128xi32, #tpu.memory_space<vmem>> -> memref<128xi32, #tpu.memory_space<vmem>>
        %dma_start3A_129 = arith.constant 0 : i32
        %dma_start3A_130 = arith.constant 0 : i32
        %dma_start3A_131 = tpu.memref_slice %arg22[%dma_start3A_129, %dma_start3A_130] : memref<10240x128xf32, #tpu.memory_space<vmem_shared>> -> memref<10240x128xf32, #tpu.memory_space<vmem_shared>>
        tpu.enqueue_indirect_dma source(%arg13 : memref<128x128xf32, #tpu.memory_space<vmem>>) target(%dma_start3A_131 : memref<10240x128xf32, #tpu.memory_space<vmem_shared>>) offsets(%dma_start3A_128 : memref<128xi32, #tpu.memory_space<vmem>>) semaphore(%arg21 : memref<!tpu.dma_semaphore, #tpu.memory_space<semaphore_mem>>) {add = true}
        %add3A_132 = arith.constant 2 : i32
        %add3A_133 = arith.addi %add3A_98, %add3A_132 : i32
        %lt3A_134 = arith.constant 79 : i32
        %lt3A_135 = arith.cmpi slt, %add3A_133, %lt3A_134 : i32
        %convert_element_type3A_136 = arith.extui %lt3A_135 : i1 to i32
        %cond3A_137 = arith.constant 0 : i32
        %cond3A_138 = arith.cmpi ne, %convert_element_type3A_136, %cond3A_137 : i32
        scf.if %cond3A_138 {
          %add3A_139 = arith.constant 2 : i32
          %add3A_140 = arith.addi %add3A_98, %add3A_139 : i32
          %dma_start3A_141 = arith.constant 0 : i32
          %dma_start3A_142 = arith.constant 0 : i32
          %dma_start3A_143 = tpu.memref_slice %arg4[%add3A, %add3A_140, %dma_start3A_141, %dma_start3A_142] : memref<32x79x1x128xi32, #tpu.memory_space<hbm>> -> memref<1x1x1x128xi32, #tpu.memory_space<hbm>>
          %dma_start3A_144 = tpu.memref_squeeze %dma_start3A_143 : memref<1x1x1x128xi32, #tpu.memory_space<hbm>> -> memref<1x128xi32, #tpu.memory_space<hbm>>
          %dma_start3A_145 = arith.constant 0 : i32
          %dma_start3A_146 = arith.constant 0 : i32
          %dma_start3A_147 = tpu.memref_slice %arg4[%add3A, %add3A_140, %dma_start3A_145, %dma_start3A_146] : memref<32x79x1x128xi32, #tpu.memory_space<hbm>> -> memref<1x1x1x128xi32, #tpu.memory_space<hbm>>
          %dma_start3A_148 = tpu.memref_squeeze %dma_start3A_147 : memref<1x1x1x128xi32, #tpu.memory_space<hbm>> -> memref<1x128xi32, #tpu.memory_space<hbm>>
          tpu.enqueue_dma source(%dma_start3A_148 : memref<1x128xi32, #tpu.memory_space<hbm>>) target(%arg9 : memref<1x128xi32, #tpu.memory_space<vmem>>) target_semaphore(%arg15 : memref<!tpu.dma_semaphore, #tpu.memory_space<semaphore_mem>>)
          %dma_start3A_149 = arith.constant 0 : i32
          %dma_start3A_150 = arith.constant 0 : i32
          %dma_start3A_151 = tpu.memref_slice %arg5[%add3A, %add3A_140, %dma_start3A_149, %dma_start3A_150] : memref<32x79x1x128xf32, #tpu.memory_space<hbm>> -> memref<1x1x1x128xf32, #tpu.memory_space<hbm>>
          %dma_start3A_152 = tpu.memref_squeeze %dma_start3A_151 : memref<1x1x1x128xf32, #tpu.memory_space<hbm>> -> memref<1x128xf32, #tpu.memory_space<hbm>>
          %dma_start3A_153 = arith.constant 0 : i32
          %dma_start3A_154 = arith.constant 0 : i32
          %dma_start3A_155 = tpu.memref_slice %arg5[%add3A, %add3A_140, %dma_start3A_153, %dma_start3A_154] : memref<32x79x1x128xf32, #tpu.memory_space<hbm>> -> memref<1x1x1x128xf32, #tpu.memory_space<hbm>>
          %dma_start3A_156 = tpu.memref_squeeze %dma_start3A_155 : memref<1x1x1x128xf32, #tpu.memory_space<hbm>> -> memref<1x128xf32, #tpu.memory_space<hbm>>
          tpu.enqueue_dma source(%dma_start3A_156 : memref<1x128xf32, #tpu.memory_space<hbm>>) target(%arg11 : memref<1x128xf32, #tpu.memory_space<vmem>>) target_semaphore(%arg17 : memref<!tpu.dma_semaphore, #tpu.memory_space<semaphore_mem>>)
        } else {
        }
      } else {
      }
    }
    %scan3A_76 = arith.constant 79 : i32
    %dma_wait3A_77 = arith.constant 0 : i32
    %dma_wait3A_78 = arith.constant 0 : i32
    %dma_wait3A_79 = tpu.memref_slice %arg2[%dma_wait3A_77, %dma_wait3A_78] : memref<10240x128xf32, #tpu.memory_space<hbm>> -> memref<128x128xf32, #tpu.memory_space<hbm>>
    %dma_wait3A_80 = arith.constant 0 : i32
    %dma_wait3A_81 = arith.constant 0 : i32
    %dma_wait3A_82 = tpu.memref_slice %arg2[%dma_wait3A_80, %dma_wait3A_81] : memref<10240x128xf32, #tpu.memory_space<hbm>> -> memref<128x128xf32, #tpu.memory_space<hbm>>
    tpu.wait_dma2 semaphore(%arg20 : memref<!tpu.dma_semaphore, #tpu.memory_space<semaphore_mem>>) src(%dma_wait3A_82 : memref<128x128xf32, #tpu.memory_space<hbm>>) dst(%arg12 : memref<128x128xf32, #tpu.memory_space<vmem>>)
    %dma_wait3A_83 = arith.constant 0 : i32
    %dma_wait3A_84 = arith.constant 0 : i32
    %dma_wait3A_85 = tpu.memref_slice %arg2[%dma_wait3A_83, %dma_wait3A_84] : memref<10240x128xf32, #tpu.memory_space<hbm>> -> memref<128x128xf32, #tpu.memory_space<hbm>>
    %dma_wait3A_86 = arith.constant 0 : i32
    %dma_wait3A_87 = arith.constant 0 : i32
    %dma_wait3A_88 = tpu.memref_slice %arg2[%dma_wait3A_86, %dma_wait3A_87] : memref<10240x128xf32, #tpu.memory_space<hbm>> -> memref<128x128xf32, #tpu.memory_space<hbm>>
    tpu.wait_dma2 semaphore(%arg21 : memref<!tpu.dma_semaphore, #tpu.memory_space<semaphore_mem>>) src(%dma_wait3A_88 : memref<128x128xf32, #tpu.memory_space<hbm>>) dst(%arg13 : memref<128x128xf32, #tpu.memory_space<vmem>>)
    %barrier3A_89 = arith.constant 0 : index
    tpu.barrier barrier_id(%barrier3A_89)
    %mul3A_90 = arith.constant 640 : i32
    %mul3A_91 = arith.muli %arg1, %mul3A_90 : i32
    %mul3A_92 = arith.constant 640 : i32
    %mul3A_93 = arith.muli %arg1, %mul3A_92 : i32
    "tpu.region"() ({
      %run_scoped3A = tpu.sem_alloc : memref<!tpu.dma_semaphore, #tpu.memory_space<semaphore_mem>>
      %dma_start3A_94 = arith.constant 0 : i32
      %dma_start3A_95 = tpu.memref_slice %arg6[%arg0, %mul3A_93, %dma_start3A_94] : memref<2x10240x128xf32, #tpu.memory_space<hbm>> -> memref<1x640x128xf32, #tpu.memory_space<hbm>>
      %dma_start3A_96 = tpu.memref_squeeze %dma_start3A_95 : memref<1x640x128xf32, #tpu.memory_space<hbm>> -> memref<640x128xf32, #tpu.memory_space<hbm>>
      %dma_start3A_97 = arith.constant 0 : i32
      %dma_start3A_98 = tpu.memref_slice %arg22[%mul3A_91, %dma_start3A_97] : memref<10240x128xf32, #tpu.memory_space<vmem_shared>> -> memref<640x128xf32, #tpu.memory_space<vmem_shared>>
      tpu.enqueue_dma source(%dma_start3A_98 : memref<640x128xf32, #tpu.memory_space<vmem_shared>>) target(%dma_start3A_96 : memref<640x128xf32, #tpu.memory_space<hbm>>) target_semaphore(%run_scoped3A : memref<!tpu.dma_semaphore, #tpu.memory_space<semaphore_mem>>)
      %dma_wait3A_99 = arith.constant 0 : i32
      %dma_wait3A_100 = tpu.memref_slice %arg6[%arg0, %mul3A_93, %dma_wait3A_99] : memref<2x10240x128xf32, #tpu.memory_space<hbm>> -> memref<1x640x128xf32, #tpu.memory_space<hbm>>
      %dma_wait3A_101 = tpu.memref_squeeze %dma_wait3A_100 : memref<1x640x128xf32, #tpu.memory_space<hbm>> -> memref<640x128xf32, #tpu.memory_space<hbm>>
      %dma_wait3A_102 = arith.constant 0 : i32
      %dma_wait3A_103 = tpu.memref_slice %arg22[%mul3A_91, %dma_wait3A_102] : memref<10240x128xf32, #tpu.memory_space<vmem_shared>> -> memref<640x128xf32, #tpu.memory_space<vmem_shared>>
      tpu.wait_dma2 semaphore(%run_scoped3A : memref<!tpu.dma_semaphore, #tpu.memory_space<semaphore_mem>>) src(%dma_wait3A_103 : memref<640x128xf32, #tpu.memory_space<vmem_shared>>) dst(%dma_wait3A_101 : memref<640x128xf32, #tpu.memory_space<hbm>>)
      tpu.yield
    }) : () -> ()
    return
  }
}

module attributes {stable_mosaic.version = 14 : i64} {
  func.func @_proj_body(%arg0: i32, %arg1: memref<512x128xf32, #tpu.memory_space<vmem>>, %arg2: memref<128x128xf32, #tpu.memory_space<vmem>>, %arg3: memref<128x2xf32, #tpu.memory_space<vmem>>, %arg4: memref<512x128xf32, #tpu.memory_space<vmem>>, %arg5: memref<2x512xf32, #tpu.memory_space<vmem>>) attributes {dimension_semantics = [#tpu.dimension_semantics<arbitrary>], iteration_bounds = array<i64: 20>, scalar_prefetch = 0 : i64, scratch_operands = 0 : i64, tpu.core_type = #tpu.core_type<tc>, window_params = [{transform_indices = @transform_0, window_bounds = array<i64: 512, 128>}, {pipeline_mode = #tpu.pipeline_mode<synchronous>, transform_indices = @transform_1, window_bounds = array<i64: 128, 128>}, {pipeline_mode = #tpu.pipeline_mode<synchronous>, transform_indices = @transform_2, window_bounds = array<i64: 128, 2>}, {transform_indices = @transform_3, window_bounds = array<i64: 512, 128>}, {transform_indices = @transform_4, window_bounds = array<i64: 2, 512>}]} {
    %get3A = arith.constant 0 : index
    %get3A_0 = arith.constant 0 : index
    %get3A_1 = vector.load %arg1[%get3A, %get3A_0] : memref<512x128xf32, #tpu.memory_space<vmem>>, vector<512x128xf32>
    %get3A_2 = arith.constant 0 : index
    %get3A_3 = arith.constant 0 : index
    %get3A_4 = vector.load %arg2[%get3A_2, %get3A_3] : memref<128x128xf32, #tpu.memory_space<vmem>>, vector<128x128xf32>
    %dot_general3A = arith.constant dense<0.000000e+00> : vector<512x128xf32>
    %dot_general3A_5 = tpu.matmul %get3A_1, %get3A_4, %dot_general3A {dimension_numbers = #tpu.dot_dimension_numbers<[1], [0], [0], [1], [0, 0, 1, 1], [], []>, transpose_lhs_hint = false} : vector<512x128xf32>, vector<128x128xf32>, vector<512x128xf32> -> vector<512x128xf32>
    %swap3A = arith.constant 0 : index
    %swap3A_6 = arith.constant 0 : index
    %swap3A_7 = vector.load %arg4[%swap3A, %swap3A_6] : memref<512x128xf32, #tpu.memory_space<vmem>>, vector<512x128xf32>
    tpu.vector_store %arg4[%swap3A, %swap3A_6], %dot_general3A_5 {strides = array<i32>} : memref<512x128xf32, #tpu.memory_space<vmem>>, vector<512x128xf32>,
    %get3A_8 = arith.constant 0 : index
    %get3A_9 = arith.constant 0 : index
    %get3A_10 = vector.load %arg3[%get3A_8, %get3A_9] : memref<128x2xf32, #tpu.memory_space<vmem>>, vector<128x2xf32>
    %dot_general3A_11 = arith.constant dense<0.000000e+00> : vector<2x512xf32>
    %dot_general3A_12 = tpu.matmul %get3A_10, %dot_general3A_5, %dot_general3A_11 {dimension_numbers = #tpu.dot_dimension_numbers<[0], [1], [1], [0], [0, 1, 1, 0], [], []>, transpose_lhs_hint = false} : vector<128x2xf32>, vector<512x128xf32>, vector<2x512xf32> -> vector<2x512xf32>
    %swap3A_13 = arith.constant 0 : index
    %swap3A_14 = arith.constant 0 : index
    %swap3A_15 = vector.load %arg5[%swap3A_13, %swap3A_14] : memref<2x512xf32, #tpu.memory_space<vmem>>, vector<2x512xf32>
    tpu.vector_store %arg5[%swap3A_13, %swap3A_14], %dot_general3A_12 {strides = array<i32>} : memref<2x512xf32, #tpu.memory_space<vmem>>, vector<2x512xf32>,
    return
  }
  func.func @transform_0(%arg0: i32) -> (i32, i32) {
    %c0_i32 = arith.constant 0 : i32
    %c0_i32_0 = arith.constant 0 : i32
    return %arg0, %c0_i32 : i32, i32
  }
  func.func @transform_1(%arg0: i32) -> (i32, i32) {
    %c0_i32 = arith.constant 0 : i32
    %c0_i32_0 = arith.constant 0 : i32
    %c0_i32_1 = arith.constant 0 : i32
    return %c0_i32, %c0_i32_0 : i32, i32
  }
  func.func @transform_2(%arg0: i32) -> (i32, i32) {
    %c0_i32 = arith.constant 0 : i32
    %c0_i32_0 = arith.constant 0 : i32
    %c0_i32_1 = arith.constant 0 : i32
    return %c0_i32, %c0_i32_0 : i32, i32
  }
  func.func @transform_3(%arg0: i32) -> (i32, i32) {
    %c0_i32 = arith.constant 0 : i32
    %c0_i32_0 = arith.constant 0 : i32
    return %arg0, %c0_i32 : i32, i32
  }
  func.func @transform_4(%arg0: i32) -> (i32, i32) {
    %c0_i32 = arith.constant 0 : i32
    %c0_i32_0 = arith.constant 0 : i32
    return %c0_i32, %arg0 : i32, i32
  }
}

module attributes {stable_mosaic.version = 14 : i64} {
  func.func @_combine_body(%arg0: i32, %arg1: memref<2x512x128xf32, #tpu.memory_space<vmem>>, %arg2: memref<2x512x1xf32, #tpu.memory_space<vmem>>, %arg3: memref<512x128xf32, #tpu.memory_space<vmem>>) attributes {dimension_semantics = [#tpu.dimension_semantics<arbitrary>], iteration_bounds = array<i64: 20>, scalar_prefetch = 0 : i64, scratch_operands = 0 : i64, tpu.core_type = #tpu.core_type<tc>, window_params = [{transform_indices = @transform_0, window_bounds = array<i64: 2, 512, 128>}, {transform_indices = @transform_1, window_bounds = array<i64: 2, 512, 1>}, {transform_indices = @transform_2, window_bounds = array<i64: 512, 128>}]} {
    %get3A = arith.constant 0 : index
    %get3A_0 = arith.constant 0 : index
    %get3A_1 = arith.constant 0 : index
    %get3A_2 = vector.load %arg1[%get3A, %get3A_0, %get3A_1] : memref<2x512x128xf32, #tpu.memory_space<vmem>>, vector<2x512x128xf32>
    %get3A_3 = arith.constant 0 : index
    %get3A_4 = arith.constant 0 : index
    %get3A_5 = arith.constant 0 : index
    %get3A_6 = vector.load %arg2[%get3A_3, %get3A_4, %get3A_5] : memref<2x512x1xf32, #tpu.memory_space<vmem>>, vector<2x512x1xf32>
    %slice3A = vector.extract_strided_slice %get3A_2 {offsets = [0, 0, 0], sizes = [1, 512, 128], strides = [1, 1, 1]} : vector<2x512x128xf32> to vector<1x512x128xf32>
    %squeeze3A = vector.shape_cast %slice3A : vector<1x512x128xf32> to vector<512x128xf32>
    %slice3A_7 = vector.extract_strided_slice %get3A_2 {offsets = [1, 0, 0], sizes = [1, 512, 128], strides = [1, 1, 1]} : vector<2x512x128xf32> to vector<1x512x128xf32>
    %squeeze3A_8 = vector.shape_cast %slice3A_7 : vector<1x512x128xf32> to vector<512x128xf32>
    %add3A = arith.addf %squeeze3A, %squeeze3A_8 : vector<512x128xf32>
    %slice3A_9 = vector.extract_strided_slice %get3A_6 {offsets = [0, 0, 0], sizes = [1, 512, 1], strides = [1, 1, 1]} : vector<2x512x1xf32> to vector<1x512x1xf32>
    %squeeze3A_10 = vector.shape_cast %slice3A_9 : vector<1x512x1xf32> to vector<512x1xf32>
    %slice3A_11 = vector.extract_strided_slice %get3A_6 {offsets = [1, 0, 0], sizes = [1, 512, 1], strides = [1, 1, 1]} : vector<2x512x1xf32> to vector<1x512x1xf32>
    %squeeze3A_12 = vector.shape_cast %slice3A_11 : vector<1x512x1xf32> to vector<512x1xf32>
    %add3A_13 = arith.addf %squeeze3A_10, %squeeze3A_12 : vector<512x1xf32>
    %div3A = vector.broadcast %add3A_13 : vector<512x1xf32> to vector<512x128xf32>
    %div3A_14 = arith.divf %add3A, %div3A : vector<512x128xf32>
    %gt3A = arith.constant 0.000000e+00 : f32
    %gt3A_15 = vector.broadcast %gt3A : f32 to vector<512x128xf32>
    %gt3A_16 = arith.cmpf ogt, %div3A_14, %gt3A_15 : vector<512x128xf32>
    %min3A = arith.constant 0.000000e+00 : f32
    %min3A_17 = vector.broadcast %min3A : f32 to vector<512x128xf32>
    %min3A_18 = arith.minimumf %div3A_14, %min3A_17 : vector<512x128xf32>
    %exp3A = math.exp %min3A_18 : vector<512x128xf32>
    %sub3A = arith.constant 1.000000e+00 : f32
    %sub3A_19 = vector.broadcast %sub3A : f32 to vector<512x128xf32>
    %sub3A_20 = arith.subf %exp3A, %sub3A_19 : vector<512x128xf32>
    %select_n3A = arith.select %gt3A_16, %div3A_14, %sub3A_20 : vector<512x128xi1>, vector<512x128xf32>
    %swap3A = arith.constant 0 : index
    %swap3A_21 = arith.constant 0 : index
    %swap3A_22 = vector.load %arg3[%swap3A, %swap3A_21] : memref<512x128xf32, #tpu.memory_space<vmem>>, vector<512x128xf32>
    tpu.vector_store %arg3[%swap3A, %swap3A_21], %select_n3A {strides = array<i32>} : memref<512x128xf32, #tpu.memory_space<vmem>>, vector<512x128xf32>,
    return
  }
  func.func @transform_0(%arg0: i32) -> (i32, i32, i32) {
    %c0_i32 = arith.constant 0 : i32
    %c0_i32_0 = arith.constant 0 : i32
    %c0_i32_1 = arith.constant 0 : i32
    return %c0_i32, %arg0, %c0_i32_0 : i32, i32, i32
  }
  func.func @transform_1(%arg0: i32) -> (i32, i32, i32) {
    %c0_i32 = arith.constant 0 : i32
    %c0_i32_0 = arith.constant 0 : i32
    %c0_i32_1 = arith.constant 0 : i32
    return %c0_i32, %arg0, %c0_i32_0 : i32, i32, i32
  }
  func.func @transform_2(%arg0: i32) -> (i32, i32) {
    %c0_i32 = arith.constant 0 : i32
    %c0_i32_0 = arith.constant 0 : i32
    return %arg0, %c0_i32 : i32, i32
  }
}

</mosaic_0001>

<sc_bundles>
// kernel: kernel.6.cloned.1.call-start
scs
__scs_entry_jumppad:
0x0: {  	(pc) =	sbr.rel $0x88, $3  }
0x1: {  	(tag) =	ssettag $0x0;
	lr =	simm.s32 $0x1  }
0x2: {  	[smem:$0x3F9D] =	sst lr;
	_ =	strace $0xD0000000  }
0x3: {  	_ = 	snop  }
0x4: {  	_ = 	snop  }
0x5: {  	_ = 	snop  }
0x6: {  	_ = 	snop  }
0x7: {  	_ = 	snop  }
__scs_overlays_trampoline_lowered:
0x8: {  	[smem:$0x3FAC] =	sst s0  }
0x9: {  	[smem:$0x3FAD] =	sst s1  }
0xa: {  	[smem:$0x3FAE] =	sst s2  }
0xb: {  	[smem:$0x3FAF] =	sst s3  }
0xc: {  	[smem:$0x3FB0] =	sst s4  }
0xd: {  	[smem:$0x3FB1] =	sst s5  }
0xe: {  	[smem:$0x3FB2] =	sst s6  }
0xf: {  	[smem:$0x3FB3] =	sst s7  }
0x10: {  	[smem:$0x3FB4] =	sst s8  }
0x11: {  	[smem:$0x3FB5] =	sst s9;
	s0 =	simm.s32 @!p0 $0x0  }
0x12: {  	s1 =	sld [smem:$0x3F9B];
	s0 =	simm.s32 @p0 $0x1  }
0x13: {  	[smem:$0x3FB6] =	sst s0;
	s0 =	simm.s32 @!p1 $0x0  }
0x14: {  	s2 =	sld [smem:$0x3F9A];
	s0 =	simm.s32 @p1 $0x1  }
0x15: {  	[smem:$0x3FB7] =	sst s0;
	s0 =	simm.s32 @!p2 $0x0  }
0x16: {  	s3 =	sld [smem:$0x3FDB];
	s0 =	simm.s32 @p2 $0x1  }
0x17: {  	s4 =	simm.s32 $0x1BF5;
	[smem:$0x3FB9] =	sst s0  }
0x18: {  	s0 =	sld [smem:$0x3F9C];
	_ =	swait.ge [sflag:s4], $0x0  }
0x19: {  	s7 =	sld [smem:$0x3F9D]  }
0x1a: {  	s8 =	sadd.s32 $0xFFFFE003, lr  }
0x1b: {  	s9 =	sadd.s32 $0xFFFFFEF7, lr;
	s5 =	simm.s32 $0xFFFFFFFF;
	p2 =	slt.u32 s8, $0xFFFFF086  }
0x1c: {  	p1 =	slt.u32 s9, $0xF7A;
	s5 =	simm.s32 @!p2 $0x0  }
0x1d: {  	s5 =	simm.s32 @p1 $0x1;
	p0 =	seq.s32 s7, s2  }
0x1e: {  	s7 =	smul.u32 @!p0 $0xF7A, s2;
	p2 =	seq.s32 @!p0 s5, $0x0  }
0x1f: {  	s9 =	smul.u32 $0xF7A, s1;
	s8 =	simm.s32 @!p0 $0x1BF5;
	p2 =	por !p2, p0  }
0x20: {  	[sflag:s8] =	ssyncset.s32 @!p0 $0xFFFFF086;
	s6 =	sadd.s32 @!p0 s3, s7;
	s7 =	simm.s32 @!p0 $0x108  }
0x21: {  	s3 =	sadd.s32 s3, s9;
	s6 =	sadd.s32 @!p0 $0x88, s6;
	s7 =	simm.s32 @p2 $0x1082  }
0x22: {  	[simem:s7], [sflag:s8] =	dma.local @!p0 [hbm:s6], $0xF7A  }
0x23: {  	s9 =	sor.u32 $0xD0000000, s2;
	s6 =	simm.s32 $0x108;
	_ =	swait.ge @!p0 [sflag:s8], $0x0  }
0x24: {  	s3 =	sadd.s32 $0x88, s3;
	s6 =	simm.s32 @!p1 $0x1082;
	[sflag:s4] =	ssyncset.s32 $0xFFFFF086  }
0x25: {  	[simem:s6], [sflag:s4] =	dma.local [hbm:s3], $0xF7A  }
0x26: {  	[smem:$0x3F9D] =	sst s1;
	(tag) =	ssettag s2;
	_ =	strace s9  }
0x27: {  	s1 =	sld [smem:$0x3FAD]  }
0x28: {  	s2 =	sld [smem:$0x3FAE]  }
0x29: {  	s4 =	sld [smem:$0x3FB0]  }
0x2a: {  	p0 =	seq.s32 s5, $0x0;
	s5 =	sld [smem:$0x3FB1]  }
0x2b: {  	s6 =	sld [smem:$0x3FB2]  }
0x2c: {  	s7 =	sld [smem:$0x3FB3]  }
0x2d: {  	s3 =	simm.s32 $0x108;
	s8 =	sld [smem:$0x3FB4]  }
0x2e: {  	s3 =	simm.s32 @!p0 $0x1082;
	s9 =	sld [smem:$0x3FB5]  }
0x2f: {  	lr =	sadd.s32 s0, s3;
	s0 =	sld [smem:$0x3FAC]  }
0x30: {  	s3 =	sld [smem:$0x3FAF]  }
0x31: {  	[smem:$0x3FB8] =	sst s10  }
0x32: {  	s10 =	sld [smem:$0x3FB6];
	_ =	sdelay $0x3  }
0x33: {  	p0 =	seq.s32 s10, $0x1;
	s10 =	sld [smem:$0x3FB8];
	_ =	sdelay $0x3  }
0x34: {  	[smem:$0x3FB8] =	sst s10  }
0x35: {  	s10 =	sld [smem:$0x3FB7];
	_ =	sdelay $0x3  }
0x36: {  	p1 =	seq.s32 s10, $0x1;
	s10 =	sld [smem:$0x3FB8];
	_ =	sdelay $0x3  }
0x37: {  	[smem:$0x3FB8] =	sst s10  }
0x38: {  	s10 =	sld [smem:$0x3FB9]  }
0x39: {  	_ = 	snop;
	(pc) =	sbr.ind lr, $3  }
0x3a: {  	_ = 	snop  }
0x3b: {  	_ = 	snop  }
0x3c: {  	p2 =	seq.s32 s10, $0x1;
	s10 =	sld [smem:$0x3FB8]  }
0x3d: {  	_ =	shalt  }
0x3e: {  	_ =	shalt  }
0x3f: {  	_ =	shalt  }
0x40: {  	_ =	shalt  }
0x41: {  	_ =	shalt  }
0x42: {  	_ =	shalt  }
0x43: {  	_ =	shalt  }
0x44: {  	_ =	shalt  }
0x45: {  	_ =	shalt  }
0x46: {  	_ =	shalt  }
0x47: {  	_ =	shalt  }
0x48: {  	_ =	shalt  }
0x49: {  	_ =	shalt  }
0x4a: {  	_ =	shalt  }
0x4b: {  	_ =	shalt  }
0x4c: {  	_ =	shalt  }
0x4d: {  	_ =	shalt  }
0x4e: {  	_ =	shalt  }
0x4f: {  	_ =	shalt  }
0x50: {  	_ =	shalt  }
0x51: {  	_ =	shalt  }
0x52: {  	_ =	shalt  }
0x53: {  	_ =	shalt  }
0x54: {  	_ =	shalt  }
0x55: {  	_ =	shalt  }
0x56: {  	_ =	shalt  }
0x57: {  	_ =	shalt  }
0x58: {  	_ =	shalt  }
0x59: {  	_ =	shalt  }
0x5a: {  	_ =	shalt  }
0x5b: {  	_ =	shalt  }
0x5c: {  	_ =	shalt  }
0x5d: {  	_ =	shalt  }
0x5e: {  	_ =	shalt  }
0x5f: {  	_ =	shalt  }
0x60: {  	_ =	shalt  }
0x61: {  	_ =	shalt  }
0x62: {  	_ =	shalt  }
0x63: {  	_ =	shalt  }
0x64: {  	_ =	shalt  }
0x65: {  	_ =	shalt  }
0x66: {  	_ =	shalt  }
0x67: {  	_ =	shalt  }
0x68: {  	_ =	shalt  }
0x69: {  	_ =	shalt  }
0x6a: {  	_ =	shalt  }
0x6b: {  	_ =	shalt  }
0x6c: {  	_ =	shalt  }
0x6d: {  	_ =	shalt  }
0x6e: {  	_ =	shalt  }
0x6f: {  	_ =	shalt  }
0x70: {  	_ =	shalt  }
0x71: {  	_ =	shalt  }
0x72: {  	_ =	shalt  }
0x73: {  	_ =	shalt  }
0x74: {  	_ =	shalt  }
0x75: {  	_ =	shalt  }
0x76: {  	_ =	shalt  }
0x77: {  	_ =	shalt  }
0x78: {  	_ =	shalt  }
0x79: {  	_ =	shalt  }
0x7a: {  	_ =	shalt  }
0x7b: {  	_ =	shalt  }
0x7c: {  	_ =	shalt  }
0x7d: {  	_ =	shalt  }
0x7e: {  	_ =	shalt  }
0x7f: {  	_ =	shalt  }
0x80: {  	_ =	shalt  }
0x81: {  	_ =	shalt  }
0x82: {  	_ =	shalt  }
0x83: {  	_ =	shalt  }
0x84: {  	_ =	shalt  }
0x85: {  	_ =	shalt  }
0x86: {  	_ =	shalt  }
0x87: {  	_ =	shalt  }
.Lfunc_end0:
.L_simem_size_0:
called_computation_lowered:
.L_overlay_start_0:
0x88: {  	s2 =	sld [smem:$0x3FD9]  }
0x89: {  	s3 =	sld [smem:$0x3FFE];
	_ =	sdelay $0x1  }
0x8a: {  	s1 =	srdreg.scid  }
0x8b: {  	s0 =	sand.u32 $0x1, s1  }
0x8c: {  	s16 =	sshll.u32 s0, $0xA;
	s2 =	sadd.s32 s3, s2  }
0x8d: {  	s2 =	sadd.s32 s2, s16  }
0x8e: {  	[smem:$0x3FC4] =	sst s2  }
0x8f: {  	_ = 	snop  }
0x90: {  	(tm) =	ssettm $0x1  }
0x91: {  	s17 =	sld [smem:$0x3FFB];
	_ =	sdelay $0x3  }
0x92: {  	_ =	strace s17  }
0x93: {  	s2 =	sld [smem:$0x3FFC];
	_ =	sdelay $0x3  }
0x94: {  	_ =	strace s2  }
0x95: {  	s2 =	sld [smem:$0x3FFD];
	_ =	sdelay $0x3  }
0x96: {  	_ =	strace s2  }
0x97: {  	_ =	strace $0x8FFFFFFF  }
0x98: {  	s18 =	sld [smem:$0x3FDB];
	_ =	sdelay $0x1  }
0x99: {  	s19 =	simm.s32 $_scs_section_size  }
0x9a: {  	s4 =	simm.s32 $_size__tile_overlayer_lowered;
	s5 =	simm.s32 $_tile_overlayer_lowered  }
0x9b: {  	s22 =	simm.s32 $0x1BFF;
	s21 =	sshll.u32 s5, $0x1;
	s2 =	sadd.s32 s19, s18  }
0x9c: {  	s6 =	simm.s32 $0x0;
	s20 =	sshll.u32 s4, $0x1;
	s4 =	sadd.s32 s21, s2  }
0x9d: {  	[timem:s6], [sflag:s22] =	dma.local [hbm:s4], s20  }
0x9e: {  	_ =	swait.ge [sflag:s22], s20  }
0x9f: {  	s3 =	ssub.s32 $0x0, s20;
	[sflag:s22] =	ssyncset.done $0x0  }
0xa0: {  	[sflag:s22] =	ssyncadd.s32 s3;
	_ =	sdelay $0x1  }
0xa1: {  	s23 =	simm.s32 $0x1B8B  }
0xa2: {  	_ =	swait.ge [sflag:s23], $0x1  }
0xa3: {  	[sflag:s23] =	ssyncset.done $0x0  }
0xa4: {  	s25 =	simm.s32 $0x1B8E;
	s24 =	sld [smem:$0x3FFE];
	[sflag:s23] =	ssyncadd.s32 $0xFFFFFFFF  }
0xa5: {  	s26 =	simm.s32 $execute0_lowered;
	[smem:$0x3FD2] =	sst s25  }
0xa6: {  	s4 =	sshll.u32 s26, $0x1;
	_ =	strace $0x80000046;
	[dreg:$0x1] =	wrdreg $0xFFFFFFFF  }
0xa7: {  	s28 =	simm.s32 $_size_execute0_lowered;
	s2 =	sadd.s32 s2, s4;
	[dreg:$0x0] =	wrdreg $0x0  }
0xa8: {  	s4 =	sshll.u32 s28, $0x1;
	[dreg:$0x2] =	wrdreg s2  }
0xa9: {  	[dreg:$0x3] =	wrdreg s4  }
0xaa: {  	[dreg:$0x4] =	wrdreg $0xC0  }
0xab: {  	_ =	task [dreg:s6], $0x5FFFF  }
0xac: {  	[dreg:$0x1] =	wrdreg $0xFFFFFFFF  }
0xad: {  	[dreg:$0x0] =	wrdreg $0x60  }
0xae: {  	[dreg:$0x2] =	wrdreg s24  }
0xaf: {  	[dreg:$0x3] =	wrdreg $0xEF000  }
0xb0: {  	[dreg:$0x4] =	wrdreg $0x9  }
0xb1: {  	_ =	task.clear_ibuf [dreg:s6], $0x5FFFF;
	_ =	strace $0x90000046  }
0xb2: {  	s29 =	simm.s32 $0x9;
	_ =	strace $0x80000048  }
0xb3: {  	_ =	swait.ge [sflag:s29], $0x1  }
0xb4: {  	[sflag:s29] =	ssyncadd.s32 $0xFFFFFFFF  }
0xb5: {  	_ =	strace $0x90000048  }
0xb6: {  	_ =	sfence  }
0xb7: {  	s30 =	sld [smem:$0x0];
	_ =	sdelay $0x2  }
0xb8: {  	s31 =	sshll.u32 s1, $0xD;
	s1 =	sshrl.u32 s1, $0x2  }
0xb9: {  	s3 =	sand.u32 $0x4000, s31;
	s1 =	sadd.s32 s1, s30  }
0xba: {  	s0 =	sor.u32 s3, s0;
	s1 =	sshll.u32 s1, $0x11  }
0xbb: {  	s0 =	sor.u32 s1, s0  }
0xbc: {  	s0 =	sadd.s32 $0x8F2B, s0  }
0xbd: {  	[sflag:s0] =	ssyncadd.remote.s32 $0x1  }
0xbe: {  	_ =	sfence.sel $0xFFFF  }
0xbf: {  	[dreg:$0x0] =	wrdreg $0xFFFFFFFF;
	(pc) =	sbr.abs _section_cstart, $3  }
0xc0: {  	[dreg:$0x1] =	wrdreg $0xFFFFFFFF  }
0xc1: {  	_ =	task.clear_ibuf [dreg:s6], $0x2FFFF;
	_ =	strace $0x9FFFFFFF  }
0xc2: {  	(tm) =	ssettm $0x7FFFFFFF  }
0xc3: {  	_ =	shalt  }
tec
execute0_lowered:
.L_overlay_start_1:
0x0: {  	(tag) =	ssettag $0x1  }
0x1: {  	s4 =	rddreg [dreg:$0x0]  }
0x2: {  	s1 =	rddreg [dreg:$0x1]  }
0x3: {  	s2 =	srdreg.scid;
	s0 =	rddreg [dreg:$0x2]  }
0x4: {  	s11 =	stileid.u32;
	s15 =	simm.s32 $0x400;
	s16 =	simm.s32 $0x5000  }
0x5: {  	s17 =	simm.s32 $0x7780;
	s18 =	simm.s32 $0xC680;
	s19 =	simm.s32 $0x9F00  }
0x6: {  	s20 =	simm.s32 $0x50;
	s21 =	simm.s32 $0xEE80;
	s22 =	simm.s32 $0x0  }
0x7: {  	s6 =	sand.u32 $0x1, s2;
	s3 =	sshrl.u32 s11, $0x2;
	s5 =	sshll.u32 s11, $0x8  }
0x8: {  	s2 =	simm.s32 $0x0;
	s13 =	smul.u32 $0x4F00, s11;
	p0 =	sne.s32 s11, $0x0  }
0x9: {  	s11 =	simm.s32 $0x80;
	s7 =	sshll.u32 s6, $0x7;
	s3 =	smul.u32 $0x13C00, s3  }
0xa: {  	[smem:$0x7FF] =	sst s2;
	s30 =	smul.u32 $0x500, s6;
	s8 =	ssub.s32 $0x2, s6  }
0xb: {  	s14 =	smul.u32 $0x2780, s6;
	s5 =	sor.u32 s7, s5;
	_ =	strace $0x80000047  }
0xc: {  	s31 =	sshrl.u32 s8, $0x1;
	s5 =	sand.u32 $0x380, s5;
	s10 =	sadd.s32 s30, s4  }
0xd: {  	s12 =	ssub.s32 s8, s31;
	s3 =	sor.u32 s3, s5;
	s8 =	sadd.s32 $0x52200, s10  }
0xe: {  	s10 =	sadd.s32 s14, s13;
	s13 =	simm.s32 $0x1;
	s5 =	sshrl.u32 s3, $0x3  }
0xf: {  	v0 =	vlaneseq.u32;
	s14 =	simm.s32 $0x2800;
	s3 =	sadd.s32 $0x47A00, s4;
	s9 =	sadd.s32 s5, s4  }
0x10: {  	v1 =	vimm.f32 $0.0e+00;
	v2 =	vor.u32 $0x10, v0;
	s4 =	sadd.s32 $0x47A10, s4;
	s5 =	sadd.s32 $0xBE00, s9;
	s6 =	sadd.s32 $0x15C00, s9  }
0x11: {  	v3 =	vor.u32 $0x20, v0;
	v4 =	vor.u32 $0x30, v0;
	v5 =	vor.u32 $0x40, v0;
	s7 =	sadd.s32 $0x48400, s9;
	s9 =	smax.u32 s12, $0x1;
	s12 =	simm.s32 $0x100  }
.LBB2_1:
0x12: {  	s23 =	simm.s32 $0x0;
	s24 =	simm.s32 $0x200  }
.LBB2_2:
0x13: {  	p1 =	sne.s32 s24, $0x9E00;
	[tilespmem:s23+$0xC6F0] =	vst v1  }
0x14: {  	[tilespmem:s23+$0xC680] =	vst v1  }
0x15: {  	[tilespmem:s23+$0xC690] =	vst v1  }
.Ltmp0:
0x16: {  	[tilespmem:s23+$0xC6A0] =	vst v1;
	(pc) =	sbr.rel @p1 .LBB2_2-.Ltmp0, $4  }
0x17: {  	[tilespmem:s23+$0xC6B0] =	vst v1  }
0x18: {  	[tilespmem:s23+$0xC6C0] =	vst v1  }
0x19: {  	[tilespmem:s23+$0xC6D0] =	vst v1  }
0x1a: {  	[tilespmem:s23+$0xC6E0] =	vst v1;
	s23 =	sshra.s32 s24, $0x2;
	s24 =	sadd.s32 $0x200, s24  }
0x1b: {  	[tilespmem:s23+$0xC6F0] =	vst v1  }
0x1c: {  	[tilespmem:s23+$0xC680] =	vst v1  }
0x1d: {  	[tilespmem:s23+$0xC690] =	vst v1  }
0x1e: {  	[tilespmem:s23+$0xC6A0] =	vst v1  }
0x1f: {  	[tilespmem:s23+$0xC6B0] =	vst v1  }
0x20: {  	[tilespmem:s23+$0xC6C0] =	vst v1  }
0x21: {  	[tilespmem:s23+$0xC6D0] =	vst v1  }
0x22: {  	[tilespmem:s23+$0xC6E0] =	vst v1  }
0x23: {  	[tilespmem:$0xEE80] =	vst v0  }
0x24: {  	[tilespmem:$0xEE90] =	vst v2  }
0x25: {  	[tilespmem:$0xEEA0] =	vst v3  }
0x26: {  	[tilespmem:$0xEEB0] =	vst v4  }
0x27: {  	s23 =	simm.s32 @!p0 $0xC680;
	[tilespmem:$0xEEC0] =	vst v5  }
0x28: {  	[spmem:s1] =	stream.linear.scatter @!p0 [tilespmem:s23], [sflag:$0x1], $0x2800, $0x38;
	[tilespmem:$0xF180] =	vst v63  }
0x29: {  	s23 =	simm.s32 @!p0 $0x1  }
0x2a: {  	_ =	swait.ge @!p0 [sflag:s23], $0x2800  }
0x2b: {  	[sflag:s23] =	ssyncset.done @!p0 $0x0  }
0x2c: {  	s30 =	simm.s32 $0x0;
	[sflag:s23] =	ssyncadd.s32 @!p0 $0xFFFFD800  }
0x2d: {  	[tilespmem:s30], [sflag:$0x1] =	stream.strided.gather [hbm4b:s3+s11], $0x2800, s12, s11, $0x38;
	[tilespmem:$0xF180] =	vst v63  }
0x2e: {  	_ =	swait.ge [sflag:s13], $0x2800  }
0x2f: {  	[sflag:s13] =	ssyncset.done $0x0  }
0x30: {  	[sflag:s13] =	ssyncadd.s32 $0xFFFFD800  }
0x31: {  	[tilespmem:s14], [sflag:$0x1] =	stream.strided.gather [hbm4b:s4+s11], $0x2800, s12, s11, $0x38;
	[tilespmem:$0xF180] =	vst v63  }
0x32: {  	_ =	swait.ge [sflag:s13], $0x2800  }
0x33: {  	[sflag:s13] =	ssyncset.done $0x0  }
0x34: {  	[sflag:s13] =	ssyncadd.s32 $0xFFFFD800  }
0x35: {  	[tilespmem:s16], [sflag:$0x1] =	stream.strided.gather [hbm4b:s5+s11], $0x2780, s15, s11, $0x38;
	[tilespmem:$0xF180] =	vst v63  }
0x36: {  	_ =	swait.ge [sflag:s13], $0x2780  }
0x37: {  	[sflag:s13] =	ssyncset.done $0x0  }
0x38: {  	[sflag:s13] =	ssyncadd.s32 $0xFFFFD880  }
0x39: {  	[tilespmem:s17], [sflag:$0x1] =	stream.strided.gather [hbm4b:s6+s11], $0x2780, s15, s11, $0x38;
	[tilespmem:$0xF180] =	vst v63  }
0x3a: {  	_ =	swait.ge [sflag:s13], $0x2780  }
0x3b: {  	[sflag:s13] =	ssyncset.done $0x0  }
0x3c: {  	[sflag:s13] =	ssyncadd.s32 $0xFFFFD880  }
0x3d: {  	s31 =	simm.s32 $0x0;
	[bflag:$0x0] =	sbarrier.arrive $0xFFFF  }
0x3e: {  	v6 =	vld [tilespmem:s31+$0x7780]  }
0x3f: {  	v7 =	vld [tilespmem:s31+$0x5000];
	_ =	sdelay $0x6  }
0x40: {  	v6 =	vld.idx.msk [tilespmem:v6+s14+$0x0], $0xffff  }
0x41: {  	v8 =	vld.idx.msk [tilespmem:v7+s2+$0x0], $0xffff;
	_ =	sdelay $0x4  }
0x42: {  	v6 =	vadd.f32 v6, v8;
	_ =	sdelay $0x1  }
0x43: {  	v8 =	vmul.f32 $2.000000030e-01, v6  }
0x44: {  	vm0 =	vge.f32 v6, $0.0e+00  }
0x45: {  	v6 =	vsel vm0, v6, v8  }
0x46: {  	v6 =	vsub.f32 $0.0e+00, v6;
	_ =	sdelay $0x1  }
0x47: {  	v6 =	vmul.f32 $1.442695020e+00, v6;
	_ =	sdelay $0x1  }
0x48: {  	(erf) = vpow2.f32 v6;
	_ =	sdelay $0x8  }
0x49: {  	p1 =	slt.u32 s10, $0x4E200;
	v6 =	vpop (erf)  }
0x4a: {  	v6 =	vpsel !p1, $0x0, v6  }
0x4b: {  	[tilespmem:s31+$0x9F00] =	vst v6  }
0x4c: {  	s23 =	simm.s32 $0x10;
	[tilespmem:v7+s18+$0x0] =	vst.idx.add.f32.msk $0xffff, v6  }
0x4d: {  	v7 =	vld [tilespmem:s23+$0x7780]  }
0x4e: {  	s25 =	simm.s32 $0x80;
	s24 =	smov.u32 s10;
	v6 =	vld [tilespmem:s23+$0x5000]  }
.LBB2_4:
0x4f: {  	p1 =	sne.s32 s25, $0x9DC0;
	_ =	sdelay $0x5  }
0x50: {  	v7 =	vld.idx.msk [tilespmem:v7+s14+$0x0], $0xffff  }
0x51: {  	v8 =	vld.idx.msk [tilespmem:v6+s2+$0x0], $0xffff;
	_ =	sdelay $0x5  }
0x52: {  	v7 =	vadd.f32 v7, v8;
	_ =	sdelay $0x1  }
0x53: {  	v8 =	vmul.f32 $2.000000030e-01, v7  }
0x54: {  	vm0 =	vge.f32 v7, $0.0e+00  }
0x55: {  	v7 =	vsel vm0, v7, v8  }
0x56: {  	v7 =	vsub.f32 $0.0e+00, v7;
	_ =	sdelay $0x1  }
0x57: {  	v7 =	vmul.f32 $1.442695020e+00, v7;
	_ =	sdelay $0x1  }
0x58: {  	(erf) = vpow2.f32 v7;
	_ =	sdelay $0x7  }
0x59: {  	s24 =	sadd.s32 $0x10, s24  }
0x5a: {  	p2 =	slt.u32 s24, $0x4E200;
	v7 =	vpop (erf)  }
.Ltmp1:
0x5b: {  	v7 =	vpsel !p2, $0x0, v7;
	(pc) =	sbr.rel @p1 .LBB2_4-.Ltmp1, $4  }
0x5c: {  	[tilespmem:s23+$0x9F00] =	vst v7  }
0x5d: {  	s23 =	sshra.s32 s25, $0x2;
	[tilespmem:v6+s18+$0x0] =	vst.idx.add.f32.msk $0xffff, v7  }
0x5e: {  	v7 =	vld [tilespmem:s23+$0x7780]  }
0x5f: {  	s25 =	sadd.s32 $0x40, s25;
	v6 =	vld [tilespmem:s23+$0x5000]  }
0x60: {  	_ =	sdelay $0x6  }
0x61: {  	v7 =	vld.idx.msk [tilespmem:v7+s14+$0x0], $0xffff  }
0x62: {  	v8 =	vld.idx.msk [tilespmem:v6+s2+$0x0], $0xffff;
	_ =	sdelay $0x4  }
0x63: {  	v7 =	vadd.f32 v7, v8;
	_ =	sdelay $0x1  }
0x64: {  	v8 =	vmul.f32 $2.000000030e-01, v7  }
0x65: {  	vm0 =	vge.f32 v7, $0.0e+00  }
0x66: {  	v7 =	vsel vm0, v7, v8  }
0x67: {  	v7 =	vsub.f32 $0.0e+00, v7;
	_ =	sdelay $0x1  }
0x68: {  	v7 =	vmul.f32 $1.442695020e+00, v7;
	_ =	sdelay $0x1  }
0x69: {  	(erf) = vpow2.f32 v7;
	_ =	sdelay $0x7  }
0x6a: {  	s24 =	sadd.s32 $0x10, s24  }
0x6b: {  	p1 =	slt.u32 s24, $0x4E200;
	v7 =	vpop (erf)  }
0x6c: {  	v7 =	vpsel !p1, $0x0, v7  }
0x6d: {  	[tilespmem:s23+$0x9F00] =	vst v7  }
0x6e: {  	[tilespmem:v6+s18+$0x0] =	vst.idx.add.f32.msk $0xffff, v7  }
0x6f: {  	[hbm4b:s7+s11] =	stream.strided.scatter [tilespmem:s19], [sflag:$0x1], $0x2780, s15, s11, $0x38;
	[tilespmem:$0xF180] =	vst v63  }
0x70: {  	_ =	swait.ge [sflag:s13], $0x2780  }
0x71: {  	[sflag:s13] =	ssyncset.done $0x0  }
0x72: {  	[sflag:s13] =	ssyncadd.s32 $0xFFFFD880  }
0x73: {  	[spmem:s1] =	stream.indirect.scatter.add.f32 [tilespmem:s18], [sflag:$0x1], $0x80, s21, s20, $0xb8;
	[tilespmem:$0xF180] =	vst v63  }
0x74: {  	_ =	swait.ge [sflag:s13], $0x2800  }
0x75: {  	[sflag:s13] =	ssyncset.done $0x0  }
0x76: {  	s22 =	sadd.s32 $0x1, s22;
	s24 =	simm.s32 @!p0 $0x1C01;
	[sflag:s13] =	ssyncadd.s32 $0xFFFFD800  }
0x77: {  	p1 =	sne.s32 s22, s9;
	s23 =	sshrl.u32 @!p0 s1, $0x3;
	[bflag:$0x0] =	sbarrier.arrive $0xFFFF  }
0x78: {  	[hbm:s8], [sflag:s24] =	dma.local @!p0 [spmem:s23], $0x500  }
.Ltmp2:
0x79: {  	_ = 	snop;
	(pc) =	sbr.rel @p1 .LBB2_1-.Ltmp2, $4  }
0x7a: {  	s23 =	simm.s32 @!p0 $0x1  }
0x7b: {  	_ =	swait.ge @!p0 [sflag:s23], $0x500  }
0x7c: {  	[sflag:s23] =	ssyncset.done @!p0 $0x0  }
0x7d: {  	[sflag:s23] =	ssyncadd.s32 @!p0 $0xFFFFFB00  }
0x7e: {  	_ =	sfence.sel $0x180000  }
0x7f: {  	[bflag:$0x0] =	sbarrier.arrive $0xFFFF  }
0x80: {  	_ =	strace $0x90000047  }
0x81: {  	s0 =	sadd.s32 @!p0 $0x100000, s0;
	[bflag:$0x2] =	sbarrier.arrive $0xFFFF  }
0x82: {  	[sflag:s0] =	ssyncadd.tile.s32 @!p0 $0x1;
	_ =	shalt  }
.Lfunc_end2:
_tile_overlayer_lowered:
.L_overlay_start_2:
0x83: {  	(tag) =	ssettag $0x2  }
0x84: {  	s0 =	rddreg [dreg:$0x0];
	s2 =	stileid.u32  }
0x85: {  	s1 =	rddreg [dreg:$0x1];
	p0 =	sne.s32 s2, $0x0  }
0x86: {  	s3 =	rddreg [dreg:$0x2];
	[bflag:$0x3] =	sbarrier.arrive $0xFFFF;
	s2 =	simm.s32 @!p0 $0x1C01  }
0x87: {  	[timem:s3], [sflag:s2] =	dma.local @!p0 [hbm:s0], s1  }
0x88: {  	s0 =	simm.s32 @!p0 $0x1  }
0x89: {  	_ =	swait.ge @!p0 [sflag:s0], s1  }
0x8a: {  	s1 =	ssub.s32 @!p0 $0x0, s1;
	[sflag:s0] =	ssyncset.done @!p0 $0x0  }
0x8b: {  	[sflag:s0] =	ssyncadd.s32 @!p0 s1  }
0x8c: {  	[bflag:$0x3] =	sbarrier.arrive $0xFFFF  }
0x8d: {  	_ =	shalt  }

// kernel: kernel.9.cloned.1.call-start
scs
__scs_entry_jumppad:
0x0: {  	(pc) =	sbr.rel $0x88, $3  }
0x1: {  	(tag) =	ssettag $0x0;
	lr =	simm.s32 $0x1  }
0x2: {  	[smem:$0x3F9D] =	sst lr;
	_ =	strace $0xD0000000  }
0x3: {  	_ = 	snop  }
0x4: {  	_ = 	snop  }
0x5: {  	_ = 	snop  }
0x6: {  	_ = 	snop  }
0x7: {  	_ = 	snop  }
__scs_overlays_trampoline_lowered:
0x8: {  	[smem:$0x3FAC] =	sst s0  }
0x9: {  	[smem:$0x3FAD] =	sst s1  }
0xa: {  	[smem:$0x3FAE] =	sst s2  }
0xb: {  	[smem:$0x3FAF] =	sst s3  }
0xc: {  	[smem:$0x3FB0] =	sst s4  }
0xd: {  	[smem:$0x3FB1] =	sst s5  }
0xe: {  	[smem:$0x3FB2] =	sst s6  }
0xf: {  	[smem:$0x3FB3] =	sst s7  }
0x10: {  	[smem:$0x3FB4] =	sst s8  }
0x11: {  	[smem:$0x3FB5] =	sst s9;
	s0 =	simm.s32 @!p0 $0x0  }
0x12: {  	s1 =	sld [smem:$0x3F9B];
	s0 =	simm.s32 @p0 $0x1  }
0x13: {  	[smem:$0x3FB6] =	sst s0;
	s0 =	simm.s32 @!p1 $0x0  }
0x14: {  	s2 =	sld [smem:$0x3F9A];
	s0 =	simm.s32 @p1 $0x1  }
0x15: {  	[smem:$0x3FB7] =	sst s0;
	s0 =	simm.s32 @!p2 $0x0  }
0x16: {  	s3 =	sld [smem:$0x3FDB];
	s0 =	simm.s32 @p2 $0x1  }
0x17: {  	s4 =	simm.s32 $0x1BF5;
	[smem:$0x3FB9] =	sst s0  }
0x18: {  	s0 =	sld [smem:$0x3F9C];
	_ =	swait.ge [sflag:s4], $0x0  }
0x19: {  	s7 =	sld [smem:$0x3F9D]  }
0x1a: {  	s8 =	sadd.s32 $0xFFFFE003, lr  }
0x1b: {  	s9 =	sadd.s32 $0xFFFFFEF7, lr;
	s5 =	simm.s32 $0xFFFFFFFF;
	p2 =	slt.u32 s8, $0xFFFFF086  }
0x1c: {  	p1 =	slt.u32 s9, $0xF7A;
	s5 =	simm.s32 @!p2 $0x0  }
0x1d: {  	s5 =	simm.s32 @p1 $0x1;
	p0 =	seq.s32 s7, s2  }
0x1e: {  	s7 =	smul.u32 @!p0 $0xF7A, s2;
	p2 =	seq.s32 @!p0 s5, $0x0  }
0x1f: {  	s9 =	smul.u32 $0xF7A, s1;
	s8 =	simm.s32 @!p0 $0x1BF5;
	p2 =	por !p2, p0  }
0x20: {  	[sflag:s8] =	ssyncset.s32 @!p0 $0xFFFFF086;
	s6 =	sadd.s32 @!p0 s3, s7;
	s7 =	simm.s32 @!p0 $0x108  }
0x21: {  	s3 =	sadd.s32 s3, s9;
	s6 =	sadd.s32 @!p0 $0x88, s6;
	s7 =	simm.s32 @p2 $0x1082  }
0x22: {  	[simem:s7], [sflag:s8] =	dma.local @!p0 [hbm:s6], $0xF7A  }
0x23: {  	s9 =	sor.u32 $0xD0000000, s2;
	s6 =	simm.s32 $0x108;
	_ =	swait.ge @!p0 [sflag:s8], $0x0  }
0x24: {  	s3 =	sadd.s32 $0x88, s3;
	s6 =	simm.s32 @!p1 $0x1082;
	[sflag:s4] =	ssyncset.s32 $0xFFFFF086  }
0x25: {  	[simem:s6], [sflag:s4] =	dma.local [hbm:s3], $0xF7A  }
0x26: {  	[smem:$0x3F9D] =	sst s1;
	(tag) =	ssettag s2;
	_ =	strace s9  }
0x27: {  	s1 =	sld [smem:$0x3FAD]  }
0x28: {  	s2 =	sld [smem:$0x3FAE]  }
0x29: {  	s4 =	sld [smem:$0x3FB0]  }
0x2a: {  	p0 =	seq.s32 s5, $0x0;
	s5 =	sld [smem:$0x3FB1]  }
0x2b: {  	s6 =	sld [smem:$0x3FB2]  }
0x2c: {  	s7 =	sld [smem:$0x3FB3]  }
0x2d: {  	s3 =	simm.s32 $0x108;
	s8 =	sld [smem:$0x3FB4]  }
0x2e: {  	s3 =	simm.s32 @!p0 $0x1082;
	s9 =	sld [smem:$0x3FB5]  }
0x2f: {  	lr =	sadd.s32 s0, s3;
	s0 =	sld [smem:$0x3FAC]  }
0x30: {  	s3 =	sld [smem:$0x3FAF]  }
0x31: {  	[smem:$0x3FB8] =	sst s10  }
0x32: {  	s10 =	sld [smem:$0x3FB6];
	_ =	sdelay $0x3  }
0x33: {  	p0 =	seq.s32 s10, $0x1;
	s10 =	sld [smem:$0x3FB8];
	_ =	sdelay $0x3  }
0x34: {  	[smem:$0x3FB8] =	sst s10  }
0x35: {  	s10 =	sld [smem:$0x3FB7];
	_ =	sdelay $0x3  }
0x36: {  	p1 =	seq.s32 s10, $0x1;
	s10 =	sld [smem:$0x3FB8];
	_ =	sdelay $0x3  }
0x37: {  	[smem:$0x3FB8] =	sst s10  }
0x38: {  	s10 =	sld [smem:$0x3FB9]  }
0x39: {  	_ = 	snop;
	(pc) =	sbr.ind lr, $3  }
0x3a: {  	_ = 	snop  }
0x3b: {  	_ = 	snop  }
0x3c: {  	p2 =	seq.s32 s10, $0x1;
	s10 =	sld [smem:$0x3FB8]  }
0x3d: {  	_ =	shalt  }
0x3e: {  	_ =	shalt  }
0x3f: {  	_ =	shalt  }
0x40: {  	_ =	shalt  }
0x41: {  	_ =	shalt  }
0x42: {  	_ =	shalt  }
0x43: {  	_ =	shalt  }
0x44: {  	_ =	shalt  }
0x45: {  	_ =	shalt  }
0x46: {  	_ =	shalt  }
0x47: {  	_ =	shalt  }
0x48: {  	_ =	shalt  }
0x49: {  	_ =	shalt  }
0x4a: {  	_ =	shalt  }
0x4b: {  	_ =	shalt  }
0x4c: {  	_ =	shalt  }
0x4d: {  	_ =	shalt  }
0x4e: {  	_ =	shalt  }
0x4f: {  	_ =	shalt  }
0x50: {  	_ =	shalt  }
0x51: {  	_ =	shalt  }
0x52: {  	_ =	shalt  }
0x53: {  	_ =	shalt  }
0x54: {  	_ =	shalt  }
0x55: {  	_ =	shalt  }
0x56: {  	_ =	shalt  }
0x57: {  	_ =	shalt  }
0x58: {  	_ =	shalt  }
0x59: {  	_ =	shalt  }
0x5a: {  	_ =	shalt  }
0x5b: {  	_ =	shalt  }
0x5c: {  	_ =	shalt  }
0x5d: {  	_ =	shalt  }
0x5e: {  	_ =	shalt  }
0x5f: {  	_ =	shalt  }
0x60: {  	_ =	shalt  }
0x61: {  	_ =	shalt  }
0x62: {  	_ =	shalt  }
0x63: {  	_ =	shalt  }
0x64: {  	_ =	shalt  }
0x65: {  	_ =	shalt  }
0x66: {  	_ =	shalt  }
0x67: {  	_ =	shalt  }
0x68: {  	_ =	shalt  }
0x69: {  	_ =	shalt  }
0x6a: {  	_ =	shalt  }
0x6b: {  	_ =	shalt  }
0x6c: {  	_ =	shalt  }
0x6d: {  	_ =	shalt  }
0x6e: {  	_ =	shalt  }
0x6f: {  	_ =	shalt  }
0x70: {  	_ =	shalt  }
0x71: {  	_ =	shalt  }
0x72: {  	_ =	shalt  }
0x73: {  	_ =	shalt  }
0x74: {  	_ =	shalt  }
0x75: {  	_ =	shalt  }
0x76: {  	_ =	shalt  }
0x77: {  	_ =	shalt  }
0x78: {  	_ =	shalt  }
0x79: {  	_ =	shalt  }
0x7a: {  	_ =	shalt  }
0x7b: {  	_ =	shalt  }
0x7c: {  	_ =	shalt  }
0x7d: {  	_ =	shalt  }
0x7e: {  	_ =	shalt  }
0x7f: {  	_ =	shalt  }
0x80: {  	_ =	shalt  }
0x81: {  	_ =	shalt  }
0x82: {  	_ =	shalt  }
0x83: {  	_ =	shalt  }
0x84: {  	_ =	shalt  }
0x85: {  	_ =	shalt  }
0x86: {  	_ =	shalt  }
0x87: {  	_ =	shalt  }
.Lfunc_end0:
.L_simem_size_0:
called_computation.1_lowered:
.L_overlay_start_0:
0x88: {  	s2 =	sld [smem:$0x3FD9]  }
0x89: {  	s3 =	sld [smem:$0x3FFE];
	_ =	sdelay $0x1  }
0x8a: {  	s1 =	srdreg.scid  }
0x8b: {  	s0 =	sand.u32 $0x1, s1  }
0x8c: {  	s17 =	sshll.u32 s0, $0xA;
	s2 =	sadd.s32 s3, s2  }
0x8d: {  	s2 =	sadd.s32 s2, s17  }
0x8e: {  	[smem:$0x3FC4] =	sst s2  }
0x8f: {  	_ = 	snop  }
0x90: {  	s2 =	sld [smem:$0x3FD0];
	(tm) =	ssettm $0x1  }
0x91: {  	s18 =	sld [smem:$0x3FFB];
	_ =	sdelay $0x3  }
0x92: {  	_ =	strace s18  }
0x93: {  	s3 =	sld [smem:$0x3FFC];
	_ =	sdelay $0x3  }
0x94: {  	_ =	strace s3  }
0x95: {  	s3 =	sld [smem:$0x3FFD];
	_ =	sdelay $0x3  }
0x96: {  	_ =	strace s3  }
0x97: {  	_ =	strace $0x8FFFFFFF  }
0x98: {  	s19 =	sld [smem:$0x3FDB];
	_ =	sdelay $0x1  }
0x99: {  	s4 =	simm.s32 $_scs_section_size  }
0x9a: {  	s5 =	simm.s32 $_size__tile_overlayer_lowered;
	s6 =	simm.s32 $_tile_overlayer_lowered  }
0x9b: {  	s22 =	simm.s32 $0x1BFF;
	s21 =	sshll.u32 s6, $0x1;
	s3 =	sadd.s32 s4, s19  }
0x9c: {  	s7 =	simm.s32 $0x0;
	s20 =	sshll.u32 s5, $0x1;
	s5 =	sadd.s32 s21, s3  }
0x9d: {  	[timem:s7], [sflag:s22] =	dma.local [hbm:s5], s20  }
0x9e: {  	_ =	swait.ge [sflag:s22], s20  }
0x9f: {  	s4 =	ssub.s32 $0x0, s20;
	[sflag:s22] =	ssyncset.done $0x0  }
0xa0: {  	[sflag:s22] =	ssyncadd.s32 s4;
	_ =	sdelay $0x1  }
0xa1: {  	s23 =	simm.s32 $0x1B8B  }
0xa2: {  	_ =	swait.ge [sflag:s23], $0x1  }
0xa3: {  	[sflag:s23] =	ssyncset.done $0x0  }
0xa4: {  	s25 =	simm.s32 $0x1B8E;
	s24 =	sld [smem:$0x3FFE];
	[sflag:s23] =	ssyncadd.s32 $0xFFFFFFFF  }
0xa5: {  	s26 =	simm.s32 $execute0_lowered;
	[smem:$0x3FD2] =	sst s25  }
0xa6: {  	s5 =	sshll.u32 s26, $0x1;
	_ =	strace $0x80000049;
	[dreg:$0x1] =	wrdreg $0xFFFFFFFF  }
0xa7: {  	s28 =	simm.s32 $_size_execute0_lowered;
	s3 =	sadd.s32 s3, s5;
	[dreg:$0x0] =	wrdreg $0x0  }
0xa8: {  	s5 =	sshll.u32 s28, $0x1;
	[dreg:$0x2] =	wrdreg s3  }
0xa9: {  	[dreg:$0x3] =	wrdreg s5  }
0xaa: {  	[dreg:$0x4] =	wrdreg $0xC0  }
0xab: {  	_ =	task [dreg:s7], $0x5FFFF  }
0xac: {  	[dreg:$0x1] =	wrdreg $0xFFFFFFFF  }
0xad: {  	[dreg:$0x0] =	wrdreg $0x60  }
0xae: {  	[dreg:$0x2] =	wrdreg s24  }
0xaf: {  	[dreg:$0x3] =	wrdreg s2  }
0xb0: {  	[dreg:$0x4] =	wrdreg $0xAA000  }
0xb1: {  	[dreg:$0x5] =	wrdreg $0x9  }
0xb2: {  	_ =	task.clear_ibuf [dreg:s7], $0x6FFFF;
	_ =	strace $0x90000049  }
0xb3: {  	s29 =	simm.s32 $0x9;
	_ =	strace $0x8000004B  }
0xb4: {  	_ =	swait.ge [sflag:s29], $0x1  }
0xb5: {  	[sflag:s29] =	ssyncadd.s32 $0xFFFFFFFF  }
0xb6: {  	_ =	strace $0x9000004B  }
0xb7: {  	_ =	sfence  }
0xb8: {  	s30 =	sld [smem:$0x0];
	_ =	sdelay $0x2  }
0xb9: {  	s31 =	sshll.u32 s1, $0xD;
	s1 =	sshrl.u32 s1, $0x2  }
0xba: {  	s3 =	sand.u32 $0x4000, s31;
	s1 =	sadd.s32 s1, s30  }
0xbb: {  	s0 =	sor.u32 s3, s0;
	s1 =	sshll.u32 s1, $0x11  }
0xbc: {  	s0 =	sor.u32 s1, s0  }
0xbd: {  	s0 =	sadd.s32 $0x8F2B, s0  }
0xbe: {  	[sflag:s0] =	ssyncadd.remote.s32 $0x1  }
0xbf: {  	_ =	sfence.sel $0xFFFF  }
0xc0: {  	[dreg:$0x0] =	wrdreg $0xFFFFFFFF;
	(pc) =	sbr.abs _section_cstart, $3  }
0xc1: {  	[dreg:$0x1] =	wrdreg $0xFFFFFFFF  }
0xc2: {  	_ =	task.clear_ibuf [dreg:s7], $0x2FFFF;
	_ =	strace $0x9FFFFFFF  }
0xc3: {  	(tm) =	ssettm $0x7FFFFFFF  }
tec
execute0_lowered:
.L_overlay_start_1:
0x0: {  	(tag) =	ssettag $0x1  }
0x1: {  	s0 =	rddreg [dreg:$0x0]  }
0x2: {  	s2 =	rddreg [dreg:$0x1]  }
0x3: {  	s1 =	rddreg [dreg:$0x2];
	s3 =	simm.s32 $0x0;
	s4 =	srdreg.scid  }
0x4: {  	s11 =	stileid.u32;
	s28 =	simm.s32 $0x3;
	s29 =	simm.s32 $0x80  }
0x5: {  	s30 =	simm.s32 $0x7;
	s31 =	simm.s32 $0x6;
	[smem:$0x7FF] =	sst s3  }
0x6: {  	s7 =	sand.u32 $0x1, s4;
	s4 =	sadd.s32 $0x1FA00, s0;
	s9 =	smul.u32 $0x14000, s11  }
0x7: {  	s5 =	sadd.s32 $0x2000, s0;
	s10 =	sshll.u32 s11, $0x1;
	s18 =	smul.u32 $0x50000, s11  }
0x8: {  	s6 =	sadd.s32 $0xBE00, s0;
	s8 =	smul.u32 $0x140000, s7;
	s17 =	sor.u32 s7, s10  }
0x9: {  	_ =	strace $0x8000004A;
	s7 =	ssub.s32 $0x2, s7;
	s19 =	smul.u32 $0x2780, s17  }
0xa: {  	s20 =	sshrl.u32 s7, $0x1;
	s21 =	sshrl.u32 s18, $0x2;
	s8 =	sadd.s32 s9, s8  }
0xb: {  	s9 =	smul.u32 $0x500, s17;
	s8 =	sshrl.u32 s8, $0x3;
	s22 =	sshrl.u32 s19, $0x3  }
0xc: {  	s13 =	sadd.s32 $0x100, s19;
	s0 =	sadd.s32 s8, s0;
	s8 =	ssub.s32 s7, s20  }
0xd: {  	s7 =	sadd.s32 s21, s1;
	s2 =	sadd.s32 s2, s9;
	s23 =	sadd.s32 $0x10, s22  }
0xe: {  	s24 =	sadd.s32 s5, s22;
	s25 =	sadd.s32 s6, s22;
	[dreg:$0x4] =	wrdreg s2  }
0xf: {  	s20 =	simm.s32 $0x2A00;
	s21 =	simm.s32 $0x9;
	[dreg:$0x5] =	wrdreg s24  }
0x10: {  	s22 =	simm.s32 $0x2800;
	[dreg:$0x6] =	wrdreg s25;
	s26 =	sadd.s32 s5, s23  }
0x11: {  	v0 =	vimm.f32 $0.0e+00;
	v1 =	vimm.s32 $0x0;
	s2 =	sadd.s32 s6, s23;
	s0 =	sadd.s32 $0x52C00, s0;
	s15 =	smax.u32 s8, $0x1  }
.Ltmp0:
0x12: {  	v2 =	vimm.s32 $0x1;
	v3 =	vimm.s32 $0x2;
	v4 =	vimm.s32 $0x3;
	s16 =	sadd.s32 $0x4000, s7;
	s17 =	sadd.s32 $0x8000, s7;
	(pc) =	sbr.rel .LBB2_1-.Ltmp0, $4  }
0x13: {  	v5 =	vimm.s32 $0x4;
	v6 =	vimm.s32 $0x5;
	v7 =	vimm.s32 $0x6;
	s18 =	sadd.s32 $0xC000, s7;
	s19 =	sadd.s32 $0x10000, s7;
	[dreg:$0x7] =	wrdreg s26  }
0x14: {  	v8 =	vimm.s32 $0x7;
	v9 =	vimm.s32 $0x8;
	v10 =	vimm.s32 $0x9;
	s24 =	simm.s32 $0x2880;
	s23 =	simm.s32 $0x8;
	[dreg:$0x8] =	wrdreg s2  }
0x15: {  	v11 =	vimm.s32 $0xA;
	v12 =	vimm.s32 $0xB;
	v13 =	vimm.s32 $0xC;
	s25 =	simm.s32 $0x2;
	s8 =	simm.s32 $0x5;
	[dreg:$0x9] =	wrdreg s0  }
0x16: {  	v14 =	vimm.s32 $0xD;
	v15 =	vimm.s32 $0xE;
	v16 =	vimm.s32 $0xF;
	s26 =	simm.s32 $0x1;
	s0 =	simm.s32 $0x6A00;
	s2 =	simm.s32 $0x4  }
.LBB2_16:
0x17: {  	_ =	swait.ge [sflag:s30], $0x4000  }
0x18: {  	[sflag:s30] =	ssyncset.done $0x0  }
0x19: {  	[sflag:s30] =	ssyncadd.s32 $0xFFFFC000  }
0x1a: {  	_ =	swait.ge [sflag:s23], $0x4000  }
0x1b: {  	s9 =	stileid.u32;
	[sflag:s23] =	ssyncset.done $0x0  }
0x1c: {  	s10 =	sshrl.u32 s7, $0x3;
	s3 =	sadd.s32 $0x1, s3;
	[sflag:s23] =	ssyncadd.s32 $0xFFFFC000  }
0x1d: {  	s9 =	sshll.u32 s9, $0x6;
	p0 =	sne.s32 s3, s15;
	[bflag:$0x0] =	sbarrier.arrive $0xFFFF  }
.Ltmp1:
0x1e: {  	s9 =	sor.u32 $0x1C09, s9;
	s11 =	rddreg [dreg:$0x9];
	(pc) =	sbr.rel @!p0 .LBB2_17-.Ltmp1, $4  }
0x1f: {  	[hbm:s11], [sflag:s9] =	dma.local [spmem:s10], $0x2800  }
0x20: {  	_ =	swait.ge [sflag:s21], $0x2800  }
0x21: {  	[sflag:s21] =	ssyncset.done $0x0  }
0x22: {  	[sflag:s21] =	ssyncadd.s32 $0xFFFFD800  }
.LBB2_1:
0x23: {  	s9 =	simm.s32 $0x0;
	s10 =	simm.s32 $0x200  }
.LBB2_2:
0x24: {  	p0 =	sne.s32 s10, $0xFE00;
	[tilespmem:s9+$0x2A70] =	vst v0  }
0x25: {  	[tilespmem:s9+$0x2A00] =	vst v0  }
0x26: {  	[tilespmem:s9+$0x2A10] =	vst v0  }
.Ltmp2:
0x27: {  	[tilespmem:s9+$0x2A20] =	vst v0;
	(pc) =	sbr.rel @p0 .LBB2_2-.Ltmp2, $4  }
0x28: {  	[tilespmem:s9+$0x2A30] =	vst v0  }
0x29: {  	[tilespmem:s9+$0x2A40] =	vst v0  }
0x2a: {  	[tilespmem:s9+$0x2A50] =	vst v0  }
0x2b: {  	[tilespmem:s9+$0x2A60] =	vst v0;
	s9 =	sshra.s32 s10, $0x2;
	s10 =	sadd.s32 $0x200, s10  }
0x2c: {  	[tilespmem:s9+$0x2A70] =	vst v0  }
0x2d: {  	[tilespmem:s9+$0x2A00] =	vst v0  }
0x2e: {  	[tilespmem:s9+$0x2A10] =	vst v0  }
0x2f: {  	[tilespmem:s9+$0x2A20] =	vst v0  }
0x30: {  	[tilespmem:s9+$0x2A30] =	vst v0  }
0x31: {  	[tilespmem:s9+$0x2A40] =	vst v0  }
0x32: {  	[tilespmem:s9+$0x2A50] =	vst v0  }
0x33: {  	[tilespmem:s9+$0x2A60] =	vst v0  }
0x34: {  	[spmem:s7] =	stream.linear.scatter [tilespmem:s20], [sflag:$0x9], $0x4000, $0x38;
	[tilespmem:$0x1EA00] =	vst v63  }
0x35: {  	_ =	swait.ge [sflag:s21], $0x4000  }
0x36: {  	[sflag:s21] =	ssyncset.done $0x0  }
0x37: {  	[sflag:s21] =	ssyncadd.s32 $0xFFFFC000  }
0x38: {  	[spmem:s16] =	stream.linear.scatter [tilespmem:s20], [sflag:$0x9], $0x4000, $0x38;
	[tilespmem:$0x1EA00] =	vst v63  }
0x39: {  	_ =	swait.ge [sflag:s21], $0x4000  }
0x3a: {  	[sflag:s21] =	ssyncset.done $0x0  }
0x3b: {  	[sflag:s21] =	ssyncadd.s32 $0xFFFFC000  }
0x3c: {  	[spmem:s17] =	stream.linear.scatter [tilespmem:s20], [sflag:$0x9], $0x4000, $0x38;
	[tilespmem:$0x1EA00] =	vst v63  }
0x3d: {  	_ =	swait.ge [sflag:s21], $0x4000  }
0x3e: {  	[sflag:s21] =	ssyncset.done $0x0  }
0x3f: {  	[sflag:s21] =	ssyncadd.s32 $0xFFFFC000  }
0x40: {  	[spmem:s18] =	stream.linear.scatter [tilespmem:s20], [sflag:$0x9], $0x4000, $0x38;
	[tilespmem:$0x1EA00] =	vst v63  }
0x41: {  	_ =	swait.ge [sflag:s21], $0x4000  }
0x42: {  	[sflag:s21] =	ssyncset.done $0x0  }
0x43: {  	[sflag:s21] =	ssyncadd.s32 $0xFFFFC000  }
0x44: {  	[spmem:s19] =	stream.linear.scatter [tilespmem:s20], [sflag:$0x9], $0x4000, $0x38;
	[tilespmem:$0x1EA00] =	vst v63  }
0x45: {  	_ =	swait.ge [sflag:s21], $0x4000  }
0x46: {  	[sflag:s21] =	ssyncset.done $0x0  }
0x47: {  	s9 =	simm.s32 $0x0;
	s10 =	rddreg [dreg:$0x4];
	[sflag:s21] =	ssyncadd.s32 $0xFFFFC000  }
0x48: {  	[tilespmem:s9], [sflag:$0x9] =	stream.linear.gather [hbm4b:s10+s9], $0x2780, $0x38;
	[tilespmem:$0x1EA00] =	vst v63  }
0x49: {  	_ =	swait.ge [sflag:s21], $0x2780  }
0x4a: {  	[sflag:s21] =	ssyncset.done $0x0  }
0x4b: {  	[sflag:s21] =	ssyncadd.s32 $0xFFFFD880  }
0x4c: {  	[bflag:$0x0] =	sbarrier.arrive $0xFFFF  }
0x4d: {  	s12 =	rddreg [dreg:$0x5]  }
0x4e: {  	[tilespmem:s22], [sflag:$0x1] =	stream.linear.gather [hbm4b:s12+s9], $0x80, $0x38;
	[tilespmem:$0x1EA00] =	vst v63  }
0x4f: {  	s11 =	simm.s32 $0x2900;
	s14 =	rddreg [dreg:$0x6]  }
0x50: {  	[tilespmem:s11], [sflag:$0x3] =	stream.linear.gather [hbm4b:s14+s9], $0x80, $0x38;
	[tilespmem:$0x1EA00] =	vst v63  }
0x51: {  	s11 =	rddreg [dreg:$0x7]  }
0x52: {  	[tilespmem:s24], [sflag:$0x2] =	stream.linear.gather [hbm4b:s11+s9], $0x80, $0x38;
	[tilespmem:$0x1EA00] =	vst v63  }
0x53: {  	s12 =	rddreg [dreg:$0x8];
	s14 =	simm.s32 $0x2980  }
0x54: {  	[tilespmem:s14], [sflag:$0x4] =	stream.linear.gather [hbm4b:s12+s9], $0x80, $0x38;
	[tilespmem:$0x1EA00] =	vst v63  }
0x55: {  	_ =	swait.ge [sflag:s26], $0x80  }
0x56: {  	[sflag:s26] =	ssyncset.done $0x0  }
.Ltmp3:
0x57: {  	[sflag:s26] =	ssyncadd.s32 $0xFFFFFF80;
	(pc) =	sbr.rel .LBB2_4-.Ltmp3, $4  }
0x58: {  	_ =	swait.ge [sflag:s28], $0x80  }
0x59: {  	[sflag:s28] =	ssyncset.done $0x0  }
0x5a: {  	[sflag:s28] =	ssyncadd.s32 $0xFFFFFF80  }
0x5b: {  	[tilespmem:s20], [sflag:$0x5] =	stream.indirect.gather [hbm4b:s4+s29], $0x80, s22, s29, $0xb8;
	[tilespmem:$0x1EA00] =	vst v63  }
.LBB2_15:
0x5c: {  	s9 =	sadd.s32 $0x1, s9  }
0x5d: {  	p0 =	sne.s32 s9, $0x4F  }
.Ltmp4:
0x5e: {  	_ = 	snop;
	(pc) =	sbr.rel @!p0 .LBB2_16-.Ltmp4, $1  }
0x5f: {  	_ =	sdelay $0x3  }
.LBB2_4:
0x60: {  	s10 =	sand.u32 $0x1, s9  }
0x61: {  	p0 =	seq.s32 s10, $0x1  }
.Ltmp5:
0x62: {  	_ = 	snop;
	(pc) =	sbr.rel @!p0 .LBB2_5-.Ltmp5, $1  }
0x63: {  	_ =	sdelay $0x3  }
0x64: {  	_ =	swait.ge [sflag:s30], $0x4000  }
0x65: {  	[sflag:s30] =	ssyncset.done $0x0  }
0x66: {  	[sflag:s30] =	ssyncadd.s32 $0xFFFFC000  }
0x67: {  	_ =	swait.ge [sflag:s26], $0x80  }
0x68: {  	[sflag:s26] =	ssyncset.done $0x0  }
0x69: {  	[sflag:s26] =	ssyncadd.s32 $0xFFFFFF80  }
0x6a: {  	_ =	swait.ge [sflag:s28], $0x80  }
0x6b: {  	[sflag:s28] =	ssyncset.done $0x0  }
0x6c: {  	[sflag:s28] =	ssyncadd.s32 $0xFFFFFF80  }
0x6d: {  	[tilespmem:s20], [sflag:$0x5] =	stream.indirect.gather [hbm4b:s4+s29], $0x80, s22, s29, $0xb8;
	[tilespmem:$0x1EA00] =	vst v63  }
0x6e: {  	_ =	swait.ge [sflag:s31], $0x4000  }
0x6f: {  	[sflag:s31] =	ssyncset.done $0x0  }
0x70: {  	s10 =	simm.s32 $0x0;
	[sflag:s31] =	ssyncadd.s32 $0xFFFFC000  }
.LBB2_13:
0x71: {  	s11 =	sshll.u32 s10, $0x4  }
0x72: {  	s11 =	sand.u32 $0x3FFFFFF0, s11  }
0x73: {  	s14 =	sshll.u32 s10, $0xB;
	v17 =	vld [tilespmem:s11+$0x2980]  }
0x74: {  	s11 =	sand.u32 $0x3FFFF800, s14  }
0x75: {  	v18 =	vld [tilespmem:s11+$0x6A00]  }
0x76: {  	v19 =	vld [tilespmem:s11+$0x6A10]  }
0x77: {  	v20 =	vld [tilespmem:s11+$0x6A20]  }
0x78: {  	v22 =	vld [tilespmem:s11+$0x6A30];
	v21 =	vperm.xlane v17, v1  }
0x79: {  	v23 =	vld [tilespmem:s11+$0x6A40]  }
0x7a: {  	v24 =	vld [tilespmem:s11+$0x6A50];
	v18 =	vmul.f32 v18, v21  }
0x7b: {  	v25 =	vld [tilespmem:s11+$0x6A60];
	v19 =	vmul.f32 v19, v21  }
0x7c: {  	v38 =	vld [tilespmem:s11+$0x6A70];
	[tilespmem:s11+$0x6A00] =	vst v18;
	v18 =	vmul.f32 v20, v21  }
0x7d: {  	v39 =	vld [tilespmem:s11+$0x6A80];
	[tilespmem:s11+$0x6A10] =	vst v19;
	v19 =	vmul.f32 v22, v21  }
0x7e: {  	v40 =	vld [tilespmem:s11+$0x6A90];
	[tilespmem:s11+$0x6A20] =	vst v18;
	v18 =	vmul.f32 v23, v21  }
0x7f: {  	v41 =	vld [tilespmem:s11+$0x6AA0];
	[tilespmem:s11+$0x6A30] =	vst v19;
	v19 =	vmul.f32 v24, v21  }
0x80: {  	v26 =	vld [tilespmem:s11+$0x6AB0];
	v42 =	vperm.xlane v17, v2;
	[tilespmem:s11+$0x6A40] =	vst v18;
	v18 =	vmul.f32 v25, v21  }
0x81: {  	v43 =	vld [tilespmem:s11+$0x6AC0];
	[tilespmem:s11+$0x6A50] =	vst v19;
	v19 =	vmul.f32 v38, v21  }
0x82: {  	v44 =	vld [tilespmem:s11+$0x6AD0];
	[tilespmem:s11+$0x6A60] =	vst v18;
	v18 =	vmul.f32 v39, v42  }
0x83: {  	v45 =	vld [tilespmem:s11+$0x6AE0];
	[tilespmem:s11+$0x6A70] =	vst v19;
	v19 =	vmul.f32 v40, v42  }
0x84: {  	v46 =	vld [tilespmem:s11+$0x6AF0];
	[tilespmem:s11+$0x6A80] =	vst v18;
	v18 =	vmul.f32 v41, v42  }
0x85: {  	v47 =	vld [tilespmem:s11+$0x6B00];
	[tilespmem:s11+$0x6A90] =	vst v19;
	v19 =	vmul.f32 v26, v42  }
0x86: {  	v48 =	vld [tilespmem:s11+$0x6B10];
	[tilespmem:s11+$0x6AA0] =	vst v18;
	v18 =	vmul.f32 v43, v42  }
0x87: {  	v49 =	vld [tilespmem:s11+$0x6B20];
	[tilespmem:s11+$0x6AB0] =	vst v19;
	v19 =	vmul.f32 v44, v42  }
0x88: {  	v51 =	vld [tilespmem:s11+$0x6B30];
	v50 =	vperm.xlane v17, v3;
	[tilespmem:s11+$0x6AC0] =	vst v18;
	v18 =	vmul.f32 v45, v42  }
0x89: {  	v52 =	vld [tilespmem:s11+$0x6B40];
	[tilespmem:s11+$0x6AD0] =	vst v19;
	v19 =	vmul.f32 v46, v42  }
0x8a: {  	v53 =	vld [tilespmem:s11+$0x6B50];
	[tilespmem:s11+$0x6AE0] =	vst v18;
	v18 =	vmul.f32 v47, v50  }
0x8b: {  	v54 =	vld [tilespmem:s11+$0x6B60];
	[tilespmem:s11+$0x6AF0] =	vst v19;
	v19 =	vmul.f32 v48, v50  }
0x8c: {  	v55 =	vld [tilespmem:s11+$0x6B70];
	[tilespmem:s11+$0x6B00] =	vst v18;
	v18 =	vmul.f32 v49, v50  }
0x8d: {  	v56 =	vld [tilespmem:s11+$0x6B80];
	[tilespmem:s11+$0x6B10] =	vst v19;
	v19 =	vmul.f32 v51, v50  }
0x8e: {  	v57 =	vld [tilespmem:s11+$0x6B90];
	[tilespmem:s11+$0x6B20] =	vst v18;
	v18 =	vmul.f32 v52, v50  }
0x8f: {  	v58 =	vld [tilespmem:s11+$0x6BA0];
	[tilespmem:s11+$0x6B30] =	vst v19;
	v19 =	vmul.f32 v53, v50  }
0x90: {  	v60 =	vld [tilespmem:s11+$0x6BB0];
	v59 =	vperm.xlane v17, v4;
	[tilespmem:s11+$0x6B40] =	vst v18;
	v18 =	vmul.f32 v54, v50  }
0x91: {  	v61 =	vld [tilespmem:s11+$0x6BC0];
	[tilespmem:s11+$0x6B50] =	vst v19;
	v19 =	vmul.f32 v55, v50  }
0x92: {  	v62 =	vld [tilespmem:s11+$0x6BD0];
	[tilespmem:s11+$0x6B60] =	vst v18;
	v18 =	vmul.f32 v56, v59  }
0x93: {  	v63 =	vld [tilespmem:s11+$0x6BE0];
	[tilespmem:s11+$0x6B70] =	vst v19;
	v19 =	vmul.f32 v57, v59  }
0x94: {  	v28 =	vld [tilespmem:s11+$0x6BF0];
	[tilespmem:s11+$0x6B80] =	vst v18;
	v18 =	vmul.f32 v58, v59  }
0x95: {  	v29 =	vld [tilespmem:s11+$0x6C00];
	[tilespmem:s11+$0x6B90] =	vst v19;
	v19 =	vmul.f32 v60, v59  }
0x96: {  	v30 =	vld [tilespmem:s11+$0x6C10];
	[tilespmem:s11+$0x6BA0] =	vst v18;
	v18 =	vmul.f32 v61, v59  }
0x97: {  	v31 =	vld [tilespmem:s11+$0x6C20];
	[tilespmem:s11+$0x6BB0] =	vst v19;
	v19 =	vmul.f32 v62, v59  }
0x98: {  	v33 =	vld [tilespmem:s11+$0x6C30];
	v32 =	vperm.xlane v17, v5;
	[tilespmem:s11+$0x6BC0] =	vst v18;
	v18 =	vmul.f32 v63, v59  }
0x99: {  	v34 =	vld [tilespmem:s11+$0x6C40];
	[tilespmem:s11+$0x6BD0] =	vst v19;
	v19 =	vmul.f32 v28, v59  }
0x9a: {  	v35 =	vld [tilespmem:s11+$0x6C50];
	[tilespmem:s11+$0x6BE0] =	vst v18;
	v18 =	vmul.f32 v29, v32  }
0x9b: {  	v36 =	vld [tilespmem:s11+$0x6C60];
	[tilespmem:s11+$0x6BF0] =	vst v19;
	v19 =	vmul.f32 v30, v32  }
0x9c: {  	v37 =	vld [tilespmem:s11+$0x6C70];
	[tilespmem:s11+$0x6C00] =	vst v18;
	v18 =	vmul.f32 v31, v32  }
0x9d: {  	v38 =	vld [tilespmem:s11+$0x6C80];
	[tilespmem:s11+$0x6C10] =	vst v19;
	v19 =	vmul.f32 v33, v32  }
0x9e: {  	v39 =	vld [tilespmem:s11+$0x6C90];
	[tilespmem:s11+$0x6C20] =	vst v18;
	v18 =	vmul.f32 v34, v32  }
0x9f: {  	v40 =	vld [tilespmem:s11+$0x6CA0];
	[tilespmem:s11+$0x6C30] =	vst v19;
	v19 =	vmul.f32 v35, v32  }
0xa0: {  	v41 =	vperm.xlane v17, v6;
	v42 =	vld [tilespmem:s11+$0x6CB0];
	[tilespmem:s11+$0x6C40] =	vst v18;
	v18 =	vmul.f32 v36, v32  }
0xa1: {  	v43 =	vld [tilespmem:s11+$0x6CC0];
	[tilespmem:s11+$0x6C50] =	vst v19;
	v19 =	vmul.f32 v37, v32  }
0xa2: {  	v44 =	vld [tilespmem:s11+$0x6CD0];
	[tilespmem:s11+$0x6C60] =	vst v18;
	v18 =	vmul.f32 v38, v41  }
0xa3: {  	v45 =	vld [tilespmem:s11+$0x6CE0];
	[tilespmem:s11+$0x6C70] =	vst v19;
	v19 =	vmul.f32 v39, v41  }
0xa4: {  	v46 =	vld [tilespmem:s11+$0x6CF0];
	[tilespmem:s11+$0x6C80] =	vst v18;
	v18 =	vmul.f32 v40, v41  }
0xa5: {  	v47 =	vld [tilespmem:s11+$0x6D00];
	[tilespmem:s11+$0x6C90] =	vst v19;
	v19 =	vmul.f32 v42, v41  }
0xa6: {  	v48 =	vld [tilespmem:s11+$0x6D10];
	[tilespmem:s11+$0x6CA0] =	vst v18;
	v18 =	vmul.f32 v43, v41  }
0xa7: {  	v49 =	vld [tilespmem:s11+$0x6D20];
	[tilespmem:s11+$0x6CB0] =	vst v19;
	v19 =	vmul.f32 v44, v41  }
0xa8: {  	v51 =	vld [tilespmem:s11+$0x6D30];
	v50 =	vperm.xlane v17, v7;
	[tilespmem:s11+$0x6CC0] =	vst v18;
	v18 =	vmul.f32 v45, v41  }
0xa9: {  	v52 =	vld [tilespmem:s11+$0x6D40];
	[tilespmem:s11+$0x6CD0] =	vst v19;
	v19 =	vmul.f32 v46, v41  }
0xaa: {  	v53 =	vld [tilespmem:s11+$0x6D50];
	[tilespmem:s11+$0x6CE0] =	vst v18;
	v18 =	vmul.f32 v47, v50  }
0xab: {  	v54 =	vld [tilespmem:s11+$0x6D60];
	[tilespmem:s11+$0x6CF0] =	vst v19;
	v19 =	vmul.f32 v48, v50  }
0xac: {  	v55 =	vld [tilespmem:s11+$0x6D70];
	[tilespmem:s11+$0x6D00] =	vst v18;
	v18 =	vmul.f32 v49, v50  }
0xad: {  	v56 =	vld [tilespmem:s11+$0x6D80];
	[tilespmem:s11+$0x6D10] =	vst v19;
	v19 =	vmul.f32 v51, v50  }
0xae: {  	v57 =	vld [tilespmem:s11+$0x6D90];
	[tilespmem:s11+$0x6D20] =	vst v18;
	v18 =	vmul.f32 v52, v50  }
0xaf: {  	v58 =	vld [tilespmem:s11+$0x6DA0];
	[tilespmem:s11+$0x6D30] =	vst v19;
	v19 =	vmul.f32 v53, v50  }
0xb0: {  	v60 =	vld [tilespmem:s11+$0x6DB0];
	v59 =	vperm.xlane v17, v8;
	[tilespmem:s11+$0x6D40] =	vst v18;
	v18 =	vmul.f32 v54, v50  }
0xb1: {  	v61 =	vld [tilespmem:s11+$0x6DC0];
	[tilespmem:s11+$0x6D50] =	vst v19;
	v19 =	vmul.f32 v55, v50  }
0xb2: {  	v62 =	vld [tilespmem:s11+$0x6DD0];
	[tilespmem:s11+$0x6D60] =	vst v18;
	v18 =	vmul.f32 v56, v59  }
0xb3: {  	v63 =	vld [tilespmem:s11+$0x6DE0];
	[tilespmem:s11+$0x6D70] =	vst v19;
	v19 =	vmul.f32 v57, v59  }
0xb4: {  	v28 =	vld [tilespmem:s11+$0x6DF0];
	[tilespmem:s11+$0x6D80] =	vst v18;
	v18 =	vmul.f32 v58, v59  }
0xb5: {  	v29 =	vld [tilespmem:s11+$0x6E00];
	[tilespmem:s11+$0x6D90] =	vst v19;
	v19 =	vmul.f32 v60, v59  }
0xb6: {  	v30 =	vld [tilespmem:s11+$0x6E10];
	[tilespmem:s11+$0x6DA0] =	vst v18;
	v18 =	vmul.f32 v61, v59  }
0xb7: {  	v31 =	vld [tilespmem:s11+$0x6E20];
	[tilespmem:s11+$0x6DB0] =	vst v19;
	v19 =	vmul.f32 v62, v59  }
0xb8: {  	v33 =	vld [tilespmem:s11+$0x6E30];
	v32 =	vperm.xlane v17, v9;
	[tilespmem:s11+$0x6DC0] =	vst v18;
	v18 =	vmul.f32 v63, v59  }
0xb9: {  	v34 =	vld [tilespmem:s11+$0x6E40];
	[tilespmem:s11+$0x6DD0] =	vst v19;
	v19 =	vmul.f32 v28, v59  }
0xba: {  	v35 =	vld [tilespmem:s11+$0x6E50];
	[tilespmem:s11+$0x6DE0] =	vst v18;
	v18 =	vmul.f32 v29, v32  }
0xbb: {  	v36 =	vld [tilespmem:s11+$0x6E60];
	[tilespmem:s11+$0x6DF0] =	vst v19;
	v19 =	vmul.f32 v30, v32  }
0xbc: {  	v37 =	vld [tilespmem:s11+$0x6E70];
	[tilespmem:s11+$0x6E00] =	vst v18;
	v18 =	vmul.f32 v31, v32  }
0xbd: {  	v38 =	vld [tilespmem:s11+$0x6E80];
	[tilespmem:s11+$0x6E10] =	vst v19;
	v19 =	vmul.f32 v33, v32  }
0xbe: {  	v39 =	vld [tilespmem:s11+$0x6E90];
	[tilespmem:s11+$0x6E20] =	vst v18;
	v18 =	vmul.f32 v34, v32  }
0xbf: {  	v40 =	vld [tilespmem:s11+$0x6EA0];
	[tilespmem:s11+$0x6E30] =	vst v19;
	v19 =	vmul.f32 v35, v32  }
0xc0: {  	v42 =	vld [tilespmem:s11+$0x6EB0];
	v41 =	vperm.xlane v17, v10;
	[tilespmem:s11+$0x6E40] =	vst v18;
	v18 =	vmul.f32 v36, v32  }
0xc1: {  	v43 =	vld [tilespmem:s11+$0x6EC0];
	[tilespmem:s11+$0x6E50] =	vst v19;
	v19 =	vmul.f32 v37, v32  }
0xc2: {  	v44 =	vld [tilespmem:s11+$0x6ED0];
	[tilespmem:s11+$0x6E60] =	vst v18;
	v18 =	vmul.f32 v38, v41  }
0xc3: {  	v45 =	vld [tilespmem:s11+$0x6EE0];
	[tilespmem:s11+$0x6E70] =	vst v19;
	v19 =	vmul.f32 v39, v41  }
0xc4: {  	v46 =	vld [tilespmem:s11+$0x6EF0];
	[tilespmem:s11+$0x6E80] =	vst v18;
	v18 =	vmul.f32 v40, v41  }
0xc5: {  	v47 =	vld [tilespmem:s11+$0x6F00];
	[tilespmem:s11+$0x6E90] =	vst v19;
	v19 =	vmul.f32 v42, v41  }
0xc6: {  	v48 =	vld [tilespmem:s11+$0x6F10];
	[tilespmem:s11+$0x6EA0] =	vst v18;
	v18 =	vmul.f32 v43, v41  }
0xc7: {  	v49 =	vld [tilespmem:s11+$0x6F20];
	[tilespmem:s11+$0x6EB0] =	vst v19;
	v19 =	vmul.f32 v44, v41  }
0xc8: {  	v51 =	vld [tilespmem:s11+$0x6F30];
	v50 =	vperm.xlane v17, v11;
	[tilespmem:s11+$0x6EC0] =	vst v18;
	v18 =	vmul.f32 v45, v41  }
0xc9: {  	v52 =	vld [tilespmem:s11+$0x6F40];
	[tilespmem:s11+$0x6ED0] =	vst v19;
	v19 =	vmul.f32 v46, v41  }
0xca: {  	v53 =	vld [tilespmem:s11+$0x6F50];
	[tilespmem:s11+$0x6EE0] =	vst v18;
	v18 =	vmul.f32 v47, v50  }
0xcb: {  	v54 =	vld [tilespmem:s11+$0x6F60];
	[tilespmem:s11+$0x6EF0] =	vst v19;
	v19 =	vmul.f32 v48, v50  }
0xcc: {  	v55 =	vld [tilespmem:s11+$0x6F70];
	[tilespmem:s11+$0x6F00] =	vst v18;
	v18 =	vmul.f32 v49, v50  }
0xcd: {  	v56 =	vld [tilespmem:s11+$0x6F80];
	[tilespmem:s11+$0x6F10] =	vst v19;
	v19 =	vmul.f32 v51, v50  }
0xce: {  	v57 =	vld [tilespmem:s11+$0x6F90];
	[tilespmem:s11+$0x6F20] =	vst v18;
	v18 =	vmul.f32 v52, v50  }
0xcf: {  	v58 =	vld [tilespmem:s11+$0x6FA0];
	[tilespmem:s11+$0x6F30] =	vst v19;
	v19 =	vmul.f32 v53, v50  }
0xd0: {  	v60 =	vld [tilespmem:s11+$0x6FB0];
	v59 =	vperm.xlane v17, v12;
	[tilespmem:s11+$0x6F40] =	vst v18;
	v18 =	vmul.f32 v54, v50  }
0xd1: {  	v61 =	vld [tilespmem:s11+$0x6FC0];
	[tilespmem:s11+$0x6F50] =	vst v19;
	v19 =	vmul.f32 v55, v50  }
0xd2: {  	v62 =	vld [tilespmem:s11+$0x6FD0];
	[tilespmem:s11+$0x6F60] =	vst v18;
	v18 =	vmul.f32 v56, v59  }
0xd3: {  	v63 =	vld [tilespmem:s11+$0x6FE0];
	[tilespmem:s11+$0x6F70] =	vst v19;
	v19 =	vmul.f32 v57, v59  }
0xd4: {  	v28 =	vld [tilespmem:s11+$0x6FF0];
	[tilespmem:s11+$0x6F80] =	vst v18;
	v18 =	vmul.f32 v58, v59  }
0xd5: {  	v29 =	vld [tilespmem:s11+$0x7000];
	[tilespmem:s11+$0x6F90] =	vst v19;
	v19 =	vmul.f32 v60, v59  }
0xd6: {  	v30 =	vld [tilespmem:s11+$0x7010];
	[tilespmem:s11+$0x6FA0] =	vst v18;
	v18 =	vmul.f32 v61, v59  }
0xd7: {  	v31 =	vld [tilespmem:s11+$0x7020];
	[tilespmem:s11+$0x6FB0] =	vst v19;
	v19 =	vmul.f32 v62, v59  }
0xd8: {  	v33 =	vld [tilespmem:s11+$0x7030];
	v32 =	vperm.xlane v17, v13;
	[tilespmem:s11+$0x6FC0] =	vst v18;
	v18 =	vmul.f32 v63, v59  }
0xd9: {  	v34 =	vld [tilespmem:s11+$0x7040];
	[tilespmem:s11+$0x6FD0] =	vst v19;
	v19 =	vmul.f32 v28, v59  }
0xda: {  	v35 =	vld [tilespmem:s11+$0x7050];
	[tilespmem:s11+$0x6FE0] =	vst v18;
	v18 =	vmul.f32 v29, v32  }
0xdb: {  	v36 =	vld [tilespmem:s11+$0x7060];
	[tilespmem:s11+$0x6FF0] =	vst v19;
	v19 =	vmul.f32 v30, v32  }
0xdc: {  	v37 =	vld [tilespmem:s11+$0x7070];
	[tilespmem:s11+$0x7000] =	vst v18;
	v18 =	vmul.f32 v31, v32  }
0xdd: {  	v38 =	vld [tilespmem:s11+$0x7080];
	[tilespmem:s11+$0x7010] =	vst v19;
	v19 =	vmul.f32 v33, v32  }
0xde: {  	v39 =	vld [tilespmem:s11+$0x7090];
	[tilespmem:s11+$0x7020] =	vst v18;
	v18 =	vmul.f32 v34, v32  }
0xdf: {  	v40 =	vld [tilespmem:s11+$0x70A0];
	[tilespmem:s11+$0x7030] =	vst v19;
	v19 =	vmul.f32 v35, v32  }
0xe0: {  	v42 =	vld [tilespmem:s11+$0x70B0];
	v41 =	vperm.xlane v17, v14;
	[tilespmem:s11+$0x7040] =	vst v18;
	v18 =	vmul.f32 v36, v32  }
0xe1: {  	v43 =	vld [tilespmem:s11+$0x70C0];
	[tilespmem:s11+$0x7050] =	vst v19;
	v19 =	vmul.f32 v37, v32  }
0xe2: {  	v44 =	vld [tilespmem:s11+$0x70D0];
	[tilespmem:s11+$0x7060] =	vst v18;
	v18 =	vmul.f32 v38, v41  }
0xe3: {  	v45 =	vld [tilespmem:s11+$0x70E0];
	[tilespmem:s11+$0x7070] =	vst v19;
	v19 =	vmul.f32 v39, v41  }
0xe4: {  	v46 =	vld [tilespmem:s11+$0x70F0];
	[tilespmem:s11+$0x7080] =	vst v18;
	v18 =	vmul.f32 v40, v41  }
0xe5: {  	v47 =	vld [tilespmem:s11+$0x7100];
	[tilespmem:s11+$0x7090] =	vst v19;
	v19 =	vmul.f32 v42, v41  }
0xe6: {  	v48 =	vld [tilespmem:s11+$0x7110];
	[tilespmem:s11+$0x70A0] =	vst v18;
	v18 =	vmul.f32 v43, v41  }
0xe7: {  	v49 =	vld [tilespmem:s11+$0x7120];
	[tilespmem:s11+$0x70B0] =	vst v19;
	v19 =	vmul.f32 v44, v41  }
0xe8: {  	v51 =	vld [tilespmem:s11+$0x7130];
	v50 =	vperm.xlane v17, v15;
	[tilespmem:s11+$0x70C0] =	vst v18;
	v18 =	vmul.f32 v45, v41  }
0xe9: {  	v52 =	vld [tilespmem:s11+$0x7140];
	[tilespmem:s11+$0x70D0] =	vst v19;
	v19 =	vmul.f32 v46, v41  }
0xea: {  	v53 =	vld [tilespmem:s11+$0x7150];
	[tilespmem:s11+$0x70E0] =	vst v18;
	v18 =	vmul.f32 v47, v50  }
0xeb: {  	v54 =	vld [tilespmem:s11+$0x7160];
	[tilespmem:s11+$0x70F0] =	vst v19;
	v19 =	vmul.f32 v48, v50  }
0xec: {  	v55 =	vld [tilespmem:s11+$0x7170];
	[tilespmem:s11+$0x7100] =	vst v18;
	v18 =	vmul.f32 v49, v50  }
0xed: {  	v56 =	vld [tilespmem:s11+$0x7180];
	[tilespmem:s11+$0x7110] =	vst v19;
	v19 =	vmul.f32 v51, v50  }
0xee: {  	v57 =	vld [tilespmem:s11+$0x7190];
	[tilespmem:s11+$0x7120] =	vst v18;
	v18 =	vmul.f32 v52, v50  }
0xef: {  	v58 =	vld [tilespmem:s11+$0x71A0];
	[tilespmem:s11+$0x7130] =	vst v19;
	v19 =	vmul.f32 v53, v50  }
0xf0: {  	v17 =	vperm.xlane v17, v16;
	v59 =	vld [tilespmem:s11+$0x71B0];
	[tilespmem:s11+$0x7140] =	vst v18;
	v18 =	vmul.f32 v54, v50  }
0xf1: {  	v60 =	vld [tilespmem:s11+$0x71C0];
	[tilespmem:s11+$0x7150] =	vst v19;
	v19 =	vmul.f32 v55, v50  }
0xf2: {  	v61 =	vld [tilespmem:s11+$0x71D0];
	[tilespmem:s11+$0x7160] =	vst v18;
	v18 =	vmul.f32 v56, v17  }
0xf3: {  	v62 =	vld [tilespmem:s11+$0x71E0];
	[tilespmem:s11+$0x7170] =	vst v19;
	v19 =	vmul.f32 v57, v17  }
0xf4: {  	v63 =	vld [tilespmem:s11+$0x71F0];
	[tilespmem:s11+$0x7180] =	vst v18;
	v18 =	vmul.f32 v58, v17  }
0xf5: {  	[tilespmem:s11+$0x7190] =	vst v19;
	v19 =	vmul.f32 v59, v17  }
0xf6: {  	p0 =	sne.s32 s10, $0x7;
	[tilespmem:s11+$0x71A0] =	vst v18;
	v18 =	vmul.f32 v60, v17  }
.Ltmp6:
0xf7: {  	[tilespmem:s11+$0x71B0] =	vst v19;
	v19 =	vmul.f32 v61, v17;
	(pc) =	sbr.rel @p0 .LBB2_13-.Ltmp6, $4  }
0xf8: {  	[tilespmem:s11+$0x71C0] =	vst v18;
	v18 =	vmul.f32 v62, v17  }
0xf9: {  	[tilespmem:s11+$0x71D0] =	vst v19;
	v17 =	vmul.f32 v63, v17  }
0xfa: {  	[tilespmem:s11+$0x71E0] =	vst v18  }
0xfb: {  	s10 =	sadd.s32 $0x1, s10;
	[tilespmem:s11+$0x71F0] =	vst v17  }
0xfc: {  	s10 =	sshll.u32 s9, $0x7  }
0xfd: {  	p0 =	sgt.u32 s9, $0x4C;
	s10 =	sand.u32 $0x3FFFFF80, s10  }
0xfe: {  	[spmem:s1] =	stream.indirect.scatter.add.f32 [tilespmem:s0], [sflag:$0x8], $0x80, s10, s29, $0xb8;
	[tilespmem:$0x1EA00] =	vst v63  }
0xff: {  	s10 =	sshll.u32 @!p0 s9, $0x7  }
0x100: {  	s10 =	sadd.s32 @!p0 s10, s13  }
.Ltmp7:
0x101: {  	s10 =	sshrl.u32 @!p0 s10, $0x3;
	(pc) =	sbr.rel .LBB2_15-.Ltmp7, $4  }
0x102: {  	s12 =	simm.s32 @!p0 $0x0;
	s14 =	simm.s32 @!p0 $0x2880;
	s11 =	sadd.s32 @!p0 s5, s10  }
0x103: {  	[tilespmem:s14], [sflag:$0x2] =	stream.linear.gather @!p0 [hbm4b:s11+s12], $0x80, $0x38;
	[tilespmem:$0x1EA00] =	vst v63  }
0x104: {  	s10 =	sadd.s32 @!p0 s6, s10;
	s11 =	simm.s32 @!p0 $0x2980  }
0x105: {  	[tilespmem:s11], [sflag:$0x4] =	stream.linear.gather @!p0 [hbm4b:s10+s12], $0x80, $0x38;
	[tilespmem:$0x1EA00] =	vst v63  }
.LBB2_5:
0x106: {  	p0 =	seq.s32 s9, $0x0  }
.Ltmp8:
0x107: {  	_ = 	snop;
	(pc) =	sbr.rel @p0 .LBB2_8-.Ltmp8, $1  }
0x108: {  	_ =	sdelay $0x3  }
0x109: {  	p0 =	seq.s32 s9, $0x4E  }
.Ltmp9:
0x10a: {  	_ = 	snop;
	(pc) =	sbr.rel @p0 .LBB2_9-.Ltmp9, $1  }
0x10b: {  	_ =	sdelay $0x3  }
0x10c: {  	_ =	swait.ge [sflag:s23], $0x4000  }
0x10d: {  	[sflag:s23] =	ssyncset.done $0x0  }
0x10e: {  	[sflag:s23] =	ssyncadd.s32 $0xFFFFC000  }
.LBB2_8:
0x10f: {  	_ =	swait.ge [sflag:s25], $0x80  }
0x110: {  	[sflag:s25] =	ssyncset.done $0x0  }
0x111: {  	[sflag:s25] =	ssyncadd.s32 $0xFFFFFF80  }
0x112: {  	_ =	swait.ge [sflag:s2], $0x80  }
0x113: {  	[sflag:s2] =	ssyncset.done $0x0  }
0x114: {  	[sflag:s2] =	ssyncadd.s32 $0xFFFFFF80  }
0x115: {  	[tilespmem:s0], [sflag:$0x6] =	stream.indirect.gather [hbm4b:s4+s29], $0x80, s24, s29, $0xb8;
	[tilespmem:$0x1EA00] =	vst v63  }
.LBB2_9:
0x116: {  	_ =	swait.ge [sflag:s8], $0x4000  }
0x117: {  	[sflag:s8] =	ssyncset.done $0x0  }
0x118: {  	s10 =	simm.s32 $0x0;
	[sflag:s8] =	ssyncadd.s32 $0xFFFFC000  }
.LBB2_10:
0x119: {  	s11 =	sshll.u32 s10, $0x4  }
0x11a: {  	s11 =	sand.u32 $0x3FFFFFF0, s11  }
0x11b: {  	s14 =	sshll.u32 s10, $0xB;
	v17 =	vld [tilespmem:s11+$0x2900]  }
0x11c: {  	s11 =	sand.u32 $0x3FFFF800, s14  }
0x11d: {  	v18 =	vld [tilespmem:s11+$0x2A00]  }
0x11e: {  	v19 =	vld [tilespmem:s11+$0x2A10]  }
0x11f: {  	v20 =	vld [tilespmem:s11+$0x2A20]  }
0x120: {  	v22 =	vld [tilespmem:s11+$0x2A30];
	v21 =	vperm.xlane v17, v1  }
0x121: {  	v23 =	vld [tilespmem:s11+$0x2A40]  }
0x122: {  	v24 =	vld [tilespmem:s11+$0x2A50];
	v18 =	vmul.f32 v18, v21  }
0x123: {  	v25 =	vld [tilespmem:s11+$0x2A60];
	v19 =	vmul.f32 v19, v21  }
0x124: {  	v38 =	vld [tilespmem:s11+$0x2A70];
	[tilespmem:s11+$0x2A00] =	vst v18;
	v18 =	vmul.f32 v20, v21  }
0x125: {  	v39 =	vld [tilespmem:s11+$0x2A80];
	[tilespmem:s11+$0x2A10] =	vst v19;
	v19 =	vmul.f32 v22, v21  }
0x126: {  	v40 =	vld [tilespmem:s11+$0x2A90];
	[tilespmem:s11+$0x2A20] =	vst v18;
	v18 =	vmul.f32 v23, v21  }
0x127: {  	v41 =	vld [tilespmem:s11+$0x2AA0];
	[tilespmem:s11+$0x2A30] =	vst v19;
	v19 =	vmul.f32 v24, v21  }
0x128: {  	v26 =	vld [tilespmem:s11+$0x2AB0];
	v42 =	vperm.xlane v17, v2;
	[tilespmem:s11+$0x2A40] =	vst v18;
	v18 =	vmul.f32 v25, v21  }
0x129: {  	v43 =	vld [tilespmem:s11+$0x2AC0];
	[tilespmem:s11+$0x2A50] =	vst v19;
	v19 =	vmul.f32 v38, v21  }
0x12a: {  	v44 =	vld [tilespmem:s11+$0x2AD0];
	[tilespmem:s11+$0x2A60] =	vst v18;
	v18 =	vmul.f32 v39, v42  }
0x12b: {  	v45 =	vld [tilespmem:s11+$0x2AE0];
	[tilespmem:s11+$0x2A70] =	vst v19;
	v19 =	vmul.f32 v40, v42  }
0x12c: {  	v46 =	vld [tilespmem:s11+$0x2AF0];
	[tilespmem:s11+$0x2A80] =	vst v18;
	v18 =	vmul.f32 v41, v42  }
0x12d: {  	v47 =	vld [tilespmem:s11+$0x2B00];
	[tilespmem:s11+$0x2A90] =	vst v19;
	v19 =	vmul.f32 v26, v42  }
0x12e: {  	v48 =	vld [tilespmem:s11+$0x2B10];
	[tilespmem:s11+$0x2AA0] =	vst v18;
	v18 =	vmul.f32 v43, v42  }
0x12f: {  	v49 =	vld [tilespmem:s11+$0x2B20];
	[tilespmem:s11+$0x2AB0] =	vst v19;
	v19 =	vmul.f32 v44, v42  }
0x130: {  	v51 =	vld [tilespmem:s11+$0x2B30];
	v50 =	vperm.xlane v17, v3;
	[tilespmem:s11+$0x2AC0] =	vst v18;
	v18 =	vmul.f32 v45, v42  }
0x131: {  	v52 =	vld [tilespmem:s11+$0x2B40];
	[tilespmem:s11+$0x2AD0] =	vst v19;
	v19 =	vmul.f32 v46, v42  }
0x132: {  	v53 =	vld [tilespmem:s11+$0x2B50];
	[tilespmem:s11+$0x2AE0] =	vst v18;
	v18 =	vmul.f32 v47, v50  }
0x133: {  	v54 =	vld [tilespmem:s11+$0x2B60];
	[tilespmem:s11+$0x2AF0] =	vst v19;
	v19 =	vmul.f32 v48, v50  }
0x134: {  	v55 =	vld [tilespmem:s11+$0x2B70];
	[tilespmem:s11+$0x2B00] =	vst v18;
	v18 =	vmul.f32 v49, v50  }
0x135: {  	v56 =	vld [tilespmem:s11+$0x2B80];
	[tilespmem:s11+$0x2B10] =	vst v19;
	v19 =	vmul.f32 v51, v50  }
0x136: {  	v57 =	vld [tilespmem:s11+$0x2B90];
	[tilespmem:s11+$0x2B20] =	vst v18;
	v18 =	vmul.f32 v52, v50  }
0x137: {  	v58 =	vld [tilespmem:s11+$0x2BA0];
	[tilespmem:s11+$0x2B30] =	vst v19;
	v19 =	vmul.f32 v53, v50  }
0x138: {  	v60 =	vld [tilespmem:s11+$0x2BB0];
	v59 =	vperm.xlane v17, v4;
	[tilespmem:s11+$0x2B40] =	vst v18;
	v18 =	vmul.f32 v54, v50  }
0x139: {  	v61 =	vld [tilespmem:s11+$0x2BC0];
	[tilespmem:s11+$0x2B50] =	vst v19;
	v19 =	vmul.f32 v55, v50  }
0x13a: {  	v62 =	vld [tilespmem:s11+$0x2BD0];
	[tilespmem:s11+$0x2B60] =	vst v18;
	v18 =	vmul.f32 v56, v59  }
0x13b: {  	v63 =	vld [tilespmem:s11+$0x2BE0];
	[tilespmem:s11+$0x2B70] =	vst v19;
	v19 =	vmul.f32 v57, v59  }
0x13c: {  	v28 =	vld [tilespmem:s11+$0x2BF0];
	[tilespmem:s11+$0x2B80] =	vst v18;
	v18 =	vmul.f32 v58, v59  }
0x13d: {  	v29 =	vld [tilespmem:s11+$0x2C00];
	[tilespmem:s11+$0x2B90] =	vst v19;
	v19 =	vmul.f32 v60, v59  }
0x13e: {  	v30 =	vld [tilespmem:s11+$0x2C10];
	[tilespmem:s11+$0x2BA0] =	vst v18;
	v18 =	vmul.f32 v61, v59  }
0x13f: {  	v31 =	vld [tilespmem:s11+$0x2C20];
	[tilespmem:s11+$0x2BB0] =	vst v19;
	v19 =	vmul.f32 v62, v59  }
0x140: {  	v33 =	vld [tilespmem:s11+$0x2C30];
	v32 =	vperm.xlane v17, v5;
	[tilespmem:s11+$0x2BC0] =	vst v18;
	v18 =	vmul.f32 v63, v59  }
0x141: {  	v34 =	vld [tilespmem:s11+$0x2C40];
	[tilespmem:s11+$0x2BD0] =	vst v19;
	v19 =	vmul.f32 v28, v59  }
0x142: {  	v35 =	vld [tilespmem:s11+$0x2C50];
	[tilespmem:s11+$0x2BE0] =	vst v18;
	v18 =	vmul.f32 v29, v32  }
0x143: {  	v36 =	vld [tilespmem:s11+$0x2C60];
	[tilespmem:s11+$0x2BF0] =	vst v19;
	v19 =	vmul.f32 v30, v32  }
0x144: {  	v37 =	vld [tilespmem:s11+$0x2C70];
	[tilespmem:s11+$0x2C00] =	vst v18;
	v18 =	vmul.f32 v31, v32  }
0x145: {  	v38 =	vld [tilespmem:s11+$0x2C80];
	[tilespmem:s11+$0x2C10] =	vst v19;
	v19 =	vmul.f32 v33, v32  }
0x146: {  	v39 =	vld [tilespmem:s11+$0x2C90];
	[tilespmem:s11+$0x2C20] =	vst v18;
	v18 =	vmul.f32 v34, v32  }
0x147: {  	v40 =	vld [tilespmem:s11+$0x2CA0];
	[tilespmem:s11+$0x2C30] =	vst v19;
	v19 =	vmul.f32 v35, v32  }
0x148: {  	v41 =	vperm.xlane v17, v6;
	v42 =	vld [tilespmem:s11+$0x2CB0];
	[tilespmem:s11+$0x2C40] =	vst v18;
	v18 =	vmul.f32 v36, v32  }
0x149: {  	v43 =	vld [tilespmem:s11+$0x2CC0];
	[tilespmem:s11+$0x2C50] =	vst v19;
	v19 =	vmul.f32 v37, v32  }
0x14a: {  	v44 =	vld [tilespmem:s11+$0x2CD0];
	[tilespmem:s11+$0x2C60] =	vst v18;
	v18 =	vmul.f32 v38, v41  }
0x14b: {  	v45 =	vld [tilespmem:s11+$0x2CE0];
	[tilespmem:s11+$0x2C70] =	vst v19;
	v19 =	vmul.f32 v39, v41  }
0x14c: {  	v46 =	vld [tilespmem:s11+$0x2CF0];
	[tilespmem:s11+$0x2C80] =	vst v18;
	v18 =	vmul.f32 v40, v41  }
0x14d: {  	v47 =	vld [tilespmem:s11+$0x2D00];
	[tilespmem:s11+$0x2C90] =	vst v19;
	v19 =	vmul.f32 v42, v41  }
0x14e: {  	v48 =	vld [tilespmem:s11+$0x2D10];
	[tilespmem:s11+$0x2CA0] =	vst v18;
	v18 =	vmul.f32 v43, v41  }
0x14f: {  	v49 =	vld [tilespmem:s11+$0x2D20];
	[tilespmem:s11+$0x2CB0] =	vst v19;
	v19 =	vmul.f32 v44, v41  }
0x150: {  	v51 =	vld [tilespmem:s11+$0x2D30];
	v50 =	vperm.xlane v17, v7;
	[tilespmem:s11+$0x2CC0] =	vst v18;
	v18 =	vmul.f32 v45, v41  }
0x151: {  	v52 =	vld [tilespmem:s11+$0x2D40];
	[tilespmem:s11+$0x2CD0] =	vst v19;
	v19 =	vmul.f32 v46, v41  }
0x152: {  	v53 =	vld [tilespmem:s11+$0x2D50];
	[tilespmem:s11+$0x2CE0] =	vst v18;
	v18 =	vmul.f32 v47, v50  }
0x153: {  	v54 =	vld [tilespmem:s11+$0x2D60];
	[tilespmem:s11+$0x2CF0] =	vst v19;
	v19 =	vmul.f32 v48, v50  }
0x154: {  	v55 =	vld [tilespmem:s11+$0x2D70];
	[tilespmem:s11+$0x2D00] =	vst v18;
	v18 =	vmul.f32 v49, v50  }
0x155: {  	v56 =	vld [tilespmem:s11+$0x2D80];
	[tilespmem:s11+$0x2D10] =	vst v19;
	v19 =	vmul.f32 v51, v50  }
0x156: {  	v57 =	vld [tilespmem:s11+$0x2D90];
	[tilespmem:s11+$0x2D20] =	vst v18;
	v18 =	vmul.f32 v52, v50  }
0x157: {  	v58 =	vld [tilespmem:s11+$0x2DA0];
	[tilespmem:s11+$0x2D30] =	vst v19;
	v19 =	vmul.f32 v53, v50  }
0x158: {  	v60 =	vld [tilespmem:s11+$0x2DB0];
	v59 =	vperm.xlane v17, v8;
	[tilespmem:s11+$0x2D40] =	vst v18;
	v18 =	vmul.f32 v54, v50  }
0x159: {  	v61 =	vld [tilespmem:s11+$0x2DC0];
	[tilespmem:s11+$0x2D50] =	vst v19;
	v19 =	vmul.f32 v55, v50  }
0x15a: {  	v62 =	vld [tilespmem:s11+$0x2DD0];
	[tilespmem:s11+$0x2D60] =	vst v18;
	v18 =	vmul.f32 v56, v59  }
0x15b: {  	v63 =	vld [tilespmem:s11+$0x2DE0];
	[tilespmem:s11+$0x2D70] =	vst v19;
	v19 =	vmul.f32 v57, v59  }
0x15c: {  	v28 =	vld [tilespmem:s11+$0x2DF0];
	[tilespmem:s11+$0x2D80] =	vst v18;
	v18 =	vmul.f32 v58, v59  }
0x15d: {  	v29 =	vld [tilespmem:s11+$0x2E00];
	[tilespmem:s11+$0x2D90] =	vst v19;
	v19 =	vmul.f32 v60, v59  }
0x15e: {  	v30 =	vld [tilespmem:s11+$0x2E10];
	[tilespmem:s11+$0x2DA0] =	vst v18;
	v18 =	vmul.f32 v61, v59  }
0x15f: {  	v31 =	vld [tilespmem:s11+$0x2E20];
	[tilespmem:s11+$0x2DB0] =	vst v19;
	v19 =	vmul.f32 v62, v59  }
0x160: {  	v33 =	vld [tilespmem:s11+$0x2E30];
	v32 =	vperm.xlane v17, v9;
	[tilespmem:s11+$0x2DC0] =	vst v18;
	v18 =	vmul.f32 v63, v59  }
0x161: {  	v34 =	vld [tilespmem:s11+$0x2E40];
	[tilespmem:s11+$0x2DD0] =	vst v19;
	v19 =	vmul.f32 v28, v59  }
0x162: {  	v35 =	vld [tilespmem:s11+$0x2E50];
	[tilespmem:s11+$0x2DE0] =	vst v18;
	v18 =	vmul.f32 v29, v32  }
0x163: {  	v36 =	vld [tilespmem:s11+$0x2E60];
	[tilespmem:s11+$0x2DF0] =	vst v19;
	v19 =	vmul.f32 v30, v32  }
0x164: {  	v37 =	vld [tilespmem:s11+$0x2E70];
	[tilespmem:s11+$0x2E00] =	vst v18;
	v18 =	vmul.f32 v31, v32  }
0x165: {  	v38 =	vld [tilespmem:s11+$0x2E80];
	[tilespmem:s11+$0x2E10] =	vst v19;
	v19 =	vmul.f32 v33, v32  }
0x166: {  	v39 =	vld [tilespmem:s11+$0x2E90];
	[tilespmem:s11+$0x2E20] =	vst v18;
	v18 =	vmul.f32 v34, v32  }
0x167: {  	v40 =	vld [tilespmem:s11+$0x2EA0];
	[tilespmem:s11+$0x2E30] =	vst v19;
	v19 =	vmul.f32 v35, v32  }
0x168: {  	v42 =	vld [tilespmem:s11+$0x2EB0];
	v41 =	vperm.xlane v17, v10;
	[tilespmem:s11+$0x2E40] =	vst v18;
	v18 =	vmul.f32 v36, v32  }
0x169: {  	v43 =	vld [tilespmem:s11+$0x2EC0];
	[tilespmem:s11+$0x2E50] =	vst v19;
	v19 =	vmul.f32 v37, v32  }
0x16a: {  	v44 =	vld [tilespmem:s11+$0x2ED0];
	[tilespmem:s11+$0x2E60] =	vst v18;
	v18 =	vmul.f32 v38, v41  }
0x16b: {  	v45 =	vld [tilespmem:s11+$0x2EE0];
	[tilespmem:s11+$0x2E70] =	vst v19;
	v19 =	vmul.f32 v39, v41  }
0x16c: {  	v46 =	vld [tilespmem:s11+$0x2EF0];
	[tilespmem:s11+$0x2E80] =	vst v18;
	v18 =	vmul.f32 v40, v41  }
0x16d: {  	v47 =	vld [tilespmem:s11+$0x2F00];
	[tilespmem:s11+$0x2E90] =	vst v19;
	v19 =	vmul.f32 v42, v41  }
0x16e: {  	v48 =	vld [tilespmem:s11+$0x2F10];
	[tilespmem:s11+$0x2EA0] =	vst v18;
	v18 =	vmul.f32 v43, v41  }
0x16f: {  	v49 =	vld [tilespmem:s11+$0x2F20];
	[tilespmem:s11+$0x2EB0] =	vst v19;
	v19 =	vmul.f32 v44, v41  }
0x170: {  	v51 =	vld [tilespmem:s11+$0x2F30];
	v50 =	vperm.xlane v17, v11;
	[tilespmem:s11+$0x2EC0] =	vst v18;
	v18 =	vmul.f32 v45, v41  }
0x171: {  	v52 =	vld [tilespmem:s11+$0x2F40];
	[tilespmem:s11+$0x2ED0] =	vst v19;
	v19 =	vmul.f32 v46, v41  }
0x172: {  	v53 =	vld [tilespmem:s11+$0x2F50];
	[tilespmem:s11+$0x2EE0] =	vst v18;
	v18 =	vmul.f32 v47, v50  }
0x173: {  	v54 =	vld [tilespmem:s11+$0x2F60];
	[tilespmem:s11+$0x2EF0] =	vst v19;
	v19 =	vmul.f32 v48, v50  }
0x174: {  	v55 =	vld [tilespmem:s11+$0x2F70];
	[tilespmem:s11+$0x2F00] =	vst v18;
	v18 =	vmul.f32 v49, v50  }
0x175: {  	v56 =	vld [tilespmem:s11+$0x2F80];
	[tilespmem:s11+$0x2F10] =	vst v19;
	v19 =	vmul.f32 v51, v50  }
0x176: {  	v57 =	vld [tilespmem:s11+$0x2F90];
	[tilespmem:s11+$0x2F20] =	vst v18;
	v18 =	vmul.f32 v52, v50  }
0x177: {  	v58 =	vld [tilespmem:s11+$0x2FA0];
	[tilespmem:s11+$0x2F30] =	vst v19;
	v19 =	vmul.f32 v53, v50  }
0x178: {  	v60 =	vld [tilespmem:s11+$0x2FB0];
	v59 =	vperm.xlane v17, v12;
	[tilespmem:s11+$0x2F40] =	vst v18;
	v18 =	vmul.f32 v54, v50  }
0x179: {  	v61 =	vld [tilespmem:s11+$0x2FC0];
	[tilespmem:s11+$0x2F50] =	vst v19;
	v19 =	vmul.f32 v55, v50  }
0x17a: {  	v62 =	vld [tilespmem:s11+$0x2FD0];
	[tilespmem:s11+$0x2F60] =	vst v18;
	v18 =	vmul.f32 v56, v59  }
0x17b: {  	v63 =	vld [tilespmem:s11+$0x2FE0];
	[tilespmem:s11+$0x2F70] =	vst v19;
	v19 =	vmul.f32 v57, v59  }
0x17c: {  	v28 =	vld [tilespmem:s11+$0x2FF0];
	[tilespmem:s11+$0x2F80] =	vst v18;
	v18 =	vmul.f32 v58, v59  }
0x17d: {  	v29 =	vld [tilespmem:s11+$0x3000];
	[tilespmem:s11+$0x2F90] =	vst v19;
	v19 =	vmul.f32 v60, v59  }
0x17e: {  	v30 =	vld [tilespmem:s11+$0x3010];
	[tilespmem:s11+$0x2FA0] =	vst v18;
	v18 =	vmul.f32 v61, v59  }
0x17f: {  	v31 =	vld [tilespmem:s11+$0x3020];
	[tilespmem:s11+$0x2FB0] =	vst v19;
	v19 =	vmul.f32 v62, v59  }
0x180: {  	v33 =	vld [tilespmem:s11+$0x3030];
	v32 =	vperm.xlane v17, v13;
	[tilespmem:s11+$0x2FC0] =	vst v18;
	v18 =	vmul.f32 v63, v59  }
0x181: {  	v34 =	vld [tilespmem:s11+$0x3040];
	[tilespmem:s11+$0x2FD0] =	vst v19;
	v19 =	vmul.f32 v28, v59  }
0x182: {  	v35 =	vld [tilespmem:s11+$0x3050];
	[tilespmem:s11+$0x2FE0] =	vst v18;
	v18 =	vmul.f32 v29, v32  }
0x183: {  	v36 =	vld [tilespmem:s11+$0x3060];
	[tilespmem:s11+$0x2FF0] =	vst v19;
	v19 =	vmul.f32 v30, v32  }
0x184: {  	v37 =	vld [tilespmem:s11+$0x3070];
	[tilespmem:s11+$0x3000] =	vst v18;
	v18 =	vmul.f32 v31, v32  }
0x185: {  	v38 =	vld [tilespmem:s11+$0x3080];
	[tilespmem:s11+$0x3010] =	vst v19;
	v19 =	vmul.f32 v33, v32  }
0x186: {  	v39 =	vld [tilespmem:s11+$0x3090];
	[tilespmem:s11+$0x3020] =	vst v18;
	v18 =	vmul.f32 v34, v32  }
0x187: {  	v40 =	vld [tilespmem:s11+$0x30A0];
	[tilespmem:s11+$0x3030] =	vst v19;
	v19 =	vmul.f32 v35, v32  }
0x188: {  	v42 =	vld [tilespmem:s11+$0x30B0];
	v41 =	vperm.xlane v17, v14;
	[tilespmem:s11+$0x3040] =	vst v18;
	v18 =	vmul.f32 v36, v32  }
0x189: {  	v43 =	vld [tilespmem:s11+$0x30C0];
	[tilespmem:s11+$0x3050] =	vst v19;
	v19 =	vmul.f32 v37, v32  }
0x18a: {  	v44 =	vld [tilespmem:s11+$0x30D0];
	[tilespmem:s11+$0x3060] =	vst v18;
	v18 =	vmul.f32 v38, v41  }
0x18b: {  	v45 =	vld [tilespmem:s11+$0x30E0];
	[tilespmem:s11+$0x3070] =	vst v19;
	v19 =	vmul.f32 v39, v41  }
0x18c: {  	v46 =	vld [tilespmem:s11+$0x30F0];
	[tilespmem:s11+$0x3080] =	vst v18;
	v18 =	vmul.f32 v40, v41  }
0x18d: {  	v47 =	vld [tilespmem:s11+$0x3100];
	[tilespmem:s11+$0x3090] =	vst v19;
	v19 =	vmul.f32 v42, v41  }
0x18e: {  	v48 =	vld [tilespmem:s11+$0x3110];
	[tilespmem:s11+$0x30A0] =	vst v18;
	v18 =	vmul.f32 v43, v41  }
0x18f: {  	v49 =	vld [tilespmem:s11+$0x3120];
	[tilespmem:s11+$0x30B0] =	vst v19;
	v19 =	vmul.f32 v44, v41  }
0x190: {  	v51 =	vld [tilespmem:s11+$0x3130];
	v50 =	vperm.xlane v17, v15;
	[tilespmem:s11+$0x30C0] =	vst v18;
	v18 =	vmul.f32 v45, v41  }
0x191: {  	v52 =	vld [tilespmem:s11+$0x3140];
	[tilespmem:s11+$0x30D0] =	vst v19;
	v19 =	vmul.f32 v46, v41  }
0x192: {  	v53 =	vld [tilespmem:s11+$0x3150];
	[tilespmem:s11+$0x30E0] =	vst v18;
	v18 =	vmul.f32 v47, v50  }
0x193: {  	v54 =	vld [tilespmem:s11+$0x3160];
	[tilespmem:s11+$0x30F0] =	vst v19;
	v19 =	vmul.f32 v48, v50  }
0x194: {  	v55 =	vld [tilespmem:s11+$0x3170];
	[tilespmem:s11+$0x3100] =	vst v18;
	v18 =	vmul.f32 v49, v50  }
0x195: {  	v56 =	vld [tilespmem:s11+$0x3180];
	[tilespmem:s11+$0x3110] =	vst v19;
	v19 =	vmul.f32 v51, v50  }
0x196: {  	v57 =	vld [tilespmem:s11+$0x3190];
	[tilespmem:s11+$0x3120] =	vst v18;
	v18 =	vmul.f32 v52, v50  }
0x197: {  	v58 =	vld [tilespmem:s11+$0x31A0];
	[tilespmem:s11+$0x3130] =	vst v19;
	v19 =	vmul.f32 v53, v50  }
0x198: {  	v17 =	vperm.xlane v17, v16;
	v59 =	vld [tilespmem:s11+$0x31B0];
	[tilespmem:s11+$0x3140] =	vst v18;
	v18 =	vmul.f32 v54, v50  }
0x199: {  	v60 =	vld [tilespmem:s11+$0x31C0];
	[tilespmem:s11+$0x3150] =	vst v19;
	v19 =	vmul.f32 v55, v50  }
0x19a: {  	v61 =	vld [tilespmem:s11+$0x31D0];
	[tilespmem:s11+$0x3160] =	vst v18;
	v18 =	vmul.f32 v56, v17  }
0x19b: {  	v62 =	vld [tilespmem:s11+$0x31E0];
	[tilespmem:s11+$0x3170] =	vst v19;
	v19 =	vmul.f32 v57, v17  }
0x19c: {  	v63 =	vld [tilespmem:s11+$0x31F0];
	[tilespmem:s11+$0x3180] =	vst v18;
	v18 =	vmul.f32 v58, v17  }
0x19d: {  	[tilespmem:s11+$0x3190] =	vst v19;
	v19 =	vmul.f32 v59, v17  }
0x19e: {  	p0 =	sne.s32 s10, $0x7;
	[tilespmem:s11+$0x31A0] =	vst v18;
	v18 =	vmul.f32 v60, v17  }
.Ltmp10:
0x19f: {  	[tilespmem:s11+$0x31B0] =	vst v19;
	v19 =	vmul.f32 v61, v17;
	(pc) =	sbr.rel @p0 .LBB2_10-.Ltmp10, $4  }
0x1a0: {  	[tilespmem:s11+$0x31C0] =	vst v18;
	v18 =	vmul.f32 v62, v17  }
0x1a1: {  	[tilespmem:s11+$0x31D0] =	vst v19;
	v17 =	vmul.f32 v63, v17  }
0x1a2: {  	[tilespmem:s11+$0x31E0] =	vst v18  }
0x1a3: {  	s10 =	sadd.s32 $0x1, s10;
	[tilespmem:s11+$0x31F0] =	vst v17  }
0x1a4: {  	s10 =	sshll.u32 s9, $0x7  }
0x1a5: {  	p0 =	sgt.u32 s9, $0x4C;
	s10 =	sand.u32 $0x3FFFFF80, s10  }
0x1a6: {  	[spmem:s1] =	stream.indirect.scatter.add.f32 [tilespmem:s20], [sflag:$0x7], $0x80, s10, s29, $0xb8;
	[tilespmem:$0x1EA00] =	vst v63  }
0x1a7: {  	s10 =	sshll.u32 @!p0 s9, $0x7  }
0x1a8: {  	s10 =	sadd.s32 @!p0 s10, s13  }
.Ltmp11:
0x1a9: {  	s10 =	sshrl.u32 @!p0 s10, $0x3;
	(pc) =	sbr.rel .LBB2_15-.Ltmp11, $4  }
0x1aa: {  	s12 =	simm.s32 @!p0 $0x0;
	s14 =	simm.s32 @!p0 $0x2800;
	s11 =	sadd.s32 @!p0 s5, s10  }
0x1ab: {  	[tilespmem:s14], [sflag:$0x1] =	stream.linear.gather @!p0 [hbm4b:s11+s12], $0x80, $0x38;
	[tilespmem:$0x1EA00] =	vst v63  }
0x1ac: {  	s10 =	sadd.s32 @!p0 s6, s10;
	s11 =	simm.s32 @!p0 $0x2900  }
0x1ad: {  	[tilespmem:s11], [sflag:$0x3] =	stream.linear.gather @!p0 [hbm4b:s10+s12], $0x80, $0x38;
	[tilespmem:$0x1EA00] =	vst v63  }
.LBB2_17:
0x1ae: {  	_ =	sfence.sel $0x180000  }
0x1af: {  	[bflag:$0x0] =	sbarrier.arrive $0xFFFF  }
0x1b0: {  	_ =	strace $0x9000004A  }
0x1b1: {  	s0 =	stileid.u32;
	[bflag:$0x2] =	sbarrier.arrive $0xFFFF  }
0x1b2: {  	p0 =	sne.s32 s0, $0x0;
	s0 =	rddreg [dreg:$0x3]  }
0x1b3: {  	s0 =	sadd.s32 @!p0 $0x100000, s0  }
0x1b4: {  	[sflag:s0] =	ssyncadd.tile.s32 @!p0 $0x1;
	_ =	shalt  }
.Lfunc_end2:
_tile_overlayer_lowered:
.L_overlay_start_2:
0x1b5: {  	(tag) =	ssettag $0x2  }
0x1b6: {  	s0 =	rddreg [dreg:$0x0];
	s2 =	stileid.u32  }
0x1b7: {  	s1 =	rddreg [dreg:$0x1];
	p0 =	sne.s32 s2, $0x0  }
0x1b8: {  	s3 =	rddreg [dreg:$0x2];
	[bflag:$0x3] =	sbarrier.arrive $0xFFFF;
	s2 =	simm.s32 @!p0 $0x1C09  }
0x1b9: {  	[timem:s3], [sflag:s2] =	dma.local @!p0 [hbm:s0], s1  }
0x1ba: {  	s0 =	simm.s32 @!p0 $0x9  }
0x1bb: {  	_ =	swait.ge @!p0 [sflag:s0], s1  }
0x1bc: {  	s1 =	ssub.s32 @!p0 $0x0, s1;
	[sflag:s0] =	ssyncset.done @!p0 $0x0  }
0x1bd: {  	[sflag:s0] =	ssyncadd.s32 @!p0 s1  }
0x1be: {  	[bflag:$0x3] =	sbarrier.arrive $0xFFFF  }
0x1bf: {  	_ =	shalt  }

</sc_bundles>
